<compile_context>
chip_gen: v7x
topology: tpu7x:2x2x1
jax: 0.10.2.dev20260603
libtpu: 0.0.44.dev20260713+nightly
codegen_flags: <defaults>
</compile_context>

<pallas_src>
import functools

import jax
import jax.numpy as jnp
from jax import lax
from jax.experimental import pallas as pl
from jax.experimental.pallas import tpu as pltpu
from jax.experimental.pallas import tpu_sc as plsc

_V = 1000000
_B = 16384
_H = 200
_D = 32
_NC = 2
_NS = 16
_NW = _NC * _NS
_BPW = _B // _NW
_CROWS = 16
_NCHUNK = _BPW // _CROWS
_TPC = _CROWS * _H
_TOK_PER_W = _BPW * _H
_STAGE_TOKS = 25600
_PBLK = 65536


def _proj_body(xt_ref, w_ref, o_ref):
  res = lax.dot_general(w_ref[...], xt_ref[...], (((1,), (0,)), ((), ())),
                        preferred_element_type=jnp.float32)
  u0 = lax.convert_element_type(
      lax.bitcast_convert_type(res[0].astype(jnp.bfloat16), jnp.uint16),
      jnp.uint32)
  u1 = lax.convert_element_type(
      lax.bitcast_convert_type(res[1].astype(jnp.bfloat16), jnp.uint16),
      jnp.uint32)
  o_ref[...] = lax.bitcast_convert_type(u0 | (u1 << 16), jnp.int32)


_project = pl.pallas_call(
    _proj_body,
    grid=(pl.cdiv(_V, _PBLK),),
    in_specs=[
        pl.BlockSpec((_D, _PBLK), lambda i: (0, i)),
        pl.BlockSpec((2, _D), lambda i: (0, 0)),
    ],
    out_specs=pl.BlockSpec((_PBLK,), lambda i: (i,)),
    out_shape=jax.ShapeDtypeStruct((_V,), jnp.int32),
)


def _make_sc_kernel():
  mesh = plsc.VectorSubcoreMesh(core_axis_name="c", subcore_axis_name="s")

  @functools.partial(
      pl.kernel,
      mesh=mesh,
      out_type=jax.ShapeDtypeStruct((_B * 2,), jnp.float32),
      scratch_types=[
          pltpu.VMEM((_STAGE_TOKS,), jnp.int32),
          pltpu.VMEM((_TPC,), jnp.int32),
          pltpu.VMEM((_TPC,), jnp.int32),
          pltpu.VMEM((16,), jnp.float32),
          pltpu.VMEM((2 * _BPW,), jnp.float32),
          pltpu.SemaphoreType.DMA,
          pltpu.SemaphoreType.DMA,
      ],
      compiler_params=pltpu.CompilerParams(
          needs_layout_passes=False, use_tc_tiling_on_sc=False),
  )
  def k(tok_hbm, pp_hbm, b_hbm, out_hbm, idx_v, rv_a, rv_b, b_v, out_v,
        sem_a, sem_b):
    cid = lax.axis_index("c")
    sid = lax.axis_index("s")
    wid = sid * _NC + cid

    pltpu.sync_copy(b_hbm, b_v)
    bvec = b_v[pl.ds(0, 16)]
    bias0 = bvec[0]
    bias1 = bvec[1]
    lane = lax.iota(jnp.int32, 16)
    inv_h = jnp.float32(1.0 / _H)

    def stage(gg):
      t0 = wid * _TOK_PER_W + gg * _STAGE_TOKS
      pltpu.sync_copy(tok_hbm.at[pl.ds(t0, _STAGE_TOKS)], idx_v)

    def fire(g, rv, sem):
      g2 = g % 8
      idxs = idx_v.at[pl.ds(g2 * _TPC, _TPC)]
      pltpu.async_copy(pp_hbm.at[idxs], rv, sem)

    def drain(g, rv, sem):
      g2 = g % 8
      idxs = idx_v.at[pl.ds(g2 * _TPC, _TPC)]
      pltpu.make_async_copy(pp_hbm.at[idxs], rv, sem).wait()

    def unpack2(pw):
      bf = plsc.bitcast(pw, jnp.bfloat16)
      return plsc.unpack(bf, format=plsc.PackFormat.INTERLEAVED)

    def compute(g, rv):
      ov0 = jnp.zeros((16,), jnp.float32)
      ov1 = jnp.zeros((16,), jnp.float32)
      for b in range(_CROWS):
        z = jnp.zeros((16,), jnp.float32)
        base = b * _H

        def cstep(i, c):
          a0, a1 = c
          x0, x1 = unpack2(rv[pl.ds(base + i * 16, 16)])
          return a0 + x0, a1 + x1

        a0, a1 = lax.fori_loop(0, _H // 16, cstep, (z, z))
        t0v, t1v = unpack2(rv[pl.ds(base + _H - 16, 16)])
        a0 = a0 + jnp.where(lane >= 8, t0v, 0.0)
        a1 = a1 + jnp.where(lane >= 8, t1v, 0.0)
        o0 = jnp.sum(a0) * inv_h + bias0
        o1 = jnp.sum(a1) * inv_h + bias1
        ov0 = jnp.where(lane == b, o0, ov0)
        ov1 = jnp.where(lane == b, o1, ov1)
      out_v[pl.ds(g * _CROWS, 16)] = ov0
      out_v[pl.ds(_BPW + g * _CROWS, 16)] = ov1

    stage(0)
    fire(jnp.int32(0), rv_a, sem_a)

    def body(h, c):
      g0 = 2 * h
      g1 = 2 * h + 1
      drain(g0, rv_a, sem_a)
      fire(g1, rv_b, sem_b)
      compute(g0, rv_a)
      drain(g1, rv_b, sem_b)
      gn = g1 + 1

      @pl.when(jnp.logical_and(gn < _NCHUNK, gn % 8 == 0))
      def _():
        stage(gn // 8)

      @pl.when(gn < _NCHUNK)
      def _():
        fire(gn, rv_a, sem_a)

      compute(g1, rv_b)
      return c

    lax.fori_loop(0, _NCHUNK // 2, body, 0)
    pltpu.sync_copy(out_v.at[pl.ds(0, _BPW)],
                    out_hbm.at[pl.ds(wid * _BPW, _BPW)])
    pltpu.sync_copy(out_v.at[pl.ds(_BPW, _BPW)],
                    out_hbm.at[pl.ds(_B + wid * _BPW, _BPW)])

  return k


_sc_kernel = _make_sc_kernel()


@jax.jit
def kernel(token_index, emb_table, fc_w, fc_b):
  tok = token_index.astype(jnp.int32).reshape(-1)
  b_pad = jnp.zeros((16,), jnp.float32).at[:2].set(fc_b)
  pp = _project(emb_table.T, fc_w)
  out_flat = _sc_kernel(tok, pp, b_pad)
  return out_flat.reshape(2, _B).T

# --- scband reference (transcript-rebuilt; emitter-appended) ---
"""Pipeline reference for scband-text-classification-model-5875515261364 (READ-ONLY COPY).

The authoritative reference and input builder live on the scoring server;
editing this copy changes nothing except your own understanding.
"""

import jax, jax.numpy as jnp
import numpy as np

VOCAB = 1000000
EMBED_DIM = 32
NUM_CLASS = 2
BATCH = 16384
HIST = 200

def setup_inputs(seed: int = 0) -> dict:
    key = jax.random.key(seed)
    k1, k2, k3, k4 = jax.random.split(key, 4)
    token_index = jax.random.randint(k1, (BATCH, HIST), 0, VOCAB, dtype=jnp.int64 if jax.config.jax_enable_x64 else jnp.int32)
    emb_table = jax.random.normal(k2, (VOCAB, EMBED_DIM), dtype=jnp.float32) * 0.02
    fc_w = jax.random.normal(k3, (NUM_CLASS, EMBED_DIM), dtype=jnp.float32) * (1.0 / np.sqrt(EMBED_DIM))
    fc_b = jax.random.normal(k4, (NUM_CLASS,), dtype=jnp.float32) * 0.01
    return {"token_index": token_index, "emb_table": emb_table, "fc_w": fc_w, "fc_b": fc_b}

def reference(token_index, emb_table, fc_w, fc_b):
    # nn.EmbeddingBag with default mode='mean' on 2D input [B, L]:
    # gather rows then mean over the bag (L) dimension.
    gathered = jnp.take(emb_table, token_index, axis=0)  # [B, L, D]
    embedded = jnp.mean(gathered, axis=1)                # [B, D]
    out = embedded @ fc_w.T + fc_b                        # [B, num_class]
    return out

if __name__ == "__main__":
    import jax
    _d = setup_inputs()
    print(jax.jit(kernel)(*tuple(_d.values())))

</pallas_src>

<mosaic_0001>
#map = affine_map<(d0, d1) -> (0)>
module attributes {stable_mosaic.version = 14 : i64} {
  func.func @k(%arg0: i32, %arg1: i32, %arg2: memref<3276800xi32, #tpu.memory_space<hbm>>, %arg3: memref<1000000xi32, #tpu.memory_space<hbm>>, %arg4: memref<16xf32, #tpu.memory_space<hbm>>, %arg5: memref<32768xf32, #tpu.memory_space<hbm>>, %arg6: memref<25600xi32, #tpu.memory_space<vmem>>, %arg7: memref<3200xi32, #tpu.memory_space<vmem>>, %arg8: memref<3200xi32, #tpu.memory_space<vmem>>, %arg9: memref<16xf32, #tpu.memory_space<vmem>>, %arg10: memref<1024xf32, #tpu.memory_space<vmem>>, %arg11: memref<!tpu.dma_semaphore, #tpu.memory_space<semaphore_mem>>, %arg12: memref<!tpu.dma_semaphore, #tpu.memory_space<semaphore_mem>>) attributes {dimension_semantics = [#tpu.dimension_semantics<core_parallel>, #tpu.dimension_semantics<subcore_parallel>], iteration_bounds = array<i64: 2, 16>, scalar_prefetch = 0 : i64, scratch_operands = 7 : i64, tpu.core_type = #tpu.core_type<sc_vector_subcore>, window_params = [{transform_indices = #map}, {transform_indices = #map}, {transform_indices = #map}, {transform_indices = #map}]} {
    %mul3A = arith.constant 2 : i32
    %mul3A_0 = arith.muli %arg1, %mul3A : i32
    %add3A = arith.addi %mul3A_0, %arg0 : i32
    "tpu.region"() ({
      %run_scoped3A = tpu.sem_alloc : memref<!tpu.dma_semaphore, #tpu.memory_space<semaphore_mem>>
      tpu.enqueue_dma source(%arg4 : memref<16xf32, #tpu.memory_space<hbm>>) target(%arg9 : memref<16xf32, #tpu.memory_space<vmem>>) target_semaphore(%run_scoped3A : memref<!tpu.dma_semaphore, #tpu.memory_space<semaphore_mem>>)
      tpu.wait_dma2 semaphore(%run_scoped3A : memref<!tpu.dma_semaphore, #tpu.memory_space<semaphore_mem>>) src(%arg4 : memref<16xf32, #tpu.memory_space<hbm>>) dst(%arg9 : memref<16xf32, #tpu.memory_space<vmem>>)
      tpu.yield
    }) : () -> ()
    %get3A = arith.constant 0 : index
    %get3A_1 = tpu.vector_load %arg9[%get3A] {strides = array<i32>} : memref<16xf32, #tpu.memory_space<vmem>>, vector<16xf32>,
    %slice3A = vector.extract_strided_slice %get3A_1 {offsets = [0], sizes = [1], strides = [1]} : vector<16xf32> to vector<1xf32>
    %squeeze3A = vector.extract %slice3A[0] : f32 from vector<1xf32>
    %slice3A_2 = vector.extract_strided_slice %get3A_1 {offsets = [1], sizes = [1], strides = [1]} : vector<16xf32> to vector<1xf32>
    %squeeze3A_3 = vector.extract %slice3A_2[0] : f32 from vector<1xf32>
    %iota3A = tpu.iota {dimensions = array<i32: 0>} : vector<16xi32>
    %mul3A_4 = arith.constant 102400 : i32
    %mul3A_5 = arith.muli %add3A, %mul3A_4 : i32
    %add3A_6 = arith.constant 0 : i32
    %add3A_7 = arith.addi %mul3A_5, %add3A_6 : i32
    "tpu.region"() ({
      %run_scoped3A = tpu.sem_alloc : memref<!tpu.dma_semaphore, #tpu.memory_space<semaphore_mem>>
      %dma_start3A_34 = tpu.memref_slice %arg2[%add3A_7] : memref<3276800xi32, #tpu.memory_space<hbm>> -> memref<25600xi32, #tpu.memory_space<hbm>>
      %dma_start3A_35 = tpu.memref_slice %arg2[%add3A_7] : memref<3276800xi32, #tpu.memory_space<hbm>> -> memref<25600xi32, #tpu.memory_space<hbm>>
      tpu.enqueue_dma source(%dma_start3A_35 : memref<25600xi32, #tpu.memory_space<hbm>>) target(%arg6 : memref<25600xi32, #tpu.memory_space<vmem>>) target_semaphore(%run_scoped3A : memref<!tpu.dma_semaphore, #tpu.memory_space<semaphore_mem>>)
      %dma_wait3A = tpu.memref_slice %arg2[%add3A_7] : memref<3276800xi32, #tpu.memory_space<hbm>> -> memref<25600xi32, #tpu.memory_space<hbm>>
      %dma_wait3A_36 = tpu.memref_slice %arg2[%add3A_7] : memref<3276800xi32, #tpu.memory_space<hbm>> -> memref<25600xi32, #tpu.memory_space<hbm>>
      tpu.wait_dma2 semaphore(%run_scoped3A : memref<!tpu.dma_semaphore, #tpu.memory_space<semaphore_mem>>) src(%dma_wait3A_36 : memref<25600xi32, #tpu.memory_space<hbm>>) dst(%arg6 : memref<25600xi32, #tpu.memory_space<vmem>>)
      tpu.yield
    }) : () -> ()
    %jit3A = arith.constant 0 : i32
    %jit3A_8 = arith.constant 8 : i32
    %eq3A = arith.constant 0 : i32
    %eq3A_9 = arith.cmpi eq, %jit3A_8, %eq3A : i32
    %jit3A_10 = arith.constant 1 : i32
    %select_n3A = arith.select %eq3A_9, %jit3A_10, %jit3A_8 : i32
    %rem3A = arith.remsi %jit3A, %select_n3A : i32
    %ne3A = arith.constant 0 : i32
    %ne3A_11 = arith.cmpi ne, %rem3A, %ne3A : i32
    %lt3A = arith.constant 0 : i32
    %lt3A_12 = arith.cmpi slt, %rem3A, %lt3A : i32
    %lt3A_13 = arith.constant 0 : i32
    %lt3A_14 = arith.cmpi slt, %select_n3A, %lt3A_13 : i32
    %ne3A_15 = arith.xori %lt3A_12, %lt3A_14 : i1
    %and3A = arith.andi %ne3A_15, %ne3A_11 : i1
    %add3A_16 = arith.addi %rem3A, %select_n3A : i32
    %select_n3A_17 = arith.select %and3A, %add3A_16, %rem3A : i32
    %mul3A_18 = arith.constant 3200 : i32
    %mul3A_19 = arith.muli %select_n3A_17, %mul3A_18 : i32
    %dma_start3A = tpu.memref_slice %arg6[%mul3A_19] : memref<25600xi32, #tpu.memory_space<vmem>> -> memref<3200xi32, #tpu.memory_space<vmem>>
    %dma_start3A_20 = arith.constant 0 : i32
    %dma_start3A_21 = tpu.memref_slice %arg3[%dma_start3A_20] : memref<1000000xi32, #tpu.memory_space<hbm>> -> memref<1000000xi32, #tpu.memory_space<hbm>>
    tpu.enqueue_indirect_dma source(%dma_start3A_21 : memref<1000000xi32, #tpu.memory_space<hbm>>) target(%arg7 : memref<3200xi32, #tpu.memory_space<vmem>>) offsets(%dma_start3A : memref<3200xi32, #tpu.memory_space<vmem>>) semaphore(%arg11 : memref<!tpu.dma_semaphore, #tpu.memory_space<semaphore_mem>>)
    %scan3A = arith.constant 0 : i32
    %scan3A_22 = arith.constant 5.000000e-03 : f32
    %scan3A_23 = arith.constant 0 : i32
    %scan3A_24 = arith.constant 16 : i32
    %scan3A_25 = arith.addi %scan3A_23, %scan3A_24 : i32
    %scan3A_26 = arith.constant 1 : i32
    scf.for %scan3A_34 = %scan3A_23 to %scan3A_25 step %scan3A_26  : i32 {
      %mul3A_35 = arith.constant 2 : i32
      %mul3A_36 = arith.muli %mul3A_35, %scan3A_34 : i32
      %mul3A_37 = arith.constant 2 : i32
      %mul3A_38 = arith.muli %mul3A_37, %scan3A_34 : i32
      %add3A_39 = arith.constant 1 : i32
      %add3A_40 = arith.addi %mul3A_38, %add3A_39 : i32
      %jit3A_41 = arith.constant 8 : i32
      %eq3A_42 = arith.constant 0 : i32
      %eq3A_43 = arith.cmpi eq, %jit3A_41, %eq3A_42 : i32
      %jit3A_44 = arith.constant 1 : i32
      %select_n3A_45 = arith.select %eq3A_43, %jit3A_44, %jit3A_41 : i32
      %rem3A_46 = arith.remsi %mul3A_36, %select_n3A_45 : i32
      %ne3A_47 = arith.constant 0 : i32
      %ne3A_48 = arith.cmpi ne, %rem3A_46, %ne3A_47 : i32
      %lt3A_49 = arith.constant 0 : i32
      %lt3A_50 = arith.cmpi slt, %rem3A_46, %lt3A_49 : i32
      %lt3A_51 = arith.constant 0 : i32
      %lt3A_52 = arith.cmpi slt, %select_n3A_45, %lt3A_51 : i32
      %ne3A_53 = arith.xori %lt3A_50, %lt3A_52 : i1
      %and3A_54 = arith.andi %ne3A_53, %ne3A_48 : i1
      %add3A_55 = arith.addi %rem3A_46, %select_n3A_45 : i32
      %select_n3A_56 = arith.select %and3A_54, %add3A_55, %rem3A_46 : i32
      %mul3A_57 = arith.constant 3200 : i32
      %mul3A_58 = arith.muli %select_n3A_56, %mul3A_57 : i32
      %dma_wait3A = tpu.memref_slice %arg6[%mul3A_58] : memref<25600xi32, #tpu.memory_space<vmem>> -> memref<3200xi32, #tpu.memory_space<vmem>>
      %dma_wait3A_59 = arith.constant 0 : i32
      %dma_wait3A_60 = tpu.memref_slice %arg3[%dma_wait3A_59] : memref<1000000xi32, #tpu.memory_space<hbm>> -> memref<1000000xi32, #tpu.memory_space<hbm>>
      tpu.wait_indirect_dma semaphore(%arg11 : memref<!tpu.dma_semaphore, #tpu.memory_space<semaphore_mem>>) src(%dma_wait3A_60 : memref<1000000xi32, #tpu.memory_space<hbm>>) dst(%arg7 : memref<3200xi32, #tpu.memory_space<vmem>>)
      %jit3A_61 = arith.constant 8 : i32
      %eq3A_62 = arith.constant 0 : i32
      %eq3A_63 = arith.cmpi eq, %jit3A_61, %eq3A_62 : i32
      %jit3A_64 = arith.constant 1 : i32
      %select_n3A_65 = arith.select %eq3A_63, %jit3A_64, %jit3A_61 : i32
      %rem3A_66 = arith.remsi %add3A_40, %select_n3A_65 : i32
      %ne3A_67 = arith.constant 0 : i32
      %ne3A_68 = arith.cmpi ne, %rem3A_66, %ne3A_67 : i32
      %lt3A_69 = arith.constant 0 : i32
      %lt3A_70 = arith.cmpi slt, %rem3A_66, %lt3A_69 : i32
      %lt3A_71 = arith.constant 0 : i32
      %lt3A_72 = arith.cmpi slt, %select_n3A_65, %lt3A_71 : i32
      %ne3A_73 = arith.xori %lt3A_70, %lt3A_72 : i1
      %and3A_74 = arith.andi %ne3A_73, %ne3A_68 : i1
      %add3A_75 = arith.addi %rem3A_66, %select_n3A_65 : i32
      %select_n3A_76 = arith.select %and3A_74, %add3A_75, %rem3A_66 : i32
      %mul3A_77 = arith.constant 3200 : i32
      %mul3A_78 = arith.muli %select_n3A_76, %mul3A_77 : i32
      %dma_start3A_79 = tpu.memref_slice %arg6[%mul3A_78] : memref<25600xi32, #tpu.memory_space<vmem>> -> memref<3200xi32, #tpu.memory_space<vmem>>
      %dma_start3A_80 = arith.constant 0 : i32
      %dma_start3A_81 = tpu.memref_slice %arg3[%dma_start3A_80] : memref<1000000xi32, #tpu.memory_space<hbm>> -> memref<1000000xi32, #tpu.memory_space<hbm>>
      tpu.enqueue_indirect_dma source(%dma_start3A_81 : memref<1000000xi32, #tpu.memory_space<hbm>>) target(%arg8 : memref<3200xi32, #tpu.memory_space<vmem>>) offsets(%dma_start3A_79 : memref<3200xi32, #tpu.memory_space<vmem>>) semaphore(%arg12 : memref<!tpu.dma_semaphore, #tpu.memory_space<semaphore_mem>>)
      %broadcast_in_dim3A = arith.constant 0.000000e+00 : f32
      %broadcast_in_dim3A_82 = vector.broadcast %broadcast_in_dim3A : f32 to vector<16xf32>
      %broadcast_in_dim3A_83 = arith.constant 0.000000e+00 : f32
      %broadcast_in_dim3A_84 = vector.broadcast %broadcast_in_dim3A_83 : f32 to vector<16xf32>
      %broadcast_in_dim3A_85 = arith.constant 0.000000e+00 : f32
      %broadcast_in_dim3A_86 = vector.broadcast %broadcast_in_dim3A_85 : f32 to vector<16xf32>
      %scan3A_87 = arith.constant 0 : i32
      %scan3A_88 = arith.constant 12 : i32
      %scan3A_89 = arith.addi %scan3A_87, %scan3A_88 : i32
      %scan3A_90 = arith.constant 1 : i32
      %scan3A_91:2 = scf.for %scan3A_1722 = %scan3A_87 to %scan3A_89 step %scan3A_90 iter_args(%scan3A_1723 = %broadcast_in_dim3A_86, %scan3A_1724 = %broadcast_in_dim3A_86) -> (vector<16xf32>, vector<16xf32>)  : i32 {
        %mul3A_1725 = arith.constant 16 : i32
        %mul3A_1726 = arith.muli %scan3A_1722, %mul3A_1725 : i32
        %add3A_1727 = arith.constant 0 : i32
        %add3A_1728 = arith.addi %add3A_1727, %mul3A_1726 : i32
        %get3A_1729 = arith.index_cast %add3A_1728 : i32 to index
        %get3A_1730 = tpu.vector_load %arg7[%get3A_1729] {strides = array<i32>} : memref<3200xi32, #tpu.memory_space<vmem>>, vector<16xi32>,
        %bitcast3A_1731 = vector.bitcast %get3A_1730 : vector<16xi32> to vector<32xbf16>
        %unpack3A_1732 = tpu.unpack_subelements %bitcast3A_1731, 0 {pack_format = #tpu.pack_format<interleaved>} : vector<32xbf16> -> vector<16xf32>
        %unpack3A_1733 = tpu.unpack_subelements %bitcast3A_1731, 1 {pack_format = #tpu.pack_format<interleaved>} : vector<32xbf16> -> vector<16xf32>
        %add3A_1734 = arith.addf %scan3A_1723, %unpack3A_1732 : vector<16xf32>
        %add3A_1735 = arith.addf %scan3A_1724, %unpack3A_1733 : vector<16xf32>
        scf.yield %add3A_1734, %add3A_1735 : vector<16xf32>, vector<16xf32>
      }
      %scan3A_92 = arith.constant 12 : i32
      %get3A_93 = arith.constant 184 : index
      %get3A_94 = tpu.vector_load %arg7[%get3A_93] {strides = array<i32>} : memref<3200xi32, #tpu.memory_space<vmem>>, vector<16xi32>,
      %bitcast3A = vector.bitcast %get3A_94 : vector<16xi32> to vector<32xbf16>
      %unpack3A = tpu.unpack_subelements %bitcast3A, 0 {pack_format = #tpu.pack_format<interleaved>} : vector<32xbf16> -> vector<16xf32>
      %unpack3A_95 = tpu.unpack_subelements %bitcast3A, 1 {pack_format = #tpu.pack_format<interleaved>} : vector<32xbf16> -> vector<16xf32>
      %ge3A = arith.constant 8 : i32
      %ge3A_96 = vector.broadcast %ge3A : i32 to vector<16xi32>
      %ge3A_97 = arith.cmpi sge, %iota3A, %ge3A_96 : vector<16xi32>
      %jit3A_98 = arith.constant 0.000000e+00 : f32
      %broadcast_in_dim3A_99 = vector.broadcast %jit3A_98 : f32 to vector<16xf32>
      %select_n3A_100 = arith.select %ge3A_97, %unpack3A, %broadcast_in_dim3A_99 : vector<16xi1>, vector<16xf32>
      %add3A_101 = arith.addf %scan3A_91#0, %select_n3A_100 : vector<16xf32>
      %ge3A_102 = arith.constant 8 : i32
      %ge3A_103 = vector.broadcast %ge3A_102 : i32 to vector<16xi32>
      %ge3A_104 = arith.cmpi sge, %iota3A, %ge3A_103 : vector<16xi32>
      %jit3A_105 = arith.constant 0.000000e+00 : f32
      %broadcast_in_dim3A_106 = vector.broadcast %jit3A_105 : f32 to vector<16xf32>
      %select_n3A_107 = arith.select %ge3A_104, %unpack3A_95, %broadcast_in_dim3A_106 : vector<16xi1>, vector<16xf32>
      %add3A_108 = arith.addf %scan3A_91#1, %select_n3A_107 : vector<16xf32>
      %reduce_sum3A = arith.constant true
      %reduce_sum3A_109 = vector.broadcast %reduce_sum3A : i1 to vector<16xi1>
      %reduce_sum3A_110 = tpu.scan <sum>, %add3A_101 masked %reduce_sum3A_109 : vector<16xf32>, vector<16xi1> -> vector<16xf32>
      %reduce_sum3A_111 = vector.extract %reduce_sum3A_110[15] : f32 from vector<16xf32>
      %mul3A_112 = arith.mulf %reduce_sum3A_111, %scan3A_22 : f32
      %add3A_113 = arith.addf %mul3A_112, %squeeze3A : f32
      %reduce_sum3A_114 = arith.constant true
      %reduce_sum3A_115 = vector.broadcast %reduce_sum3A_114 : i1 to vector<16xi1>
      %reduce_sum3A_116 = tpu.scan <sum>, %add3A_108 masked %reduce_sum3A_115 : vector<16xf32>, vector<16xi1> -> vector<16xf32>
      %reduce_sum3A_117 = vector.extract %reduce_sum3A_116[15] : f32 from vector<16xf32>
      %mul3A_118 = arith.mulf %reduce_sum3A_117, %scan3A_22 : f32
      %add3A_119 = arith.addf %mul3A_118, %squeeze3A_3 : f32
      %eq3A_120 = arith.constant 0 : i32
      %eq3A_121 = vector.broadcast %eq3A_120 : i32 to vector<16xi32>
      %eq3A_122 = arith.cmpi eq, %iota3A, %eq3A_121 : vector<16xi32>
      %broadcast_in_dim3A_123 = vector.broadcast %add3A_113 : f32 to vector<16xf32>
      %select_n3A_124 = arith.select %eq3A_122, %broadcast_in_dim3A_123, %broadcast_in_dim3A_82 : vector<16xi1>, vector<16xf32>
      %eq3A_125 = arith.constant 0 : i32
      %eq3A_126 = vector.broadcast %eq3A_125 : i32 to vector<16xi32>
      %eq3A_127 = arith.cmpi eq, %iota3A, %eq3A_126 : vector<16xi32>
      %broadcast_in_dim3A_128 = vector.broadcast %add3A_119 : f32 to vector<16xf32>
      %select_n3A_129 = arith.select %eq3A_127, %broadcast_in_dim3A_128, %broadcast_in_dim3A_84 : vector<16xi1>, vector<16xf32>
      %broadcast_in_dim3A_130 = arith.constant 0.000000e+00 : f32
      %broadcast_in_dim3A_131 = vector.broadcast %broadcast_in_dim3A_130 : f32 to vector<16xf32>
      %scan3A_132 = arith.constant 0 : i32
      %scan3A_133 = arith.constant 12 : i32
      %scan3A_134 = arith.addi %scan3A_132, %scan3A_133 : i32
      %scan3A_135 = arith.constant 1 : i32
      %scan3A_136:2 = scf.for %scan3A_1722 = %scan3A_132 to %scan3A_134 step %scan3A_135 iter_args(%scan3A_1723 = %broadcast_in_dim3A_131, %scan3A_1724 = %broadcast_in_dim3A_131) -> (vector<16xf32>, vector<16xf32>)  : i32 {
        %mul3A_1725 = arith.constant 16 : i32
        %mul3A_1726 = arith.muli %scan3A_1722, %mul3A_1725 : i32
        %add3A_1727 = arith.constant 200 : i32
        %add3A_1728 = arith.addi %add3A_1727, %mul3A_1726 : i32
        %get3A_1729 = arith.index_cast %add3A_1728 : i32 to index
        %get3A_1730 = tpu.vector_load %arg7[%get3A_1729] {strides = array<i32>} : memref<3200xi32, #tpu.memory_space<vmem>>, vector<16xi32>,
        %bitcast3A_1731 = vector.bitcast %get3A_1730 : vector<16xi32> to vector<32xbf16>
        %unpack3A_1732 = tpu.unpack_subelements %bitcast3A_1731, 0 {pack_format = #tpu.pack_format<interleaved>} : vector<32xbf16> -> vector<16xf32>
        %unpack3A_1733 = tpu.unpack_subelements %bitcast3A_1731, 1 {pack_format = #tpu.pack_format<interleaved>} : vector<32xbf16> -> vector<16xf32>
        %add3A_1734 = arith.addf %scan3A_1723, %unpack3A_1732 : vector<16xf32>
        %add3A_1735 = arith.addf %scan3A_1724, %unpack3A_1733 : vector<16xf32>
        scf.yield %add3A_1734, %add3A_1735 : vector<16xf32>, vector<16xf32>
      }
      %scan3A_137 = arith.constant 12 : i32
      %get3A_138 = arith.constant 384 : index
      %get3A_139 = tpu.vector_load %arg7[%get3A_138] {strides = array<i32>} : memref<3200xi32, #tpu.memory_space<vmem>>, vector<16xi32>,
      %bitcast3A_140 = vector.bitcast %get3A_139 : vector<16xi32> to vector<32xbf16>
      %unpack3A_141 = tpu.unpack_subelements %bitcast3A_140, 0 {pack_format = #tpu.pack_format<interleaved>} : vector<32xbf16> -> vector<16xf32>
      %unpack3A_142 = tpu.unpack_subelements %bitcast3A_140, 1 {pack_format = #tpu.pack_format<interleaved>} : vector<32xbf16> -> vector<16xf32>
      %ge3A_143 = arith.constant 8 : i32
      %ge3A_144 = vector.broadcast %ge3A_143 : i32 to vector<16xi32>
      %ge3A_145 = arith.cmpi sge, %iota3A, %ge3A_144 : vector<16xi32>
      %jit3A_146 = arith.constant 0.000000e+00 : f32
      %broadcast_in_dim3A_147 = vector.broadcast %jit3A_146 : f32 to vector<16xf32>
      %select_n3A_148 = arith.select %ge3A_145, %unpack3A_141, %broadcast_in_dim3A_147 : vector<16xi1>, vector<16xf32>
      %add3A_149 = arith.addf %scan3A_136#0, %select_n3A_148 : vector<16xf32>
      %ge3A_150 = arith.constant 8 : i32
      %ge3A_151 = vector.broadcast %ge3A_150 : i32 to vector<16xi32>
      %ge3A_152 = arith.cmpi sge, %iota3A, %ge3A_151 : vector<16xi32>
      %jit3A_153 = arith.constant 0.000000e+00 : f32
      %broadcast_in_dim3A_154 = vector.broadcast %jit3A_153 : f32 to vector<16xf32>
      %select_n3A_155 = arith.select %ge3A_152, %unpack3A_142, %broadcast_in_dim3A_154 : vector<16xi1>, vector<16xf32>
      %add3A_156 = arith.addf %scan3A_136#1, %select_n3A_155 : vector<16xf32>
      %reduce_sum3A_157 = arith.constant true
      %reduce_sum3A_158 = vector.broadcast %reduce_sum3A_157 : i1 to vector<16xi1>
      %reduce_sum3A_159 = tpu.scan <sum>, %add3A_149 masked %reduce_sum3A_158 : vector<16xf32>, vector<16xi1> -> vector<16xf32>
      %reduce_sum3A_160 = vector.extract %reduce_sum3A_159[15] : f32 from vector<16xf32>
      %mul3A_161 = arith.mulf %reduce_sum3A_160, %scan3A_22 : f32
      %add3A_162 = arith.addf %mul3A_161, %squeeze3A : f32
      %reduce_sum3A_163 = arith.constant true
      %reduce_sum3A_164 = vector.broadcast %reduce_sum3A_163 : i1 to vector<16xi1>
      %reduce_sum3A_165 = tpu.scan <sum>, %add3A_156 masked %reduce_sum3A_164 : vector<16xf32>, vector<16xi1> -> vector<16xf32>
      %reduce_sum3A_166 = vector.extract %reduce_sum3A_165[15] : f32 from vector<16xf32>
      %mul3A_167 = arith.mulf %reduce_sum3A_166, %scan3A_22 : f32
      %add3A_168 = arith.addf %mul3A_167, %squeeze3A_3 : f32
      %eq3A_169 = arith.constant 1 : i32
      %eq3A_170 = vector.broadcast %eq3A_169 : i32 to vector<16xi32>
      %eq3A_171 = arith.cmpi eq, %iota3A, %eq3A_170 : vector<16xi32>
      %broadcast_in_dim3A_172 = vector.broadcast %add3A_162 : f32 to vector<16xf32>
      %select_n3A_173 = arith.select %eq3A_171, %broadcast_in_dim3A_172, %select_n3A_124 : vector<16xi1>, vector<16xf32>
      %eq3A_174 = arith.constant 1 : i32
      %eq3A_175 = vector.broadcast %eq3A_174 : i32 to vector<16xi32>
      %eq3A_176 = arith.cmpi eq, %iota3A, %eq3A_175 : vector<16xi32>
      %broadcast_in_dim3A_177 = vector.broadcast %add3A_168 : f32 to vector<16xf32>
      %select_n3A_178 = arith.select %eq3A_176, %broadcast_in_dim3A_177, %select_n3A_129 : vector<16xi1>, vector<16xf32>
      %broadcast_in_dim3A_179 = arith.constant 0.000000e+00 : f32
      %broadcast_in_dim3A_180 = vector.broadcast %broadcast_in_dim3A_179 : f32 to vector<16xf32>
      %scan3A_181 = arith.constant 0 : i32
      %scan3A_182 = arith.constant 12 : i32
      %scan3A_183 = arith.addi %scan3A_181, %scan3A_182 : i32
      %scan3A_184 = arith.constant 1 : i32
      %scan3A_185:2 = scf.for %scan3A_1722 = %scan3A_181 to %scan3A_183 step %scan3A_184 iter_args(%scan3A_1723 = %broadcast_in_dim3A_180, %scan3A_1724 = %broadcast_in_dim3A_180) -> (vector<16xf32>, vector<16xf32>)  : i32 {
        %mul3A_1725 = arith.constant 16 : i32
        %mul3A_1726 = arith.muli %scan3A_1722, %mul3A_1725 : i32
        %add3A_1727 = arith.constant 400 : i32
        %add3A_1728 = arith.addi %add3A_1727, %mul3A_1726 : i32
        %get3A_1729 = arith.index_cast %add3A_1728 : i32 to index
        %get3A_1730 = tpu.vector_load %arg7[%get3A_1729] {strides = array<i32>} : memref<3200xi32, #tpu.memory_space<vmem>>, vector<16xi32>,
        %bitcast3A_1731 = vector.bitcast %get3A_1730 : vector<16xi32> to vector<32xbf16>
        %unpack3A_1732 = tpu.unpack_subelements %bitcast3A_1731, 0 {pack_format = #tpu.pack_format<interleaved>} : vector<32xbf16> -> vector<16xf32>
        %unpack3A_1733 = tpu.unpack_subelements %bitcast3A_1731, 1 {pack_format = #tpu.pack_format<interleaved>} : vector<32xbf16> -> vector<16xf32>
        %add3A_1734 = arith.addf %scan3A_1723, %unpack3A_1732 : vector<16xf32>
        %add3A_1735 = arith.addf %scan3A_1724, %unpack3A_1733 : vector<16xf32>
        scf.yield %add3A_1734, %add3A_1735 : vector<16xf32>, vector<16xf32>
      }
      %scan3A_186 = arith.constant 12 : i32
      %get3A_187 = arith.constant 584 : index
      %get3A_188 = tpu.vector_load %arg7[%get3A_187] {strides = array<i32>} : memref<3200xi32, #tpu.memory_space<vmem>>, vector<16xi32>,
      %bitcast3A_189 = vector.bitcast %get3A_188 : vector<16xi32> to vector<32xbf16>
      %unpack3A_190 = tpu.unpack_subelements %bitcast3A_189, 0 {pack_format = #tpu.pack_format<interleaved>} : vector<32xbf16> -> vector<16xf32>
      %unpack3A_191 = tpu.unpack_subelements %bitcast3A_189, 1 {pack_format = #tpu.pack_format<interleaved>} : vector<32xbf16> -> vector<16xf32>
      %ge3A_192 = arith.constant 8 : i32
      %ge3A_193 = vector.broadcast %ge3A_192 : i32 to vector<16xi32>
      %ge3A_194 = arith.cmpi sge, %iota3A, %ge3A_193 : vector<16xi32>
      %jit3A_195 = arith.constant 0.000000e+00 : f32
      %broadcast_in_dim3A_196 = vector.broadcast %jit3A_195 : f32 to vector<16xf32>
      %select_n3A_197 = arith.select %ge3A_194, %unpack3A_190, %broadcast_in_dim3A_196 : vector<16xi1>, vector<16xf32>
      %add3A_198 = arith.addf %scan3A_185#0, %select_n3A_197 : vector<16xf32>
      %ge3A_199 = arith.constant 8 : i32
      %ge3A_200 = vector.broadcast %ge3A_199 : i32 to vector<16xi32>
      %ge3A_201 = arith.cmpi sge, %iota3A, %ge3A_200 : vector<16xi32>
      %jit3A_202 = arith.constant 0.000000e+00 : f32
      %broadcast_in_dim3A_203 = vector.broadcast %jit3A_202 : f32 to vector<16xf32>
      %select_n3A_204 = arith.select %ge3A_201, %unpack3A_191, %broadcast_in_dim3A_203 : vector<16xi1>, vector<16xf32>
      %add3A_205 = arith.addf %scan3A_185#1, %select_n3A_204 : vector<16xf32>
      %reduce_sum3A_206 = arith.constant true
      %reduce_sum3A_207 = vector.broadcast %reduce_sum3A_206 : i1 to vector<16xi1>
      %reduce_sum3A_208 = tpu.scan <sum>, %add3A_198 masked %reduce_sum3A_207 : vector<16xf32>, vector<16xi1> -> vector<16xf32>
      %reduce_sum3A_209 = vector.extract %reduce_sum3A_208[15] : f32 from vector<16xf32>
      %mul3A_210 = arith.mulf %reduce_sum3A_209, %scan3A_22 : f32
      %add3A_211 = arith.addf %mul3A_210, %squeeze3A : f32
      %reduce_sum3A_212 = arith.constant true
      %reduce_sum3A_213 = vector.broadcast %reduce_sum3A_212 : i1 to vector<16xi1>
      %reduce_sum3A_214 = tpu.scan <sum>, %add3A_205 masked %reduce_sum3A_213 : vector<16xf32>, vector<16xi1> -> vector<16xf32>
      %reduce_sum3A_215 = vector.extract %reduce_sum3A_214[15] : f32 from vector<16xf32>
      %mul3A_216 = arith.mulf %reduce_sum3A_215, %scan3A_22 : f32
      %add3A_217 = arith.addf %mul3A_216, %squeeze3A_3 : f32
      %eq3A_218 = arith.constant 2 : i32
      %eq3A_219 = vector.broadcast %eq3A_218 : i32 to vector<16xi32>
      %eq3A_220 = arith.cmpi eq, %iota3A, %eq3A_219 : vector<16xi32>
      %broadcast_in_dim3A_221 = vector.broadcast %add3A_211 : f32 to vector<16xf32>
      %select_n3A_222 = arith.select %eq3A_220, %broadcast_in_dim3A_221, %select_n3A_173 : vector<16xi1>, vector<16xf32>
      %eq3A_223 = arith.constant 2 : i32
      %eq3A_224 = vector.broadcast %eq3A_223 : i32 to vector<16xi32>
      %eq3A_225 = arith.cmpi eq, %iota3A, %eq3A_224 : vector<16xi32>
      %broadcast_in_dim3A_226 = vector.broadcast %add3A_217 : f32 to vector<16xf32>
      %select_n3A_227 = arith.select %eq3A_225, %broadcast_in_dim3A_226, %select_n3A_178 : vector<16xi1>, vector<16xf32>
      %broadcast_in_dim3A_228 = arith.constant 0.000000e+00 : f32
      %broadcast_in_dim3A_229 = vector.broadcast %broadcast_in_dim3A_228 : f32 to vector<16xf32>
      %scan3A_230 = arith.constant 0 : i32
      %scan3A_231 = arith.constant 12 : i32
      %scan3A_232 = arith.addi %scan3A_230, %scan3A_231 : i32
      %scan3A_233 = arith.constant 1 : i32
      %scan3A_234:2 = scf.for %scan3A_1722 = %scan3A_230 to %scan3A_232 step %scan3A_233 iter_args(%scan3A_1723 = %broadcast_in_dim3A_229, %scan3A_1724 = %broadcast_in_dim3A_229) -> (vector<16xf32>, vector<16xf32>)  : i32 {
        %mul3A_1725 = arith.constant 16 : i32
        %mul3A_1726 = arith.muli %scan3A_1722, %mul3A_1725 : i32
        %add3A_1727 = arith.constant 600 : i32
        %add3A_1728 = arith.addi %add3A_1727, %mul3A_1726 : i32
        %get3A_1729 = arith.index_cast %add3A_1728 : i32 to index
        %get3A_1730 = tpu.vector_load %arg7[%get3A_1729] {strides = array<i32>} : memref<3200xi32, #tpu.memory_space<vmem>>, vector<16xi32>,
        %bitcast3A_1731 = vector.bitcast %get3A_1730 : vector<16xi32> to vector<32xbf16>
        %unpack3A_1732 = tpu.unpack_subelements %bitcast3A_1731, 0 {pack_format = #tpu.pack_format<interleaved>} : vector<32xbf16> -> vector<16xf32>
        %unpack3A_1733 = tpu.unpack_subelements %bitcast3A_1731, 1 {pack_format = #tpu.pack_format<interleaved>} : vector<32xbf16> -> vector<16xf32>
        %add3A_1734 = arith.addf %scan3A_1723, %unpack3A_1732 : vector<16xf32>
        %add3A_1735 = arith.addf %scan3A_1724, %unpack3A_1733 : vector<16xf32>
        scf.yield %add3A_1734, %add3A_1735 : vector<16xf32>, vector<16xf32>
      }
      %scan3A_235 = arith.constant 12 : i32
      %get3A_236 = arith.constant 784 : index
      %get3A_237 = tpu.vector_load %arg7[%get3A_236] {strides = array<i32>} : memref<3200xi32, #tpu.memory_space<vmem>>, vector<16xi32>,
      %bitcast3A_238 = vector.bitcast %get3A_237 : vector<16xi32> to vector<32xbf16>
      %unpack3A_239 = tpu.unpack_subelements %bitcast3A_238, 0 {pack_format = #tpu.pack_format<interleaved>} : vector<32xbf16> -> vector<16xf32>
      %unpack3A_240 = tpu.unpack_subelements %bitcast3A_238, 1 {pack_format = #tpu.pack_format<interleaved>} : vector<32xbf16> -> vector<16xf32>
      %ge3A_241 = arith.constant 8 : i32
      %ge3A_242 = vector.broadcast %ge3A_241 : i32 to vector<16xi32>
      %ge3A_243 = arith.cmpi sge, %iota3A, %ge3A_242 : vector<16xi32>
      %jit3A_244 = arith.constant 0.000000e+00 : f32
      %broadcast_in_dim3A_245 = vector.broadcast %jit3A_244 : f32 to vector<16xf32>
      %select_n3A_246 = arith.select %ge3A_243, %unpack3A_239, %broadcast_in_dim3A_245 : vector<16xi1>, vector<16xf32>
      %add3A_247 = arith.addf %scan3A_234#0, %select_n3A_246 : vector<16xf32>
      %ge3A_248 = arith.constant 8 : i32
      %ge3A_249 = vector.broadcast %ge3A_248 : i32 to vector<16xi32>
      %ge3A_250 = arith.cmpi sge, %iota3A, %ge3A_249 : vector<16xi32>
      %jit3A_251 = arith.constant 0.000000e+00 : f32
      %broadcast_in_dim3A_252 = vector.broadcast %jit3A_251 : f32 to vector<16xf32>
      %select_n3A_253 = arith.select %ge3A_250, %unpack3A_240, %broadcast_in_dim3A_252 : vector<16xi1>, vector<16xf32>
      %add3A_254 = arith.addf %scan3A_234#1, %select_n3A_253 : vector<16xf32>
      %reduce_sum3A_255 = arith.constant true
      %reduce_sum3A_256 = vector.broadcast %reduce_sum3A_255 : i1 to vector<16xi1>
      %reduce_sum3A_257 = tpu.scan <sum>, %add3A_247 masked %reduce_sum3A_256 : vector<16xf32>, vector<16xi1> -> vector<16xf32>
      %reduce_sum3A_258 = vector.extract %reduce_sum3A_257[15] : f32 from vector<16xf32>
      %mul3A_259 = arith.mulf %reduce_sum3A_258, %scan3A_22 : f32
      %add3A_260 = arith.addf %mul3A_259, %squeeze3A : f32
      %reduce_sum3A_261 = arith.constant true
      %reduce_sum3A_262 = vector.broadcast %reduce_sum3A_261 : i1 to vector<16xi1>
      %reduce_sum3A_263 = tpu.scan <sum>, %add3A_254 masked %reduce_sum3A_262 : vector<16xf32>, vector<16xi1> -> vector<16xf32>
      %reduce_sum3A_264 = vector.extract %reduce_sum3A_263[15] : f32 from vector<16xf32>
      %mul3A_265 = arith.mulf %reduce_sum3A_264, %scan3A_22 : f32
      %add3A_266 = arith.addf %mul3A_265, %squeeze3A_3 : f32
      %eq3A_267 = arith.constant 3 : i32
      %eq3A_268 = vector.broadcast %eq3A_267 : i32 to vector<16xi32>
      %eq3A_269 = arith.cmpi eq, %iota3A, %eq3A_268 : vector<16xi32>
      %broadcast_in_dim3A_270 = vector.broadcast %add3A_260 : f32 to vector<16xf32>
      %select_n3A_271 = arith.select %eq3A_269, %broadcast_in_dim3A_270, %select_n3A_222 : vector<16xi1>, vector<16xf32>
      %eq3A_272 = arith.constant 3 : i32
      %eq3A_273 = vector.broadcast %eq3A_272 : i32 to vector<16xi32>
      %eq3A_274 = arith.cmpi eq, %iota3A, %eq3A_273 : vector<16xi32>
      %broadcast_in_dim3A_275 = vector.broadcast %add3A_266 : f32 to vector<16xf32>
      %select_n3A_276 = arith.select %eq3A_274, %broadcast_in_dim3A_275, %select_n3A_227 : vector<16xi1>, vector<16xf32>
      %broadcast_in_dim3A_277 = arith.constant 0.000000e+00 : f32
      %broadcast_in_dim3A_278 = vector.broadcast %broadcast_in_dim3A_277 : f32 to vector<16xf32>
      %scan3A_279 = arith.constant 0 : i32
      %scan3A_280 = arith.constant 12 : i32
      %scan3A_281 = arith.addi %scan3A_279, %scan3A_280 : i32
      %scan3A_282 = arith.constant 1 : i32
      %scan3A_283:2 = scf.for %scan3A_1722 = %scan3A_279 to %scan3A_281 step %scan3A_282 iter_args(%scan3A_1723 = %broadcast_in_dim3A_278, %scan3A_1724 = %broadcast_in_dim3A_278) -> (vector<16xf32>, vector<16xf32>)  : i32 {
        %mul3A_1725 = arith.constant 16 : i32
        %mul3A_1726 = arith.muli %scan3A_1722, %mul3A_1725 : i32
        %add3A_1727 = arith.constant 800 : i32
        %add3A_1728 = arith.addi %add3A_1727, %mul3A_1726 : i32
        %get3A_1729 = arith.index_cast %add3A_1728 : i32 to index
        %get3A_1730 = tpu.vector_load %arg7[%get3A_1729] {strides = array<i32>} : memref<3200xi32, #tpu.memory_space<vmem>>, vector<16xi32>,
        %bitcast3A_1731 = vector.bitcast %get3A_1730 : vector<16xi32> to vector<32xbf16>
        %unpack3A_1732 = tpu.unpack_subelements %bitcast3A_1731, 0 {pack_format = #tpu.pack_format<interleaved>} : vector<32xbf16> -> vector<16xf32>
        %unpack3A_1733 = tpu.unpack_subelements %bitcast3A_1731, 1 {pack_format = #tpu.pack_format<interleaved>} : vector<32xbf16> -> vector<16xf32>
        %add3A_1734 = arith.addf %scan3A_1723, %unpack3A_1732 : vector<16xf32>
        %add3A_1735 = arith.addf %scan3A_1724, %unpack3A_1733 : vector<16xf32>
        scf.yield %add3A_1734, %add3A_1735 : vector<16xf32>, vector<16xf32>
      }
      %scan3A_284 = arith.constant 12 : i32
      %get3A_285 = arith.constant 984 : index
      %get3A_286 = tpu.vector_load %arg7[%get3A_285] {strides = array<i32>} : memref<3200xi32, #tpu.memory_space<vmem>>, vector<16xi32>,
      %bitcast3A_287 = vector.bitcast %get3A_286 : vector<16xi32> to vector<32xbf16>
      %unpack3A_288 = tpu.unpack_subelements %bitcast3A_287, 0 {pack_format = #tpu.pack_format<interleaved>} : vector<32xbf16> -> vector<16xf32>
      %unpack3A_289 = tpu.unpack_subelements %bitcast3A_287, 1 {pack_format = #tpu.pack_format<interleaved>} : vector<32xbf16> -> vector<16xf32>
      %ge3A_290 = arith.constant 8 : i32
      %ge3A_291 = vector.broadcast %ge3A_290 : i32 to vector<16xi32>
      %ge3A_292 = arith.cmpi sge, %iota3A, %ge3A_291 : vector<16xi32>
      %jit3A_293 = arith.constant 0.000000e+00 : f32
      %broadcast_in_dim3A_294 = vector.broadcast %jit3A_293 : f32 to vector<16xf32>
      %select_n3A_295 = arith.select %ge3A_292, %unpack3A_288, %broadcast_in_dim3A_294 : vector<16xi1>, vector<16xf32>
      %add3A_296 = arith.addf %scan3A_283#0, %select_n3A_295 : vector<16xf32>
      %ge3A_297 = arith.constant 8 : i32
      %ge3A_298 = vector.broadcast %ge3A_297 : i32 to vector<16xi32>
      %ge3A_299 = arith.cmpi sge, %iota3A, %ge3A_298 : vector<16xi32>
      %jit3A_300 = arith.constant 0.000000e+00 : f32
      %broadcast_in_dim3A_301 = vector.broadcast %jit3A_300 : f32 to vector<16xf32>
      %select_n3A_302 = arith.select %ge3A_299, %unpack3A_289, %broadcast_in_dim3A_301 : vector<16xi1>, vector<16xf32>
      %add3A_303 = arith.addf %scan3A_283#1, %select_n3A_302 : vector<16xf32>
      %reduce_sum3A_304 = arith.constant true
      %reduce_sum3A_305 = vector.broadcast %reduce_sum3A_304 : i1 to vector<16xi1>
      %reduce_sum3A_306 = tpu.scan <sum>, %add3A_296 masked %reduce_sum3A_305 : vector<16xf32>, vector<16xi1> -> vector<16xf32>
      %reduce_sum3A_307 = vector.extract %reduce_sum3A_306[15] : f32 from vector<16xf32>
      %mul3A_308 = arith.mulf %reduce_sum3A_307, %scan3A_22 : f32
      %add3A_309 = arith.addf %mul3A_308, %squeeze3A : f32
      %reduce_sum3A_310 = arith.constant true
      %reduce_sum3A_311 = vector.broadcast %reduce_sum3A_310 : i1 to vector<16xi1>
      %reduce_sum3A_312 = tpu.scan <sum>, %add3A_303 masked %reduce_sum3A_311 : vector<16xf32>, vector<16xi1> -> vector<16xf32>
      %reduce_sum3A_313 = vector.extract %reduce_sum3A_312[15] : f32 from vector<16xf32>
      %mul3A_314 = arith.mulf %reduce_sum3A_313, %scan3A_22 : f32
      %add3A_315 = arith.addf %mul3A_314, %squeeze3A_3 : f32
      %eq3A_316 = arith.constant 4 : i32
      %eq3A_317 = vector.broadcast %eq3A_316 : i32 to vector<16xi32>
      %eq3A_318 = arith.cmpi eq, %iota3A, %eq3A_317 : vector<16xi32>
      %broadcast_in_dim3A_319 = vector.broadcast %add3A_309 : f32 to vector<16xf32>
      %select_n3A_320 = arith.select %eq3A_318, %broadcast_in_dim3A_319, %select_n3A_271 : vector<16xi1>, vector<16xf32>
      %eq3A_321 = arith.constant 4 : i32
      %eq3A_322 = vector.broadcast %eq3A_321 : i32 to vector<16xi32>
      %eq3A_323 = arith.cmpi eq, %iota3A, %eq3A_322 : vector<16xi32>
      %broadcast_in_dim3A_324 = vector.broadcast %add3A_315 : f32 to vector<16xf32>
      %select_n3A_325 = arith.select %eq3A_323, %broadcast_in_dim3A_324, %select_n3A_276 : vector<16xi1>, vector<16xf32>
      %broadcast_in_dim3A_326 = arith.constant 0.000000e+00 : f32
      %broadcast_in_dim3A_327 = vector.broadcast %broadcast_in_dim3A_326 : f32 to vector<16xf32>
      %scan3A_328 = arith.constant 0 : i32
      %scan3A_329 = arith.constant 12 : i32
      %scan3A_330 = arith.addi %scan3A_328, %scan3A_329 : i32
      %scan3A_331 = arith.constant 1 : i32
      %scan3A_332:2 = scf.for %scan3A_1722 = %scan3A_328 to %scan3A_330 step %scan3A_331 iter_args(%scan3A_1723 = %broadcast_in_dim3A_327, %scan3A_1724 = %broadcast_in_dim3A_327) -> (vector<16xf32>, vector<16xf32>)  : i32 {
        %mul3A_1725 = arith.constant 16 : i32
        %mul3A_1726 = arith.muli %scan3A_1722, %mul3A_1725 : i32
        %add3A_1727 = arith.constant 1000 : i32
        %add3A_1728 = arith.addi %add3A_1727, %mul3A_1726 : i32
        %get3A_1729 = arith.index_cast %add3A_1728 : i32 to index
        %get3A_1730 = tpu.vector_load %arg7[%get3A_1729] {strides = array<i32>} : memref<3200xi32, #tpu.memory_space<vmem>>, vector<16xi32>,
        %bitcast3A_1731 = vector.bitcast %get3A_1730 : vector<16xi32> to vector<32xbf16>
        %unpack3A_1732 = tpu.unpack_subelements %bitcast3A_1731, 0 {pack_format = #tpu.pack_format<interleaved>} : vector<32xbf16> -> vector<16xf32>
        %unpack3A_1733 = tpu.unpack_subelements %bitcast3A_1731, 1 {pack_format = #tpu.pack_format<interleaved>} : vector<32xbf16> -> vector<16xf32>
        %add3A_1734 = arith.addf %scan3A_1723, %unpack3A_1732 : vector<16xf32>
        %add3A_1735 = arith.addf %scan3A_1724, %unpack3A_1733 : vector<16xf32>
        scf.yield %add3A_1734, %add3A_1735 : vector<16xf32>, vector<16xf32>
      }
      %scan3A_333 = arith.constant 12 : i32
      %get3A_334 = arith.constant 1184 : index
      %get3A_335 = tpu.vector_load %arg7[%get3A_334] {strides = array<i32>} : memref<3200xi32, #tpu.memory_space<vmem>>, vector<16xi32>,
      %bitcast3A_336 = vector.bitcast %get3A_335 : vector<16xi32> to vector<32xbf16>
      %unpack3A_337 = tpu.unpack_subelements %bitcast3A_336, 0 {pack_format = #tpu.pack_format<interleaved>} : vector<32xbf16> -> vector<16xf32>
      %unpack3A_338 = tpu.unpack_subelements %bitcast3A_336, 1 {pack_format = #tpu.pack_format<interleaved>} : vector<32xbf16> -> vector<16xf32>
      %ge3A_339 = arith.constant 8 : i32
      %ge3A_340 = vector.broadcast %ge3A_339 : i32 to vector<16xi32>
      %ge3A_341 = arith.cmpi sge, %iota3A, %ge3A_340 : vector<16xi32>
      %jit3A_342 = arith.constant 0.000000e+00 : f32
      %broadcast_in_dim3A_343 = vector.broadcast %jit3A_342 : f32 to vector<16xf32>
      %select_n3A_344 = arith.select %ge3A_341, %unpack3A_337, %broadcast_in_dim3A_343 : vector<16xi1>, vector<16xf32>
      %add3A_345 = arith.addf %scan3A_332#0, %select_n3A_344 : vector<16xf32>
      %ge3A_346 = arith.constant 8 : i32
      %ge3A_347 = vector.broadcast %ge3A_346 : i32 to vector<16xi32>
      %ge3A_348 = arith.cmpi sge, %iota3A, %ge3A_347 : vector<16xi32>
      %jit3A_349 = arith.constant 0.000000e+00 : f32
      %broadcast_in_dim3A_350 = vector.broadcast %jit3A_349 : f32 to vector<16xf32>
      %select_n3A_351 = arith.select %ge3A_348, %unpack3A_338, %broadcast_in_dim3A_350 : vector<16xi1>, vector<16xf32>
      %add3A_352 = arith.addf %scan3A_332#1, %select_n3A_351 : vector<16xf32>
      %reduce_sum3A_353 = arith.constant true
      %reduce_sum3A_354 = vector.broadcast %reduce_sum3A_353 : i1 to vector<16xi1>
      %reduce_sum3A_355 = tpu.scan <sum>, %add3A_345 masked %reduce_sum3A_354 : vector<16xf32>, vector<16xi1> -> vector<16xf32>
      %reduce_sum3A_356 = vector.extract %reduce_sum3A_355[15] : f32 from vector<16xf32>
      %mul3A_357 = arith.mulf %reduce_sum3A_356, %scan3A_22 : f32
      %add3A_358 = arith.addf %mul3A_357, %squeeze3A : f32
      %reduce_sum3A_359 = arith.constant true
      %reduce_sum3A_360 = vector.broadcast %reduce_sum3A_359 : i1 to vector<16xi1>
      %reduce_sum3A_361 = tpu.scan <sum>, %add3A_352 masked %reduce_sum3A_360 : vector<16xf32>, vector<16xi1> -> vector<16xf32>
      %reduce_sum3A_362 = vector.extract %reduce_sum3A_361[15] : f32 from vector<16xf32>
      %mul3A_363 = arith.mulf %reduce_sum3A_362, %scan3A_22 : f32
      %add3A_364 = arith.addf %mul3A_363, %squeeze3A_3 : f32
      %eq3A_365 = arith.constant 5 : i32
      %eq3A_366 = vector.broadcast %eq3A_365 : i32 to vector<16xi32>
      %eq3A_367 = arith.cmpi eq, %iota3A, %eq3A_366 : vector<16xi32>
      %broadcast_in_dim3A_368 = vector.broadcast %add3A_358 : f32 to vector<16xf32>
      %select_n3A_369 = arith.select %eq3A_367, %broadcast_in_dim3A_368, %select_n3A_320 : vector<16xi1>, vector<16xf32>
      %eq3A_370 = arith.constant 5 : i32
      %eq3A_371 = vector.broadcast %eq3A_370 : i32 to vector<16xi32>
      %eq3A_372 = arith.cmpi eq, %iota3A, %eq3A_371 : vector<16xi32>
      %broadcast_in_dim3A_373 = vector.broadcast %add3A_364 : f32 to vector<16xf32>
      %select_n3A_374 = arith.select %eq3A_372, %broadcast_in_dim3A_373, %select_n3A_325 : vector<16xi1>, vector<16xf32>
      %broadcast_in_dim3A_375 = arith.constant 0.000000e+00 : f32
      %broadcast_in_dim3A_376 = vector.broadcast %broadcast_in_dim3A_375 : f32 to vector<16xf32>
      %scan3A_377 = arith.constant 0 : i32
      %scan3A_378 = arith.constant 12 : i32
      %scan3A_379 = arith.addi %scan3A_377, %scan3A_378 : i32
      %scan3A_380 = arith.constant 1 : i32
      %scan3A_381:2 = scf.for %scan3A_1722 = %scan3A_377 to %scan3A_379 step %scan3A_380 iter_args(%scan3A_1723 = %broadcast_in_dim3A_376, %scan3A_1724 = %broadcast_in_dim3A_376) -> (vector<16xf32>, vector<16xf32>)  : i32 {
        %mul3A_1725 = arith.constant 16 : i32
        %mul3A_1726 = arith.muli %scan3A_1722, %mul3A_1725 : i32
        %add3A_1727 = arith.constant 1200 : i32
        %add3A_1728 = arith.addi %add3A_1727, %mul3A_1726 : i32
        %get3A_1729 = arith.index_cast %add3A_1728 : i32 to index
        %get3A_1730 = tpu.vector_load %arg7[%get3A_1729] {strides = array<i32>} : memref<3200xi32, #tpu.memory_space<vmem>>, vector<16xi32>,
        %bitcast3A_1731 = vector.bitcast %get3A_1730 : vector<16xi32> to vector<32xbf16>
        %unpack3A_1732 = tpu.unpack_subelements %bitcast3A_1731, 0 {pack_format = #tpu.pack_format<interleaved>} : vector<32xbf16> -> vector<16xf32>
        %unpack3A_1733 = tpu.unpack_subelements %bitcast3A_1731, 1 {pack_format = #tpu.pack_format<interleaved>} : vector<32xbf16> -> vector<16xf32>
        %add3A_1734 = arith.addf %scan3A_1723, %unpack3A_1732 : vector<16xf32>
        %add3A_1735 = arith.addf %scan3A_1724, %unpack3A_1733 : vector<16xf32>
        scf.yield %add3A_1734, %add3A_1735 : vector<16xf32>, vector<16xf32>
      }
      %scan3A_382 = arith.constant 12 : i32
      %get3A_383 = arith.constant 1384 : index
      %get3A_384 = tpu.vector_load %arg7[%get3A_383] {strides = array<i32>} : memref<3200xi32, #tpu.memory_space<vmem>>, vector<16xi32>,
      %bitcast3A_385 = vector.bitcast %get3A_384 : vector<16xi32> to vector<32xbf16>
      %unpack3A_386 = tpu.unpack_subelements %bitcast3A_385, 0 {pack_format = #tpu.pack_format<interleaved>} : vector<32xbf16> -> vector<16xf32>
      %unpack3A_387 = tpu.unpack_subelements %bitcast3A_385, 1 {pack_format = #tpu.pack_format<interleaved>} : vector<32xbf16> -> vector<16xf32>
      %ge3A_388 = arith.constant 8 : i32
      %ge3A_389 = vector.broadcast %ge3A_388 : i32 to vector<16xi32>
      %ge3A_390 = arith.cmpi sge, %iota3A, %ge3A_389 : vector<16xi32>
      %jit3A_391 = arith.constant 0.000000e+00 : f32
      %broadcast_in_dim3A_392 = vector.broadcast %jit3A_391 : f32 to vector<16xf32>
      %select_n3A_393 = arith.select %ge3A_390, %unpack3A_386, %broadcast_in_dim3A_392 : vector<16xi1>, vector<16xf32>
      %add3A_394 = arith.addf %scan3A_381#0, %select_n3A_393 : vector<16xf32>
      %ge3A_395 = arith.constant 8 : i32
      %ge3A_396 = vector.broadcast %ge3A_395 : i32 to vector<16xi32>
      %ge3A_397 = arith.cmpi sge, %iota3A, %ge3A_396 : vector<16xi32>
      %jit3A_398 = arith.constant 0.000000e+00 : f32
      %broadcast_in_dim3A_399 = vector.broadcast %jit3A_398 : f32 to vector<16xf32>
      %select_n3A_400 = arith.select %ge3A_397, %unpack3A_387, %broadcast_in_dim3A_399 : vector<16xi1>, vector<16xf32>
      %add3A_401 = arith.addf %scan3A_381#1, %select_n3A_400 : vector<16xf32>
      %reduce_sum3A_402 = arith.constant true
      %reduce_sum3A_403 = vector.broadcast %reduce_sum3A_402 : i1 to vector<16xi1>
      %reduce_sum3A_404 = tpu.scan <sum>, %add3A_394 masked %reduce_sum3A_403 : vector<16xf32>, vector<16xi1> -> vector<16xf32>
      %reduce_sum3A_405 = vector.extract %reduce_sum3A_404[15] : f32 from vector<16xf32>
      %mul3A_406 = arith.mulf %reduce_sum3A_405, %scan3A_22 : f32
      %add3A_407 = arith.addf %mul3A_406, %squeeze3A : f32
      %reduce_sum3A_408 = arith.constant true
      %reduce_sum3A_409 = vector.broadcast %reduce_sum3A_408 : i1 to vector<16xi1>
      %reduce_sum3A_410 = tpu.scan <sum>, %add3A_401 masked %reduce_sum3A_409 : vector<16xf32>, vector<16xi1> -> vector<16xf32>
      %reduce_sum3A_411 = vector.extract %reduce_sum3A_410[15] : f32 from vector<16xf32>
      %mul3A_412 = arith.mulf %reduce_sum3A_411, %scan3A_22 : f32
      %add3A_413 = arith.addf %mul3A_412, %squeeze3A_3 : f32
      %eq3A_414 = arith.constant 6 : i32
      %eq3A_415 = vector.broadcast %eq3A_414 : i32 to vector<16xi32>
      %eq3A_416 = arith.cmpi eq, %iota3A, %eq3A_415 : vector<16xi32>
      %broadcast_in_dim3A_417 = vector.broadcast %add3A_407 : f32 to vector<16xf32>
      %select_n3A_418 = arith.select %eq3A_416, %broadcast_in_dim3A_417, %select_n3A_369 : vector<16xi1>, vector<16xf32>
      %eq3A_419 = arith.constant 6 : i32
      %eq3A_420 = vector.broadcast %eq3A_419 : i32 to vector<16xi32>
      %eq3A_421 = arith.cmpi eq, %iota3A, %eq3A_420 : vector<16xi32>
      %broadcast_in_dim3A_422 = vector.broadcast %add3A_413 : f32 to vector<16xf32>
      %select_n3A_423 = arith.select %eq3A_421, %broadcast_in_dim3A_422, %select_n3A_374 : vector<16xi1>, vector<16xf32>
      %broadcast_in_dim3A_424 = arith.constant 0.000000e+00 : f32
      %broadcast_in_dim3A_425 = vector.broadcast %broadcast_in_dim3A_424 : f32 to vector<16xf32>
      %scan3A_426 = arith.constant 0 : i32
      %scan3A_427 = arith.constant 12 : i32
      %scan3A_428 = arith.addi %scan3A_426, %scan3A_427 : i32
      %scan3A_429 = arith.constant 1 : i32
      %scan3A_430:2 = scf.for %scan3A_1722 = %scan3A_426 to %scan3A_428 step %scan3A_429 iter_args(%scan3A_1723 = %broadcast_in_dim3A_425, %scan3A_1724 = %broadcast_in_dim3A_425) -> (vector<16xf32>, vector<16xf32>)  : i32 {
        %mul3A_1725 = arith.constant 16 : i32
        %mul3A_1726 = arith.muli %scan3A_1722, %mul3A_1725 : i32
        %add3A_1727 = arith.constant 1400 : i32
        %add3A_1728 = arith.addi %add3A_1727, %mul3A_1726 : i32
        %get3A_1729 = arith.index_cast %add3A_1728 : i32 to index
        %get3A_1730 = tpu.vector_load %arg7[%get3A_1729] {strides = array<i32>} : memref<3200xi32, #tpu.memory_space<vmem>>, vector<16xi32>,
        %bitcast3A_1731 = vector.bitcast %get3A_1730 : vector<16xi32> to vector<32xbf16>
        %unpack3A_1732 = tpu.unpack_subelements %bitcast3A_1731, 0 {pack_format = #tpu.pack_format<interleaved>} : vector<32xbf16> -> vector<16xf32>
        %unpack3A_1733 = tpu.unpack_subelements %bitcast3A_1731, 1 {pack_format = #tpu.pack_format<interleaved>} : vector<32xbf16> -> vector<16xf32>
        %add3A_1734 = arith.addf %scan3A_1723, %unpack3A_1732 : vector<16xf32>
        %add3A_1735 = arith.addf %scan3A_1724, %unpack3A_1733 : vector<16xf32>
        scf.yield %add3A_1734, %add3A_1735 : vector<16xf32>, vector<16xf32>
      }
      %scan3A_431 = arith.constant 12 : i32
      %get3A_432 = arith.constant 1584 : index
      %get3A_433 = tpu.vector_load %arg7[%get3A_432] {strides = array<i32>} : memref<3200xi32, #tpu.memory_space<vmem>>, vector<16xi32>,
      %bitcast3A_434 = vector.bitcast %get3A_433 : vector<16xi32> to vector<32xbf16>
      %unpack3A_435 = tpu.unpack_subelements %bitcast3A_434, 0 {pack_format = #tpu.pack_format<interleaved>} : vector<32xbf16> -> vector<16xf32>
      %unpack3A_436 = tpu.unpack_subelements %bitcast3A_434, 1 {pack_format = #tpu.pack_format<interleaved>} : vector<32xbf16> -> vector<16xf32>
      %ge3A_437 = arith.constant 8 : i32
      %ge3A_438 = vector.broadcast %ge3A_437 : i32 to vector<16xi32>
      %ge3A_439 = arith.cmpi sge, %iota3A, %ge3A_438 : vector<16xi32>
      %jit3A_440 = arith.constant 0.000000e+00 : f32
      %broadcast_in_dim3A_441 = vector.broadcast %jit3A_440 : f32 to vector<16xf32>
      %select_n3A_442 = arith.select %ge3A_439, %unpack3A_435, %broadcast_in_dim3A_441 : vector<16xi1>, vector<16xf32>
      %add3A_443 = arith.addf %scan3A_430#0, %select_n3A_442 : vector<16xf32>
      %ge3A_444 = arith.constant 8 : i32
      %ge3A_445 = vector.broadcast %ge3A_444 : i32 to vector<16xi32>
      %ge3A_446 = arith.cmpi sge, %iota3A, %ge3A_445 : vector<16xi32>
      %jit3A_447 = arith.constant 0.000000e+00 : f32
      %broadcast_in_dim3A_448 = vector.broadcast %jit3A_447 : f32 to vector<16xf32>
      %select_n3A_449 = arith.select %ge3A_446, %unpack3A_436, %broadcast_in_dim3A_448 : vector<16xi1>, vector<16xf32>
      %add3A_450 = arith.addf %scan3A_430#1, %select_n3A_449 : vector<16xf32>
      %reduce_sum3A_451 = arith.constant true
      %reduce_sum3A_452 = vector.broadcast %reduce_sum3A_451 : i1 to vector<16xi1>
      %reduce_sum3A_453 = tpu.scan <sum>, %add3A_443 masked %reduce_sum3A_452 : vector<16xf32>, vector<16xi1> -> vector<16xf32>
      %reduce_sum3A_454 = vector.extract %reduce_sum3A_453[15] : f32 from vector<16xf32>
      %mul3A_455 = arith.mulf %reduce_sum3A_454, %scan3A_22 : f32
      %add3A_456 = arith.addf %mul3A_455, %squeeze3A : f32
      %reduce_sum3A_457 = arith.constant true
      %reduce_sum3A_458 = vector.broadcast %reduce_sum3A_457 : i1 to vector<16xi1>
      %reduce_sum3A_459 = tpu.scan <sum>, %add3A_450 masked %reduce_sum3A_458 : vector<16xf32>, vector<16xi1> -> vector<16xf32>
      %reduce_sum3A_460 = vector.extract %reduce_sum3A_459[15] : f32 from vector<16xf32>
      %mul3A_461 = arith.mulf %reduce_sum3A_460, %scan3A_22 : f32
      %add3A_462 = arith.addf %mul3A_461, %squeeze3A_3 : f32
      %eq3A_463 = arith.constant 7 : i32
      %eq3A_464 = vector.broadcast %eq3A_463 : i32 to vector<16xi32>
      %eq3A_465 = arith.cmpi eq, %iota3A, %eq3A_464 : vector<16xi32>
      %broadcast_in_dim3A_466 = vector.broadcast %add3A_456 : f32 to vector<16xf32>
      %select_n3A_467 = arith.select %eq3A_465, %broadcast_in_dim3A_466, %select_n3A_418 : vector<16xi1>, vector<16xf32>
      %eq3A_468 = arith.constant 7 : i32
      %eq3A_469 = vector.broadcast %eq3A_468 : i32 to vector<16xi32>
      %eq3A_470 = arith.cmpi eq, %iota3A, %eq3A_469 : vector<16xi32>
      %broadcast_in_dim3A_471 = vector.broadcast %add3A_462 : f32 to vector<16xf32>
      %select_n3A_472 = arith.select %eq3A_470, %broadcast_in_dim3A_471, %select_n3A_423 : vector<16xi1>, vector<16xf32>
      %broadcast_in_dim3A_473 = arith.constant 0.000000e+00 : f32
      %broadcast_in_dim3A_474 = vector.broadcast %broadcast_in_dim3A_473 : f32 to vector<16xf32>
      %scan3A_475 = arith.constant 0 : i32
      %scan3A_476 = arith.constant 12 : i32
      %scan3A_477 = arith.addi %scan3A_475, %scan3A_476 : i32
      %scan3A_478 = arith.constant 1 : i32
      %scan3A_479:2 = scf.for %scan3A_1722 = %scan3A_475 to %scan3A_477 step %scan3A_478 iter_args(%scan3A_1723 = %broadcast_in_dim3A_474, %scan3A_1724 = %broadcast_in_dim3A_474) -> (vector<16xf32>, vector<16xf32>)  : i32 {
        %mul3A_1725 = arith.constant 16 : i32
        %mul3A_1726 = arith.muli %scan3A_1722, %mul3A_1725 : i32
        %add3A_1727 = arith.constant 1600 : i32
        %add3A_1728 = arith.addi %add3A_1727, %mul3A_1726 : i32
        %get3A_1729 = arith.index_cast %add3A_1728 : i32 to index
        %get3A_1730 = tpu.vector_load %arg7[%get3A_1729] {strides = array<i32>} : memref<3200xi32, #tpu.memory_space<vmem>>, vector<16xi32>,
        %bitcast3A_1731 = vector.bitcast %get3A_1730 : vector<16xi32> to vector<32xbf16>
        %unpack3A_1732 = tpu.unpack_subelements %bitcast3A_1731, 0 {pack_format = #tpu.pack_format<interleaved>} : vector<32xbf16> -> vector<16xf32>
        %unpack3A_1733 = tpu.unpack_subelements %bitcast3A_1731, 1 {pack_format = #tpu.pack_format<interleaved>} : vector<32xbf16> -> vector<16xf32>
        %add3A_1734 = arith.addf %scan3A_1723, %unpack3A_1732 : vector<16xf32>
        %add3A_1735 = arith.addf %scan3A_1724, %unpack3A_1733 : vector<16xf32>
        scf.yield %add3A_1734, %add3A_1735 : vector<16xf32>, vector<16xf32>
      }
      %scan3A_480 = arith.constant 12 : i32
      %get3A_481 = arith.constant 1784 : index
      %get3A_482 = tpu.vector_load %arg7[%get3A_481] {strides = array<i32>} : memref<3200xi32, #tpu.memory_space<vmem>>, vector<16xi32>,
      %bitcast3A_483 = vector.bitcast %get3A_482 : vector<16xi32> to vector<32xbf16>
      %unpack3A_484 = tpu.unpack_subelements %bitcast3A_483, 0 {pack_format = #tpu.pack_format<interleaved>} : vector<32xbf16> -> vector<16xf32>
      %unpack3A_485 = tpu.unpack_subelements %bitcast3A_483, 1 {pack_format = #tpu.pack_format<interleaved>} : vector<32xbf16> -> vector<16xf32>
      %ge3A_486 = arith.constant 8 : i32
      %ge3A_487 = vector.broadcast %ge3A_486 : i32 to vector<16xi32>
      %ge3A_488 = arith.cmpi sge, %iota3A, %ge3A_487 : vector<16xi32>
      %jit3A_489 = arith.constant 0.000000e+00 : f32
      %broadcast_in_dim3A_490 = vector.broadcast %jit3A_489 : f32 to vector<16xf32>
      %select_n3A_491 = arith.select %ge3A_488, %unpack3A_484, %broadcast_in_dim3A_490 : vector<16xi1>, vector<16xf32>
      %add3A_492 = arith.addf %scan3A_479#0, %select_n3A_491 : vector<16xf32>
      %ge3A_493 = arith.constant 8 : i32
      %ge3A_494 = vector.broadcast %ge3A_493 : i32 to vector<16xi32>
      %ge3A_495 = arith.cmpi sge, %iota3A, %ge3A_494 : vector<16xi32>
      %jit3A_496 = arith.constant 0.000000e+00 : f32
      %broadcast_in_dim3A_497 = vector.broadcast %jit3A_496 : f32 to vector<16xf32>
      %select_n3A_498 = arith.select %ge3A_495, %unpack3A_485, %broadcast_in_dim3A_497 : vector<16xi1>, vector<16xf32>
      %add3A_499 = arith.addf %scan3A_479#1, %select_n3A_498 : vector<16xf32>
      %reduce_sum3A_500 = arith.constant true
      %reduce_sum3A_501 = vector.broadcast %reduce_sum3A_500 : i1 to vector<16xi1>
      %reduce_sum3A_502 = tpu.scan <sum>, %add3A_492 masked %reduce_sum3A_501 : vector<16xf32>, vector<16xi1> -> vector<16xf32>
      %reduce_sum3A_503 = vector.extract %reduce_sum3A_502[15] : f32 from vector<16xf32>
      %mul3A_504 = arith.mulf %reduce_sum3A_503, %scan3A_22 : f32
      %add3A_505 = arith.addf %mul3A_504, %squeeze3A : f32
      %reduce_sum3A_506 = arith.constant true
      %reduce_sum3A_507 = vector.broadcast %reduce_sum3A_506 : i1 to vector<16xi1>
      %reduce_sum3A_508 = tpu.scan <sum>, %add3A_499 masked %reduce_sum3A_507 : vector<16xf32>, vector<16xi1> -> vector<16xf32>
      %reduce_sum3A_509 = vector.extract %reduce_sum3A_508[15] : f32 from vector<16xf32>
      %mul3A_510 = arith.mulf %reduce_sum3A_509, %scan3A_22 : f32
      %add3A_511 = arith.addf %mul3A_510, %squeeze3A_3 : f32
      %eq3A_512 = arith.constant 8 : i32
      %eq3A_513 = vector.broadcast %eq3A_512 : i32 to vector<16xi32>
      %eq3A_514 = arith.cmpi eq, %iota3A, %eq3A_513 : vector<16xi32>
      %broadcast_in_dim3A_515 = vector.broadcast %add3A_505 : f32 to vector<16xf32>
      %select_n3A_516 = arith.select %eq3A_514, %broadcast_in_dim3A_515, %select_n3A_467 : vector<16xi1>, vector<16xf32>
      %eq3A_517 = arith.constant 8 : i32
      %eq3A_518 = vector.broadcast %eq3A_517 : i32 to vector<16xi32>
      %eq3A_519 = arith.cmpi eq, %iota3A, %eq3A_518 : vector<16xi32>
      %broadcast_in_dim3A_520 = vector.broadcast %add3A_511 : f32 to vector<16xf32>
      %select_n3A_521 = arith.select %eq3A_519, %broadcast_in_dim3A_520, %select_n3A_472 : vector<16xi1>, vector<16xf32>
      %broadcast_in_dim3A_522 = arith.constant 0.000000e+00 : f32
      %broadcast_in_dim3A_523 = vector.broadcast %broadcast_in_dim3A_522 : f32 to vector<16xf32>
      %scan3A_524 = arith.constant 0 : i32
      %scan3A_525 = arith.constant 12 : i32
      %scan3A_526 = arith.addi %scan3A_524, %scan3A_525 : i32
      %scan3A_527 = arith.constant 1 : i32
      %scan3A_528:2 = scf.for %scan3A_1722 = %scan3A_524 to %scan3A_526 step %scan3A_527 iter_args(%scan3A_1723 = %broadcast_in_dim3A_523, %scan3A_1724 = %broadcast_in_dim3A_523) -> (vector<16xf32>, vector<16xf32>)  : i32 {
        %mul3A_1725 = arith.constant 16 : i32
        %mul3A_1726 = arith.muli %scan3A_1722, %mul3A_1725 : i32
        %add3A_1727 = arith.constant 1800 : i32
        %add3A_1728 = arith.addi %add3A_1727, %mul3A_1726 : i32
        %get3A_1729 = arith.index_cast %add3A_1728 : i32 to index
        %get3A_1730 = tpu.vector_load %arg7[%get3A_1729] {strides = array<i32>} : memref<3200xi32, #tpu.memory_space<vmem>>, vector<16xi32>,
        %bitcast3A_1731 = vector.bitcast %get3A_1730 : vector<16xi32> to vector<32xbf16>
        %unpack3A_1732 = tpu.unpack_subelements %bitcast3A_1731, 0 {pack_format = #tpu.pack_format<interleaved>} : vector<32xbf16> -> vector<16xf32>
        %unpack3A_1733 = tpu.unpack_subelements %bitcast3A_1731, 1 {pack_format = #tpu.pack_format<interleaved>} : vector<32xbf16> -> vector<16xf32>
        %add3A_1734 = arith.addf %scan3A_1723, %unpack3A_1732 : vector<16xf32>
        %add3A_1735 = arith.addf %scan3A_1724, %unpack3A_1733 : vector<16xf32>
        scf.yield %add3A_1734, %add3A_1735 : vector<16xf32>, vector<16xf32>
      }
      %scan3A_529 = arith.constant 12 : i32
      %get3A_530 = arith.constant 1984 : index
      %get3A_531 = tpu.vector_load %arg7[%get3A_530] {strides = array<i32>} : memref<3200xi32, #tpu.memory_space<vmem>>, vector<16xi32>,
      %bitcast3A_532 = vector.bitcast %get3A_531 : vector<16xi32> to vector<32xbf16>
      %unpack3A_533 = tpu.unpack_subelements %bitcast3A_532, 0 {pack_format = #tpu.pack_format<interleaved>} : vector<32xbf16> -> vector<16xf32>
      %unpack3A_534 = tpu.unpack_subelements %bitcast3A_532, 1 {pack_format = #tpu.pack_format<interleaved>} : vector<32xbf16> -> vector<16xf32>
      %ge3A_535 = arith.constant 8 : i32
      %ge3A_536 = vector.broadcast %ge3A_535 : i32 to vector<16xi32>
      %ge3A_537 = arith.cmpi sge, %iota3A, %ge3A_536 : vector<16xi32>
      %jit3A_538 = arith.constant 0.000000e+00 : f32
      %broadcast_in_dim3A_539 = vector.broadcast %jit3A_538 : f32 to vector<16xf32>
      %select_n3A_540 = arith.select %ge3A_537, %unpack3A_533, %broadcast_in_dim3A_539 : vector<16xi1>, vector<16xf32>
      %add3A_541 = arith.addf %scan3A_528#0, %select_n3A_540 : vector<16xf32>
      %ge3A_542 = arith.constant 8 : i32
      %ge3A_543 = vector.broadcast %ge3A_542 : i32 to vector<16xi32>
      %ge3A_544 = arith.cmpi sge, %iota3A, %ge3A_543 : vector<16xi32>
      %jit3A_545 = arith.constant 0.000000e+00 : f32
      %broadcast_in_dim3A_546 = vector.broadcast %jit3A_545 : f32 to vector<16xf32>
      %select_n3A_547 = arith.select %ge3A_544, %unpack3A_534, %broadcast_in_dim3A_546 : vector<16xi1>, vector<16xf32>
      %add3A_548 = arith.addf %scan3A_528#1, %select_n3A_547 : vector<16xf32>
      %reduce_sum3A_549 = arith.constant true
      %reduce_sum3A_550 = vector.broadcast %reduce_sum3A_549 : i1 to vector<16xi1>
      %reduce_sum3A_551 = tpu.scan <sum>, %add3A_541 masked %reduce_sum3A_550 : vector<16xf32>, vector<16xi1> -> vector<16xf32>
      %reduce_sum3A_552 = vector.extract %reduce_sum3A_551[15] : f32 from vector<16xf32>
      %mul3A_553 = arith.mulf %reduce_sum3A_552, %scan3A_22 : f32
      %add3A_554 = arith.addf %mul3A_553, %squeeze3A : f32
      %reduce_sum3A_555 = arith.constant true
      %reduce_sum3A_556 = vector.broadcast %reduce_sum3A_555 : i1 to vector<16xi1>
      %reduce_sum3A_557 = tpu.scan <sum>, %add3A_548 masked %reduce_sum3A_556 : vector<16xf32>, vector<16xi1> -> vector<16xf32>
      %reduce_sum3A_558 = vector.extract %reduce_sum3A_557[15] : f32 from vector<16xf32>
      %mul3A_559 = arith.mulf %reduce_sum3A_558, %scan3A_22 : f32
      %add3A_560 = arith.addf %mul3A_559, %squeeze3A_3 : f32
      %eq3A_561 = arith.constant 9 : i32
      %eq3A_562 = vector.broadcast %eq3A_561 : i32 to vector<16xi32>
      %eq3A_563 = arith.cmpi eq, %iota3A, %eq3A_562 : vector<16xi32>
      %broadcast_in_dim3A_564 = vector.broadcast %add3A_554 : f32 to vector<16xf32>
      %select_n3A_565 = arith.select %eq3A_563, %broadcast_in_dim3A_564, %select_n3A_516 : vector<16xi1>, vector<16xf32>
      %eq3A_566 = arith.constant 9 : i32
      %eq3A_567 = vector.broadcast %eq3A_566 : i32 to vector<16xi32>
      %eq3A_568 = arith.cmpi eq, %iota3A, %eq3A_567 : vector<16xi32>
      %broadcast_in_dim3A_569 = vector.broadcast %add3A_560 : f32 to vector<16xf32>
      %select_n3A_570 = arith.select %eq3A_568, %broadcast_in_dim3A_569, %select_n3A_521 : vector<16xi1>, vector<16xf32>
      %broadcast_in_dim3A_571 = arith.constant 0.000000e+00 : f32
      %broadcast_in_dim3A_572 = vector.broadcast %broadcast_in_dim3A_571 : f32 to vector<16xf32>
      %scan3A_573 = arith.constant 0 : i32
      %scan3A_574 = arith.constant 12 : i32
      %scan3A_575 = arith.addi %scan3A_573, %scan3A_574 : i32
      %scan3A_576 = arith.constant 1 : i32
      %scan3A_577:2 = scf.for %scan3A_1722 = %scan3A_573 to %scan3A_575 step %scan3A_576 iter_args(%scan3A_1723 = %broadcast_in_dim3A_572, %scan3A_1724 = %broadcast_in_dim3A_572) -> (vector<16xf32>, vector<16xf32>)  : i32 {
        %mul3A_1725 = arith.constant 16 : i32
        %mul3A_1726 = arith.muli %scan3A_1722, %mul3A_1725 : i32
        %add3A_1727 = arith.constant 2000 : i32
        %add3A_1728 = arith.addi %add3A_1727, %mul3A_1726 : i32
        %get3A_1729 = arith.index_cast %add3A_1728 : i32 to index
        %get3A_1730 = tpu.vector_load %arg7[%get3A_1729] {strides = array<i32>} : memref<3200xi32, #tpu.memory_space<vmem>>, vector<16xi32>,
        %bitcast3A_1731 = vector.bitcast %get3A_1730 : vector<16xi32> to vector<32xbf16>
        %unpack3A_1732 = tpu.unpack_subelements %bitcast3A_1731, 0 {pack_format = #tpu.pack_format<interleaved>} : vector<32xbf16> -> vector<16xf32>
        %unpack3A_1733 = tpu.unpack_subelements %bitcast3A_1731, 1 {pack_format = #tpu.pack_format<interleaved>} : vector<32xbf16> -> vector<16xf32>
        %add3A_1734 = arith.addf %scan3A_1723, %unpack3A_1732 : vector<16xf32>
        %add3A_1735 = arith.addf %scan3A_1724, %unpack3A_1733 : vector<16xf32>
        scf.yield %add3A_1734, %add3A_1735 : vector<16xf32>, vector<16xf32>
      }
      %scan3A_578 = arith.constant 12 : i32
      %get3A_579 = arith.constant 2184 : index
      %get3A_580 = tpu.vector_load %arg7[%get3A_579] {strides = array<i32>} : memref<3200xi32, #tpu.memory_space<vmem>>, vector<16xi32>,
      %bitcast3A_581 = vector.bitcast %get3A_580 : vector<16xi32> to vector<32xbf16>
      %unpack3A_582 = tpu.unpack_subelements %bitcast3A_581, 0 {pack_format = #tpu.pack_format<interleaved>} : vector<32xbf16> -> vector<16xf32>
      %unpack3A_583 = tpu.unpack_subelements %bitcast3A_581, 1 {pack_format = #tpu.pack_format<interleaved>} : vector<32xbf16> -> vector<16xf32>
      %ge3A_584 = arith.constant 8 : i32
      %ge3A_585 = vector.broadcast %ge3A_584 : i32 to vector<16xi32>
      %ge3A_586 = arith.cmpi sge, %iota3A, %ge3A_585 : vector<16xi32>
      %jit3A_587 = arith.constant 0.000000e+00 : f32
      %broadcast_in_dim3A_588 = vector.broadcast %jit3A_587 : f32 to vector<16xf32>
      %select_n3A_589 = arith.select %ge3A_586, %unpack3A_582, %broadcast_in_dim3A_588 : vector<16xi1>, vector<16xf32>
      %add3A_590 = arith.addf %scan3A_577#0, %select_n3A_589 : vector<16xf32>
      %ge3A_591 = arith.constant 8 : i32
      %ge3A_592 = vector.broadcast %ge3A_591 : i32 to vector<16xi32>
      %ge3A_593 = arith.cmpi sge, %iota3A, %ge3A_592 : vector<16xi32>
      %jit3A_594 = arith.constant 0.000000e+00 : f32
      %broadcast_in_dim3A_595 = vector.broadcast %jit3A_594 : f32 to vector<16xf32>
      %select_n3A_596 = arith.select %ge3A_593, %unpack3A_583, %broadcast_in_dim3A_595 : vector<16xi1>, vector<16xf32>
      %add3A_597 = arith.addf %scan3A_577#1, %select_n3A_596 : vector<16xf32>
      %reduce_sum3A_598 = arith.constant true
      %reduce_sum3A_599 = vector.broadcast %reduce_sum3A_598 : i1 to vector<16xi1>
      %reduce_sum3A_600 = tpu.scan <sum>, %add3A_590 masked %reduce_sum3A_599 : vector<16xf32>, vector<16xi1> -> vector<16xf32>
      %reduce_sum3A_601 = vector.extract %reduce_sum3A_600[15] : f32 from vector<16xf32>
      %mul3A_602 = arith.mulf %reduce_sum3A_601, %scan3A_22 : f32
      %add3A_603 = arith.addf %mul3A_602, %squeeze3A : f32
      %reduce_sum3A_604 = arith.constant true
      %reduce_sum3A_605 = vector.broadcast %reduce_sum3A_604 : i1 to vector<16xi1>
      %reduce_sum3A_606 = tpu.scan <sum>, %add3A_597 masked %reduce_sum3A_605 : vector<16xf32>, vector<16xi1> -> vector<16xf32>
      %reduce_sum3A_607 = vector.extract %reduce_sum3A_606[15] : f32 from vector<16xf32>
      %mul3A_608 = arith.mulf %reduce_sum3A_607, %scan3A_22 : f32
      %add3A_609 = arith.addf %mul3A_608, %squeeze3A_3 : f32
      %eq3A_610 = arith.constant 10 : i32
      %eq3A_611 = vector.broadcast %eq3A_610 : i32 to vector<16xi32>
      %eq3A_612 = arith.cmpi eq, %iota3A, %eq3A_611 : vector<16xi32>
      %broadcast_in_dim3A_613 = vector.broadcast %add3A_603 : f32 to vector<16xf32>
      %select_n3A_614 = arith.select %eq3A_612, %broadcast_in_dim3A_613, %select_n3A_565 : vector<16xi1>, vector<16xf32>
      %eq3A_615 = arith.constant 10 : i32
      %eq3A_616 = vector.broadcast %eq3A_615 : i32 to vector<16xi32>
      %eq3A_617 = arith.cmpi eq, %iota3A, %eq3A_616 : vector<16xi32>
      %broadcast_in_dim3A_618 = vector.broadcast %add3A_609 : f32 to vector<16xf32>
      %select_n3A_619 = arith.select %eq3A_617, %broadcast_in_dim3A_618, %select_n3A_570 : vector<16xi1>, vector<16xf32>
      %broadcast_in_dim3A_620 = arith.constant 0.000000e+00 : f32
      %broadcast_in_dim3A_621 = vector.broadcast %broadcast_in_dim3A_620 : f32 to vector<16xf32>
      %scan3A_622 = arith.constant 0 : i32
      %scan3A_623 = arith.constant 12 : i32
      %scan3A_624 = arith.addi %scan3A_622, %scan3A_623 : i32
      %scan3A_625 = arith.constant 1 : i32
      %scan3A_626:2 = scf.for %scan3A_1722 = %scan3A_622 to %scan3A_624 step %scan3A_625 iter_args(%scan3A_1723 = %broadcast_in_dim3A_621, %scan3A_1724 = %broadcast_in_dim3A_621) -> (vector<16xf32>, vector<16xf32>)  : i32 {
        %mul3A_1725 = arith.constant 16 : i32
        %mul3A_1726 = arith.muli %scan3A_1722, %mul3A_1725 : i32
        %add3A_1727 = arith.constant 2200 : i32
        %add3A_1728 = arith.addi %add3A_1727, %mul3A_1726 : i32
        %get3A_1729 = arith.index_cast %add3A_1728 : i32 to index
        %get3A_1730 = tpu.vector_load %arg7[%get3A_1729] {strides = array<i32>} : memref<3200xi32, #tpu.memory_space<vmem>>, vector<16xi32>,
        %bitcast3A_1731 = vector.bitcast %get3A_1730 : vector<16xi32> to vector<32xbf16>
        %unpack3A_1732 = tpu.unpack_subelements %bitcast3A_1731, 0 {pack_format = #tpu.pack_format<interleaved>} : vector<32xbf16> -> vector<16xf32>
        %unpack3A_1733 = tpu.unpack_subelements %bitcast3A_1731, 1 {pack_format = #tpu.pack_format<interleaved>} : vector<32xbf16> -> vector<16xf32>
        %add3A_1734 = arith.addf %scan3A_1723, %unpack3A_1732 : vector<16xf32>
        %add3A_1735 = arith.addf %scan3A_1724, %unpack3A_1733 : vector<16xf32>
        scf.yield %add3A_1734, %add3A_1735 : vector<16xf32>, vector<16xf32>
      }
      %scan3A_627 = arith.constant 12 : i32
      %get3A_628 = arith.constant 2384 : index
      %get3A_629 = tpu.vector_load %arg7[%get3A_628] {strides = array<i32>} : memref<3200xi32, #tpu.memory_space<vmem>>, vector<16xi32>,
      %bitcast3A_630 = vector.bitcast %get3A_629 : vector<16xi32> to vector<32xbf16>
      %unpack3A_631 = tpu.unpack_subelements %bitcast3A_630, 0 {pack_format = #tpu.pack_format<interleaved>} : vector<32xbf16> -> vector<16xf32>
      %unpack3A_632 = tpu.unpack_subelements %bitcast3A_630, 1 {pack_format = #tpu.pack_format<interleaved>} : vector<32xbf16> -> vector<16xf32>
      %ge3A_633 = arith.constant 8 : i32
      %ge3A_634 = vector.broadcast %ge3A_633 : i32 to vector<16xi32>
      %ge3A_635 = arith.cmpi sge, %iota3A, %ge3A_634 : vector<16xi32>
      %jit3A_636 = arith.constant 0.000000e+00 : f32
      %broadcast_in_dim3A_637 = vector.broadcast %jit3A_636 : f32 to vector<16xf32>
      %select_n3A_638 = arith.select %ge3A_635, %unpack3A_631, %broadcast_in_dim3A_637 : vector<16xi1>, vector<16xf32>
      %add3A_639 = arith.addf %scan3A_626#0, %select_n3A_638 : vector<16xf32>
      %ge3A_640 = arith.constant 8 : i32
      %ge3A_641 = vector.broadcast %ge3A_640 : i32 to vector<16xi32>
      %ge3A_642 = arith.cmpi sge, %iota3A, %ge3A_641 : vector<16xi32>
      %jit3A_643 = arith.constant 0.000000e+00 : f32
      %broadcast_in_dim3A_644 = vector.broadcast %jit3A_643 : f32 to vector<16xf32>
      %select_n3A_645 = arith.select %ge3A_642, %unpack3A_632, %broadcast_in_dim3A_644 : vector<16xi1>, vector<16xf32>
      %add3A_646 = arith.addf %scan3A_626#1, %select_n3A_645 : vector<16xf32>
      %reduce_sum3A_647 = arith.constant true
      %reduce_sum3A_648 = vector.broadcast %reduce_sum3A_647 : i1 to vector<16xi1>
      %reduce_sum3A_649 = tpu.scan <sum>, %add3A_639 masked %reduce_sum3A_648 : vector<16xf32>, vector<16xi1> -> vector<16xf32>
      %reduce_sum3A_650 = vector.extract %reduce_sum3A_649[15] : f32 from vector<16xf32>
      %mul3A_651 = arith.mulf %reduce_sum3A_650, %scan3A_22 : f32
      %add3A_652 = arith.addf %mul3A_651, %squeeze3A : f32
      %reduce_sum3A_653 = arith.constant true
      %reduce_sum3A_654 = vector.broadcast %reduce_sum3A_653 : i1 to vector<16xi1>
      %reduce_sum3A_655 = tpu.scan <sum>, %add3A_646 masked %reduce_sum3A_654 : vector<16xf32>, vector<16xi1> -> vector<16xf32>
      %reduce_sum3A_656 = vector.extract %reduce_sum3A_655[15] : f32 from vector<16xf32>
      %mul3A_657 = arith.mulf %reduce_sum3A_656, %scan3A_22 : f32
      %add3A_658 = arith.addf %mul3A_657, %squeeze3A_3 : f32
      %eq3A_659 = arith.constant 11 : i32
      %eq3A_660 = vector.broadcast %eq3A_659 : i32 to vector<16xi32>
      %eq3A_661 = arith.cmpi eq, %iota3A, %eq3A_660 : vector<16xi32>
      %broadcast_in_dim3A_662 = vector.broadcast %add3A_652 : f32 to vector<16xf32>
      %select_n3A_663 = arith.select %eq3A_661, %broadcast_in_dim3A_662, %select_n3A_614 : vector<16xi1>, vector<16xf32>
      %eq3A_664 = arith.constant 11 : i32
      %eq3A_665 = vector.broadcast %eq3A_664 : i32 to vector<16xi32>
      %eq3A_666 = arith.cmpi eq, %iota3A, %eq3A_665 : vector<16xi32>
      %broadcast_in_dim3A_667 = vector.broadcast %add3A_658 : f32 to vector<16xf32>
      %select_n3A_668 = arith.select %eq3A_666, %broadcast_in_dim3A_667, %select_n3A_619 : vector<16xi1>, vector<16xf32>
      %broadcast_in_dim3A_669 = arith.constant 0.000000e+00 : f32
      %broadcast_in_dim3A_670 = vector.broadcast %broadcast_in_dim3A_669 : f32 to vector<16xf32>
      %scan3A_671 = arith.constant 0 : i32
      %scan3A_672 = arith.constant 12 : i32
      %scan3A_673 = arith.addi %scan3A_671, %scan3A_672 : i32
      %scan3A_674 = arith.constant 1 : i32
      %scan3A_675:2 = scf.for %scan3A_1722 = %scan3A_671 to %scan3A_673 step %scan3A_674 iter_args(%scan3A_1723 = %broadcast_in_dim3A_670, %scan3A_1724 = %broadcast_in_dim3A_670) -> (vector<16xf32>, vector<16xf32>)  : i32 {
        %mul3A_1725 = arith.constant 16 : i32
        %mul3A_1726 = arith.muli %scan3A_1722, %mul3A_1725 : i32
        %add3A_1727 = arith.constant 2400 : i32
        %add3A_1728 = arith.addi %add3A_1727, %mul3A_1726 : i32
        %get3A_1729 = arith.index_cast %add3A_1728 : i32 to index
        %get3A_1730 = tpu.vector_load %arg7[%get3A_1729] {strides = array<i32>} : memref<3200xi32, #tpu.memory_space<vmem>>, vector<16xi32>,
        %bitcast3A_1731 = vector.bitcast %get3A_1730 : vector<16xi32> to vector<32xbf16>
        %unpack3A_1732 = tpu.unpack_subelements %bitcast3A_1731, 0 {pack_format = #tpu.pack_format<interleaved>} : vector<32xbf16> -> vector<16xf32>
        %unpack3A_1733 = tpu.unpack_subelements %bitcast3A_1731, 1 {pack_format = #tpu.pack_format<interleaved>} : vector<32xbf16> -> vector<16xf32>
        %add3A_1734 = arith.addf %scan3A_1723, %unpack3A_1732 : vector<16xf32>
        %add3A_1735 = arith.addf %scan3A_1724, %unpack3A_1733 : vector<16xf32>
        scf.yield %add3A_1734, %add3A_1735 : vector<16xf32>, vector<16xf32>
      }
      %scan3A_676 = arith.constant 12 : i32
      %get3A_677 = arith.constant 2584 : index
      %get3A_678 = tpu.vector_load %arg7[%get3A_677] {strides = array<i32>} : memref<3200xi32, #tpu.memory_space<vmem>>, vector<16xi32>,
      %bitcast3A_679 = vector.bitcast %get3A_678 : vector<16xi32> to vector<32xbf16>
      %unpack3A_680 = tpu.unpack_subelements %bitcast3A_679, 0 {pack_format = #tpu.pack_format<interleaved>} : vector<32xbf16> -> vector<16xf32>
      %unpack3A_681 = tpu.unpack_subelements %bitcast3A_679, 1 {pack_format = #tpu.pack_format<interleaved>} : vector<32xbf16> -> vector<16xf32>
      %ge3A_682 = arith.constant 8 : i32
      %ge3A_683 = vector.broadcast %ge3A_682 : i32 to vector<16xi32>
      %ge3A_684 = arith.cmpi sge, %iota3A, %ge3A_683 : vector<16xi32>
      %jit3A_685 = arith.constant 0.000000e+00 : f32
      %broadcast_in_dim3A_686 = vector.broadcast %jit3A_685 : f32 to vector<16xf32>
      %select_n3A_687 = arith.select %ge3A_684, %unpack3A_680, %broadcast_in_dim3A_686 : vector<16xi1>, vector<16xf32>
      %add3A_688 = arith.addf %scan3A_675#0, %select_n3A_687 : vector<16xf32>
      %ge3A_689 = arith.constant 8 : i32
      %ge3A_690 = vector.broadcast %ge3A_689 : i32 to vector<16xi32>
      %ge3A_691 = arith.cmpi sge, %iota3A, %ge3A_690 : vector<16xi32>
      %jit3A_692 = arith.constant 0.000000e+00 : f32
      %broadcast_in_dim3A_693 = vector.broadcast %jit3A_692 : f32 to vector<16xf32>
      %select_n3A_694 = arith.select %ge3A_691, %unpack3A_681, %broadcast_in_dim3A_693 : vector<16xi1>, vector<16xf32>
      %add3A_695 = arith.addf %scan3A_675#1, %select_n3A_694 : vector<16xf32>
      %reduce_sum3A_696 = arith.constant true
      %reduce_sum3A_697 = vector.broadcast %reduce_sum3A_696 : i1 to vector<16xi1>
      %reduce_sum3A_698 = tpu.scan <sum>, %add3A_688 masked %reduce_sum3A_697 : vector<16xf32>, vector<16xi1> -> vector<16xf32>
      %reduce_sum3A_699 = vector.extract %reduce_sum3A_698[15] : f32 from vector<16xf32>
      %mul3A_700 = arith.mulf %reduce_sum3A_699, %scan3A_22 : f32
      %add3A_701 = arith.addf %mul3A_700, %squeeze3A : f32
      %reduce_sum3A_702 = arith.constant true
      %reduce_sum3A_703 = vector.broadcast %reduce_sum3A_702 : i1 to vector<16xi1>
      %reduce_sum3A_704 = tpu.scan <sum>, %add3A_695 masked %reduce_sum3A_703 : vector<16xf32>, vector<16xi1> -> vector<16xf32>
      %reduce_sum3A_705 = vector.extract %reduce_sum3A_704[15] : f32 from vector<16xf32>
      %mul3A_706 = arith.mulf %reduce_sum3A_705, %scan3A_22 : f32
      %add3A_707 = arith.addf %mul3A_706, %squeeze3A_3 : f32
      %eq3A_708 = arith.constant 12 : i32
      %eq3A_709 = vector.broadcast %eq3A_708 : i32 to vector<16xi32>
      %eq3A_710 = arith.cmpi eq, %iota3A, %eq3A_709 : vector<16xi32>
      %broadcast_in_dim3A_711 = vector.broadcast %add3A_701 : f32 to vector<16xf32>
      %select_n3A_712 = arith.select %eq3A_710, %broadcast_in_dim3A_711, %select_n3A_663 : vector<16xi1>, vector<16xf32>
      %eq3A_713 = arith.constant 12 : i32
      %eq3A_714 = vector.broadcast %eq3A_713 : i32 to vector<16xi32>
      %eq3A_715 = arith.cmpi eq, %iota3A, %eq3A_714 : vector<16xi32>
      %broadcast_in_dim3A_716 = vector.broadcast %add3A_707 : f32 to vector<16xf32>
      %select_n3A_717 = arith.select %eq3A_715, %broadcast_in_dim3A_716, %select_n3A_668 : vector<16xi1>, vector<16xf32>
      %broadcast_in_dim3A_718 = arith.constant 0.000000e+00 : f32
      %broadcast_in_dim3A_719 = vector.broadcast %broadcast_in_dim3A_718 : f32 to vector<16xf32>
      %scan3A_720 = arith.constant 0 : i32
      %scan3A_721 = arith.constant 12 : i32
      %scan3A_722 = arith.addi %scan3A_720, %scan3A_721 : i32
      %scan3A_723 = arith.constant 1 : i32
      %scan3A_724:2 = scf.for %scan3A_1722 = %scan3A_720 to %scan3A_722 step %scan3A_723 iter_args(%scan3A_1723 = %broadcast_in_dim3A_719, %scan3A_1724 = %broadcast_in_dim3A_719) -> (vector<16xf32>, vector<16xf32>)  : i32 {
        %mul3A_1725 = arith.constant 16 : i32
        %mul3A_1726 = arith.muli %scan3A_1722, %mul3A_1725 : i32
        %add3A_1727 = arith.constant 2600 : i32
        %add3A_1728 = arith.addi %add3A_1727, %mul3A_1726 : i32
        %get3A_1729 = arith.index_cast %add3A_1728 : i32 to index
        %get3A_1730 = tpu.vector_load %arg7[%get3A_1729] {strides = array<i32>} : memref<3200xi32, #tpu.memory_space<vmem>>, vector<16xi32>,
        %bitcast3A_1731 = vector.bitcast %get3A_1730 : vector<16xi32> to vector<32xbf16>
        %unpack3A_1732 = tpu.unpack_subelements %bitcast3A_1731, 0 {pack_format = #tpu.pack_format<interleaved>} : vector<32xbf16> -> vector<16xf32>
        %unpack3A_1733 = tpu.unpack_subelements %bitcast3A_1731, 1 {pack_format = #tpu.pack_format<interleaved>} : vector<32xbf16> -> vector<16xf32>
        %add3A_1734 = arith.addf %scan3A_1723, %unpack3A_1732 : vector<16xf32>
        %add3A_1735 = arith.addf %scan3A_1724, %unpack3A_1733 : vector<16xf32>
        scf.yield %add3A_1734, %add3A_1735 : vector<16xf32>, vector<16xf32>
      }
      %scan3A_725 = arith.constant 12 : i32
      %get3A_726 = arith.constant 2784 : index
      %get3A_727 = tpu.vector_load %arg7[%get3A_726] {strides = array<i32>} : memref<3200xi32, #tpu.memory_space<vmem>>, vector<16xi32>,
      %bitcast3A_728 = vector.bitcast %get3A_727 : vector<16xi32> to vector<32xbf16>
      %unpack3A_729 = tpu.unpack_subelements %bitcast3A_728, 0 {pack_format = #tpu.pack_format<interleaved>} : vector<32xbf16> -> vector<16xf32>
      %unpack3A_730 = tpu.unpack_subelements %bitcast3A_728, 1 {pack_format = #tpu.pack_format<interleaved>} : vector<32xbf16> -> vector<16xf32>
      %ge3A_731 = arith.constant 8 : i32
      %ge3A_732 = vector.broadcast %ge3A_731 : i32 to vector<16xi32>
      %ge3A_733 = arith.cmpi sge, %iota3A, %ge3A_732 : vector<16xi32>
      %jit3A_734 = arith.constant 0.000000e+00 : f32
      %broadcast_in_dim3A_735 = vector.broadcast %jit3A_734 : f32 to vector<16xf32>
      %select_n3A_736 = arith.select %ge3A_733, %unpack3A_729, %broadcast_in_dim3A_735 : vector<16xi1>, vector<16xf32>
      %add3A_737 = arith.addf %scan3A_724#0, %select_n3A_736 : vector<16xf32>
      %ge3A_738 = arith.constant 8 : i32
      %ge3A_739 = vector.broadcast %ge3A_738 : i32 to vector<16xi32>
      %ge3A_740 = arith.cmpi sge, %iota3A, %ge3A_739 : vector<16xi32>
      %jit3A_741 = arith.constant 0.000000e+00 : f32
      %broadcast_in_dim3A_742 = vector.broadcast %jit3A_741 : f32 to vector<16xf32>
      %select_n3A_743 = arith.select %ge3A_740, %unpack3A_730, %broadcast_in_dim3A_742 : vector<16xi1>, vector<16xf32>
      %add3A_744 = arith.addf %scan3A_724#1, %select_n3A_743 : vector<16xf32>
      %reduce_sum3A_745 = arith.constant true
      %reduce_sum3A_746 = vector.broadcast %reduce_sum3A_745 : i1 to vector<16xi1>
      %reduce_sum3A_747 = tpu.scan <sum>, %add3A_737 masked %reduce_sum3A_746 : vector<16xf32>, vector<16xi1> -> vector<16xf32>
      %reduce_sum3A_748 = vector.extract %reduce_sum3A_747[15] : f32 from vector<16xf32>
      %mul3A_749 = arith.mulf %reduce_sum3A_748, %scan3A_22 : f32
      %add3A_750 = arith.addf %mul3A_749, %squeeze3A : f32
      %reduce_sum3A_751 = arith.constant true
      %reduce_sum3A_752 = vector.broadcast %reduce_sum3A_751 : i1 to vector<16xi1>
      %reduce_sum3A_753 = tpu.scan <sum>, %add3A_744 masked %reduce_sum3A_752 : vector<16xf32>, vector<16xi1> -> vector<16xf32>
      %reduce_sum3A_754 = vector.extract %reduce_sum3A_753[15] : f32 from vector<16xf32>
      %mul3A_755 = arith.mulf %reduce_sum3A_754, %scan3A_22 : f32
      %add3A_756 = arith.addf %mul3A_755, %squeeze3A_3 : f32
      %eq3A_757 = arith.constant 13 : i32
      %eq3A_758 = vector.broadcast %eq3A_757 : i32 to vector<16xi32>
      %eq3A_759 = arith.cmpi eq, %iota3A, %eq3A_758 : vector<16xi32>
      %broadcast_in_dim3A_760 = vector.broadcast %add3A_750 : f32 to vector<16xf32>
      %select_n3A_761 = arith.select %eq3A_759, %broadcast_in_dim3A_760, %select_n3A_712 : vector<16xi1>, vector<16xf32>
      %eq3A_762 = arith.constant 13 : i32
      %eq3A_763 = vector.broadcast %eq3A_762 : i32 to vector<16xi32>
      %eq3A_764 = arith.cmpi eq, %iota3A, %eq3A_763 : vector<16xi32>
      %broadcast_in_dim3A_765 = vector.broadcast %add3A_756 : f32 to vector<16xf32>
      %select_n3A_766 = arith.select %eq3A_764, %broadcast_in_dim3A_765, %select_n3A_717 : vector<16xi1>, vector<16xf32>
      %broadcast_in_dim3A_767 = arith.constant 0.000000e+00 : f32
      %broadcast_in_dim3A_768 = vector.broadcast %broadcast_in_dim3A_767 : f32 to vector<16xf32>
      %scan3A_769 = arith.constant 0 : i32
      %scan3A_770 = arith.constant 12 : i32
      %scan3A_771 = arith.addi %scan3A_769, %scan3A_770 : i32
      %scan3A_772 = arith.constant 1 : i32
      %scan3A_773:2 = scf.for %scan3A_1722 = %scan3A_769 to %scan3A_771 step %scan3A_772 iter_args(%scan3A_1723 = %broadcast_in_dim3A_768, %scan3A_1724 = %broadcast_in_dim3A_768) -> (vector<16xf32>, vector<16xf32>)  : i32 {
        %mul3A_1725 = arith.constant 16 : i32
        %mul3A_1726 = arith.muli %scan3A_1722, %mul3A_1725 : i32
        %add3A_1727 = arith.constant 2800 : i32
        %add3A_1728 = arith.addi %add3A_1727, %mul3A_1726 : i32
        %get3A_1729 = arith.index_cast %add3A_1728 : i32 to index
        %get3A_1730 = tpu.vector_load %arg7[%get3A_1729] {strides = array<i32>} : memref<3200xi32, #tpu.memory_space<vmem>>, vector<16xi32>,
        %bitcast3A_1731 = vector.bitcast %get3A_1730 : vector<16xi32> to vector<32xbf16>
        %unpack3A_1732 = tpu.unpack_subelements %bitcast3A_1731, 0 {pack_format = #tpu.pack_format<interleaved>} : vector<32xbf16> -> vector<16xf32>
        %unpack3A_1733 = tpu.unpack_subelements %bitcast3A_1731, 1 {pack_format = #tpu.pack_format<interleaved>} : vector<32xbf16> -> vector<16xf32>
        %add3A_1734 = arith.addf %scan3A_1723, %unpack3A_1732 : vector<16xf32>
        %add3A_1735 = arith.addf %scan3A_1724, %unpack3A_1733 : vector<16xf32>
        scf.yield %add3A_1734, %add3A_1735 : vector<16xf32>, vector<16xf32>
      }
      %scan3A_774 = arith.constant 12 : i32
      %get3A_775 = arith.constant 2984 : index
      %get3A_776 = tpu.vector_load %arg7[%get3A_775] {strides = array<i32>} : memref<3200xi32, #tpu.memory_space<vmem>>, vector<16xi32>,
      %bitcast3A_777 = vector.bitcast %get3A_776 : vector<16xi32> to vector<32xbf16>
      %unpack3A_778 = tpu.unpack_subelements %bitcast3A_777, 0 {pack_format = #tpu.pack_format<interleaved>} : vector<32xbf16> -> vector<16xf32>
      %unpack3A_779 = tpu.unpack_subelements %bitcast3A_777, 1 {pack_format = #tpu.pack_format<interleaved>} : vector<32xbf16> -> vector<16xf32>
      %ge3A_780 = arith.constant 8 : i32
      %ge3A_781 = vector.broadcast %ge3A_780 : i32 to vector<16xi32>
      %ge3A_782 = arith.cmpi sge, %iota3A, %ge3A_781 : vector<16xi32>
      %jit3A_783 = arith.constant 0.000000e+00 : f32
      %broadcast_in_dim3A_784 = vector.broadcast %jit3A_783 : f32 to vector<16xf32>
      %select_n3A_785 = arith.select %ge3A_782, %unpack3A_778, %broadcast_in_dim3A_784 : vector<16xi1>, vector<16xf32>
      %add3A_786 = arith.addf %scan3A_773#0, %select_n3A_785 : vector<16xf32>
      %ge3A_787 = arith.constant 8 : i32
      %ge3A_788 = vector.broadcast %ge3A_787 : i32 to vector<16xi32>
      %ge3A_789 = arith.cmpi sge, %iota3A, %ge3A_788 : vector<16xi32>
      %jit3A_790 = arith.constant 0.000000e+00 : f32
      %broadcast_in_dim3A_791 = vector.broadcast %jit3A_790 : f32 to vector<16xf32>
      %select_n3A_792 = arith.select %ge3A_789, %unpack3A_779, %broadcast_in_dim3A_791 : vector<16xi1>, vector<16xf32>
      %add3A_793 = arith.addf %scan3A_773#1, %select_n3A_792 : vector<16xf32>
      %reduce_sum3A_794 = arith.constant true
      %reduce_sum3A_795 = vector.broadcast %reduce_sum3A_794 : i1 to vector<16xi1>
      %reduce_sum3A_796 = tpu.scan <sum>, %add3A_786 masked %reduce_sum3A_795 : vector<16xf32>, vector<16xi1> -> vector<16xf32>
      %reduce_sum3A_797 = vector.extract %reduce_sum3A_796[15] : f32 from vector<16xf32>
      %mul3A_798 = arith.mulf %reduce_sum3A_797, %scan3A_22 : f32
      %add3A_799 = arith.addf %mul3A_798, %squeeze3A : f32
      %reduce_sum3A_800 = arith.constant true
      %reduce_sum3A_801 = vector.broadcast %reduce_sum3A_800 : i1 to vector<16xi1>
      %reduce_sum3A_802 = tpu.scan <sum>, %add3A_793 masked %reduce_sum3A_801 : vector<16xf32>, vector<16xi1> -> vector<16xf32>
      %reduce_sum3A_803 = vector.extract %reduce_sum3A_802[15] : f32 from vector<16xf32>
      %mul3A_804 = arith.mulf %reduce_sum3A_803, %scan3A_22 : f32
      %add3A_805 = arith.addf %mul3A_804, %squeeze3A_3 : f32
      %eq3A_806 = arith.constant 14 : i32
      %eq3A_807 = vector.broadcast %eq3A_806 : i32 to vector<16xi32>
      %eq3A_808 = arith.cmpi eq, %iota3A, %eq3A_807 : vector<16xi32>
      %broadcast_in_dim3A_809 = vector.broadcast %add3A_799 : f32 to vector<16xf32>
      %select_n3A_810 = arith.select %eq3A_808, %broadcast_in_dim3A_809, %select_n3A_761 : vector<16xi1>, vector<16xf32>
      %eq3A_811 = arith.constant 14 : i32
      %eq3A_812 = vector.broadcast %eq3A_811 : i32 to vector<16xi32>
      %eq3A_813 = arith.cmpi eq, %iota3A, %eq3A_812 : vector<16xi32>
      %broadcast_in_dim3A_814 = vector.broadcast %add3A_805 : f32 to vector<16xf32>
      %select_n3A_815 = arith.select %eq3A_813, %broadcast_in_dim3A_814, %select_n3A_766 : vector<16xi1>, vector<16xf32>
      %broadcast_in_dim3A_816 = arith.constant 0.000000e+00 : f32
      %broadcast_in_dim3A_817 = vector.broadcast %broadcast_in_dim3A_816 : f32 to vector<16xf32>
      %scan3A_818 = arith.constant 0 : i32
      %scan3A_819 = arith.constant 12 : i32
      %scan3A_820 = arith.addi %scan3A_818, %scan3A_819 : i32
      %scan3A_821 = arith.constant 1 : i32
      %scan3A_822:2 = scf.for %scan3A_1722 = %scan3A_818 to %scan3A_820 step %scan3A_821 iter_args(%scan3A_1723 = %broadcast_in_dim3A_817, %scan3A_1724 = %broadcast_in_dim3A_817) -> (vector<16xf32>, vector<16xf32>)  : i32 {
        %mul3A_1725 = arith.constant 16 : i32
        %mul3A_1726 = arith.muli %scan3A_1722, %mul3A_1725 : i32
        %add3A_1727 = arith.constant 3000 : i32
        %add3A_1728 = arith.addi %add3A_1727, %mul3A_1726 : i32
        %get3A_1729 = arith.index_cast %add3A_1728 : i32 to index
        %get3A_1730 = tpu.vector_load %arg7[%get3A_1729] {strides = array<i32>} : memref<3200xi32, #tpu.memory_space<vmem>>, vector<16xi32>,
        %bitcast3A_1731 = vector.bitcast %get3A_1730 : vector<16xi32> to vector<32xbf16>
        %unpack3A_1732 = tpu.unpack_subelements %bitcast3A_1731, 0 {pack_format = #tpu.pack_format<interleaved>} : vector<32xbf16> -> vector<16xf32>
        %unpack3A_1733 = tpu.unpack_subelements %bitcast3A_1731, 1 {pack_format = #tpu.pack_format<interleaved>} : vector<32xbf16> -> vector<16xf32>
        %add3A_1734 = arith.addf %scan3A_1723, %unpack3A_1732 : vector<16xf32>
        %add3A_1735 = arith.addf %scan3A_1724, %unpack3A_1733 : vector<16xf32>
        scf.yield %add3A_1734, %add3A_1735 : vector<16xf32>, vector<16xf32>
      }
      %scan3A_823 = arith.constant 12 : i32
      %get3A_824 = arith.constant 3184 : index
      %get3A_825 = tpu.vector_load %arg7[%get3A_824] {strides = array<i32>} : memref<3200xi32, #tpu.memory_space<vmem>>, vector<16xi32>,
      %bitcast3A_826 = vector.bitcast %get3A_825 : vector<16xi32> to vector<32xbf16>
      %unpack3A_827 = tpu.unpack_subelements %bitcast3A_826, 0 {pack_format = #tpu.pack_format<interleaved>} : vector<32xbf16> -> vector<16xf32>
      %unpack3A_828 = tpu.unpack_subelements %bitcast3A_826, 1 {pack_format = #tpu.pack_format<interleaved>} : vector<32xbf16> -> vector<16xf32>
      %ge3A_829 = arith.constant 8 : i32
      %ge3A_830 = vector.broadcast %ge3A_829 : i32 to vector<16xi32>
      %ge3A_831 = arith.cmpi sge, %iota3A, %ge3A_830 : vector<16xi32>
      %jit3A_832 = arith.constant 0.000000e+00 : f32
      %broadcast_in_dim3A_833 = vector.broadcast %jit3A_832 : f32 to vector<16xf32>
      %select_n3A_834 = arith.select %ge3A_831, %unpack3A_827, %broadcast_in_dim3A_833 : vector<16xi1>, vector<16xf32>
      %add3A_835 = arith.addf %scan3A_822#0, %select_n3A_834 : vector<16xf32>
      %ge3A_836 = arith.constant 8 : i32
      %ge3A_837 = vector.broadcast %ge3A_836 : i32 to vector<16xi32>
      %ge3A_838 = arith.cmpi sge, %iota3A, %ge3A_837 : vector<16xi32>
      %jit3A_839 = arith.constant 0.000000e+00 : f32
      %broadcast_in_dim3A_840 = vector.broadcast %jit3A_839 : f32 to vector<16xf32>
      %select_n3A_841 = arith.select %ge3A_838, %unpack3A_828, %broadcast_in_dim3A_840 : vector<16xi1>, vector<16xf32>
      %add3A_842 = arith.addf %scan3A_822#1, %select_n3A_841 : vector<16xf32>
      %reduce_sum3A_843 = arith.constant true
      %reduce_sum3A_844 = vector.broadcast %reduce_sum3A_843 : i1 to vector<16xi1>
      %reduce_sum3A_845 = tpu.scan <sum>, %add3A_835 masked %reduce_sum3A_844 : vector<16xf32>, vector<16xi1> -> vector<16xf32>
      %reduce_sum3A_846 = vector.extract %reduce_sum3A_845[15] : f32 from vector<16xf32>
      %mul3A_847 = arith.mulf %reduce_sum3A_846, %scan3A_22 : f32
      %add3A_848 = arith.addf %mul3A_847, %squeeze3A : f32
      %reduce_sum3A_849 = arith.constant true
      %reduce_sum3A_850 = vector.broadcast %reduce_sum3A_849 : i1 to vector<16xi1>
      %reduce_sum3A_851 = tpu.scan <sum>, %add3A_842 masked %reduce_sum3A_850 : vector<16xf32>, vector<16xi1> -> vector<16xf32>
      %reduce_sum3A_852 = vector.extract %reduce_sum3A_851[15] : f32 from vector<16xf32>
      %mul3A_853 = arith.mulf %reduce_sum3A_852, %scan3A_22 : f32
      %add3A_854 = arith.addf %mul3A_853, %squeeze3A_3 : f32
      %eq3A_855 = arith.constant 15 : i32
      %eq3A_856 = vector.broadcast %eq3A_855 : i32 to vector<16xi32>
      %eq3A_857 = arith.cmpi eq, %iota3A, %eq3A_856 : vector<16xi32>
      %broadcast_in_dim3A_858 = vector.broadcast %add3A_848 : f32 to vector<16xf32>
      %select_n3A_859 = arith.select %eq3A_857, %broadcast_in_dim3A_858, %select_n3A_810 : vector<16xi1>, vector<16xf32>
      %eq3A_860 = arith.constant 15 : i32
      %eq3A_861 = vector.broadcast %eq3A_860 : i32 to vector<16xi32>
      %eq3A_862 = arith.cmpi eq, %iota3A, %eq3A_861 : vector<16xi32>
      %broadcast_in_dim3A_863 = vector.broadcast %add3A_854 : f32 to vector<16xf32>
      %select_n3A_864 = arith.select %eq3A_862, %broadcast_in_dim3A_863, %select_n3A_815 : vector<16xi1>, vector<16xf32>
      %mul3A_865 = arith.constant 16 : i32
      %mul3A_866 = arith.muli %mul3A_36, %mul3A_865 : i32
      %swap3A = arith.index_cast %mul3A_866 : i32 to index
      %swap3A_867 = tpu.vector_load %arg10[%swap3A] {strides = array<i32>} : memref<1024xf32, #tpu.memory_space<vmem>>, vector<16xf32>,
      tpu.vector_store %arg10[%swap3A], %select_n3A_859 {strides = array<i32>} : memref<1024xf32, #tpu.memory_space<vmem>>, vector<16xf32>,
      %mul3A_868 = arith.constant 16 : i32
      %mul3A_869 = arith.muli %mul3A_36, %mul3A_868 : i32
      %add3A_870 = arith.constant 512 : i32
      %add3A_871 = arith.addi %add3A_870, %mul3A_869 : i32
      %swap3A_872 = arith.index_cast %add3A_871 : i32 to index
      %swap3A_873 = tpu.vector_load %arg10[%swap3A_872] {strides = array<i32>} : memref<1024xf32, #tpu.memory_space<vmem>>, vector<16xf32>,
      tpu.vector_store %arg10[%swap3A_872], %select_n3A_864 {strides = array<i32>} : memref<1024xf32, #tpu.memory_space<vmem>>, vector<16xf32>,
      %jit3A_874 = arith.constant 8 : i32
      %eq3A_875 = arith.constant 0 : i32
      %eq3A_876 = arith.cmpi eq, %jit3A_874, %eq3A_875 : i32
      %jit3A_877 = arith.constant 1 : i32
      %select_n3A_878 = arith.select %eq3A_876, %jit3A_877, %jit3A_874 : i32
      %rem3A_879 = arith.remsi %add3A_40, %select_n3A_878 : i32
      %ne3A_880 = arith.constant 0 : i32
      %ne3A_881 = arith.cmpi ne, %rem3A_879, %ne3A_880 : i32
      %lt3A_882 = arith.constant 0 : i32
      %lt3A_883 = arith.cmpi slt, %rem3A_879, %lt3A_882 : i32
      %lt3A_884 = arith.constant 0 : i32
      %lt3A_885 = arith.cmpi slt, %select_n3A_878, %lt3A_884 : i32
      %ne3A_886 = arith.xori %lt3A_883, %lt3A_885 : i1
      %and3A_887 = arith.andi %ne3A_886, %ne3A_881 : i1
      %add3A_888 = arith.addi %rem3A_879, %select_n3A_878 : i32
      %select_n3A_889 = arith.select %and3A_887, %add3A_888, %rem3A_879 : i32
      %mul3A_890 = arith.constant 3200 : i32
      %mul3A_891 = arith.muli %select_n3A_889, %mul3A_890 : i32
      %dma_wait3A_892 = tpu.memref_slice %arg6[%mul3A_891] : memref<25600xi32, #tpu.memory_space<vmem>> -> memref<3200xi32, #tpu.memory_space<vmem>>
      %dma_wait3A_893 = arith.constant 0 : i32
      %dma_wait3A_894 = tpu.memref_slice %arg3[%dma_wait3A_893] : memref<1000000xi32, #tpu.memory_space<hbm>> -> memref<1000000xi32, #tpu.memory_space<hbm>>
      tpu.wait_indirect_dma semaphore(%arg12 : memref<!tpu.dma_semaphore, #tpu.memory_space<semaphore_mem>>) src(%dma_wait3A_894 : memref<1000000xi32, #tpu.memory_space<hbm>>) dst(%arg8 : memref<3200xi32, #tpu.memory_space<vmem>>)
      %add3A_895 = arith.constant 1 : i32
      %add3A_896 = arith.addi %add3A_40, %add3A_895 : i32
      %lt3A_897 = arith.constant 32 : i32
      %lt3A_898 = arith.cmpi slt, %add3A_896, %lt3A_897 : i32
      %jit3A_899 = arith.constant 8 : i32
      %eq3A_900 = arith.constant 0 : i32
      %eq3A_901 = arith.cmpi eq, %jit3A_899, %eq3A_900 : i32
      %jit3A_902 = arith.constant 1 : i32
      %select_n3A_903 = arith.select %eq3A_901, %jit3A_902, %jit3A_899 : i32
      %rem3A_904 = arith.remsi %add3A_896, %select_n3A_903 : i32
      %ne3A_905 = arith.constant 0 : i32
      %ne3A_906 = arith.cmpi ne, %rem3A_904, %ne3A_905 : i32
      %lt3A_907 = arith.constant 0 : i32
      %lt3A_908 = arith.cmpi slt, %rem3A_904, %lt3A_907 : i32
      %lt3A_909 = arith.constant 0 : i32
      %lt3A_910 = arith.cmpi slt, %select_n3A_903, %lt3A_909 : i32
      %ne3A_911 = arith.xori %lt3A_908, %lt3A_910 : i1
      %and3A_912 = arith.andi %ne3A_911, %ne3A_906 : i1
      %add3A_913 = arith.addi %rem3A_904, %select_n3A_903 : i32
      %select_n3A_914 = arith.select %and3A_912, %add3A_913, %rem3A_904 : i32
      %eq3A_915 = arith.constant 0 : i32
      %eq3A_916 = arith.cmpi eq, %select_n3A_914, %eq3A_915 : i32
      %and3A_917 = arith.andi %lt3A_898, %eq3A_916 : i1
      %convert_element_type3A = arith.extui %and3A_917 : i1 to i32
      %cond3A = arith.constant 0 : i32
      %cond3A_918 = arith.cmpi ne, %convert_element_type3A, %cond3A : i32
      scf.if %cond3A_918 {
        %jit3A_1722 = arith.constant 8 : i32
        %div3A = arith.divsi %add3A_896, %jit3A_1722 : i32
        %sign3A = arith.constant 0 : i32
        %sign3A_1723 = arith.cmpi sgt, %add3A_896, %sign3A : i32
        %sign3A_1724 = arith.extui %sign3A_1723 : i1 to i32
        %sign3A_1725 = arith.constant 0 : i32
        %sign3A_1726 = arith.cmpi slt, %add3A_896, %sign3A_1725 : i32
        %sign3A_1727 = arith.extui %sign3A_1726 : i1 to i32
        %sign3A_1728 = arith.subi %sign3A_1724, %sign3A_1727 : i32
        %sign3A_1729 = arith.constant 0 : i32
        %sign3A_1730 = arith.cmpi sgt, %jit3A_1722, %sign3A_1729 : i32
        %sign3A_1731 = arith.extui %sign3A_1730 : i1 to i32
        %sign3A_1732 = arith.constant 0 : i32
        %sign3A_1733 = arith.cmpi slt, %jit3A_1722, %sign3A_1732 : i32
        %sign3A_1734 = arith.extui %sign3A_1733 : i1 to i32
        %sign3A_1735 = arith.subi %sign3A_1731, %sign3A_1734 : i32
        %ne3A_1736 = arith.cmpi ne, %sign3A_1728, %sign3A_1735 : i32
        %rem3A_1737 = arith.remsi %add3A_896, %jit3A_1722 : i32
        %ne3A_1738 = arith.constant 0 : i32
        %ne3A_1739 = arith.cmpi ne, %rem3A_1737, %ne3A_1738 : i32
        %and3A_1740 = arith.andi %ne3A_1736, %ne3A_1739 : i1
        %sub3A = arith.constant 1 : i32
        %sub3A_1741 = arith.subi %div3A, %sub3A : i32
        %select_n3A_1742 = arith.select %and3A_1740, %sub3A_1741, %div3A : i32
        %mul3A_1743 = arith.constant 102400 : i32
        %mul3A_1744 = arith.muli %add3A, %mul3A_1743 : i32
        %mul3A_1745 = arith.constant 25600 : i32
        %mul3A_1746 = arith.muli %select_n3A_1742, %mul3A_1745 : i32
        %add3A_1747 = arith.addi %mul3A_1744, %mul3A_1746 : i32
        "tpu.region"() ({
          %run_scoped3A = tpu.sem_alloc : memref<!tpu.dma_semaphore, #tpu.memory_space<semaphore_mem>>
          %dma_start3A_1748 = tpu.memref_slice %arg2[%add3A_1747] : memref<3276800xi32, #tpu.memory_space<hbm>> -> memref<25600xi32, #tpu.memory_space<hbm>>
          %dma_start3A_1749 = tpu.memref_slice %arg2[%add3A_1747] : memref<3276800xi32, #tpu.memory_space<hbm>> -> memref<25600xi32, #tpu.memory_space<hbm>>
          tpu.enqueue_dma source(%dma_start3A_1749 : memref<25600xi32, #tpu.memory_space<hbm>>) target(%arg6 : memref<25600xi32, #tpu.memory_space<vmem>>) target_semaphore(%run_scoped3A : memref<!tpu.dma_semaphore, #tpu.memory_space<semaphore_mem>>)
          %dma_wait3A_1750 = tpu.memref_slice %arg2[%add3A_1747] : memref<3276800xi32, #tpu.memory_space<hbm>> -> memref<25600xi32, #tpu.memory_space<hbm>>
          %dma_wait3A_1751 = tpu.memref_slice %arg2[%add3A_1747] : memref<3276800xi32, #tpu.memory_space<hbm>> -> memref<25600xi32, #tpu.memory_space<hbm>>
          tpu.wait_dma2 semaphore(%run_scoped3A : memref<!tpu.dma_semaphore, #tpu.memory_space<semaphore_mem>>) src(%dma_wait3A_1751 : memref<25600xi32, #tpu.memory_space<hbm>>) dst(%arg6 : memref<25600xi32, #tpu.memory_space<vmem>>)
          tpu.yield
        }) : () -> ()
      } else {
      }
      %lt3A_919 = arith.constant 32 : i32
      %lt3A_920 = arith.cmpi slt, %add3A_896, %lt3A_919 : i32
      %convert_element_type3A_921 = arith.extui %lt3A_920 : i1 to i32
      %cond3A_922 = arith.constant 0 : i32
      %cond3A_923 = arith.cmpi ne, %convert_element_type3A_921, %cond3A_922 : i32
      scf.if %cond3A_923 {
        %jit3A_1722 = arith.constant 8 : i32
        %eq3A_1723 = arith.constant 0 : i32
        %eq3A_1724 = arith.cmpi eq, %jit3A_1722, %eq3A_1723 : i32
        %jit3A_1725 = arith.constant 1 : i32
        %select_n3A_1726 = arith.select %eq3A_1724, %jit3A_1725, %jit3A_1722 : i32
        %rem3A_1727 = arith.remsi %add3A_896, %select_n3A_1726 : i32
        %ne3A_1728 = arith.constant 0 : i32
        %ne3A_1729 = arith.cmpi ne, %rem3A_1727, %ne3A_1728 : i32
        %lt3A_1730 = arith.constant 0 : i32
        %lt3A_1731 = arith.cmpi slt, %rem3A_1727, %lt3A_1730 : i32
        %lt3A_1732 = arith.constant 0 : i32
        %lt3A_1733 = arith.cmpi slt, %select_n3A_1726, %lt3A_1732 : i32
        %ne3A_1734 = arith.xori %lt3A_1731, %lt3A_1733 : i1
        %and3A_1735 = arith.andi %ne3A_1734, %ne3A_1729 : i1
        %add3A_1736 = arith.addi %rem3A_1727, %select_n3A_1726 : i32
        %select_n3A_1737 = arith.select %and3A_1735, %add3A_1736, %rem3A_1727 : i32
        %mul3A_1738 = arith.constant 3200 : i32
        %mul3A_1739 = arith.muli %select_n3A_1737, %mul3A_1738 : i32
        %dma_start3A_1740 = tpu.memref_slice %arg6[%mul3A_1739] : memref<25600xi32, #tpu.memory_space<vmem>> -> memref<3200xi32, #tpu.memory_space<vmem>>
        %dma_start3A_1741 = arith.constant 0 : i32
        %dma_start3A_1742 = tpu.memref_slice %arg3[%dma_start3A_1741] : memref<1000000xi32, #tpu.memory_space<hbm>> -> memref<1000000xi32, #tpu.memory_space<hbm>>
        tpu.enqueue_indirect_dma source(%dma_start3A_1742 : memref<1000000xi32, #tpu.memory_space<hbm>>) target(%arg7 : memref<3200xi32, #tpu.memory_space<vmem>>) offsets(%dma_start3A_1740 : memref<3200xi32, #tpu.memory_space<vmem>>) semaphore(%arg11 : memref<!tpu.dma_semaphore, #tpu.memory_space<semaphore_mem>>)
      } else {
      }
      %broadcast_in_dim3A_924 = arith.constant 0.000000e+00 : f32
      %broadcast_in_dim3A_925 = vector.broadcast %broadcast_in_dim3A_924 : f32 to vector<16xf32>
      %broadcast_in_dim3A_926 = arith.constant 0.000000e+00 : f32
      %broadcast_in_dim3A_927 = vector.broadcast %broadcast_in_dim3A_926 : f32 to vector<16xf32>
      %broadcast_in_dim3A_928 = arith.constant 0.000000e+00 : f32
      %broadcast_in_dim3A_929 = vector.broadcast %broadcast_in_dim3A_928 : f32 to vector<16xf32>
      %scan3A_930 = arith.constant 0 : i32
      %scan3A_931 = arith.constant 12 : i32
      %scan3A_932 = arith.addi %scan3A_930, %scan3A_931 : i32
      %scan3A_933 = arith.constant 1 : i32
      %scan3A_934:2 = scf.for %scan3A_1722 = %scan3A_930 to %scan3A_932 step %scan3A_933 iter_args(%scan3A_1723 = %broadcast_in_dim3A_929, %scan3A_1724 = %broadcast_in_dim3A_929) -> (vector<16xf32>, vector<16xf32>)  : i32 {
        %mul3A_1725 = arith.constant 16 : i32
        %mul3A_1726 = arith.muli %scan3A_1722, %mul3A_1725 : i32
        %add3A_1727 = arith.constant 0 : i32
        %add3A_1728 = arith.addi %add3A_1727, %mul3A_1726 : i32
        %get3A_1729 = arith.index_cast %add3A_1728 : i32 to index
        %get3A_1730 = tpu.vector_load %arg8[%get3A_1729] {strides = array<i32>} : memref<3200xi32, #tpu.memory_space<vmem>>, vector<16xi32>,
        %bitcast3A_1731 = vector.bitcast %get3A_1730 : vector<16xi32> to vector<32xbf16>
        %unpack3A_1732 = tpu.unpack_subelements %bitcast3A_1731, 0 {pack_format = #tpu.pack_format<interleaved>} : vector<32xbf16> -> vector<16xf32>
        %unpack3A_1733 = tpu.unpack_subelements %bitcast3A_1731, 1 {pack_format = #tpu.pack_format<interleaved>} : vector<32xbf16> -> vector<16xf32>
        %add3A_1734 = arith.addf %scan3A_1723, %unpack3A_1732 : vector<16xf32>
        %add3A_1735 = arith.addf %scan3A_1724, %unpack3A_1733 : vector<16xf32>
        scf.yield %add3A_1734, %add3A_1735 : vector<16xf32>, vector<16xf32>
      }
      %scan3A_935 = arith.constant 12 : i32
      %get3A_936 = arith.constant 184 : index
      %get3A_937 = tpu.vector_load %arg8[%get3A_936] {strides = array<i32>} : memref<3200xi32, #tpu.memory_space<vmem>>, vector<16xi32>,
      %bitcast3A_938 = vector.bitcast %get3A_937 : vector<16xi32> to vector<32xbf16>
      %unpack3A_939 = tpu.unpack_subelements %bitcast3A_938, 0 {pack_format = #tpu.pack_format<interleaved>} : vector<32xbf16> -> vector<16xf32>
      %unpack3A_940 = tpu.unpack_subelements %bitcast3A_938, 1 {pack_format = #tpu.pack_format<interleaved>} : vector<32xbf16> -> vector<16xf32>
      %ge3A_941 = arith.constant 8 : i32
      %ge3A_942 = vector.broadcast %ge3A_941 : i32 to vector<16xi32>
      %ge3A_943 = arith.cmpi sge, %iota3A, %ge3A_942 : vector<16xi32>
      %jit3A_944 = arith.constant 0.000000e+00 : f32
      %broadcast_in_dim3A_945 = vector.broadcast %jit3A_944 : f32 to vector<16xf32>
      %select_n3A_946 = arith.select %ge3A_943, %unpack3A_939, %broadcast_in_dim3A_945 : vector<16xi1>, vector<16xf32>
      %add3A_947 = arith.addf %scan3A_934#0, %select_n3A_946 : vector<16xf32>
      %ge3A_948 = arith.constant 8 : i32
      %ge3A_949 = vector.broadcast %ge3A_948 : i32 to vector<16xi32>
      %ge3A_950 = arith.cmpi sge, %iota3A, %ge3A_949 : vector<16xi32>
      %jit3A_951 = arith.constant 0.000000e+00 : f32
      %broadcast_in_dim3A_952 = vector.broadcast %jit3A_951 : f32 to vector<16xf32>
      %select_n3A_953 = arith.select %ge3A_950, %unpack3A_940, %broadcast_in_dim3A_952 : vector<16xi1>, vector<16xf32>
      %add3A_954 = arith.addf %scan3A_934#1, %select_n3A_953 : vector<16xf32>
      %reduce_sum3A_955 = arith.constant true
      %reduce_sum3A_956 = vector.broadcast %reduce_sum3A_955 : i1 to vector<16xi1>
      %reduce_sum3A_957 = tpu.scan <sum>, %add3A_947 masked %reduce_sum3A_956 : vector<16xf32>, vector<16xi1> -> vector<16xf32>
      %reduce_sum3A_958 = vector.extract %reduce_sum3A_957[15] : f32 from vector<16xf32>
      %mul3A_959 = arith.mulf %reduce_sum3A_958, %scan3A_22 : f32
      %add3A_960 = arith.addf %mul3A_959, %squeeze3A : f32
      %reduce_sum3A_961 = arith.constant true
      %reduce_sum3A_962 = vector.broadcast %reduce_sum3A_961 : i1 to vector<16xi1>
      %reduce_sum3A_963 = tpu.scan <sum>, %add3A_954 masked %reduce_sum3A_962 : vector<16xf32>, vector<16xi1> -> vector<16xf32>
      %reduce_sum3A_964 = vector.extract %reduce_sum3A_963[15] : f32 from vector<16xf32>
      %mul3A_965 = arith.mulf %reduce_sum3A_964, %scan3A_22 : f32
      %add3A_966 = arith.addf %mul3A_965, %squeeze3A_3 : f32
      %eq3A_967 = arith.constant 0 : i32
      %eq3A_968 = vector.broadcast %eq3A_967 : i32 to vector<16xi32>
      %eq3A_969 = arith.cmpi eq, %iota3A, %eq3A_968 : vector<16xi32>
      %broadcast_in_dim3A_970 = vector.broadcast %add3A_960 : f32 to vector<16xf32>
      %select_n3A_971 = arith.select %eq3A_969, %broadcast_in_dim3A_970, %broadcast_in_dim3A_925 : vector<16xi1>, vector<16xf32>
      %eq3A_972 = arith.constant 0 : i32
      %eq3A_973 = vector.broadcast %eq3A_972 : i32 to vector<16xi32>
      %eq3A_974 = arith.cmpi eq, %iota3A, %eq3A_973 : vector<16xi32>
      %broadcast_in_dim3A_975 = vector.broadcast %add3A_966 : f32 to vector<16xf32>
      %select_n3A_976 = arith.select %eq3A_974, %broadcast_in_dim3A_975, %broadcast_in_dim3A_927 : vector<16xi1>, vector<16xf32>
      %broadcast_in_dim3A_977 = arith.constant 0.000000e+00 : f32
      %broadcast_in_dim3A_978 = vector.broadcast %broadcast_in_dim3A_977 : f32 to vector<16xf32>
      %scan3A_979 = arith.constant 0 : i32
      %scan3A_980 = arith.constant 12 : i32
      %scan3A_981 = arith.addi %scan3A_979, %scan3A_980 : i32
      %scan3A_982 = arith.constant 1 : i32
      %scan3A_983:2 = scf.for %scan3A_1722 = %scan3A_979 to %scan3A_981 step %scan3A_982 iter_args(%scan3A_1723 = %broadcast_in_dim3A_978, %scan3A_1724 = %broadcast_in_dim3A_978) -> (vector<16xf32>, vector<16xf32>)  : i32 {
        %mul3A_1725 = arith.constant 16 : i32
        %mul3A_1726 = arith.muli %scan3A_1722, %mul3A_1725 : i32
        %add3A_1727 = arith.constant 200 : i32
        %add3A_1728 = arith.addi %add3A_1727, %mul3A_1726 : i32
        %get3A_1729 = arith.index_cast %add3A_1728 : i32 to index
        %get3A_1730 = tpu.vector_load %arg8[%get3A_1729] {strides = array<i32>} : memref<3200xi32, #tpu.memory_space<vmem>>, vector<16xi32>,
        %bitcast3A_1731 = vector.bitcast %get3A_1730 : vector<16xi32> to vector<32xbf16>
        %unpack3A_1732 = tpu.unpack_subelements %bitcast3A_1731, 0 {pack_format = #tpu.pack_format<interleaved>} : vector<32xbf16> -> vector<16xf32>
        %unpack3A_1733 = tpu.unpack_subelements %bitcast3A_1731, 1 {pack_format = #tpu.pack_format<interleaved>} : vector<32xbf16> -> vector<16xf32>
        %add3A_1734 = arith.addf %scan3A_1723, %unpack3A_1732 : vector<16xf32>
        %add3A_1735 = arith.addf %scan3A_1724, %unpack3A_1733 : vector<16xf32>
        scf.yield %add3A_1734, %add3A_1735 : vector<16xf32>, vector<16xf32>
      }
      %scan3A_984 = arith.constant 12 : i32
      %get3A_985 = arith.constant 384 : index
      %get3A_986 = tpu.vector_load %arg8[%get3A_985] {strides = array<i32>} : memref<3200xi32, #tpu.memory_space<vmem>>, vector<16xi32>,
      %bitcast3A_987 = vector.bitcast %get3A_986 : vector<16xi32> to vector<32xbf16>
      %unpack3A_988 = tpu.unpack_subelements %bitcast3A_987, 0 {pack_format = #tpu.pack_format<interleaved>} : vector<32xbf16> -> vector<16xf32>
      %unpack3A_989 = tpu.unpack_subelements %bitcast3A_987, 1 {pack_format = #tpu.pack_format<interleaved>} : vector<32xbf16> -> vector<16xf32>
      %ge3A_990 = arith.constant 8 : i32
      %ge3A_991 = vector.broadcast %ge3A_990 : i32 to vector<16xi32>
      %ge3A_992 = arith.cmpi sge, %iota3A, %ge3A_991 : vector<16xi32>
      %jit3A_993 = arith.constant 0.000000e+00 : f32
      %broadcast_in_dim3A_994 = vector.broadcast %jit3A_993 : f32 to vector<16xf32>
      %select_n3A_995 = arith.select %ge3A_992, %unpack3A_988, %broadcast_in_dim3A_994 : vector<16xi1>, vector<16xf32>
      %add3A_996 = arith.addf %scan3A_983#0, %select_n3A_995 : vector<16xf32>
      %ge3A_997 = arith.constant 8 : i32
      %ge3A_998 = vector.broadcast %ge3A_997 : i32 to vector<16xi32>
      %ge3A_999 = arith.cmpi sge, %iota3A, %ge3A_998 : vector<16xi32>
      %jit3A_1000 = arith.constant 0.000000e+00 : f32
      %broadcast_in_dim3A_1001 = vector.broadcast %jit3A_1000 : f32 to vector<16xf32>
      %select_n3A_1002 = arith.select %ge3A_999, %unpack3A_989, %broadcast_in_dim3A_1001 : vector<16xi1>, vector<16xf32>
      %add3A_1003 = arith.addf %scan3A_983#1, %select_n3A_1002 : vector<16xf32>
      %reduce_sum3A_1004 = arith.constant true
      %reduce_sum3A_1005 = vector.broadcast %reduce_sum3A_1004 : i1 to vector<16xi1>
      %reduce_sum3A_1006 = tpu.scan <sum>, %add3A_996 masked %reduce_sum3A_1005 : vector<16xf32>, vector<16xi1> -> vector<16xf32>
      %reduce_sum3A_1007 = vector.extract %reduce_sum3A_1006[15] : f32 from vector<16xf32>
      %mul3A_1008 = arith.mulf %reduce_sum3A_1007, %scan3A_22 : f32
      %add3A_1009 = arith.addf %mul3A_1008, %squeeze3A : f32
      %reduce_sum3A_1010 = arith.constant true
      %reduce_sum3A_1011 = vector.broadcast %reduce_sum3A_1010 : i1 to vector<16xi1>
      %reduce_sum3A_1012 = tpu.scan <sum>, %add3A_1003 masked %reduce_sum3A_1011 : vector<16xf32>, vector<16xi1> -> vector<16xf32>
      %reduce_sum3A_1013 = vector.extract %reduce_sum3A_1012[15] : f32 from vector<16xf32>
      %mul3A_1014 = arith.mulf %reduce_sum3A_1013, %scan3A_22 : f32
      %add3A_1015 = arith.addf %mul3A_1014, %squeeze3A_3 : f32
      %eq3A_1016 = arith.constant 1 : i32
      %eq3A_1017 = vector.broadcast %eq3A_1016 : i32 to vector<16xi32>
      %eq3A_1018 = arith.cmpi eq, %iota3A, %eq3A_1017 : vector<16xi32>
      %broadcast_in_dim3A_1019 = vector.broadcast %add3A_1009 : f32 to vector<16xf32>
      %select_n3A_1020 = arith.select %eq3A_1018, %broadcast_in_dim3A_1019, %select_n3A_971 : vector<16xi1>, vector<16xf32>
      %eq3A_1021 = arith.constant 1 : i32
      %eq3A_1022 = vector.broadcast %eq3A_1021 : i32 to vector<16xi32>
      %eq3A_1023 = arith.cmpi eq, %iota3A, %eq3A_1022 : vector<16xi32>
      %broadcast_in_dim3A_1024 = vector.broadcast %add3A_1015 : f32 to vector<16xf32>
      %select_n3A_1025 = arith.select %eq3A_1023, %broadcast_in_dim3A_1024, %select_n3A_976 : vector<16xi1>, vector<16xf32>
      %broadcast_in_dim3A_1026 = arith.constant 0.000000e+00 : f32
      %broadcast_in_dim3A_1027 = vector.broadcast %broadcast_in_dim3A_1026 : f32 to vector<16xf32>
      %scan3A_1028 = arith.constant 0 : i32
      %scan3A_1029 = arith.constant 12 : i32
      %scan3A_1030 = arith.addi %scan3A_1028, %scan3A_1029 : i32
      %scan3A_1031 = arith.constant 1 : i32
      %scan3A_1032:2 = scf.for %scan3A_1722 = %scan3A_1028 to %scan3A_1030 step %scan3A_1031 iter_args(%scan3A_1723 = %broadcast_in_dim3A_1027, %scan3A_1724 = %broadcast_in_dim3A_1027) -> (vector<16xf32>, vector<16xf32>)  : i32 {
        %mul3A_1725 = arith.constant 16 : i32
        %mul3A_1726 = arith.muli %scan3A_1722, %mul3A_1725 : i32
        %add3A_1727 = arith.constant 400 : i32
        %add3A_1728 = arith.addi %add3A_1727, %mul3A_1726 : i32
        %get3A_1729 = arith.index_cast %add3A_1728 : i32 to index
        %get3A_1730 = tpu.vector_load %arg8[%get3A_1729] {strides = array<i32>} : memref<3200xi32, #tpu.memory_space<vmem>>, vector<16xi32>,
        %bitcast3A_1731 = vector.bitcast %get3A_1730 : vector<16xi32> to vector<32xbf16>
        %unpack3A_1732 = tpu.unpack_subelements %bitcast3A_1731, 0 {pack_format = #tpu.pack_format<interleaved>} : vector<32xbf16> -> vector<16xf32>
        %unpack3A_1733 = tpu.unpack_subelements %bitcast3A_1731, 1 {pack_format = #tpu.pack_format<interleaved>} : vector<32xbf16> -> vector<16xf32>
        %add3A_1734 = arith.addf %scan3A_1723, %unpack3A_1732 : vector<16xf32>
        %add3A_1735 = arith.addf %scan3A_1724, %unpack3A_1733 : vector<16xf32>
        scf.yield %add3A_1734, %add3A_1735 : vector<16xf32>, vector<16xf32>
      }
      %scan3A_1033 = arith.constant 12 : i32
      %get3A_1034 = arith.constant 584 : index
      %get3A_1035 = tpu.vector_load %arg8[%get3A_1034] {strides = array<i32>} : memref<3200xi32, #tpu.memory_space<vmem>>, vector<16xi32>,
      %bitcast3A_1036 = vector.bitcast %get3A_1035 : vector<16xi32> to vector<32xbf16>
      %unpack3A_1037 = tpu.unpack_subelements %bitcast3A_1036, 0 {pack_format = #tpu.pack_format<interleaved>} : vector<32xbf16> -> vector<16xf32>
      %unpack3A_1038 = tpu.unpack_subelements %bitcast3A_1036, 1 {pack_format = #tpu.pack_format<interleaved>} : vector<32xbf16> -> vector<16xf32>
      %ge3A_1039 = arith.constant 8 : i32
      %ge3A_1040 = vector.broadcast %ge3A_1039 : i32 to vector<16xi32>
      %ge3A_1041 = arith.cmpi sge, %iota3A, %ge3A_1040 : vector<16xi32>
      %jit3A_1042 = arith.constant 0.000000e+00 : f32
      %broadcast_in_dim3A_1043 = vector.broadcast %jit3A_1042 : f32 to vector<16xf32>
      %select_n3A_1044 = arith.select %ge3A_1041, %unpack3A_1037, %broadcast_in_dim3A_1043 : vector<16xi1>, vector<16xf32>
      %add3A_1045 = arith.addf %scan3A_1032#0, %select_n3A_1044 : vector<16xf32>
      %ge3A_1046 = arith.constant 8 : i32
      %ge3A_1047 = vector.broadcast %ge3A_1046 : i32 to vector<16xi32>
      %ge3A_1048 = arith.cmpi sge, %iota3A, %ge3A_1047 : vector<16xi32>
      %jit3A_1049 = arith.constant 0.000000e+00 : f32
      %broadcast_in_dim3A_1050 = vector.broadcast %jit3A_1049 : f32 to vector<16xf32>
      %select_n3A_1051 = arith.select %ge3A_1048, %unpack3A_1038, %broadcast_in_dim3A_1050 : vector<16xi1>, vector<16xf32>
      %add3A_1052 = arith.addf %scan3A_1032#1, %select_n3A_1051 : vector<16xf32>
      %reduce_sum3A_1053 = arith.constant true
      %reduce_sum3A_1054 = vector.broadcast %reduce_sum3A_1053 : i1 to vector<16xi1>
      %reduce_sum3A_1055 = tpu.scan <sum>, %add3A_1045 masked %reduce_sum3A_1054 : vector<16xf32>, vector<16xi1> -> vector<16xf32>
      %reduce_sum3A_1056 = vector.extract %reduce_sum3A_1055[15] : f32 from vector<16xf32>
      %mul3A_1057 = arith.mulf %reduce_sum3A_1056, %scan3A_22 : f32
      %add3A_1058 = arith.addf %mul3A_1057, %squeeze3A : f32
      %reduce_sum3A_1059 = arith.constant true
      %reduce_sum3A_1060 = vector.broadcast %reduce_sum3A_1059 : i1 to vector<16xi1>
      %reduce_sum3A_1061 = tpu.scan <sum>, %add3A_1052 masked %reduce_sum3A_1060 : vector<16xf32>, vector<16xi1> -> vector<16xf32>
      %reduce_sum3A_1062 = vector.extract %reduce_sum3A_1061[15] : f32 from vector<16xf32>
      %mul3A_1063 = arith.mulf %reduce_sum3A_1062, %scan3A_22 : f32
      %add3A_1064 = arith.addf %mul3A_1063, %squeeze3A_3 : f32
      %eq3A_1065 = arith.constant 2 : i32
      %eq3A_1066 = vector.broadcast %eq3A_1065 : i32 to vector<16xi32>
      %eq3A_1067 = arith.cmpi eq, %iota3A, %eq3A_1066 : vector<16xi32>
      %broadcast_in_dim3A_1068 = vector.broadcast %add3A_1058 : f32 to vector<16xf32>
      %select_n3A_1069 = arith.select %eq3A_1067, %broadcast_in_dim3A_1068, %select_n3A_1020 : vector<16xi1>, vector<16xf32>
      %eq3A_1070 = arith.constant 2 : i32
      %eq3A_1071 = vector.broadcast %eq3A_1070 : i32 to vector<16xi32>
      %eq3A_1072 = arith.cmpi eq, %iota3A, %eq3A_1071 : vector<16xi32>
      %broadcast_in_dim3A_1073 = vector.broadcast %add3A_1064 : f32 to vector<16xf32>
      %select_n3A_1074 = arith.select %eq3A_1072, %broadcast_in_dim3A_1073, %select_n3A_1025 : vector<16xi1>, vector<16xf32>
      %broadcast_in_dim3A_1075 = arith.constant 0.000000e+00 : f32
      %broadcast_in_dim3A_1076 = vector.broadcast %broadcast_in_dim3A_1075 : f32 to vector<16xf32>
      %scan3A_1077 = arith.constant 0 : i32
      %scan3A_1078 = arith.constant 12 : i32
      %scan3A_1079 = arith.addi %scan3A_1077, %scan3A_1078 : i32
      %scan3A_1080 = arith.constant 1 : i32
      %scan3A_1081:2 = scf.for %scan3A_1722 = %scan3A_1077 to %scan3A_1079 step %scan3A_1080 iter_args(%scan3A_1723 = %broadcast_in_dim3A_1076, %scan3A_1724 = %broadcast_in_dim3A_1076) -> (vector<16xf32>, vector<16xf32>)  : i32 {
        %mul3A_1725 = arith.constant 16 : i32
        %mul3A_1726 = arith.muli %scan3A_1722, %mul3A_1725 : i32
        %add3A_1727 = arith.constant 600 : i32
        %add3A_1728 = arith.addi %add3A_1727, %mul3A_1726 : i32
        %get3A_1729 = arith.index_cast %add3A_1728 : i32 to index
        %get3A_1730 = tpu.vector_load %arg8[%get3A_1729] {strides = array<i32>} : memref<3200xi32, #tpu.memory_space<vmem>>, vector<16xi32>,
        %bitcast3A_1731 = vector.bitcast %get3A_1730 : vector<16xi32> to vector<32xbf16>
        %unpack3A_1732 = tpu.unpack_subelements %bitcast3A_1731, 0 {pack_format = #tpu.pack_format<interleaved>} : vector<32xbf16> -> vector<16xf32>
        %unpack3A_1733 = tpu.unpack_subelements %bitcast3A_1731, 1 {pack_format = #tpu.pack_format<interleaved>} : vector<32xbf16> -> vector<16xf32>
        %add3A_1734 = arith.addf %scan3A_1723, %unpack3A_1732 : vector<16xf32>
        %add3A_1735 = arith.addf %scan3A_1724, %unpack3A_1733 : vector<16xf32>
        scf.yield %add3A_1734, %add3A_1735 : vector<16xf32>, vector<16xf32>
      }
      %scan3A_1082 = arith.constant 12 : i32
      %get3A_1083 = arith.constant 784 : index
      %get3A_1084 = tpu.vector_load %arg8[%get3A_1083] {strides = array<i32>} : memref<3200xi32, #tpu.memory_space<vmem>>, vector<16xi32>,
      %bitcast3A_1085 = vector.bitcast %get3A_1084 : vector<16xi32> to vector<32xbf16>
      %unpack3A_1086 = tpu.unpack_subelements %bitcast3A_1085, 0 {pack_format = #tpu.pack_format<interleaved>} : vector<32xbf16> -> vector<16xf32>
      %unpack3A_1087 = tpu.unpack_subelements %bitcast3A_1085, 1 {pack_format = #tpu.pack_format<interleaved>} : vector<32xbf16> -> vector<16xf32>
      %ge3A_1088 = arith.constant 8 : i32
      %ge3A_1089 = vector.broadcast %ge3A_1088 : i32 to vector<16xi32>
      %ge3A_1090 = arith.cmpi sge, %iota3A, %ge3A_1089 : vector<16xi32>
      %jit3A_1091 = arith.constant 0.000000e+00 : f32
      %broadcast_in_dim3A_1092 = vector.broadcast %jit3A_1091 : f32 to vector<16xf32>
      %select_n3A_1093 = arith.select %ge3A_1090, %unpack3A_1086, %broadcast_in_dim3A_1092 : vector<16xi1>, vector<16xf32>
      %add3A_1094 = arith.addf %scan3A_1081#0, %select_n3A_1093 : vector<16xf32>
      %ge3A_1095 = arith.constant 8 : i32
      %ge3A_1096 = vector.broadcast %ge3A_1095 : i32 to vector<16xi32>
      %ge3A_1097 = arith.cmpi sge, %iota3A, %ge3A_1096 : vector<16xi32>
      %jit3A_1098 = arith.constant 0.000000e+00 : f32
      %broadcast_in_dim3A_1099 = vector.broadcast %jit3A_1098 : f32 to vector<16xf32>
      %select_n3A_1100 = arith.select %ge3A_1097, %unpack3A_1087, %broadcast_in_dim3A_1099 : vector<16xi1>, vector<16xf32>
      %add3A_1101 = arith.addf %scan3A_1081#1, %select_n3A_1100 : vector<16xf32>
      %reduce_sum3A_1102 = arith.constant true
      %reduce_sum3A_1103 = vector.broadcast %reduce_sum3A_1102 : i1 to vector<16xi1>
      %reduce_sum3A_1104 = tpu.scan <sum>, %add3A_1094 masked %reduce_sum3A_1103 : vector<16xf32>, vector<16xi1> -> vector<16xf32>
      %reduce_sum3A_1105 = vector.extract %reduce_sum3A_1104[15] : f32 from vector<16xf32>
      %mul3A_1106 = arith.mulf %reduce_sum3A_1105, %scan3A_22 : f32
      %add3A_1107 = arith.addf %mul3A_1106, %squeeze3A : f32
      %reduce_sum3A_1108 = arith.constant true
      %reduce_sum3A_1109 = vector.broadcast %reduce_sum3A_1108 : i1 to vector<16xi1>
      %reduce_sum3A_1110 = tpu.scan <sum>, %add3A_1101 masked %reduce_sum3A_1109 : vector<16xf32>, vector<16xi1> -> vector<16xf32>
      %reduce_sum3A_1111 = vector.extract %reduce_sum3A_1110[15] : f32 from vector<16xf32>
      %mul3A_1112 = arith.mulf %reduce_sum3A_1111, %scan3A_22 : f32
      %add3A_1113 = arith.addf %mul3A_1112, %squeeze3A_3 : f32
      %eq3A_1114 = arith.constant 3 : i32
      %eq3A_1115 = vector.broadcast %eq3A_1114 : i32 to vector<16xi32>
      %eq3A_1116 = arith.cmpi eq, %iota3A, %eq3A_1115 : vector<16xi32>
      %broadcast_in_dim3A_1117 = vector.broadcast %add3A_1107 : f32 to vector<16xf32>
      %select_n3A_1118 = arith.select %eq3A_1116, %broadcast_in_dim3A_1117, %select_n3A_1069 : vector<16xi1>, vector<16xf32>
      %eq3A_1119 = arith.constant 3 : i32
      %eq3A_1120 = vector.broadcast %eq3A_1119 : i32 to vector<16xi32>
      %eq3A_1121 = arith.cmpi eq, %iota3A, %eq3A_1120 : vector<16xi32>
      %broadcast_in_dim3A_1122 = vector.broadcast %add3A_1113 : f32 to vector<16xf32>
      %select_n3A_1123 = arith.select %eq3A_1121, %broadcast_in_dim3A_1122, %select_n3A_1074 : vector<16xi1>, vector<16xf32>
      %broadcast_in_dim3A_1124 = arith.constant 0.000000e+00 : f32
      %broadcast_in_dim3A_1125 = vector.broadcast %broadcast_in_dim3A_1124 : f32 to vector<16xf32>
      %scan3A_1126 = arith.constant 0 : i32
      %scan3A_1127 = arith.constant 12 : i32
      %scan3A_1128 = arith.addi %scan3A_1126, %scan3A_1127 : i32
      %scan3A_1129 = arith.constant 1 : i32
      %scan3A_1130:2 = scf.for %scan3A_1722 = %scan3A_1126 to %scan3A_1128 step %scan3A_1129 iter_args(%scan3A_1723 = %broadcast_in_dim3A_1125, %scan3A_1724 = %broadcast_in_dim3A_1125) -> (vector<16xf32>, vector<16xf32>)  : i32 {
        %mul3A_1725 = arith.constant 16 : i32
        %mul3A_1726 = arith.muli %scan3A_1722, %mul3A_1725 : i32
        %add3A_1727 = arith.constant 800 : i32
        %add3A_1728 = arith.addi %add3A_1727, %mul3A_1726 : i32
        %get3A_1729 = arith.index_cast %add3A_1728 : i32 to index
        %get3A_1730 = tpu.vector_load %arg8[%get3A_1729] {strides = array<i32>} : memref<3200xi32, #tpu.memory_space<vmem>>, vector<16xi32>,
        %bitcast3A_1731 = vector.bitcast %get3A_1730 : vector<16xi32> to vector<32xbf16>
        %unpack3A_1732 = tpu.unpack_subelements %bitcast3A_1731, 0 {pack_format = #tpu.pack_format<interleaved>} : vector<32xbf16> -> vector<16xf32>
        %unpack3A_1733 = tpu.unpack_subelements %bitcast3A_1731, 1 {pack_format = #tpu.pack_format<interleaved>} : vector<32xbf16> -> vector<16xf32>
        %add3A_1734 = arith.addf %scan3A_1723, %unpack3A_1732 : vector<16xf32>
        %add3A_1735 = arith.addf %scan3A_1724, %unpack3A_1733 : vector<16xf32>
        scf.yield %add3A_1734, %add3A_1735 : vector<16xf32>, vector<16xf32>
      }
      %scan3A_1131 = arith.constant 12 : i32
      %get3A_1132 = arith.constant 984 : index
      %get3A_1133 = tpu.vector_load %arg8[%get3A_1132] {strides = array<i32>} : memref<3200xi32, #tpu.memory_space<vmem>>, vector<16xi32>,
      %bitcast3A_1134 = vector.bitcast %get3A_1133 : vector<16xi32> to vector<32xbf16>
      %unpack3A_1135 = tpu.unpack_subelements %bitcast3A_1134, 0 {pack_format = #tpu.pack_format<interleaved>} : vector<32xbf16> -> vector<16xf32>
      %unpack3A_1136 = tpu.unpack_subelements %bitcast3A_1134, 1 {pack_format = #tpu.pack_format<interleaved>} : vector<32xbf16> -> vector<16xf32>
      %ge3A_1137 = arith.constant 8 : i32
      %ge3A_1138 = vector.broadcast %ge3A_1137 : i32 to vector<16xi32>
      %ge3A_1139 = arith.cmpi sge, %iota3A, %ge3A_1138 : vector<16xi32>
      %jit3A_1140 = arith.constant 0.000000e+00 : f32
      %broadcast_in_dim3A_1141 = vector.broadcast %jit3A_1140 : f32 to vector<16xf32>
      %select_n3A_1142 = arith.select %ge3A_1139, %unpack3A_1135, %broadcast_in_dim3A_1141 : vector<16xi1>, vector<16xf32>
      %add3A_1143 = arith.addf %scan3A_1130#0, %select_n3A_1142 : vector<16xf32>
      %ge3A_1144 = arith.constant 8 : i32
      %ge3A_1145 = vector.broadcast %ge3A_1144 : i32 to vector<16xi32>
      %ge3A_1146 = arith.cmpi sge, %iota3A, %ge3A_1145 : vector<16xi32>
      %jit3A_1147 = arith.constant 0.000000e+00 : f32
      %broadcast_in_dim3A_1148 = vector.broadcast %jit3A_1147 : f32 to vector<16xf32>
      %select_n3A_1149 = arith.select %ge3A_1146, %unpack3A_1136, %broadcast_in_dim3A_1148 : vector<16xi1>, vector<16xf32>
      %add3A_1150 = arith.addf %scan3A_1130#1, %select_n3A_1149 : vector<16xf32>
      %reduce_sum3A_1151 = arith.constant true
      %reduce_sum3A_1152 = vector.broadcast %reduce_sum3A_1151 : i1 to vector<16xi1>
      %reduce_sum3A_1153 = tpu.scan <sum>, %add3A_1143 masked %reduce_sum3A_1152 : vector<16xf32>, vector<16xi1> -> vector<16xf32>
      %reduce_sum3A_1154 = vector.extract %reduce_sum3A_1153[15] : f32 from vector<16xf32>
      %mul3A_1155 = arith.mulf %reduce_sum3A_1154, %scan3A_22 : f32
      %add3A_1156 = arith.addf %mul3A_1155, %squeeze3A : f32
      %reduce_sum3A_1157 = arith.constant true
      %reduce_sum3A_1158 = vector.broadcast %reduce_sum3A_1157 : i1 to vector<16xi1>
      %reduce_sum3A_1159 = tpu.scan <sum>, %add3A_1150 masked %reduce_sum3A_1158 : vector<16xf32>, vector<16xi1> -> vector<16xf32>
      %reduce_sum3A_1160 = vector.extract %reduce_sum3A_1159[15] : f32 from vector<16xf32>
      %mul3A_1161 = arith.mulf %reduce_sum3A_1160, %scan3A_22 : f32
      %add3A_1162 = arith.addf %mul3A_1161, %squeeze3A_3 : f32
      %eq3A_1163 = arith.constant 4 : i32
      %eq3A_1164 = vector.broadcast %eq3A_1163 : i32 to vector<16xi32>
      %eq3A_1165 = arith.cmpi eq, %iota3A, %eq3A_1164 : vector<16xi32>
      %broadcast_in_dim3A_1166 = vector.broadcast %add3A_1156 : f32 to vector<16xf32>
      %select_n3A_1167 = arith.select %eq3A_1165, %broadcast_in_dim3A_1166, %select_n3A_1118 : vector<16xi1>, vector<16xf32>
      %eq3A_1168 = arith.constant 4 : i32
      %eq3A_1169 = vector.broadcast %eq3A_1168 : i32 to vector<16xi32>
      %eq3A_1170 = arith.cmpi eq, %iota3A, %eq3A_1169 : vector<16xi32>
      %broadcast_in_dim3A_1171 = vector.broadcast %add3A_1162 : f32 to vector<16xf32>
      %select_n3A_1172 = arith.select %eq3A_1170, %broadcast_in_dim3A_1171, %select_n3A_1123 : vector<16xi1>, vector<16xf32>
      %broadcast_in_dim3A_1173 = arith.constant 0.000000e+00 : f32
      %broadcast_in_dim3A_1174 = vector.broadcast %broadcast_in_dim3A_1173 : f32 to vector<16xf32>
      %scan3A_1175 = arith.constant 0 : i32
      %scan3A_1176 = arith.constant 12 : i32
      %scan3A_1177 = arith.addi %scan3A_1175, %scan3A_1176 : i32
      %scan3A_1178 = arith.constant 1 : i32
      %scan3A_1179:2 = scf.for %scan3A_1722 = %scan3A_1175 to %scan3A_1177 step %scan3A_1178 iter_args(%scan3A_1723 = %broadcast_in_dim3A_1174, %scan3A_1724 = %broadcast_in_dim3A_1174) -> (vector<16xf32>, vector<16xf32>)  : i32 {
        %mul3A_1725 = arith.constant 16 : i32
        %mul3A_1726 = arith.muli %scan3A_1722, %mul3A_1725 : i32
        %add3A_1727 = arith.constant 1000 : i32
        %add3A_1728 = arith.addi %add3A_1727, %mul3A_1726 : i32
        %get3A_1729 = arith.index_cast %add3A_1728 : i32 to index
        %get3A_1730 = tpu.vector_load %arg8[%get3A_1729] {strides = array<i32>} : memref<3200xi32, #tpu.memory_space<vmem>>, vector<16xi32>,
        %bitcast3A_1731 = vector.bitcast %get3A_1730 : vector<16xi32> to vector<32xbf16>
        %unpack3A_1732 = tpu.unpack_subelements %bitcast3A_1731, 0 {pack_format = #tpu.pack_format<interleaved>} : vector<32xbf16> -> vector<16xf32>
        %unpack3A_1733 = tpu.unpack_subelements %bitcast3A_1731, 1 {pack_format = #tpu.pack_format<interleaved>} : vector<32xbf16> -> vector<16xf32>
        %add3A_1734 = arith.addf %scan3A_1723, %unpack3A_1732 : vector<16xf32>
        %add3A_1735 = arith.addf %scan3A_1724, %unpack3A_1733 : vector<16xf32>
        scf.yield %add3A_1734, %add3A_1735 : vector<16xf32>, vector<16xf32>
      }
      %scan3A_1180 = arith.constant 12 : i32
      %get3A_1181 = arith.constant 1184 : index
      %get3A_1182 = tpu.vector_load %arg8[%get3A_1181] {strides = array<i32>} : memref<3200xi32, #tpu.memory_space<vmem>>, vector<16xi32>,
      %bitcast3A_1183 = vector.bitcast %get3A_1182 : vector<16xi32> to vector<32xbf16>
      %unpack3A_1184 = tpu.unpack_subelements %bitcast3A_1183, 0 {pack_format = #tpu.pack_format<interleaved>} : vector<32xbf16> -> vector<16xf32>
      %unpack3A_1185 = tpu.unpack_subelements %bitcast3A_1183, 1 {pack_format = #tpu.pack_format<interleaved>} : vector<32xbf16> -> vector<16xf32>
      %ge3A_1186 = arith.constant 8 : i32
      %ge3A_1187 = vector.broadcast %ge3A_1186 : i32 to vector<16xi32>
      %ge3A_1188 = arith.cmpi sge, %iota3A, %ge3A_1187 : vector<16xi32>
      %jit3A_1189 = arith.constant 0.000000e+00 : f32
      %broadcast_in_dim3A_1190 = vector.broadcast %jit3A_1189 : f32 to vector<16xf32>
      %select_n3A_1191 = arith.select %ge3A_1188, %unpack3A_1184, %broadcast_in_dim3A_1190 : vector<16xi1>, vector<16xf32>
      %add3A_1192 = arith.addf %scan3A_1179#0, %select_n3A_1191 : vector<16xf32>
      %ge3A_1193 = arith.constant 8 : i32
      %ge3A_1194 = vector.broadcast %ge3A_1193 : i32 to vector<16xi32>
      %ge3A_1195 = arith.cmpi sge, %iota3A, %ge3A_1194 : vector<16xi32>
      %jit3A_1196 = arith.constant 0.000000e+00 : f32
      %broadcast_in_dim3A_1197 = vector.broadcast %jit3A_1196 : f32 to vector<16xf32>
      %select_n3A_1198 = arith.select %ge3A_1195, %unpack3A_1185, %broadcast_in_dim3A_1197 : vector<16xi1>, vector<16xf32>
      %add3A_1199 = arith.addf %scan3A_1179#1, %select_n3A_1198 : vector<16xf32>
      %reduce_sum3A_1200 = arith.constant true
      %reduce_sum3A_1201 = vector.broadcast %reduce_sum3A_1200 : i1 to vector<16xi1>
      %reduce_sum3A_1202 = tpu.scan <sum>, %add3A_1192 masked %reduce_sum3A_1201 : vector<16xf32>, vector<16xi1> -> vector<16xf32>
      %reduce_sum3A_1203 = vector.extract %reduce_sum3A_1202[15] : f32 from vector<16xf32>
      %mul3A_1204 = arith.mulf %reduce_sum3A_1203, %scan3A_22 : f32
      %add3A_1205 = arith.addf %mul3A_1204, %squeeze3A : f32
      %reduce_sum3A_1206 = arith.constant true
      %reduce_sum3A_1207 = vector.broadcast %reduce_sum3A_1206 : i1 to vector<16xi1>
      %reduce_sum3A_1208 = tpu.scan <sum>, %add3A_1199 masked %reduce_sum3A_1207 : vector<16xf32>, vector<16xi1> -> vector<16xf32>
      %reduce_sum3A_1209 = vector.extract %reduce_sum3A_1208[15] : f32 from vector<16xf32>
      %mul3A_1210 = arith.mulf %reduce_sum3A_1209, %scan3A_22 : f32
      %add3A_1211 = arith.addf %mul3A_1210, %squeeze3A_3 : f32
      %eq3A_1212 = arith.constant 5 : i32
      %eq3A_1213 = vector.broadcast %eq3A_1212 : i32 to vector<16xi32>
      %eq3A_1214 = arith.cmpi eq, %iota3A, %eq3A_1213 : vector<16xi32>
      %broadcast_in_dim3A_1215 = vector.broadcast %add3A_1205 : f32 to vector<16xf32>
      %select_n3A_1216 = arith.select %eq3A_1214, %broadcast_in_dim3A_1215, %select_n3A_1167 : vector<16xi1>, vector<16xf32>
      %eq3A_1217 = arith.constant 5 : i32
      %eq3A_1218 = vector.broadcast %eq3A_1217 : i32 to vector<16xi32>
      %eq3A_1219 = arith.cmpi eq, %iota3A, %eq3A_1218 : vector<16xi32>
      %broadcast_in_dim3A_1220 = vector.broadcast %add3A_1211 : f32 to vector<16xf32>
      %select_n3A_1221 = arith.select %eq3A_1219, %broadcast_in_dim3A_1220, %select_n3A_1172 : vector<16xi1>, vector<16xf32>
      %broadcast_in_dim3A_1222 = arith.constant 0.000000e+00 : f32
      %broadcast_in_dim3A_1223 = vector.broadcast %broadcast_in_dim3A_1222 : f32 to vector<16xf32>
      %scan3A_1224 = arith.constant 0 : i32
      %scan3A_1225 = arith.constant 12 : i32
      %scan3A_1226 = arith.addi %scan3A_1224, %scan3A_1225 : i32
      %scan3A_1227 = arith.constant 1 : i32
      %scan3A_1228:2 = scf.for %scan3A_1722 = %scan3A_1224 to %scan3A_1226 step %scan3A_1227 iter_args(%scan3A_1723 = %broadcast_in_dim3A_1223, %scan3A_1724 = %broadcast_in_dim3A_1223) -> (vector<16xf32>, vector<16xf32>)  : i32 {
        %mul3A_1725 = arith.constant 16 : i32
        %mul3A_1726 = arith.muli %scan3A_1722, %mul3A_1725 : i32
        %add3A_1727 = arith.constant 1200 : i32
        %add3A_1728 = arith.addi %add3A_1727, %mul3A_1726 : i32
        %get3A_1729 = arith.index_cast %add3A_1728 : i32 to index
        %get3A_1730 = tpu.vector_load %arg8[%get3A_1729] {strides = array<i32>} : memref<3200xi32, #tpu.memory_space<vmem>>, vector<16xi32>,
        %bitcast3A_1731 = vector.bitcast %get3A_1730 : vector<16xi32> to vector<32xbf16>
        %unpack3A_1732 = tpu.unpack_subelements %bitcast3A_1731, 0 {pack_format = #tpu.pack_format<interleaved>} : vector<32xbf16> -> vector<16xf32>
        %unpack3A_1733 = tpu.unpack_subelements %bitcast3A_1731, 1 {pack_format = #tpu.pack_format<interleaved>} : vector<32xbf16> -> vector<16xf32>
        %add3A_1734 = arith.addf %scan3A_1723, %unpack3A_1732 : vector<16xf32>
        %add3A_1735 = arith.addf %scan3A_1724, %unpack3A_1733 : vector<16xf32>
        scf.yield %add3A_1734, %add3A_1735 : vector<16xf32>, vector<16xf32>
      }
      %scan3A_1229 = arith.constant 12 : i32
      %get3A_1230 = arith.constant 1384 : index
      %get3A_1231 = tpu.vector_load %arg8[%get3A_1230] {strides = array<i32>} : memref<3200xi32, #tpu.memory_space<vmem>>, vector<16xi32>,
      %bitcast3A_1232 = vector.bitcast %get3A_1231 : vector<16xi32> to vector<32xbf16>
      %unpack3A_1233 = tpu.unpack_subelements %bitcast3A_1232, 0 {pack_format = #tpu.pack_format<interleaved>} : vector<32xbf16> -> vector<16xf32>
      %unpack3A_1234 = tpu.unpack_subelements %bitcast3A_1232, 1 {pack_format = #tpu.pack_format<interleaved>} : vector<32xbf16> -> vector<16xf32>
      %ge3A_1235 = arith.constant 8 : i32
      %ge3A_1236 = vector.broadcast %ge3A_1235 : i32 to vector<16xi32>
      %ge3A_1237 = arith.cmpi sge, %iota3A, %ge3A_1236 : vector<16xi32>
      %jit3A_1238 = arith.constant 0.000000e+00 : f32
      %broadcast_in_dim3A_1239 = vector.broadcast %jit3A_1238 : f32 to vector<16xf32>
      %select_n3A_1240 = arith.select %ge3A_1237, %unpack3A_1233, %broadcast_in_dim3A_1239 : vector<16xi1>, vector<16xf32>
      %add3A_1241 = arith.addf %scan3A_1228#0, %select_n3A_1240 : vector<16xf32>
      %ge3A_1242 = arith.constant 8 : i32
      %ge3A_1243 = vector.broadcast %ge3A_1242 : i32 to vector<16xi32>
      %ge3A_1244 = arith.cmpi sge, %iota3A, %ge3A_1243 : vector<16xi32>
      %jit3A_1245 = arith.constant 0.000000e+00 : f32
      %broadcast_in_dim3A_1246 = vector.broadcast %jit3A_1245 : f32 to vector<16xf32>
      %select_n3A_1247 = arith.select %ge3A_1244, %unpack3A_1234, %broadcast_in_dim3A_1246 : vector<16xi1>, vector<16xf32>
      %add3A_1248 = arith.addf %scan3A_1228#1, %select_n3A_1247 : vector<16xf32>
      %reduce_sum3A_1249 = arith.constant true
      %reduce_sum3A_1250 = vector.broadcast %reduce_sum3A_1249 : i1 to vector<16xi1>
      %reduce_sum3A_1251 = tpu.scan <sum>, %add3A_1241 masked %reduce_sum3A_1250 : vector<16xf32>, vector<16xi1> -> vector<16xf32>
      %reduce_sum3A_1252 = vector.extract %reduce_sum3A_1251[15] : f32 from vector<16xf32>
      %mul3A_1253 = arith.mulf %reduce_sum3A_1252, %scan3A_22 : f32
      %add3A_1254 = arith.addf %mul3A_1253, %squeeze3A : f32
      %reduce_sum3A_1255 = arith.constant true
      %reduce_sum3A_1256 = vector.broadcast %reduce_sum3A_1255 : i1 to vector<16xi1>
      %reduce_sum3A_1257 = tpu.scan <sum>, %add3A_1248 masked %reduce_sum3A_1256 : vector<16xf32>, vector<16xi1> -> vector<16xf32>
      %reduce_sum3A_1258 = vector.extract %reduce_sum3A_1257[15] : f32 from vector<16xf32>
      %mul3A_1259 = arith.mulf %reduce_sum3A_1258, %scan3A_22 : f32
      %add3A_1260 = arith.addf %mul3A_1259, %squeeze3A_3 : f32
      %eq3A_1261 = arith.constant 6 : i32
      %eq3A_1262 = vector.broadcast %eq3A_1261 : i32 to vector<16xi32>
      %eq3A_1263 = arith.cmpi eq, %iota3A, %eq3A_1262 : vector<16xi32>
      %broadcast_in_dim3A_1264 = vector.broadcast %add3A_1254 : f32 to vector<16xf32>
      %select_n3A_1265 = arith.select %eq3A_1263, %broadcast_in_dim3A_1264, %select_n3A_1216 : vector<16xi1>, vector<16xf32>
      %eq3A_1266 = arith.constant 6 : i32
      %eq3A_1267 = vector.broadcast %eq3A_1266 : i32 to vector<16xi32>
      %eq3A_1268 = arith.cmpi eq, %iota3A, %eq3A_1267 : vector<16xi32>
      %broadcast_in_dim3A_1269 = vector.broadcast %add3A_1260 : f32 to vector<16xf32>
      %select_n3A_1270 = arith.select %eq3A_1268, %broadcast_in_dim3A_1269, %select_n3A_1221 : vector<16xi1>, vector<16xf32>
      %broadcast_in_dim3A_1271 = arith.constant 0.000000e+00 : f32
      %broadcast_in_dim3A_1272 = vector.broadcast %broadcast_in_dim3A_1271 : f32 to vector<16xf32>
      %scan3A_1273 = arith.constant 0 : i32
      %scan3A_1274 = arith.constant 12 : i32
      %scan3A_1275 = arith.addi %scan3A_1273, %scan3A_1274 : i32
      %scan3A_1276 = arith.constant 1 : i32
      %scan3A_1277:2 = scf.for %scan3A_1722 = %scan3A_1273 to %scan3A_1275 step %scan3A_1276 iter_args(%scan3A_1723 = %broadcast_in_dim3A_1272, %scan3A_1724 = %broadcast_in_dim3A_1272) -> (vector<16xf32>, vector<16xf32>)  : i32 {
        %mul3A_1725 = arith.constant 16 : i32
        %mul3A_1726 = arith.muli %scan3A_1722, %mul3A_1725 : i32
        %add3A_1727 = arith.constant 1400 : i32
        %add3A_1728 = arith.addi %add3A_1727, %mul3A_1726 : i32
        %get3A_1729 = arith.index_cast %add3A_1728 : i32 to index
        %get3A_1730 = tpu.vector_load %arg8[%get3A_1729] {strides = array<i32>} : memref<3200xi32, #tpu.memory_space<vmem>>, vector<16xi32>,
        %bitcast3A_1731 = vector.bitcast %get3A_1730 : vector<16xi32> to vector<32xbf16>
        %unpack3A_1732 = tpu.unpack_subelements %bitcast3A_1731, 0 {pack_format = #tpu.pack_format<interleaved>} : vector<32xbf16> -> vector<16xf32>
        %unpack3A_1733 = tpu.unpack_subelements %bitcast3A_1731, 1 {pack_format = #tpu.pack_format<interleaved>} : vector<32xbf16> -> vector<16xf32>
        %add3A_1734 = arith.addf %scan3A_1723, %unpack3A_1732 : vector<16xf32>
        %add3A_1735 = arith.addf %scan3A_1724, %unpack3A_1733 : vector<16xf32>
        scf.yield %add3A_1734, %add3A_1735 : vector<16xf32>, vector<16xf32>
      }
      %scan3A_1278 = arith.constant 12 : i32
      %get3A_1279 = arith.constant 1584 : index
      %get3A_1280 = tpu.vector_load %arg8[%get3A_1279] {strides = array<i32>} : memref<3200xi32, #tpu.memory_space<vmem>>, vector<16xi32>,
      %bitcast3A_1281 = vector.bitcast %get3A_1280 : vector<16xi32> to vector<32xbf16>
      %unpack3A_1282 = tpu.unpack_subelements %bitcast3A_1281, 0 {pack_format = #tpu.pack_format<interleaved>} : vector<32xbf16> -> vector<16xf32>
      %unpack3A_1283 = tpu.unpack_subelements %bitcast3A_1281, 1 {pack_format = #tpu.pack_format<interleaved>} : vector<32xbf16> -> vector<16xf32>
      %ge3A_1284 = arith.constant 8 : i32
      %ge3A_1285 = vector.broadcast %ge3A_1284 : i32 to vector<16xi32>
      %ge3A_1286 = arith.cmpi sge, %iota3A, %ge3A_1285 : vector<16xi32>
      %jit3A_1287 = arith.constant 0.000000e+00 : f32
      %broadcast_in_dim3A_1288 = vector.broadcast %jit3A_1287 : f32 to vector<16xf32>
      %select_n3A_1289 = arith.select %ge3A_1286, %unpack3A_1282, %broadcast_in_dim3A_1288 : vector<16xi1>, vector<16xf32>
      %add3A_1290 = arith.addf %scan3A_1277#0, %select_n3A_1289 : vector<16xf32>
      %ge3A_1291 = arith.constant 8 : i32
      %ge3A_1292 = vector.broadcast %ge3A_1291 : i32 to vector<16xi32>
      %ge3A_1293 = arith.cmpi sge, %iota3A, %ge3A_1292 : vector<16xi32>
      %jit3A_1294 = arith.constant 0.000000e+00 : f32
      %broadcast_in_dim3A_1295 = vector.broadcast %jit3A_1294 : f32 to vector<16xf32>
      %select_n3A_1296 = arith.select %ge3A_1293, %unpack3A_1283, %broadcast_in_dim3A_1295 : vector<16xi1>, vector<16xf32>
      %add3A_1297 = arith.addf %scan3A_1277#1, %select_n3A_1296 : vector<16xf32>
      %reduce_sum3A_1298 = arith.constant true
      %reduce_sum3A_1299 = vector.broadcast %reduce_sum3A_1298 : i1 to vector<16xi1>
      %reduce_sum3A_1300 = tpu.scan <sum>, %add3A_1290 masked %reduce_sum3A_1299 : vector<16xf32>, vector<16xi1> -> vector<16xf32>
      %reduce_sum3A_1301 = vector.extract %reduce_sum3A_1300[15] : f32 from vector<16xf32>
      %mul3A_1302 = arith.mulf %reduce_sum3A_1301, %scan3A_22 : f32
      %add3A_1303 = arith.addf %mul3A_1302, %squeeze3A : f32
      %reduce_sum3A_1304 = arith.constant true
      %reduce_sum3A_1305 = vector.broadcast %reduce_sum3A_1304 : i1 to vector<16xi1>
      %reduce_sum3A_1306 = tpu.scan <sum>, %add3A_1297 masked %reduce_sum3A_1305 : vector<16xf32>, vector<16xi1> -> vector<16xf32>
      %reduce_sum3A_1307 = vector.extract %reduce_sum3A_1306[15] : f32 from vector<16xf32>
      %mul3A_1308 = arith.mulf %reduce_sum3A_1307, %scan3A_22 : f32
      %add3A_1309 = arith.addf %mul3A_1308, %squeeze3A_3 : f32
      %eq3A_1310 = arith.constant 7 : i32
      %eq3A_1311 = vector.broadcast %eq3A_1310 : i32 to vector<16xi32>
      %eq3A_1312 = arith.cmpi eq, %iota3A, %eq3A_1311 : vector<16xi32>
      %broadcast_in_dim3A_1313 = vector.broadcast %add3A_1303 : f32 to vector<16xf32>
      %select_n3A_1314 = arith.select %eq3A_1312, %broadcast_in_dim3A_1313, %select_n3A_1265 : vector<16xi1>, vector<16xf32>
      %eq3A_1315 = arith.constant 7 : i32
      %eq3A_1316 = vector.broadcast %eq3A_1315 : i32 to vector<16xi32>
      %eq3A_1317 = arith.cmpi eq, %iota3A, %eq3A_1316 : vector<16xi32>
      %broadcast_in_dim3A_1318 = vector.broadcast %add3A_1309 : f32 to vector<16xf32>
      %select_n3A_1319 = arith.select %eq3A_1317, %broadcast_in_dim3A_1318, %select_n3A_1270 : vector<16xi1>, vector<16xf32>
      %broadcast_in_dim3A_1320 = arith.constant 0.000000e+00 : f32
      %broadcast_in_dim3A_1321 = vector.broadcast %broadcast_in_dim3A_1320 : f32 to vector<16xf32>
      %scan3A_1322 = arith.constant 0 : i32
      %scan3A_1323 = arith.constant 12 : i32
      %scan3A_1324 = arith.addi %scan3A_1322, %scan3A_1323 : i32
      %scan3A_1325 = arith.constant 1 : i32
      %scan3A_1326:2 = scf.for %scan3A_1722 = %scan3A_1322 to %scan3A_1324 step %scan3A_1325 iter_args(%scan3A_1723 = %broadcast_in_dim3A_1321, %scan3A_1724 = %broadcast_in_dim3A_1321) -> (vector<16xf32>, vector<16xf32>)  : i32 {
        %mul3A_1725 = arith.constant 16 : i32
        %mul3A_1726 = arith.muli %scan3A_1722, %mul3A_1725 : i32
        %add3A_1727 = arith.constant 1600 : i32
        %add3A_1728 = arith.addi %add3A_1727, %mul3A_1726 : i32
        %get3A_1729 = arith.index_cast %add3A_1728 : i32 to index
        %get3A_1730 = tpu.vector_load %arg8[%get3A_1729] {strides = array<i32>} : memref<3200xi32, #tpu.memory_space<vmem>>, vector<16xi32>,
        %bitcast3A_1731 = vector.bitcast %get3A_1730 : vector<16xi32> to vector<32xbf16>
        %unpack3A_1732 = tpu.unpack_subelements %bitcast3A_1731, 0 {pack_format = #tpu.pack_format<interleaved>} : vector<32xbf16> -> vector<16xf32>
        %unpack3A_1733 = tpu.unpack_subelements %bitcast3A_1731, 1 {pack_format = #tpu.pack_format<interleaved>} : vector<32xbf16> -> vector<16xf32>
        %add3A_1734 = arith.addf %scan3A_1723, %unpack3A_1732 : vector<16xf32>
        %add3A_1735 = arith.addf %scan3A_1724, %unpack3A_1733 : vector<16xf32>
        scf.yield %add3A_1734, %add3A_1735 : vector<16xf32>, vector<16xf32>
      }
      %scan3A_1327 = arith.constant 12 : i32
      %get3A_1328 = arith.constant 1784 : index
      %get3A_1329 = tpu.vector_load %arg8[%get3A_1328] {strides = array<i32>} : memref<3200xi32, #tpu.memory_space<vmem>>, vector<16xi32>,
      %bitcast3A_1330 = vector.bitcast %get3A_1329 : vector<16xi32> to vector<32xbf16>
      %unpack3A_1331 = tpu.unpack_subelements %bitcast3A_1330, 0 {pack_format = #tpu.pack_format<interleaved>} : vector<32xbf16> -> vector<16xf32>
      %unpack3A_1332 = tpu.unpack_subelements %bitcast3A_1330, 1 {pack_format = #tpu.pack_format<interleaved>} : vector<32xbf16> -> vector<16xf32>
      %ge3A_1333 = arith.constant 8 : i32
      %ge3A_1334 = vector.broadcast %ge3A_1333 : i32 to vector<16xi32>
      %ge3A_1335 = arith.cmpi sge, %iota3A, %ge3A_1334 : vector<16xi32>
      %jit3A_1336 = arith.constant 0.000000e+00 : f32
      %broadcast_in_dim3A_1337 = vector.broadcast %jit3A_1336 : f32 to vector<16xf32>
      %select_n3A_1338 = arith.select %ge3A_1335, %unpack3A_1331, %broadcast_in_dim3A_1337 : vector<16xi1>, vector<16xf32>
      %add3A_1339 = arith.addf %scan3A_1326#0, %select_n3A_1338 : vector<16xf32>
      %ge3A_1340 = arith.constant 8 : i32
      %ge3A_1341 = vector.broadcast %ge3A_1340 : i32 to vector<16xi32>
      %ge3A_1342 = arith.cmpi sge, %iota3A, %ge3A_1341 : vector<16xi32>
      %jit3A_1343 = arith.constant 0.000000e+00 : f32
      %broadcast_in_dim3A_1344 = vector.broadcast %jit3A_1343 : f32 to vector<16xf32>
      %select_n3A_1345 = arith.select %ge3A_1342, %unpack3A_1332, %broadcast_in_dim3A_1344 : vector<16xi1>, vector<16xf32>
      %add3A_1346 = arith.addf %scan3A_1326#1, %select_n3A_1345 : vector<16xf32>
      %reduce_sum3A_1347 = arith.constant true
      %reduce_sum3A_1348 = vector.broadcast %reduce_sum3A_1347 : i1 to vector<16xi1>
      %reduce_sum3A_1349 = tpu.scan <sum>, %add3A_1339 masked %reduce_sum3A_1348 : vector<16xf32>, vector<16xi1> -> vector<16xf32>
      %reduce_sum3A_1350 = vector.extract %reduce_sum3A_1349[15] : f32 from vector<16xf32>
      %mul3A_1351 = arith.mulf %reduce_sum3A_1350, %scan3A_22 : f32
      %add3A_1352 = arith.addf %mul3A_1351, %squeeze3A : f32
      %reduce_sum3A_1353 = arith.constant true
      %reduce_sum3A_1354 = vector.broadcast %reduce_sum3A_1353 : i1 to vector<16xi1>
      %reduce_sum3A_1355 = tpu.scan <sum>, %add3A_1346 masked %reduce_sum3A_1354 : vector<16xf32>, vector<16xi1> -> vector<16xf32>
      %reduce_sum3A_1356 = vector.extract %reduce_sum3A_1355[15] : f32 from vector<16xf32>
      %mul3A_1357 = arith.mulf %reduce_sum3A_1356, %scan3A_22 : f32
      %add3A_1358 = arith.addf %mul3A_1357, %squeeze3A_3 : f32
      %eq3A_1359 = arith.constant 8 : i32
      %eq3A_1360 = vector.broadcast %eq3A_1359 : i32 to vector<16xi32>
      %eq3A_1361 = arith.cmpi eq, %iota3A, %eq3A_1360 : vector<16xi32>
      %broadcast_in_dim3A_1362 = vector.broadcast %add3A_1352 : f32 to vector<16xf32>
      %select_n3A_1363 = arith.select %eq3A_1361, %broadcast_in_dim3A_1362, %select_n3A_1314 : vector<16xi1>, vector<16xf32>
      %eq3A_1364 = arith.constant 8 : i32
      %eq3A_1365 = vector.broadcast %eq3A_1364 : i32 to vector<16xi32>
      %eq3A_1366 = arith.cmpi eq, %iota3A, %eq3A_1365 : vector<16xi32>
      %broadcast_in_dim3A_1367 = vector.broadcast %add3A_1358 : f32 to vector<16xf32>
      %select_n3A_1368 = arith.select %eq3A_1366, %broadcast_in_dim3A_1367, %select_n3A_1319 : vector<16xi1>, vector<16xf32>
      %broadcast_in_dim3A_1369 = arith.constant 0.000000e+00 : f32
      %broadcast_in_dim3A_1370 = vector.broadcast %broadcast_in_dim3A_1369 : f32 to vector<16xf32>
      %scan3A_1371 = arith.constant 0 : i32
      %scan3A_1372 = arith.constant 12 : i32
      %scan3A_1373 = arith.addi %scan3A_1371, %scan3A_1372 : i32
      %scan3A_1374 = arith.constant 1 : i32
      %scan3A_1375:2 = scf.for %scan3A_1722 = %scan3A_1371 to %scan3A_1373 step %scan3A_1374 iter_args(%scan3A_1723 = %broadcast_in_dim3A_1370, %scan3A_1724 = %broadcast_in_dim3A_1370) -> (vector<16xf32>, vector<16xf32>)  : i32 {
        %mul3A_1725 = arith.constant 16 : i32
        %mul3A_1726 = arith.muli %scan3A_1722, %mul3A_1725 : i32
        %add3A_1727 = arith.constant 1800 : i32
        %add3A_1728 = arith.addi %add3A_1727, %mul3A_1726 : i32
        %get3A_1729 = arith.index_cast %add3A_1728 : i32 to index
        %get3A_1730 = tpu.vector_load %arg8[%get3A_1729] {strides = array<i32>} : memref<3200xi32, #tpu.memory_space<vmem>>, vector<16xi32>,
        %bitcast3A_1731 = vector.bitcast %get3A_1730 : vector<16xi32> to vector<32xbf16>
        %unpack3A_1732 = tpu.unpack_subelements %bitcast3A_1731, 0 {pack_format = #tpu.pack_format<interleaved>} : vector<32xbf16> -> vector<16xf32>
        %unpack3A_1733 = tpu.unpack_subelements %bitcast3A_1731, 1 {pack_format = #tpu.pack_format<interleaved>} : vector<32xbf16> -> vector<16xf32>
        %add3A_1734 = arith.addf %scan3A_1723, %unpack3A_1732 : vector<16xf32>
        %add3A_1735 = arith.addf %scan3A_1724, %unpack3A_1733 : vector<16xf32>
        scf.yield %add3A_1734, %add3A_1735 : vector<16xf32>, vector<16xf32>
      }
      %scan3A_1376 = arith.constant 12 : i32
      %get3A_1377 = arith.constant 1984 : index
      %get3A_1378 = tpu.vector_load %arg8[%get3A_1377] {strides = array<i32>} : memref<3200xi32, #tpu.memory_space<vmem>>, vector<16xi32>,
      %bitcast3A_1379 = vector.bitcast %get3A_1378 : vector<16xi32> to vector<32xbf16>
      %unpack3A_1380 = tpu.unpack_subelements %bitcast3A_1379, 0 {pack_format = #tpu.pack_format<interleaved>} : vector<32xbf16> -> vector<16xf32>
      %unpack3A_1381 = tpu.unpack_subelements %bitcast3A_1379, 1 {pack_format = #tpu.pack_format<interleaved>} : vector<32xbf16> -> vector<16xf32>
      %ge3A_1382 = arith.constant 8 : i32
      %ge3A_1383 = vector.broadcast %ge3A_1382 : i32 to vector<16xi32>
      %ge3A_1384 = arith.cmpi sge, %iota3A, %ge3A_1383 : vector<16xi32>
      %jit3A_1385 = arith.constant 0.000000e+00 : f32
      %broadcast_in_dim3A_1386 = vector.broadcast %jit3A_1385 : f32 to vector<16xf32>
      %select_n3A_1387 = arith.select %ge3A_1384, %unpack3A_1380, %broadcast_in_dim3A_1386 : vector<16xi1>, vector<16xf32>
      %add3A_1388 = arith.addf %scan3A_1375#0, %select_n3A_1387 : vector<16xf32>
      %ge3A_1389 = arith.constant 8 : i32
      %ge3A_1390 = vector.broadcast %ge3A_1389 : i32 to vector<16xi32>
      %ge3A_1391 = arith.cmpi sge, %iota3A, %ge3A_1390 : vector<16xi32>
      %jit3A_1392 = arith.constant 0.000000e+00 : f32
      %broadcast_in_dim3A_1393 = vector.broadcast %jit3A_1392 : f32 to vector<16xf32>
      %select_n3A_1394 = arith.select %ge3A_1391, %unpack3A_1381, %broadcast_in_dim3A_1393 : vector<16xi1>, vector<16xf32>
      %add3A_1395 = arith.addf %scan3A_1375#1, %select_n3A_1394 : vector<16xf32>
      %reduce_sum3A_1396 = arith.constant true
      %reduce_sum3A_1397 = vector.broadcast %reduce_sum3A_1396 : i1 to vector<16xi1>
      %reduce_sum3A_1398 = tpu.scan <sum>, %add3A_1388 masked %reduce_sum3A_1397 : vector<16xf32>, vector<16xi1> -> vector<16xf32>
      %reduce_sum3A_1399 = vector.extract %reduce_sum3A_1398[15] : f32 from vector<16xf32>
      %mul3A_1400 = arith.mulf %reduce_sum3A_1399, %scan3A_22 : f32
      %add3A_1401 = arith.addf %mul3A_1400, %squeeze3A : f32
      %reduce_sum3A_1402 = arith.constant true
      %reduce_sum3A_1403 = vector.broadcast %reduce_sum3A_1402 : i1 to vector<16xi1>
      %reduce_sum3A_1404 = tpu.scan <sum>, %add3A_1395 masked %reduce_sum3A_1403 : vector<16xf32>, vector<16xi1> -> vector<16xf32>
      %reduce_sum3A_1405 = vector.extract %reduce_sum3A_1404[15] : f32 from vector<16xf32>
      %mul3A_1406 = arith.mulf %reduce_sum3A_1405, %scan3A_22 : f32
      %add3A_1407 = arith.addf %mul3A_1406, %squeeze3A_3 : f32
      %eq3A_1408 = arith.constant 9 : i32
      %eq3A_1409 = vector.broadcast %eq3A_1408 : i32 to vector<16xi32>
      %eq3A_1410 = arith.cmpi eq, %iota3A, %eq3A_1409 : vector<16xi32>
      %broadcast_in_dim3A_1411 = vector.broadcast %add3A_1401 : f32 to vector<16xf32>
      %select_n3A_1412 = arith.select %eq3A_1410, %broadcast_in_dim3A_1411, %select_n3A_1363 : vector<16xi1>, vector<16xf32>
      %eq3A_1413 = arith.constant 9 : i32
      %eq3A_1414 = vector.broadcast %eq3A_1413 : i32 to vector<16xi32>
      %eq3A_1415 = arith.cmpi eq, %iota3A, %eq3A_1414 : vector<16xi32>
      %broadcast_in_dim3A_1416 = vector.broadcast %add3A_1407 : f32 to vector<16xf32>
      %select_n3A_1417 = arith.select %eq3A_1415, %broadcast_in_dim3A_1416, %select_n3A_1368 : vector<16xi1>, vector<16xf32>
      %broadcast_in_dim3A_1418 = arith.constant 0.000000e+00 : f32
      %broadcast_in_dim3A_1419 = vector.broadcast %broadcast_in_dim3A_1418 : f32 to vector<16xf32>
      %scan3A_1420 = arith.constant 0 : i32
      %scan3A_1421 = arith.constant 12 : i32
      %scan3A_1422 = arith.addi %scan3A_1420, %scan3A_1421 : i32
      %scan3A_1423 = arith.constant 1 : i32
      %scan3A_1424:2 = scf.for %scan3A_1722 = %scan3A_1420 to %scan3A_1422 step %scan3A_1423 iter_args(%scan3A_1723 = %broadcast_in_dim3A_1419, %scan3A_1724 = %broadcast_in_dim3A_1419) -> (vector<16xf32>, vector<16xf32>)  : i32 {
        %mul3A_1725 = arith.constant 16 : i32
        %mul3A_1726 = arith.muli %scan3A_1722, %mul3A_1725 : i32
        %add3A_1727 = arith.constant 2000 : i32
        %add3A_1728 = arith.addi %add3A_1727, %mul3A_1726 : i32
        %get3A_1729 = arith.index_cast %add3A_1728 : i32 to index
        %get3A_1730 = tpu.vector_load %arg8[%get3A_1729] {strides = array<i32>} : memref<3200xi32, #tpu.memory_space<vmem>>, vector<16xi32>,
        %bitcast3A_1731 = vector.bitcast %get3A_1730 : vector<16xi32> to vector<32xbf16>
        %unpack3A_1732 = tpu.unpack_subelements %bitcast3A_1731, 0 {pack_format = #tpu.pack_format<interleaved>} : vector<32xbf16> -> vector<16xf32>
        %unpack3A_1733 = tpu.unpack_subelements %bitcast3A_1731, 1 {pack_format = #tpu.pack_format<interleaved>} : vector<32xbf16> -> vector<16xf32>
        %add3A_1734 = arith.addf %scan3A_1723, %unpack3A_1732 : vector<16xf32>
        %add3A_1735 = arith.addf %scan3A_1724, %unpack3A_1733 : vector<16xf32>
        scf.yield %add3A_1734, %add3A_1735 : vector<16xf32>, vector<16xf32>
      }
      %scan3A_1425 = arith.constant 12 : i32
      %get3A_1426 = arith.constant 2184 : index
      %get3A_1427 = tpu.vector_load %arg8[%get3A_1426] {strides = array<i32>} : memref<3200xi32, #tpu.memory_space<vmem>>, vector<16xi32>,
      %bitcast3A_1428 = vector.bitcast %get3A_1427 : vector<16xi32> to vector<32xbf16>
      %unpack3A_1429 = tpu.unpack_subelements %bitcast3A_1428, 0 {pack_format = #tpu.pack_format<interleaved>} : vector<32xbf16> -> vector<16xf32>
      %unpack3A_1430 = tpu.unpack_subelements %bitcast3A_1428, 1 {pack_format = #tpu.pack_format<interleaved>} : vector<32xbf16> -> vector<16xf32>
      %ge3A_1431 = arith.constant 8 : i32
      %ge3A_1432 = vector.broadcast %ge3A_1431 : i32 to vector<16xi32>
      %ge3A_1433 = arith.cmpi sge, %iota3A, %ge3A_1432 : vector<16xi32>
      %jit3A_1434 = arith.constant 0.000000e+00 : f32
      %broadcast_in_dim3A_1435 = vector.broadcast %jit3A_1434 : f32 to vector<16xf32>
      %select_n3A_1436 = arith.select %ge3A_1433, %unpack3A_1429, %broadcast_in_dim3A_1435 : vector<16xi1>, vector<16xf32>
      %add3A_1437 = arith.addf %scan3A_1424#0, %select_n3A_1436 : vector<16xf32>
      %ge3A_1438 = arith.constant 8 : i32
      %ge3A_1439 = vector.broadcast %ge3A_1438 : i32 to vector<16xi32>
      %ge3A_1440 = arith.cmpi sge, %iota3A, %ge3A_1439 : vector<16xi32>
      %jit3A_1441 = arith.constant 0.000000e+00 : f32
      %broadcast_in_dim3A_1442 = vector.broadcast %jit3A_1441 : f32 to vector<16xf32>
      %select_n3A_1443 = arith.select %ge3A_1440, %unpack3A_1430, %broadcast_in_dim3A_1442 : vector<16xi1>, vector<16xf32>
      %add3A_1444 = arith.addf %scan3A_1424#1, %select_n3A_1443 : vector<16xf32>
      %reduce_sum3A_1445 = arith.constant true
      %reduce_sum3A_1446 = vector.broadcast %reduce_sum3A_1445 : i1 to vector<16xi1>
      %reduce_sum3A_1447 = tpu.scan <sum>, %add3A_1437 masked %reduce_sum3A_1446 : vector<16xf32>, vector<16xi1> -> vector<16xf32>
      %reduce_sum3A_1448 = vector.extract %reduce_sum3A_1447[15] : f32 from vector<16xf32>
      %mul3A_1449 = arith.mulf %reduce_sum3A_1448, %scan3A_22 : f32
      %add3A_1450 = arith.addf %mul3A_1449, %squeeze3A : f32
      %reduce_sum3A_1451 = arith.constant true
      %reduce_sum3A_1452 = vector.broadcast %reduce_sum3A_1451 : i1 to vector<16xi1>
      %reduce_sum3A_1453 = tpu.scan <sum>, %add3A_1444 masked %reduce_sum3A_1452 : vector<16xf32>, vector<16xi1> -> vector<16xf32>
      %reduce_sum3A_1454 = vector.extract %reduce_sum3A_1453[15] : f32 from vector<16xf32>
      %mul3A_1455 = arith.mulf %reduce_sum3A_1454, %scan3A_22 : f32
      %add3A_1456 = arith.addf %mul3A_1455, %squeeze3A_3 : f32
      %eq3A_1457 = arith.constant 10 : i32
      %eq3A_1458 = vector.broadcast %eq3A_1457 : i32 to vector<16xi32>
      %eq3A_1459 = arith.cmpi eq, %iota3A, %eq3A_1458 : vector<16xi32>
      %broadcast_in_dim3A_1460 = vector.broadcast %add3A_1450 : f32 to vector<16xf32>
      %select_n3A_1461 = arith.select %eq3A_1459, %broadcast_in_dim3A_1460, %select_n3A_1412 : vector<16xi1>, vector<16xf32>
      %eq3A_1462 = arith.constant 10 : i32
      %eq3A_1463 = vector.broadcast %eq3A_1462 : i32 to vector<16xi32>
      %eq3A_1464 = arith.cmpi eq, %iota3A, %eq3A_1463 : vector<16xi32>
      %broadcast_in_dim3A_1465 = vector.broadcast %add3A_1456 : f32 to vector<16xf32>
      %select_n3A_1466 = arith.select %eq3A_1464, %broadcast_in_dim3A_1465, %select_n3A_1417 : vector<16xi1>, vector<16xf32>
      %broadcast_in_dim3A_1467 = arith.constant 0.000000e+00 : f32
      %broadcast_in_dim3A_1468 = vector.broadcast %broadcast_in_dim3A_1467 : f32 to vector<16xf32>
      %scan3A_1469 = arith.constant 0 : i32
      %scan3A_1470 = arith.constant 12 : i32
      %scan3A_1471 = arith.addi %scan3A_1469, %scan3A_1470 : i32
      %scan3A_1472 = arith.constant 1 : i32
      %scan3A_1473:2 = scf.for %scan3A_1722 = %scan3A_1469 to %scan3A_1471 step %scan3A_1472 iter_args(%scan3A_1723 = %broadcast_in_dim3A_1468, %scan3A_1724 = %broadcast_in_dim3A_1468) -> (vector<16xf32>, vector<16xf32>)  : i32 {
        %mul3A_1725 = arith.constant 16 : i32
        %mul3A_1726 = arith.muli %scan3A_1722, %mul3A_1725 : i32
        %add3A_1727 = arith.constant 2200 : i32
        %add3A_1728 = arith.addi %add3A_1727, %mul3A_1726 : i32
        %get3A_1729 = arith.index_cast %add3A_1728 : i32 to index
        %get3A_1730 = tpu.vector_load %arg8[%get3A_1729] {strides = array<i32>} : memref<3200xi32, #tpu.memory_space<vmem>>, vector<16xi32>,
        %bitcast3A_1731 = vector.bitcast %get3A_1730 : vector<16xi32> to vector<32xbf16>
        %unpack3A_1732 = tpu.unpack_subelements %bitcast3A_1731, 0 {pack_format = #tpu.pack_format<interleaved>} : vector<32xbf16> -> vector<16xf32>
        %unpack3A_1733 = tpu.unpack_subelements %bitcast3A_1731, 1 {pack_format = #tpu.pack_format<interleaved>} : vector<32xbf16> -> vector<16xf32>
        %add3A_1734 = arith.addf %scan3A_1723, %unpack3A_1732 : vector<16xf32>
        %add3A_1735 = arith.addf %scan3A_1724, %unpack3A_1733 : vector<16xf32>
        scf.yield %add3A_1734, %add3A_1735 : vector<16xf32>, vector<16xf32>
      }
      %scan3A_1474 = arith.constant 12 : i32
      %get3A_1475 = arith.constant 2384 : index
      %get3A_1476 = tpu.vector_load %arg8[%get3A_1475] {strides = array<i32>} : memref<3200xi32, #tpu.memory_space<vmem>>, vector<16xi32>,
      %bitcast3A_1477 = vector.bitcast %get3A_1476 : vector<16xi32> to vector<32xbf16>
      %unpack3A_1478 = tpu.unpack_subelements %bitcast3A_1477, 0 {pack_format = #tpu.pack_format<interleaved>} : vector<32xbf16> -> vector<16xf32>
      %unpack3A_1479 = tpu.unpack_subelements %bitcast3A_1477, 1 {pack_format = #tpu.pack_format<interleaved>} : vector<32xbf16> -> vector<16xf32>
      %ge3A_1480 = arith.constant 8 : i32
      %ge3A_1481 = vector.broadcast %ge3A_1480 : i32 to vector<16xi32>
      %ge3A_1482 = arith.cmpi sge, %iota3A, %ge3A_1481 : vector<16xi32>
      %jit3A_1483 = arith.constant 0.000000e+00 : f32
      %broadcast_in_dim3A_1484 = vector.broadcast %jit3A_1483 : f32 to vector<16xf32>
      %select_n3A_1485 = arith.select %ge3A_1482, %unpack3A_1478, %broadcast_in_dim3A_1484 : vector<16xi1>, vector<16xf32>
      %add3A_1486 = arith.addf %scan3A_1473#0, %select_n3A_1485 : vector<16xf32>
      %ge3A_1487 = arith.constant 8 : i32
      %ge3A_1488 = vector.broadcast %ge3A_1487 : i32 to vector<16xi32>
      %ge3A_1489 = arith.cmpi sge, %iota3A, %ge3A_1488 : vector<16xi32>
      %jit3A_1490 = arith.constant 0.000000e+00 : f32
      %broadcast_in_dim3A_1491 = vector.broadcast %jit3A_1490 : f32 to vector<16xf32>
      %select_n3A_1492 = arith.select %ge3A_1489, %unpack3A_1479, %broadcast_in_dim3A_1491 : vector<16xi1>, vector<16xf32>
      %add3A_1493 = arith.addf %scan3A_1473#1, %select_n3A_1492 : vector<16xf32>
      %reduce_sum3A_1494 = arith.constant true
      %reduce_sum3A_1495 = vector.broadcast %reduce_sum3A_1494 : i1 to vector<16xi1>
      %reduce_sum3A_1496 = tpu.scan <sum>, %add3A_1486 masked %reduce_sum3A_1495 : vector<16xf32>, vector<16xi1> -> vector<16xf32>
      %reduce_sum3A_1497 = vector.extract %reduce_sum3A_1496[15] : f32 from vector<16xf32>
      %mul3A_1498 = arith.mulf %reduce_sum3A_1497, %scan3A_22 : f32
      %add3A_1499 = arith.addf %mul3A_1498, %squeeze3A : f32
      %reduce_sum3A_1500 = arith.constant true
      %reduce_sum3A_1501 = vector.broadcast %reduce_sum3A_1500 : i1 to vector<16xi1>
      %reduce_sum3A_1502 = tpu.scan <sum>, %add3A_1493 masked %reduce_sum3A_1501 : vector<16xf32>, vector<16xi1> -> vector<16xf32>
      %reduce_sum3A_1503 = vector.extract %reduce_sum3A_1502[15] : f32 from vector<16xf32>
      %mul3A_1504 = arith.mulf %reduce_sum3A_1503, %scan3A_22 : f32
      %add3A_1505 = arith.addf %mul3A_1504, %squeeze3A_3 : f32
      %eq3A_1506 = arith.constant 11 : i32
      %eq3A_1507 = vector.broadcast %eq3A_1506 : i32 to vector<16xi32>
      %eq3A_1508 = arith.cmpi eq, %iota3A, %eq3A_1507 : vector<16xi32>
      %broadcast_in_dim3A_1509 = vector.broadcast %add3A_1499 : f32 to vector<16xf32>
      %select_n3A_1510 = arith.select %eq3A_1508, %broadcast_in_dim3A_1509, %select_n3A_1461 : vector<16xi1>, vector<16xf32>
      %eq3A_1511 = arith.constant 11 : i32
      %eq3A_1512 = vector.broadcast %eq3A_1511 : i32 to vector<16xi32>
      %eq3A_1513 = arith.cmpi eq, %iota3A, %eq3A_1512 : vector<16xi32>
      %broadcast_in_dim3A_1514 = vector.broadcast %add3A_1505 : f32 to vector<16xf32>
      %select_n3A_1515 = arith.select %eq3A_1513, %broadcast_in_dim3A_1514, %select_n3A_1466 : vector<16xi1>, vector<16xf32>
      %broadcast_in_dim3A_1516 = arith.constant 0.000000e+00 : f32
      %broadcast_in_dim3A_1517 = vector.broadcast %broadcast_in_dim3A_1516 : f32 to vector<16xf32>
      %scan3A_1518 = arith.constant 0 : i32
      %scan3A_1519 = arith.constant 12 : i32
      %scan3A_1520 = arith.addi %scan3A_1518, %scan3A_1519 : i32
      %scan3A_1521 = arith.constant 1 : i32
      %scan3A_1522:2 = scf.for %scan3A_1722 = %scan3A_1518 to %scan3A_1520 step %scan3A_1521 iter_args(%scan3A_1723 = %broadcast_in_dim3A_1517, %scan3A_1724 = %broadcast_in_dim3A_1517) -> (vector<16xf32>, vector<16xf32>)  : i32 {
        %mul3A_1725 = arith.constant 16 : i32
        %mul3A_1726 = arith.muli %scan3A_1722, %mul3A_1725 : i32
        %add3A_1727 = arith.constant 2400 : i32
        %add3A_1728 = arith.addi %add3A_1727, %mul3A_1726 : i32
        %get3A_1729 = arith.index_cast %add3A_1728 : i32 to index
        %get3A_1730 = tpu.vector_load %arg8[%get3A_1729] {strides = array<i32>} : memref<3200xi32, #tpu.memory_space<vmem>>, vector<16xi32>,
        %bitcast3A_1731 = vector.bitcast %get3A_1730 : vector<16xi32> to vector<32xbf16>
        %unpack3A_1732 = tpu.unpack_subelements %bitcast3A_1731, 0 {pack_format = #tpu.pack_format<interleaved>} : vector<32xbf16> -> vector<16xf32>
        %unpack3A_1733 = tpu.unpack_subelements %bitcast3A_1731, 1 {pack_format = #tpu.pack_format<interleaved>} : vector<32xbf16> -> vector<16xf32>
        %add3A_1734 = arith.addf %scan3A_1723, %unpack3A_1732 : vector<16xf32>
        %add3A_1735 = arith.addf %scan3A_1724, %unpack3A_1733 : vector<16xf32>
        scf.yield %add3A_1734, %add3A_1735 : vector<16xf32>, vector<16xf32>
      }
      %scan3A_1523 = arith.constant 12 : i32
      %get3A_1524 = arith.constant 2584 : index
      %get3A_1525 = tpu.vector_load %arg8[%get3A_1524] {strides = array<i32>} : memref<3200xi32, #tpu.memory_space<vmem>>, vector<16xi32>,
      %bitcast3A_1526 = vector.bitcast %get3A_1525 : vector<16xi32> to vector<32xbf16>
      %unpack3A_1527 = tpu.unpack_subelements %bitcast3A_1526, 0 {pack_format = #tpu.pack_format<interleaved>} : vector<32xbf16> -> vector<16xf32>
      %unpack3A_1528 = tpu.unpack_subelements %bitcast3A_1526, 1 {pack_format = #tpu.pack_format<interleaved>} : vector<32xbf16> -> vector<16xf32>
      %ge3A_1529 = arith.constant 8 : i32
      %ge3A_1530 = vector.broadcast %ge3A_1529 : i32 to vector<16xi32>
      %ge3A_1531 = arith.cmpi sge, %iota3A, %ge3A_1530 : vector<16xi32>
      %jit3A_1532 = arith.constant 0.000000e+00 : f32
      %broadcast_in_dim3A_1533 = vector.broadcast %jit3A_1532 : f32 to vector<16xf32>
      %select_n3A_1534 = arith.select %ge3A_1531, %unpack3A_1527, %broadcast_in_dim3A_1533 : vector<16xi1>, vector<16xf32>
      %add3A_1535 = arith.addf %scan3A_1522#0, %select_n3A_1534 : vector<16xf32>
      %ge3A_1536 = arith.constant 8 : i32
      %ge3A_1537 = vector.broadcast %ge3A_1536 : i32 to vector<16xi32>
      %ge3A_1538 = arith.cmpi sge, %iota3A, %ge3A_1537 : vector<16xi32>
      %jit3A_1539 = arith.constant 0.000000e+00 : f32
      %broadcast_in_dim3A_1540 = vector.broadcast %jit3A_1539 : f32 to vector<16xf32>
      %select_n3A_1541 = arith.select %ge3A_1538, %unpack3A_1528, %broadcast_in_dim3A_1540 : vector<16xi1>, vector<16xf32>
      %add3A_1542 = arith.addf %scan3A_1522#1, %select_n3A_1541 : vector<16xf32>
      %reduce_sum3A_1543 = arith.constant true
      %reduce_sum3A_1544 = vector.broadcast %reduce_sum3A_1543 : i1 to vector<16xi1>
      %reduce_sum3A_1545 = tpu.scan <sum>, %add3A_1535 masked %reduce_sum3A_1544 : vector<16xf32>, vector<16xi1> -> vector<16xf32>
      %reduce_sum3A_1546 = vector.extract %reduce_sum3A_1545[15] : f32 from vector<16xf32>
      %mul3A_1547 = arith.mulf %reduce_sum3A_1546, %scan3A_22 : f32
      %add3A_1548 = arith.addf %mul3A_1547, %squeeze3A : f32
      %reduce_sum3A_1549 = arith.constant true
      %reduce_sum3A_1550 = vector.broadcast %reduce_sum3A_1549 : i1 to vector<16xi1>
      %reduce_sum3A_1551 = tpu.scan <sum>, %add3A_1542 masked %reduce_sum3A_1550 : vector<16xf32>, vector<16xi1> -> vector<16xf32>
      %reduce_sum3A_1552 = vector.extract %reduce_sum3A_1551[15] : f32 from vector<16xf32>
      %mul3A_1553 = arith.mulf %reduce_sum3A_1552, %scan3A_22 : f32
      %add3A_1554 = arith.addf %mul3A_1553, %squeeze3A_3 : f32
      %eq3A_1555 = arith.constant 12 : i32
      %eq3A_1556 = vector.broadcast %eq3A_1555 : i32 to vector<16xi32>
      %eq3A_1557 = arith.cmpi eq, %iota3A, %eq3A_1556 : vector<16xi32>
      %broadcast_in_dim3A_1558 = vector.broadcast %add3A_1548 : f32 to vector<16xf32>
      %select_n3A_1559 = arith.select %eq3A_1557, %broadcast_in_dim3A_1558, %select_n3A_1510 : vector<16xi1>, vector<16xf32>
      %eq3A_1560 = arith.constant 12 : i32
      %eq3A_1561 = vector.broadcast %eq3A_1560 : i32 to vector<16xi32>
      %eq3A_1562 = arith.cmpi eq, %iota3A, %eq3A_1561 : vector<16xi32>
      %broadcast_in_dim3A_1563 = vector.broadcast %add3A_1554 : f32 to vector<16xf32>
      %select_n3A_1564 = arith.select %eq3A_1562, %broadcast_in_dim3A_1563, %select_n3A_1515 : vector<16xi1>, vector<16xf32>
      %broadcast_in_dim3A_1565 = arith.constant 0.000000e+00 : f32
      %broadcast_in_dim3A_1566 = vector.broadcast %broadcast_in_dim3A_1565 : f32 to vector<16xf32>
      %scan3A_1567 = arith.constant 0 : i32
      %scan3A_1568 = arith.constant 12 : i32
      %scan3A_1569 = arith.addi %scan3A_1567, %scan3A_1568 : i32
      %scan3A_1570 = arith.constant 1 : i32
      %scan3A_1571:2 = scf.for %scan3A_1722 = %scan3A_1567 to %scan3A_1569 step %scan3A_1570 iter_args(%scan3A_1723 = %broadcast_in_dim3A_1566, %scan3A_1724 = %broadcast_in_dim3A_1566) -> (vector<16xf32>, vector<16xf32>)  : i32 {
        %mul3A_1725 = arith.constant 16 : i32
        %mul3A_1726 = arith.muli %scan3A_1722, %mul3A_1725 : i32
        %add3A_1727 = arith.constant 2600 : i32
        %add3A_1728 = arith.addi %add3A_1727, %mul3A_1726 : i32
        %get3A_1729 = arith.index_cast %add3A_1728 : i32 to index
        %get3A_1730 = tpu.vector_load %arg8[%get3A_1729] {strides = array<i32>} : memref<3200xi32, #tpu.memory_space<vmem>>, vector<16xi32>,
        %bitcast3A_1731 = vector.bitcast %get3A_1730 : vector<16xi32> to vector<32xbf16>
        %unpack3A_1732 = tpu.unpack_subelements %bitcast3A_1731, 0 {pack_format = #tpu.pack_format<interleaved>} : vector<32xbf16> -> vector<16xf32>
        %unpack3A_1733 = tpu.unpack_subelements %bitcast3A_1731, 1 {pack_format = #tpu.pack_format<interleaved>} : vector<32xbf16> -> vector<16xf32>
        %add3A_1734 = arith.addf %scan3A_1723, %unpack3A_1732 : vector<16xf32>
        %add3A_1735 = arith.addf %scan3A_1724, %unpack3A_1733 : vector<16xf32>
        scf.yield %add3A_1734, %add3A_1735 : vector<16xf32>, vector<16xf32>
      }
      %scan3A_1572 = arith.constant 12 : i32
      %get3A_1573 = arith.constant 2784 : index
      %get3A_1574 = tpu.vector_load %arg8[%get3A_1573] {strides = array<i32>} : memref<3200xi32, #tpu.memory_space<vmem>>, vector<16xi32>,
      %bitcast3A_1575 = vector.bitcast %get3A_1574 : vector<16xi32> to vector<32xbf16>
      %unpack3A_1576 = tpu.unpack_subelements %bitcast3A_1575, 0 {pack_format = #tpu.pack_format<interleaved>} : vector<32xbf16> -> vector<16xf32>
      %unpack3A_1577 = tpu.unpack_subelements %bitcast3A_1575, 1 {pack_format = #tpu.pack_format<interleaved>} : vector<32xbf16> -> vector<16xf32>
      %ge3A_1578 = arith.constant 8 : i32
      %ge3A_1579 = vector.broadcast %ge3A_1578 : i32 to vector<16xi32>
      %ge3A_1580 = arith.cmpi sge, %iota3A, %ge3A_1579 : vector<16xi32>
      %jit3A_1581 = arith.constant 0.000000e+00 : f32
      %broadcast_in_dim3A_1582 = vector.broadcast %jit3A_1581 : f32 to vector<16xf32>
      %select_n3A_1583 = arith.select %ge3A_1580, %unpack3A_1576, %broadcast_in_dim3A_1582 : vector<16xi1>, vector<16xf32>
      %add3A_1584 = arith.addf %scan3A_1571#0, %select_n3A_1583 : vector<16xf32>
      %ge3A_1585 = arith.constant 8 : i32
      %ge3A_1586 = vector.broadcast %ge3A_1585 : i32 to vector<16xi32>
      %ge3A_1587 = arith.cmpi sge, %iota3A, %ge3A_1586 : vector<16xi32>
      %jit3A_1588 = arith.constant 0.000000e+00 : f32
      %broadcast_in_dim3A_1589 = vector.broadcast %jit3A_1588 : f32 to vector<16xf32>
      %select_n3A_1590 = arith.select %ge3A_1587, %unpack3A_1577, %broadcast_in_dim3A_1589 : vector<16xi1>, vector<16xf32>
      %add3A_1591 = arith.addf %scan3A_1571#1, %select_n3A_1590 : vector<16xf32>
      %reduce_sum3A_1592 = arith.constant true
      %reduce_sum3A_1593 = vector.broadcast %reduce_sum3A_1592 : i1 to vector<16xi1>
      %reduce_sum3A_1594 = tpu.scan <sum>, %add3A_1584 masked %reduce_sum3A_1593 : vector<16xf32>, vector<16xi1> -> vector<16xf32>
      %reduce_sum3A_1595 = vector.extract %reduce_sum3A_1594[15] : f32 from vector<16xf32>
      %mul3A_1596 = arith.mulf %reduce_sum3A_1595, %scan3A_22 : f32
      %add3A_1597 = arith.addf %mul3A_1596, %squeeze3A : f32
      %reduce_sum3A_1598 = arith.constant true
      %reduce_sum3A_1599 = vector.broadcast %reduce_sum3A_1598 : i1 to vector<16xi1>
      %reduce_sum3A_1600 = tpu.scan <sum>, %add3A_1591 masked %reduce_sum3A_1599 : vector<16xf32>, vector<16xi1> -> vector<16xf32>
      %reduce_sum3A_1601 = vector.extract %reduce_sum3A_1600[15] : f32 from vector<16xf32>
      %mul3A_1602 = arith.mulf %reduce_sum3A_1601, %scan3A_22 : f32
      %add3A_1603 = arith.addf %mul3A_1602, %squeeze3A_3 : f32
      %eq3A_1604 = arith.constant 13 : i32
      %eq3A_1605 = vector.broadcast %eq3A_1604 : i32 to vector<16xi32>
      %eq3A_1606 = arith.cmpi eq, %iota3A, %eq3A_1605 : vector<16xi32>
      %broadcast_in_dim3A_1607 = vector.broadcast %add3A_1597 : f32 to vector<16xf32>
      %select_n3A_1608 = arith.select %eq3A_1606, %broadcast_in_dim3A_1607, %select_n3A_1559 : vector<16xi1>, vector<16xf32>
      %eq3A_1609 = arith.constant 13 : i32
      %eq3A_1610 = vector.broadcast %eq3A_1609 : i32 to vector<16xi32>
      %eq3A_1611 = arith.cmpi eq, %iota3A, %eq3A_1610 : vector<16xi32>
      %broadcast_in_dim3A_1612 = vector.broadcast %add3A_1603 : f32 to vector<16xf32>
      %select_n3A_1613 = arith.select %eq3A_1611, %broadcast_in_dim3A_1612, %select_n3A_1564 : vector<16xi1>, vector<16xf32>
      %broadcast_in_dim3A_1614 = arith.constant 0.000000e+00 : f32
      %broadcast_in_dim3A_1615 = vector.broadcast %broadcast_in_dim3A_1614 : f32 to vector<16xf32>
      %scan3A_1616 = arith.constant 0 : i32
      %scan3A_1617 = arith.constant 12 : i32
      %scan3A_1618 = arith.addi %scan3A_1616, %scan3A_1617 : i32
      %scan3A_1619 = arith.constant 1 : i32
      %scan3A_1620:2 = scf.for %scan3A_1722 = %scan3A_1616 to %scan3A_1618 step %scan3A_1619 iter_args(%scan3A_1723 = %broadcast_in_dim3A_1615, %scan3A_1724 = %broadcast_in_dim3A_1615) -> (vector<16xf32>, vector<16xf32>)  : i32 {
        %mul3A_1725 = arith.constant 16 : i32
        %mul3A_1726 = arith.muli %scan3A_1722, %mul3A_1725 : i32
        %add3A_1727 = arith.constant 2800 : i32
        %add3A_1728 = arith.addi %add3A_1727, %mul3A_1726 : i32
        %get3A_1729 = arith.index_cast %add3A_1728 : i32 to index
        %get3A_1730 = tpu.vector_load %arg8[%get3A_1729] {strides = array<i32>} : memref<3200xi32, #tpu.memory_space<vmem>>, vector<16xi32>,
        %bitcast3A_1731 = vector.bitcast %get3A_1730 : vector<16xi32> to vector<32xbf16>
        %unpack3A_1732 = tpu.unpack_subelements %bitcast3A_1731, 0 {pack_format = #tpu.pack_format<interleaved>} : vector<32xbf16> -> vector<16xf32>
        %unpack3A_1733 = tpu.unpack_subelements %bitcast3A_1731, 1 {pack_format = #tpu.pack_format<interleaved>} : vector<32xbf16> -> vector<16xf32>
        %add3A_1734 = arith.addf %scan3A_1723, %unpack3A_1732 : vector<16xf32>
        %add3A_1735 = arith.addf %scan3A_1724, %unpack3A_1733 : vector<16xf32>
        scf.yield %add3A_1734, %add3A_1735 : vector<16xf32>, vector<16xf32>
      }
      %scan3A_1621 = arith.constant 12 : i32
      %get3A_1622 = arith.constant 2984 : index
      %get3A_1623 = tpu.vector_load %arg8[%get3A_1622] {strides = array<i32>} : memref<3200xi32, #tpu.memory_space<vmem>>, vector<16xi32>,
      %bitcast3A_1624 = vector.bitcast %get3A_1623 : vector<16xi32> to vector<32xbf16>
      %unpack3A_1625 = tpu.unpack_subelements %bitcast3A_1624, 0 {pack_format = #tpu.pack_format<interleaved>} : vector<32xbf16> -> vector<16xf32>
      %unpack3A_1626 = tpu.unpack_subelements %bitcast3A_1624, 1 {pack_format = #tpu.pack_format<interleaved>} : vector<32xbf16> -> vector<16xf32>
      %ge3A_1627 = arith.constant 8 : i32
      %ge3A_1628 = vector.broadcast %ge3A_1627 : i32 to vector<16xi32>
      %ge3A_1629 = arith.cmpi sge, %iota3A, %ge3A_1628 : vector<16xi32>
      %jit3A_1630 = arith.constant 0.000000e+00 : f32
      %broadcast_in_dim3A_1631 = vector.broadcast %jit3A_1630 : f32 to vector<16xf32>
      %select_n3A_1632 = arith.select %ge3A_1629, %unpack3A_1625, %broadcast_in_dim3A_1631 : vector<16xi1>, vector<16xf32>
      %add3A_1633 = arith.addf %scan3A_1620#0, %select_n3A_1632 : vector<16xf32>
      %ge3A_1634 = arith.constant 8 : i32
      %ge3A_1635 = vector.broadcast %ge3A_1634 : i32 to vector<16xi32>
      %ge3A_1636 = arith.cmpi sge, %iota3A, %ge3A_1635 : vector<16xi32>
      %jit3A_1637 = arith.constant 0.000000e+00 : f32
      %broadcast_in_dim3A_1638 = vector.broadcast %jit3A_1637 : f32 to vector<16xf32>
      %select_n3A_1639 = arith.select %ge3A_1636, %unpack3A_1626, %broadcast_in_dim3A_1638 : vector<16xi1>, vector<16xf32>
      %add3A_1640 = arith.addf %scan3A_1620#1, %select_n3A_1639 : vector<16xf32>
      %reduce_sum3A_1641 = arith.constant true
      %reduce_sum3A_1642 = vector.broadcast %reduce_sum3A_1641 : i1 to vector<16xi1>
      %reduce_sum3A_1643 = tpu.scan <sum>, %add3A_1633 masked %reduce_sum3A_1642 : vector<16xf32>, vector<16xi1> -> vector<16xf32>
      %reduce_sum3A_1644 = vector.extract %reduce_sum3A_1643[15] : f32 from vector<16xf32>
      %mul3A_1645 = arith.mulf %reduce_sum3A_1644, %scan3A_22 : f32
      %add3A_1646 = arith.addf %mul3A_1645, %squeeze3A : f32
      %reduce_sum3A_1647 = arith.constant true
      %reduce_sum3A_1648 = vector.broadcast %reduce_sum3A_1647 : i1 to vector<16xi1>
      %reduce_sum3A_1649 = tpu.scan <sum>, %add3A_1640 masked %reduce_sum3A_1648 : vector<16xf32>, vector<16xi1> -> vector<16xf32>
      %reduce_sum3A_1650 = vector.extract %reduce_sum3A_1649[15] : f32 from vector<16xf32>
      %mul3A_1651 = arith.mulf %reduce_sum3A_1650, %scan3A_22 : f32
      %add3A_1652 = arith.addf %mul3A_1651, %squeeze3A_3 : f32
      %eq3A_1653 = arith.constant 14 : i32
      %eq3A_1654 = vector.broadcast %eq3A_1653 : i32 to vector<16xi32>
      %eq3A_1655 = arith.cmpi eq, %iota3A, %eq3A_1654 : vector<16xi32>
      %broadcast_in_dim3A_1656 = vector.broadcast %add3A_1646 : f32 to vector<16xf32>
      %select_n3A_1657 = arith.select %eq3A_1655, %broadcast_in_dim3A_1656, %select_n3A_1608 : vector<16xi1>, vector<16xf32>
      %eq3A_1658 = arith.constant 14 : i32
      %eq3A_1659 = vector.broadcast %eq3A_1658 : i32 to vector<16xi32>
      %eq3A_1660 = arith.cmpi eq, %iota3A, %eq3A_1659 : vector<16xi32>
      %broadcast_in_dim3A_1661 = vector.broadcast %add3A_1652 : f32 to vector<16xf32>
      %select_n3A_1662 = arith.select %eq3A_1660, %broadcast_in_dim3A_1661, %select_n3A_1613 : vector<16xi1>, vector<16xf32>
      %broadcast_in_dim3A_1663 = arith.constant 0.000000e+00 : f32
      %broadcast_in_dim3A_1664 = vector.broadcast %broadcast_in_dim3A_1663 : f32 to vector<16xf32>
      %scan3A_1665 = arith.constant 0 : i32
      %scan3A_1666 = arith.constant 12 : i32
      %scan3A_1667 = arith.addi %scan3A_1665, %scan3A_1666 : i32
      %scan3A_1668 = arith.constant 1 : i32
      %scan3A_1669:2 = scf.for %scan3A_1722 = %scan3A_1665 to %scan3A_1667 step %scan3A_1668 iter_args(%scan3A_1723 = %broadcast_in_dim3A_1664, %scan3A_1724 = %broadcast_in_dim3A_1664) -> (vector<16xf32>, vector<16xf32>)  : i32 {
        %mul3A_1725 = arith.constant 16 : i32
        %mul3A_1726 = arith.muli %scan3A_1722, %mul3A_1725 : i32
        %add3A_1727 = arith.constant 3000 : i32
        %add3A_1728 = arith.addi %add3A_1727, %mul3A_1726 : i32
        %get3A_1729 = arith.index_cast %add3A_1728 : i32 to index
        %get3A_1730 = tpu.vector_load %arg8[%get3A_1729] {strides = array<i32>} : memref<3200xi32, #tpu.memory_space<vmem>>, vector<16xi32>,
        %bitcast3A_1731 = vector.bitcast %get3A_1730 : vector<16xi32> to vector<32xbf16>
        %unpack3A_1732 = tpu.unpack_subelements %bitcast3A_1731, 0 {pack_format = #tpu.pack_format<interleaved>} : vector<32xbf16> -> vector<16xf32>
        %unpack3A_1733 = tpu.unpack_subelements %bitcast3A_1731, 1 {pack_format = #tpu.pack_format<interleaved>} : vector<32xbf16> -> vector<16xf32>
        %add3A_1734 = arith.addf %scan3A_1723, %unpack3A_1732 : vector<16xf32>
        %add3A_1735 = arith.addf %scan3A_1724, %unpack3A_1733 : vector<16xf32>
        scf.yield %add3A_1734, %add3A_1735 : vector<16xf32>, vector<16xf32>
      }
      %scan3A_1670 = arith.constant 12 : i32
      %get3A_1671 = arith.constant 3184 : index
      %get3A_1672 = tpu.vector_load %arg8[%get3A_1671] {strides = array<i32>} : memref<3200xi32, #tpu.memory_space<vmem>>, vector<16xi32>,
      %bitcast3A_1673 = vector.bitcast %get3A_1672 : vector<16xi32> to vector<32xbf16>
      %unpack3A_1674 = tpu.unpack_subelements %bitcast3A_1673, 0 {pack_format = #tpu.pack_format<interleaved>} : vector<32xbf16> -> vector<16xf32>
      %unpack3A_1675 = tpu.unpack_subelements %bitcast3A_1673, 1 {pack_format = #tpu.pack_format<interleaved>} : vector<32xbf16> -> vector<16xf32>
      %ge3A_1676 = arith.constant 8 : i32
      %ge3A_1677 = vector.broadcast %ge3A_1676 : i32 to vector<16xi32>
      %ge3A_1678 = arith.cmpi sge, %iota3A, %ge3A_1677 : vector<16xi32>
      %jit3A_1679 = arith.constant 0.000000e+00 : f32
      %broadcast_in_dim3A_1680 = vector.broadcast %jit3A_1679 : f32 to vector<16xf32>
      %select_n3A_1681 = arith.select %ge3A_1678, %unpack3A_1674, %broadcast_in_dim3A_1680 : vector<16xi1>, vector<16xf32>
      %add3A_1682 = arith.addf %scan3A_1669#0, %select_n3A_1681 : vector<16xf32>
      %ge3A_1683 = arith.constant 8 : i32
      %ge3A_1684 = vector.broadcast %ge3A_1683 : i32 to vector<16xi32>
      %ge3A_1685 = arith.cmpi sge, %iota3A, %ge3A_1684 : vector<16xi32>
      %jit3A_1686 = arith.constant 0.000000e+00 : f32
      %broadcast_in_dim3A_1687 = vector.broadcast %jit3A_1686 : f32 to vector<16xf32>
      %select_n3A_1688 = arith.select %ge3A_1685, %unpack3A_1675, %broadcast_in_dim3A_1687 : vector<16xi1>, vector<16xf32>
      %add3A_1689 = arith.addf %scan3A_1669#1, %select_n3A_1688 : vector<16xf32>
      %reduce_sum3A_1690 = arith.constant true
      %reduce_sum3A_1691 = vector.broadcast %reduce_sum3A_1690 : i1 to vector<16xi1>
      %reduce_sum3A_1692 = tpu.scan <sum>, %add3A_1682 masked %reduce_sum3A_1691 : vector<16xf32>, vector<16xi1> -> vector<16xf32>
      %reduce_sum3A_1693 = vector.extract %reduce_sum3A_1692[15] : f32 from vector<16xf32>
      %mul3A_1694 = arith.mulf %reduce_sum3A_1693, %scan3A_22 : f32
      %add3A_1695 = arith.addf %mul3A_1694, %squeeze3A : f32
      %reduce_sum3A_1696 = arith.constant true
      %reduce_sum3A_1697 = vector.broadcast %reduce_sum3A_1696 : i1 to vector<16xi1>
      %reduce_sum3A_1698 = tpu.scan <sum>, %add3A_1689 masked %reduce_sum3A_1697 : vector<16xf32>, vector<16xi1> -> vector<16xf32>
      %reduce_sum3A_1699 = vector.extract %reduce_sum3A_1698[15] : f32 from vector<16xf32>
      %mul3A_1700 = arith.mulf %reduce_sum3A_1699, %scan3A_22 : f32
      %add3A_1701 = arith.addf %mul3A_1700, %squeeze3A_3 : f32
      %eq3A_1702 = arith.constant 15 : i32
      %eq3A_1703 = vector.broadcast %eq3A_1702 : i32 to vector<16xi32>
      %eq3A_1704 = arith.cmpi eq, %iota3A, %eq3A_1703 : vector<16xi32>
      %broadcast_in_dim3A_1705 = vector.broadcast %add3A_1695 : f32 to vector<16xf32>
      %select_n3A_1706 = arith.select %eq3A_1704, %broadcast_in_dim3A_1705, %select_n3A_1657 : vector<16xi1>, vector<16xf32>
      %eq3A_1707 = arith.constant 15 : i32
      %eq3A_1708 = vector.broadcast %eq3A_1707 : i32 to vector<16xi32>
      %eq3A_1709 = arith.cmpi eq, %iota3A, %eq3A_1708 : vector<16xi32>
      %broadcast_in_dim3A_1710 = vector.broadcast %add3A_1701 : f32 to vector<16xf32>
      %select_n3A_1711 = arith.select %eq3A_1709, %broadcast_in_dim3A_1710, %select_n3A_1662 : vector<16xi1>, vector<16xf32>
      %mul3A_1712 = arith.constant 16 : i32
      %mul3A_1713 = arith.muli %add3A_40, %mul3A_1712 : i32
      %swap3A_1714 = arith.index_cast %mul3A_1713 : i32 to index
      %swap3A_1715 = tpu.vector_load %arg10[%swap3A_1714] {strides = array<i32>} : memref<1024xf32, #tpu.memory_space<vmem>>, vector<16xf32>,
      tpu.vector_store %arg10[%swap3A_1714], %select_n3A_1706 {strides = array<i32>} : memref<1024xf32, #tpu.memory_space<vmem>>, vector<16xf32>,
      %mul3A_1716 = arith.constant 16 : i32
      %mul3A_1717 = arith.muli %add3A_40, %mul3A_1716 : i32
      %add3A_1718 = arith.constant 512 : i32
      %add3A_1719 = arith.addi %add3A_1718, %mul3A_1717 : i32
      %swap3A_1720 = arith.index_cast %add3A_1719 : i32 to index
      %swap3A_1721 = tpu.vector_load %arg10[%swap3A_1720] {strides = array<i32>} : memref<1024xf32, #tpu.memory_space<vmem>>, vector<16xf32>,
      tpu.vector_store %arg10[%swap3A_1720], %select_n3A_1711 {strides = array<i32>} : memref<1024xf32, #tpu.memory_space<vmem>>, vector<16xf32>,
    }
    %scan3A_27 = arith.constant 16 : i32
    %mul3A_28 = arith.constant 512 : i32
    %mul3A_29 = arith.muli %add3A, %mul3A_28 : i32
    "tpu.region"() ({
      %run_scoped3A = tpu.sem_alloc : memref<!tpu.dma_semaphore, #tpu.memory_space<semaphore_mem>>
      %dma_start3A_34 = arith.constant 0 : i32
      %dma_start3A_35 = tpu.memref_slice %arg10[%dma_start3A_34] : memref<1024xf32, #tpu.memory_space<vmem>> -> memref<512xf32, #tpu.memory_space<vmem>>
      %dma_start3A_36 = tpu.memref_slice %arg5[%mul3A_29] : memref<32768xf32, #tpu.memory_space<hbm>> -> memref<512xf32, #tpu.memory_space<hbm>>
      %dma_start3A_37 = tpu.memref_slice %arg5[%mul3A_29] : memref<32768xf32, #tpu.memory_space<hbm>> -> memref<512xf32, #tpu.memory_space<hbm>>
      %dma_start3A_38 = arith.constant 0 : i32
      %dma_start3A_39 = tpu.memref_slice %arg10[%dma_start3A_38] : memref<1024xf32, #tpu.memory_space<vmem>> -> memref<512xf32, #tpu.memory_space<vmem>>
      tpu.enqueue_dma source(%dma_start3A_39 : memref<512xf32, #tpu.memory_space<vmem>>) target(%dma_start3A_37 : memref<512xf32, #tpu.memory_space<hbm>>) target_semaphore(%run_scoped3A : memref<!tpu.dma_semaphore, #tpu.memory_space<semaphore_mem>>)
      %dma_wait3A = arith.constant 0 : i32
      %dma_wait3A_40 = tpu.memref_slice %arg10[%dma_wait3A] : memref<1024xf32, #tpu.memory_space<vmem>> -> memref<512xf32, #tpu.memory_space<vmem>>
      %dma_wait3A_41 = tpu.memref_slice %arg5[%mul3A_29] : memref<32768xf32, #tpu.memory_space<hbm>> -> memref<512xf32, #tpu.memory_space<hbm>>
      %dma_wait3A_42 = tpu.memref_slice %arg5[%mul3A_29] : memref<32768xf32, #tpu.memory_space<hbm>> -> memref<512xf32, #tpu.memory_space<hbm>>
      %dma_wait3A_43 = arith.constant 0 : i32
      %dma_wait3A_44 = tpu.memref_slice %arg10[%dma_wait3A_43] : memref<1024xf32, #tpu.memory_space<vmem>> -> memref<512xf32, #tpu.memory_space<vmem>>
      tpu.wait_dma2 semaphore(%run_scoped3A : memref<!tpu.dma_semaphore, #tpu.memory_space<semaphore_mem>>) src(%dma_wait3A_44 : memref<512xf32, #tpu.memory_space<vmem>>) dst(%dma_wait3A_42 : memref<512xf32, #tpu.memory_space<hbm>>)
      tpu.yield
    }) : () -> ()
    %mul3A_30 = arith.constant 512 : i32
    %mul3A_31 = arith.muli %add3A, %mul3A_30 : i32
    %add3A_32 = arith.constant 16384 : i32
    %add3A_33 = arith.addi %add3A_32, %mul3A_31 : i32
    "tpu.region"() ({
      %run_scoped3A = tpu.sem_alloc : memref<!tpu.dma_semaphore, #tpu.memory_space<semaphore_mem>>
      %dma_start3A_34 = arith.constant 512 : i32
      %dma_start3A_35 = tpu.memref_slice %arg10[%dma_start3A_34] : memref<1024xf32, #tpu.memory_space<vmem>> -> memref<512xf32, #tpu.memory_space<vmem>>
      %dma_start3A_36 = tpu.memref_slice %arg5[%add3A_33] : memref<32768xf32, #tpu.memory_space<hbm>> -> memref<512xf32, #tpu.memory_space<hbm>>
      %dma_start3A_37 = tpu.memref_slice %arg5[%add3A_33] : memref<32768xf32, #tpu.memory_space<hbm>> -> memref<512xf32, #tpu.memory_space<hbm>>
      %dma_start3A_38 = arith.constant 512 : i32
      %dma_start3A_39 = tpu.memref_slice %arg10[%dma_start3A_38] : memref<1024xf32, #tpu.memory_space<vmem>> -> memref<512xf32, #tpu.memory_space<vmem>>
      tpu.enqueue_dma source(%dma_start3A_39 : memref<512xf32, #tpu.memory_space<vmem>>) target(%dma_start3A_37 : memref<512xf32, #tpu.memory_space<hbm>>) target_semaphore(%run_scoped3A : memref<!tpu.dma_semaphore, #tpu.memory_space<semaphore_mem>>)
      %dma_wait3A = arith.constant 512 : i32
      %dma_wait3A_40 = tpu.memref_slice %arg10[%dma_wait3A] : memref<1024xf32, #tpu.memory_space<vmem>> -> memref<512xf32, #tpu.memory_space<vmem>>
      %dma_wait3A_41 = tpu.memref_slice %arg5[%add3A_33] : memref<32768xf32, #tpu.memory_space<hbm>> -> memref<512xf32, #tpu.memory_space<hbm>>
      %dma_wait3A_42 = tpu.memref_slice %arg5[%add3A_33] : memref<32768xf32, #tpu.memory_space<hbm>> -> memref<512xf32, #tpu.memory_space<hbm>>
      %dma_wait3A_43 = arith.constant 512 : i32
      %dma_wait3A_44 = tpu.memref_slice %arg10[%dma_wait3A_43] : memref<1024xf32, #tpu.memory_space<vmem>> -> memref<512xf32, #tpu.memory_space<vmem>>
      tpu.wait_dma2 semaphore(%run_scoped3A : memref<!tpu.dma_semaphore, #tpu.memory_space<semaphore_mem>>) src(%dma_wait3A_44 : memref<512xf32, #tpu.memory_space<vmem>>) dst(%dma_wait3A_42 : memref<512xf32, #tpu.memory_space<hbm>>)
      tpu.yield
    }) : () -> ()
    return
  }
}

module attributes {stable_mosaic.version = 14 : i64} {
  func.func @_proj_body(%arg0: i32, %arg1: memref<32x65536xf32, #tpu.memory_space<vmem>>, %arg2: memref<2x32xf32, #tpu.memory_space<vmem>>, %arg3: memref<65536xi32, #tpu.memory_space<vmem>>) attributes {dimension_semantics = [#tpu.dimension_semantics<arbitrary>], iteration_bounds = array<i64: 16>, scalar_prefetch = 0 : i64, scratch_operands = 0 : i64, tpu.core_type = #tpu.core_type<tc>, window_params = [{transform_indices = @transform_0, window_bounds = array<i64: 32, 65536>}, {pipeline_mode = #tpu.pipeline_mode<synchronous>, transform_indices = @transform_1, window_bounds = array<i64: 2, 32>}, {transform_indices = @transform_2, window_bounds = array<i64: 65536>}]} {
    %get3A = arith.constant 0 : index
    %get3A_0 = arith.constant 0 : index
    %get3A_1 = vector.load %arg2[%get3A, %get3A_0] : memref<2x32xf32, #tpu.memory_space<vmem>>, vector<2x32xf32>
    %get3A_2 = arith.constant 0 : index
    %get3A_3 = arith.constant 0 : index
    %get3A_4 = vector.load %arg1[%get3A_2, %get3A_3] : memref<32x65536xf32, #tpu.memory_space<vmem>>, vector<32x65536xf32>
    %dot_general3A = arith.constant dense<0.000000e+00> : vector<2x65536xf32>
    %dot_general3A_5 = tpu.matmul %get3A_1, %get3A_4, %dot_general3A {dimension_numbers = #tpu.dot_dimension_numbers<[1], [0], [0], [1], [0, 0, 1, 1], [], []>, transpose_lhs_hint = false} : vector<2x32xf32>, vector<32x65536xf32>, vector<2x65536xf32> -> vector<2x65536xf32>
    %slice3A = vector.extract_strided_slice %dot_general3A_5 {offsets = [0, 0], sizes = [1, 65536], strides = [1, 1]} : vector<2x65536xf32> to vector<1x65536xf32>
    %squeeze3A = vector.shape_cast %slice3A : vector<1x65536xf32> to vector<65536xf32>
    %convert_element_type3A = arith.truncf %squeeze3A : vector<65536xf32> to vector<65536xbf16>
    %bitcast_convert_type3A = tpu.bitcast %convert_element_type3A : vector<65536xbf16> -> vector<65536xi16>
    %convert_element_type3A_6 = arith.extui %bitcast_convert_type3A : vector<65536xi16> to vector<65536xi32>
    %slice3A_7 = vector.extract_strided_slice %dot_general3A_5 {offsets = [1, 0], sizes = [1, 65536], strides = [1, 1]} : vector<2x65536xf32> to vector<1x65536xf32>
    %squeeze3A_8 = vector.shape_cast %slice3A_7 : vector<1x65536xf32> to vector<65536xf32>
    %convert_element_type3A_9 = arith.truncf %squeeze3A_8 : vector<65536xf32> to vector<65536xbf16>
    %bitcast_convert_type3A_10 = tpu.bitcast %convert_element_type3A_9 : vector<65536xbf16> -> vector<65536xi16>
    %convert_element_type3A_11 = arith.extui %bitcast_convert_type3A_10 : vector<65536xi16> to vector<65536xi32>
    %shift_left3A = arith.constant 16 : i32
    %shift_left3A_12 = vector.broadcast %shift_left3A : i32 to vector<65536xi32>
    %shift_left3A_13 = arith.shli %convert_element_type3A_11, %shift_left3A_12 : vector<65536xi32>
    %or3A = arith.ori %convert_element_type3A_6, %shift_left3A_13 : vector<65536xi32>
    %bitcast_convert_type3A_14 = tpu.bitcast %or3A : vector<65536xi32> -> vector<65536xi32>
    %swap3A = arith.constant 0 : index
    %swap3A_15 = vector.load %arg3[%swap3A] : memref<65536xi32, #tpu.memory_space<vmem>>, vector<65536xi32>
    tpu.vector_store %arg3[%swap3A], %bitcast_convert_type3A_14 {strides = array<i32>} : memref<65536xi32, #tpu.memory_space<vmem>>, vector<65536xi32>,
    return
  }
  func.func @transform_0(%arg0: i32) -> (i32, i32) {
    %c0_i32 = arith.constant 0 : i32
    %c0_i32_0 = arith.constant 0 : i32
    return %c0_i32, %arg0 : i32, i32
  }
  func.func @transform_1(%arg0: i32) -> (i32, i32) {
    %c0_i32 = arith.constant 0 : i32
    %c0_i32_0 = arith.constant 0 : i32
    %c0_i32_1 = arith.constant 0 : i32
    return %c0_i32, %c0_i32_0 : i32, i32
  }
  func.func @transform_2(%arg0: i32) -> i32 {
    %c0_i32 = arith.constant 0 : i32
    return %arg0 : i32
  }
}

</mosaic_0001>

<sc_bundles>
// kernel: kernel.4.cloned.1.call-start
scs
__scs_entry_jumppad:
0x0: {  	(pc) =	sbr.rel $0x88, $3  }
0x1: {  	(tag) =	ssettag $0x0;
	lr =	simm.s32 $0x1  }
0x2: {  	[smem:$0x3F9D] =	sst lr;
	_ =	strace $0xD0000000  }
0x3: {  	_ = 	snop  }
0x4: {  	_ = 	snop  }
0x5: {  	_ = 	snop  }
0x6: {  	_ = 	snop  }
0x7: {  	_ = 	snop  }
__scs_overlays_trampoline_lowered:
0x8: {  	[smem:$0x3FAC] =	sst s0  }
0x9: {  	[smem:$0x3FAD] =	sst s1  }
0xa: {  	[smem:$0x3FAE] =	sst s2  }
0xb: {  	[smem:$0x3FAF] =	sst s3  }
0xc: {  	[smem:$0x3FB0] =	sst s4  }
0xd: {  	[smem:$0x3FB1] =	sst s5  }
0xe: {  	[smem:$0x3FB2] =	sst s6  }
0xf: {  	[smem:$0x3FB3] =	sst s7  }
0x10: {  	[smem:$0x3FB4] =	sst s8  }
0x11: {  	[smem:$0x3FB5] =	sst s9;
	s0 =	simm.s32 @!p0 $0x0  }
0x12: {  	s1 =	sld [smem:$0x3F9B];
	s0 =	simm.s32 @p0 $0x1  }
0x13: {  	[smem:$0x3FB6] =	sst s0;
	s0 =	simm.s32 @!p1 $0x0  }
0x14: {  	s2 =	sld [smem:$0x3F9A];
	s0 =	simm.s32 @p1 $0x1  }
0x15: {  	[smem:$0x3FB7] =	sst s0;
	s0 =	simm.s32 @!p2 $0x0  }
0x16: {  	s3 =	sld [smem:$0x3FDB];
	s0 =	simm.s32 @p2 $0x1  }
0x17: {  	s4 =	simm.s32 $0x1BF5;
	[smem:$0x3FB9] =	sst s0  }
0x18: {  	s0 =	sld [smem:$0x3F9C];
	_ =	swait.ge [sflag:s4], $0x0  }
0x19: {  	s7 =	sld [smem:$0x3F9D]  }
0x1a: {  	s8 =	sadd.s32 $0xFFFFE003, lr  }
0x1b: {  	s9 =	sadd.s32 $0xFFFFFEF7, lr;
	s5 =	simm.s32 $0xFFFFFFFF;
	p2 =	slt.u32 s8, $0xFFFFF086  }
0x1c: {  	p1 =	slt.u32 s9, $0xF7A;
	s5 =	simm.s32 @!p2 $0x0  }
0x1d: {  	s5 =	simm.s32 @p1 $0x1;
	p0 =	seq.s32 s7, s2  }
0x1e: {  	s7 =	smul.u32 @!p0 $0xF7A, s2;
	p2 =	seq.s32 @!p0 s5, $0x0  }
0x1f: {  	s9 =	smul.u32 $0xF7A, s1;
	s8 =	simm.s32 @!p0 $0x1BF5;
	p2 =	por !p2, p0  }
0x20: {  	[sflag:s8] =	ssyncset.s32 @!p0 $0xFFFFF086;
	s6 =	sadd.s32 @!p0 s3, s7;
	s7 =	simm.s32 @!p0 $0x108  }
0x21: {  	s3 =	sadd.s32 s3, s9;
	s6 =	sadd.s32 @!p0 $0x88, s6;
	s7 =	simm.s32 @p2 $0x1082  }
0x22: {  	[simem:s7], [sflag:s8] =	dma.local @!p0 [hbm:s6], $0xF7A  }
0x23: {  	s9 =	sor.u32 $0xD0000000, s2;
	s6 =	simm.s32 $0x108;
	_ =	swait.ge @!p0 [sflag:s8], $0x0  }
0x24: {  	s3 =	sadd.s32 $0x88, s3;
	s6 =	simm.s32 @!p1 $0x1082;
	[sflag:s4] =	ssyncset.s32 $0xFFFFF086  }
0x25: {  	[simem:s6], [sflag:s4] =	dma.local [hbm:s3], $0xF7A  }
0x26: {  	[smem:$0x3F9D] =	sst s1;
	(tag) =	ssettag s2;
	_ =	strace s9  }
0x27: {  	s1 =	sld [smem:$0x3FAD]  }
0x28: {  	s2 =	sld [smem:$0x3FAE]  }
0x29: {  	s4 =	sld [smem:$0x3FB0]  }
0x2a: {  	p0 =	seq.s32 s5, $0x0;
	s5 =	sld [smem:$0x3FB1]  }
0x2b: {  	s6 =	sld [smem:$0x3FB2]  }
0x2c: {  	s7 =	sld [smem:$0x3FB3]  }
0x2d: {  	s3 =	simm.s32 $0x108;
	s8 =	sld [smem:$0x3FB4]  }
0x2e: {  	s3 =	simm.s32 @!p0 $0x1082;
	s9 =	sld [smem:$0x3FB5]  }
0x2f: {  	lr =	sadd.s32 s0, s3;
	s0 =	sld [smem:$0x3FAC]  }
0x30: {  	s3 =	sld [smem:$0x3FAF]  }
0x31: {  	[smem:$0x3FB8] =	sst s10  }
0x32: {  	s10 =	sld [smem:$0x3FB6];
	_ =	sdelay $0x3  }
0x33: {  	p0 =	seq.s32 s10, $0x1;
	s10 =	sld [smem:$0x3FB8];
	_ =	sdelay $0x3  }
0x34: {  	[smem:$0x3FB8] =	sst s10  }
0x35: {  	s10 =	sld [smem:$0x3FB7];
	_ =	sdelay $0x3  }
0x36: {  	p1 =	seq.s32 s10, $0x1;
	s10 =	sld [smem:$0x3FB8];
	_ =	sdelay $0x3  }
0x37: {  	[smem:$0x3FB8] =	sst s10  }
0x38: {  	s10 =	sld [smem:$0x3FB9]  }
0x39: {  	_ = 	snop;
	(pc) =	sbr.ind lr, $3  }
0x3a: {  	_ = 	snop  }
0x3b: {  	_ = 	snop  }
0x3c: {  	p2 =	seq.s32 s10, $0x1;
	s10 =	sld [smem:$0x3FB8]  }
0x3d: {  	_ =	shalt  }
0x3e: {  	_ =	shalt  }
0x3f: {  	_ =	shalt  }
0x40: {  	_ =	shalt  }
0x41: {  	_ =	shalt  }
0x42: {  	_ =	shalt  }
0x43: {  	_ =	shalt  }
0x44: {  	_ =	shalt  }
0x45: {  	_ =	shalt  }
0x46: {  	_ =	shalt  }
0x47: {  	_ =	shalt  }
0x48: {  	_ =	shalt  }
0x49: {  	_ =	shalt  }
0x4a: {  	_ =	shalt  }
0x4b: {  	_ =	shalt  }
0x4c: {  	_ =	shalt  }
0x4d: {  	_ =	shalt  }
0x4e: {  	_ =	shalt  }
0x4f: {  	_ =	shalt  }
0x50: {  	_ =	shalt  }
0x51: {  	_ =	shalt  }
0x52: {  	_ =	shalt  }
0x53: {  	_ =	shalt  }
0x54: {  	_ =	shalt  }
0x55: {  	_ =	shalt  }
0x56: {  	_ =	shalt  }
0x57: {  	_ =	shalt  }
0x58: {  	_ =	shalt  }
0x59: {  	_ =	shalt  }
0x5a: {  	_ =	shalt  }
0x5b: {  	_ =	shalt  }
0x5c: {  	_ =	shalt  }
0x5d: {  	_ =	shalt  }
0x5e: {  	_ =	shalt  }
0x5f: {  	_ =	shalt  }
0x60: {  	_ =	shalt  }
0x61: {  	_ =	shalt  }
0x62: {  	_ =	shalt  }
0x63: {  	_ =	shalt  }
0x64: {  	_ =	shalt  }
0x65: {  	_ =	shalt  }
0x66: {  	_ =	shalt  }
0x67: {  	_ =	shalt  }
0x68: {  	_ =	shalt  }
0x69: {  	_ =	shalt  }
0x6a: {  	_ =	shalt  }
0x6b: {  	_ =	shalt  }
0x6c: {  	_ =	shalt  }
0x6d: {  	_ =	shalt  }
0x6e: {  	_ =	shalt  }
0x6f: {  	_ =	shalt  }
0x70: {  	_ =	shalt  }
0x71: {  	_ =	shalt  }
0x72: {  	_ =	shalt  }
0x73: {  	_ =	shalt  }
0x74: {  	_ =	shalt  }
0x75: {  	_ =	shalt  }
0x76: {  	_ =	shalt  }
0x77: {  	_ =	shalt  }
0x78: {  	_ =	shalt  }
0x79: {  	_ =	shalt  }
0x7a: {  	_ =	shalt  }
0x7b: {  	_ =	shalt  }
0x7c: {  	_ =	shalt  }
0x7d: {  	_ =	shalt  }
0x7e: {  	_ =	shalt  }
0x7f: {  	_ =	shalt  }
0x80: {  	_ =	shalt  }
0x81: {  	_ =	shalt  }
0x82: {  	_ =	shalt  }
0x83: {  	_ =	shalt  }
0x84: {  	_ =	shalt  }
0x85: {  	_ =	shalt  }
0x86: {  	_ =	shalt  }
0x87: {  	_ =	shalt  }
.Lfunc_end0:
.L_simem_size_0:
called_computation_lowered:
.L_overlay_start_0:
0x88: {  	s2 =	sld [smem:$0x3FD9]  }
0x89: {  	s3 =	sld [smem:$0x3FFE];
	_ =	sdelay $0x1  }
0x8a: {  	s1 =	srdreg.scid  }
0x8b: {  	s0 =	sand.u32 $0x1, s1  }
0x8c: {  	s17 =	sshll.u32 s0, $0xA;
	s2 =	sadd.s32 s3, s2  }
0x8d: {  	s2 =	sadd.s32 s2, s17  }
0x8e: {  	[smem:$0x3FC4] =	sst s2  }
0x8f: {  	_ = 	snop  }
0x90: {  	s2 =	sld [smem:$0x3FD0];
	(tm) =	ssettm $0x1  }
0x91: {  	s18 =	sld [smem:$0x3FFB];
	_ =	sdelay $0x3  }
0x92: {  	_ =	strace s18  }
0x93: {  	s3 =	sld [smem:$0x3FFC];
	_ =	sdelay $0x3  }
0x94: {  	_ =	strace s3  }
0x95: {  	s3 =	sld [smem:$0x3FFD];
	_ =	sdelay $0x3  }
0x96: {  	_ =	strace s3  }
0x97: {  	_ =	strace $0x8FFFFFFF  }
0x98: {  	s19 =	sld [smem:$0x3FDB];
	_ =	sdelay $0x1  }
0x99: {  	s4 =	simm.s32 $_scs_section_size  }
0x9a: {  	s5 =	simm.s32 $_size__tile_overlayer_lowered;
	s6 =	simm.s32 $_tile_overlayer_lowered  }
0x9b: {  	s22 =	simm.s32 $0x1BFF;
	s21 =	sshll.u32 s6, $0x1;
	s3 =	sadd.s32 s4, s19  }
0x9c: {  	s7 =	simm.s32 $0x0;
	s20 =	sshll.u32 s5, $0x1;
	s5 =	sadd.s32 s21, s3  }
0x9d: {  	[timem:s7], [sflag:s22] =	dma.local [hbm:s5], s20  }
0x9e: {  	_ =	swait.ge [sflag:s22], s20  }
0x9f: {  	s4 =	ssub.s32 $0x0, s20;
	[sflag:s22] =	ssyncset.done $0x0  }
0xa0: {  	[sflag:s22] =	ssyncadd.s32 s4;
	_ =	sdelay $0x1  }
0xa1: {  	s23 =	simm.s32 $0x1B8B  }
0xa2: {  	_ =	swait.ge [sflag:s23], $0x1  }
0xa3: {  	[sflag:s23] =	ssyncset.done $0x0  }
0xa4: {  	s25 =	simm.s32 $0x1B8E;
	s24 =	sld [smem:$0x3FFE];
	[sflag:s23] =	ssyncadd.s32 $0xFFFFFFFF  }
0xa5: {  	s26 =	simm.s32 $execute0_lowered;
	[smem:$0x3FD2] =	sst s25  }
0xa6: {  	s5 =	sshll.u32 s26, $0x1;
	_ =	strace $0x80000046;
	[dreg:$0x1] =	wrdreg $0xFFFFFFFF  }
0xa7: {  	s28 =	simm.s32 $_size_execute0_lowered;
	s3 =	sadd.s32 s3, s5;
	[dreg:$0x0] =	wrdreg $0x0  }
0xa8: {  	s5 =	sshll.u32 s28, $0x1;
	[dreg:$0x2] =	wrdreg s3  }
0xa9: {  	[dreg:$0x3] =	wrdreg s5  }
0xaa: {  	[dreg:$0x4] =	wrdreg $0xC0  }
0xab: {  	_ =	task [dreg:s7], $0x5FFFF  }
0xac: {  	[dreg:$0x1] =	wrdreg $0xFFFFFFFF  }
0xad: {  	[dreg:$0x0] =	wrdreg $0x60  }
0xae: {  	[dreg:$0x2] =	wrdreg s24  }
0xaf: {  	[dreg:$0x3] =	wrdreg s2  }
0xb0: {  	[dreg:$0x4] =	wrdreg $0x9  }
0xb1: {  	_ =	task.clear_ibuf [dreg:s7], $0x5FFFF;
	_ =	strace $0x90000046  }
0xb2: {  	s29 =	simm.s32 $0x9;
	_ =	strace $0x80000048  }
0xb3: {  	_ =	swait.ge [sflag:s29], $0x1  }
0xb4: {  	[sflag:s29] =	ssyncadd.s32 $0xFFFFFFFF  }
0xb5: {  	_ =	strace $0x90000048  }
0xb6: {  	_ =	sfence  }
0xb7: {  	s30 =	sld [smem:$0x0];
	_ =	sdelay $0x2  }
0xb8: {  	s31 =	sshll.u32 s1, $0xD;
	s1 =	sshrl.u32 s1, $0x2  }
0xb9: {  	s3 =	sand.u32 $0x4000, s31;
	s1 =	sadd.s32 s1, s30  }
0xba: {  	s0 =	sor.u32 s3, s0;
	s1 =	sshll.u32 s1, $0x11  }
0xbb: {  	s0 =	sor.u32 s1, s0  }
0xbc: {  	s0 =	sadd.s32 $0x8F2B, s0  }
0xbd: {  	[sflag:s0] =	ssyncadd.remote.s32 $0x1  }
0xbe: {  	_ =	sfence.sel $0xFFFF  }
0xbf: {  	[dreg:$0x0] =	wrdreg $0xFFFFFFFF;
	(pc) =	sbr.abs _section_cstart, $3  }
0xc0: {  	[dreg:$0x1] =	wrdreg $0xFFFFFFFF  }
0xc1: {  	_ =	task.clear_ibuf [dreg:s7], $0x2FFFF;
	_ =	strace $0x9FFFFFFF  }
0xc2: {  	(tm) =	ssettm $0x7FFFFFFF  }
0xc3: {  	_ =	shalt  }
tec
execute0_lowered:
.L_overlay_start_1:
0x0: {  	(tag) =	ssettag $0x1  }
0x1: {  	s0 =	rddreg [dreg:$0x0]  }
0x2: {  	s1 =	srdreg.scid;
	s2 =	stileid.u32  }
0x3: {  	s3 =	simm.s32 $0x0;
	s1 =	sand.u32 $0x1, s1;
	s2 =	sshll.u32 s2, $0x1  }
0x4: {  	[smem:$0x7FF] =	sst s3;
	s4 =	sadd.s32 $0xA00, s0;
	s6 =	sadd.s32 $0x64A00, s0  }
0x5: {  	s2 =	sor.u32 s1, s2;
	_ =	strace $0x80000047;
	[dreg:$0x5] =	wrdreg s6  }
0x6: {  	s1 =	ssub.s32 $0x2, s1;
	s5 =	smul.u32 $0x19000, s2;
	s2 =	sshll.u32 s2, $0x6  }
0x7: {  	vm0 =	vmmov $0xff;
	[dreg:$0x3] =	wrdreg s4;
	s28 =	sshrl.u32 s1, $0x1;
	s0 =	sadd.s32 s2, s0  }
.Ltmp0:
0x8: {  	vm1 =	vcmask $0x300;
	vm2 =	vcmask $0x704;
	vm3 =	vcmask $0xB08;
	[dreg:$0x4] =	wrdreg s5;
	s30 =	sadd.s32 $0x83400, s0;
	(pc) =	sbr.rel .LBB2_1-.Ltmp0, $4  }
0x9: {  	vm4 =	vcmask $0xF0C;
	vm5 =	vcmask $0x1310;
	vm6 =	vcmask $0x1714;
	s1 =	ssub.s32 s1, s28;
	s0 =	sadd.s32 $0x83C00, s0;
	[dreg:$0x7] =	wrdreg s30  }
0xa: {  	vm7 =	vcmask $0x1B18;
	vm8 =	vcmask $0x1F1C;
	vm9 =	vcmask $0x2320;
	s7 =	sshrl.u32 s5, $0x3;
	s31 =	smax.u32 s1, $0x1;
	[dreg:$0x8] =	wrdreg s0  }
0xb: {  	vm10 =	vcmask $0x2724;
	vm11 =	vcmask $0x2B28;
	vm12 =	vcmask $0x2F2C;
	s29 =	sadd.s32 s4, s7;
	[dreg:$0x9] =	wrdreg s31  }
0xc: {  	vm13 =	vcmask $0x3330;
	vm14 =	vcmask $0x3734;
	vm15 =	vcmask $0x3B38;
	s2 =	simm.s32 $0x3;
	s1 =	simm.s32 $0x0;
	[dreg:$0x6] =	wrdreg s29  }
.LBB2_7:
0xd: {  	s3 =	simm.s32 $0x0  }
0xe: {  	s0 =	rddreg [dreg:$0x7];
	s1 =	simm.s32 $0x7D10;
	s2 =	simm.s32 $0x3  }
0xf: {  	[hbm4b:s0+s3] =	stream.linear.scatter [tilespmem:s1], [sflag:$0x3], $0x200, $0x38;
	[tilespmem:$0x8110] =	vst v63  }
0x10: {  	_ =	swait.ge [sflag:s2], $0x200  }
0x11: {  	[sflag:s2] =	ssyncset.done $0x0  }
0x12: {  	s29 =	simm.s32 $0x7F10;
	s28 =	rddreg [dreg:$0x8];
	[sflag:s2] =	ssyncadd.s32 $0xFFFFFE00  }
0x13: {  	[hbm4b:s28+s3] =	stream.linear.scatter [tilespmem:s29], [sflag:$0x3], $0x200, $0x38;
	[tilespmem:$0x8110] =	vst v63  }
0x14: {  	_ =	swait.ge [sflag:s2], $0x200  }
0x15: {  	s30 =	rddreg [dreg:$0xa]  }
0x16: {  	s31 =	rddreg [dreg:$0x9];
	s1 =	sadd.s32 $0x1, s30  }
0x17: {  	p0 =	sne.s32 s1, s31  }
.Ltmp1:
0x18: {  	_ = 	snop;
	(pc) =	sbr.rel @!p0 .LBB2_8-.Ltmp1, $3  }
0x19: {  	_ =	sdelay $0x1  }
0x1a: {  	[sflag:s2] =	ssyncset.done $0x0  }
0x1b: {  	[sflag:s2] =	ssyncadd.s32 $0xFFFFFE00  }
.LBB2_1:
0x1c: {  	[dreg:$0xa] =	wrdreg s1  }
0x1d: {  	s0 =	rddreg [dreg:$0x1];
	s26 =	simm.s32 $0x7D00  }
0x1e: {  	[tilespmem:s26], [sflag:$0x3] =	stream.linear.gather [hbm4b:s0+s3], $0x10, $0x38;
	[tilespmem:$0x8110] =	vst v63  }
0x1f: {  	_ =	swait.ge [sflag:s2], $0x10  }
0x20: {  	[sflag:s2] =	ssyncset.done $0x0  }
0x21: {  	[sflag:s2] =	ssyncadd.s32 $0xFFFFFFF0  }
0x22: {  	v0 =	vld [tilespmem:$0x7D00];
	_ =	sdelay $0x4  }
0x23: {  	(v2sf) =	vpush v0, $0x0  }
0x24: {  	(v2sf) =	vpush v0, $0x1;
	_ =	sdelay $0xb  }
0x25: {  	s28 =	rddreg [dreg:$0x6]  }
0x26: {  	[tilespmem:s3], [sflag:$0x3] =	stream.linear.gather [hbm4b:s28+s3], $0x6400, $0x38;
	[tilespmem:$0x8110] =	vst v63  }
0x27: {  	s11 =	spop (v2sf)  }
.Ltmp2:
0x28: {  	s30 =	simm.s32 $0xC80;
	s15 =	spop (v2sf);
	(pc) =	sbr.rel .LBB2_2-.Ltmp2, $4  }
0x29: {  	s31 =	simm.s32 $0x6400;
	_ =	swait.ge [sflag:s2], $0x6400;
	[dreg:$0xb] =	wrdreg s11  }
0x2a: {  	s1 =	simm.s32 $0x2;
	[dreg:$0xc] =	wrdreg s15;
	[sflag:s2] =	ssyncset.done $0x0  }
0x2b: {  	s0 =	simm.s32 $0x7F20;
	s29 =	rddreg [dreg:$0x5];
	[sflag:s2] =	ssyncadd.s32 $0xFFFF9C00  }
0x2c: {  	[tilespmem:s31], [sflag:$0x1] =	stream.indirect.gather [hbm4b:s29+s30], $0x1, s3, s30, $0xb8;
	[tilespmem:$0x8110] =	vst v63  }
.LBB2_3:
0x2d: {  	s1 =	sshrl.u32 s2, $0x3  }
0x2e: {  	s1 =	smul.u32 $0x6400, s1  }
0x2f: {  	s28 =	rddreg [dreg:$0x4]  }
0x30: {  	s1 =	sadd.s32 s28, s1  }
0x31: {  	s29 =	rddreg [dreg:$0x3];
	s1 =	sshrl.u32 s1, $0x3  }
0x32: {  	s30 =	simm.s32 $0x0;
	s31 =	simm.s32 $0x3;
	s1 =	sadd.s32 s29, s1  }
0x33: {  	[tilespmem:s30], [sflag:$0x3] =	stream.linear.gather [hbm4b:s1+s30], $0x6400, $0x38;
	[tilespmem:$0x8110] =	vst v63  }
0x34: {  	_ =	swait.ge [sflag:s31], $0x6400  }
0x35: {  	[sflag:s31] =	ssyncset.done $0x0  }
0x36: {  	[sflag:s31] =	ssyncadd.s32 $0xFFFF9C00  }
.LBB2_5:
0x37: {  	s0 =	smul.u32 $0x3200, s0  }
0x38: {  	s1 =	rddreg [dreg:$0x5]  }
0x39: {  	s2 =	simm.s32 $0xC80;
	s3 =	simm.s32 $0x6400;
	s0 =	sshrl.u32 s0, $0x2  }
0x3a: {  	[tilespmem:s3], [sflag:$0x1] =	stream.indirect.gather [hbm4b:s1+s2], $0x1, s0, s2, $0xb8;
	[tilespmem:$0x8110] =	vst v63  }
.LBB2_6:
0x3b: {  	v7 =	vld [tilespmem:$0x7080]  }
0x3c: {  	v0 =	vld [tilespmem:$0x7148]  }
0x3d: {  	v1 =	vld [tilespmem:$0x7210]  }
0x3e: {  	v2 =	vld [tilespmem:$0x72D8]  }
0x3f: {  	v3 =	vld [tilespmem:$0x72E8]  }
0x40: {  	v4 =	vld [tilespmem:$0x73A0]  }
0x41: {  	v22 =	vld [tilespmem:$0x73B0]  }
0x42: {  	v5 =	vld [tilespmem:$0x7468]  }
0x43: {  	v8 =	vld [tilespmem:$0x7530]  }
0x44: {  	v9 =	vld [tilespmem:$0x75F8]  }
0x45: {  	v51 =	vld [tilespmem:$0x7C38]  }
0x46: {  	v52 =	vld [tilespmem:$0x76C0]  }
0x47: {  	v53 =	vld [tilespmem:$0x7C48]  }
0x48: {  	v54 =	vld [tilespmem:$0x7788]  }
0x49: {  	v55 =	vld [tilespmem:$0x7C58];
	v6 =	vunpack.i.u.bf16.f32 v7;
	v10 =	vunpack.i.u.bf16.f32 v0  }
0x4a: {  	v56 =	vld [tilespmem:$0x7850];
	v11 =	vunpack.i.l.bf16.f32 v0;
	v14 =	vunpack.i.u.bf16.f32 v1;
	v15 =	vunpack.i.l.bf16.f32 v1  }
0x4b: {  	v58 =	vld [tilespmem:$0x7C68];
	v19 =	vunpack.i.u.bf16.f32 v2;
	v21 =	vunpack.i.l.bf16.f32 v2;
	v17 =	vunpack.i.u.bf16.f32 v3  }
0x4c: {  	v34 =	vld [tilespmem:$0x7918];
	v20 =	vunpack.i.l.bf16.f32 v3;
	v23 =	vunpack.i.u.bf16.f32 v4;
	v25 =	vunpack.i.l.bf16.f32 v4  }
0x4d: {  	v60 =	vld [tilespmem:$0x7C78];
	v24 =	vunpack.i.l.bf16.f32 v22;
	v28 =	vunpack.i.u.bf16.f32 v5;
	v29 =	vunpack.i.l.bf16.f32 v5  }
0x4e: {  	v62 =	vld [tilespmem:$0x7C88];
	v32 =	vunpack.i.u.bf16.f32 v8;
	v33 =	vunpack.i.l.bf16.f32 v8;
	v30 =	vunpack.i.u.bf16.f32 v9  }
0x4f: {  	v37 =	vld [tilespmem:$0x7B70];
	v57 =	vunpack.i.u.bf16.f32 v51;
	v0 =	vunpack.i.l.bf16.f32 v51;
	v31 =	vunpack.i.l.bf16.f32 v9  }
0x50: {  	v26 =	vunpack.i.u.bf16.f32 v52;
	v12 =	vunpack.i.u.bf16.f32 v53;
	v2 =	vunpack.i.l.bf16.f32 v53  }
0x51: {  	v27 =	vunpack.i.l.bf16.f32 v52;
	v16 =	vunpack.i.u.bf16.f32 v54;
	v61 =	vunpack.i.u.bf16.f32 v55  }
0x52: {  	v36 =	vld [tilespmem:$0x7C98];
	v4 =	vunpack.i.l.bf16.f32 v55;
	v18 =	vunpack.i.l.bf16.f32 v54;
	v42 =	vunpack.i.u.bf16.f32 v58  }
0x53: {  	v9 =	vunpack.i.l.bf16.f32 v58;
	v13 =	vunpack.i.l.bf16.f32 v56;
	v43 =	vunpack.i.u.bf16.f32 v60  }
0x54: {  	v44 =	vld [tilespmem:$0x7CA8];
	v5 =	vunpack.i.l.bf16.f32 v34;
	v39 =	vunpack.i.u.bf16.f32 v62;
	v47 =	vunpack.i.u.bf16.f32 v37  }
0x55: {  	v38 =	vld [tilespmem:$0x7B80];
	v37 =	vunpack.i.l.bf16.f32 v37;
	v0 =	vadd.f32 $0.0e+00, v0;
	v8 =	vadd.f32 $0.0e+00, v57  }
0x56: {  	v40 =	vld [tilespmem:$0x7CC8];
	v3 =	vunpack.i.l.bf16.f32 v62;
	v37 =	vadd.f32 $0.0e+00, v37;
	v13 =	vadd.f32 $0.0e+00, v13  }
0x57: {  	v46 =	vunpack.i.u.bf16.f32 v36;
	v18 =	vadd.f32 $0.0e+00, v18;
	v16 =	vadd.f32 $0.0e+00, v16  }
0x58: {  	v36 =	vunpack.i.l.bf16.f32 v36;
	v27 =	vadd.f32 $0.0e+00, v27;
	v26 =	vadd.f32 $0.0e+00, v26  }
0x59: {  	v48 =	vunpack.i.u.bf16.f32 v44;
	v31 =	vadd.f32 $0.0e+00, v31;
	v30 =	vadd.f32 $0.0e+00, v30  }
0x5a: {  	v49 =	vld [tilespmem:$0x7CD8];
	v50 =	vunpack.i.u.bf16.f32 v38;
	v33 =	vadd.f32 $0.0e+00, v33;
	v32 =	vadd.f32 $0.0e+00, v32  }
0x5b: {  	v51 =	vunpack.i.u.bf16.f32 v40;
	v29 =	vadd.f32 $0.0e+00, v29;
	v28 =	vadd.f32 $0.0e+00, v28  }
0x5c: {  	v40 =	vunpack.i.l.bf16.f32 v40;
	v23 =	vadd.f32 $0.0e+00, v23;
	v21 =	vadd.f32 $0.0e+00, v21  }
0x5d: {  	v41 =	vld [tilespmem:$0x7B90];
	v38 =	vunpack.i.l.bf16.f32 v38;
	v15 =	vadd.f32 $0.0e+00, v15;
	v14 =	vadd.f32 $0.0e+00, v14  }
0x5e: {  	v35 =	vld [tilespmem:$0x7928];
	v7 =	vunpack.i.l.bf16.f32 v7;
	v11 =	vadd.f32 $0.0e+00, v11;
	v10 =	vadd.f32 $0.0e+00, v10  }
0x5f: {  	v63 =	vld [tilespmem:$0x7AA8];
	v55 =	vunpack.i.l.bf16.f32 v49;
	v7 =	vadd.f32 $0.0e+00, v7;
	v6 =	vadd.f32 $0.0e+00, v6  }
0x60: {  	v52 =	vld [tilespmem:$0x7BA0];
	v0 =	vadd.f32 v2, v0;
	v59 =	vadd.f32 v12, v8;
	v12 =	vunpack.i.u.bf16.f32 v56  }
0x61: {  	v53 =	vld [tilespmem:$0x7CE8];
	v8 =	vunpack.i.u.bf16.f32 v34;
	v2 =	vunpack.i.l.bf16.f32 v60;
	v37 =	vadd.f32 v38, v37  }
0x62: {  	v58 =	vld [tilespmem:$0x7BC0];
	v56 =	vunpack.i.u.bf16.f32 v41;
	v20 =	vadd.f32 v20, v21;
	v8 =	vadd.f32 $0.0e+00, v8  }
0x63: {  	v45 =	vld [tilespmem:$0x7CB8];
	v41 =	vunpack.i.l.bf16.f32 v41;
	v0 =	vadd.f32 v4, v0;
	v1 =	vadd.f32 v61, v59  }
0x64: {  	v54 =	vld [tilespmem:$0x7BB0];
	v34 =	vunpack.i.l.bf16.f32 v35;
	v12 =	vadd.f32 $0.0e+00, v12;
	v37 =	vadd.f32 v41, v37  }
0x65: {  	v4 =	vunpack.i.l.bf16.f32 v63;
	v0 =	vadd.f32 v9, v0;
	v1 =	vadd.f32 v42, v1  }
0x66: {  	v59 =	vunpack.i.u.bf16.f32 v52;
	v61 =	vunpack.i.l.bf16.f32 v53;
	v4 =	vadd.f32 $0.0e+00, v4  }
0x67: {  	v41 =	vunpack.i.u.bf16.f32 v58;
	v0 =	vadd.f32 v2, v0;
	v1 =	vadd.f32 v43, v1;
	v43 =	vld [tilespmem:$0x7AB8]  }
0x68: {  	v9 =	vunpack.i.u.bf16.f32 v35;
	v35 =	vunpack.i.u.bf16.f32 v63;
	v42 =	vunpack.i.u.bf16.f32 v45  }
0x69: {  	v63 =	vunpack.i.l.bf16.f32 v54;
	v0 =	vadd.f32 v3, v0;
	v1 =	vadd.f32 v39, v1  }
0x6a: {  	v60 =	vld [tilespmem:$0x7BD0];
	v35 =	vadd.f32 $0.0e+00, v35;
	v8 =	vadd.f32 v9, v8;
	v2 =	vunpack.i.l.bf16.f32 v44  }
0x6b: {  	v62 =	vld [tilespmem:$0x7AC8];
	v3 =	vunpack.i.l.bf16.f32 v45;
	v0 =	vadd.f32 v36, v0;
	v1 =	vadd.f32 v46, v1  }
0x6c: {  	v45 =	vunpack.i.l.bf16.f32 v58;
	v36 =	vadd.f32 $0.0e+00, v47;
	v57 =	vunpack.i.u.bf16.f32 v43  }
0x6d: {  	v43 =	vunpack.i.l.bf16.f32 v43;
	v0 =	vadd.f32 v2, v0;
	v1 =	vadd.f32 v48, v1  }
0x6e: {  	v46 =	vld [tilespmem:$0x7BE0];
	v36 =	vadd.f32 v50, v36;
	v2 =	vunpack.i.u.bf16.f32 v49;
	v4 =	vadd.f32 v43, v4  }
0x6f: {  	v47 =	vld [tilespmem:$0x7AD8];
	v49 =	vunpack.i.l.bf16.f32 v60;
	v35 =	vadd.f32 v57, v35;
	v0 =	vadd.f32 v3, v0  }
0x70: {  	v48 =	vld [tilespmem:$0x7AE8];
	v50 =	vunpack.i.u.bf16.f32 v62;
	v1 =	vadd.f32 v42, v1;
	v36 =	vadd.f32 v56, v36  }
0x71: {  	v42 =	vunpack.i.l.bf16.f32 v52;
	v3 =	vunpack.i.u.bf16.f32 v53;
	v35 =	vadd.f32 v50, v35  }
0x72: {  	v58 =	vld [tilespmem:$0x7B18];
	v37 =	vadd.f32 v42, v37;
	v42 =	vunpack.i.l.bf16.f32 v62;
	v0 =	vadd.f32 v40, v0  }
0x73: {  	v52 =	vld [tilespmem:$0x7AF8];
	v53 =	vunpack.i.l.bf16.f32 v46;
	v1 =	vadd.f32 v51, v1;
	v36 =	vadd.f32 v59, v36  }
0x74: {  	v57 =	vld [tilespmem:$0x7C00];
	v40 =	vunpack.i.u.bf16.f32 v54;
	v54 =	vunpack.i.u.bf16.f32 v47;
	v4 =	vadd.f32 v42, v4  }
0x75: {  	v37 =	vadd.f32 v63, v37;
	v56 =	vunpack.i.u.bf16.f32 v48;
	v35 =	vadd.f32 v54, v35  }
0x76: {  	v51 =	vld [tilespmem:$0x7BF0];
	v39 =	vunpack.i.l.bf16.f32 v48;
	v0 =	vadd.f32 v55, v0;
	v1 =	vadd.f32 v2, v1  }
0x77: {  	v36 =	vadd.f32 v40, v36;
	v2 =	vunpack.i.u.bf16.f32 v60;
	v40 =	vunpack.i.u.bf16.f32 v46  }
0x78: {  	v63 =	vld [tilespmem:$0x7C10];
	v46 =	vunpack.i.u.bf16.f32 v58;
	v37 =	vadd.f32 v45, v37;
	v60 =	vunpack.i.u.bf16.f32 v52  }
0x79: {  	v55 =	vld [tilespmem:$0x7B08];
	v35 =	vadd.f32 v56, v35;
	v45 =	vunpack.i.l.bf16.f32 v57;
	v0 =	vadd.f32 v61, v0  }
0x7a: {  	v1 =	vadd.f32 v3, v1;
	v36 =	vadd.f32 v41, v36;
	v3 =	vunpack.i.l.bf16.f32 v47  }
0x7b: {  	v56 =	vld [tilespmem:$0x79F0];
	v37 =	vadd.f32 v49, v37;
	v3 =	vadd.f32 v3, v4;
	v59 =	vunpack.i.l.bf16.f32 v51  }
0x7c: {  	v61 =	vld [tilespmem:$0x7B28];
	v43 =	vunpack.i.u.bf16.f32 v51;
	v35 =	vadd.f32 v60, v35;
	v4 =	vunpack.i.u.bf16.f32 v57  }
0x7d: {  	v47 =	vld [tilespmem:$0x7B38];
	v2 =	vadd.f32 v2, v36;
	v36 =	vunpack.i.l.bf16.f32 v52;
	v50 =	vunpack.i.l.bf16.f32 v63  }
0x7e: {  	v49 =	vld [tilespmem:$0x7B48];
	v37 =	vadd.f32 v53, v37;
	v3 =	vadd.f32 v39, v3;
	v62 =	vunpack.i.u.bf16.f32 v55  }
0x7f: {  	v51 =	vld [tilespmem:$0x7C20];
	v42 =	vunpack.i.l.bf16.f32 v55;
	v2 =	vadd.f32 v40, v2;
	v35 =	vadd.f32 v62, v35  }
0x80: {  	v60 =	vld [tilespmem:$0x7948];
	v40 =	vunpack.i.l.bf16.f32 v58;
	v37 =	vadd.f32 v59, v37;
	v3 =	vadd.f32 v36, v3  }
0x81: {  	v52 =	vld [tilespmem:$0x7B58];
	v48 =	vunpack.i.u.bf16.f32 v61;
	v39 =	vunpack.i.l.bf16.f32 v61;
	v36 =	vunpack.i.u.bf16.f32 v63  }
0x82: {  	v53 =	vld [tilespmem:$0x79E0];
	v54 =	vunpack.i.l.bf16.f32 v47;
	v63 =	vadd.f32 $0.0e+00, v5;
	v2 =	vadd.f32 v43, v2  }
0x83: {  	v35 =	vadd.f32 v46, v35;
	v43 =	vunpack.i.u.bf16.f32 v47;
	v57 =	vunpack.i.u.bf16.f32 v49  }
0x84: {  	v44 =	vunpack.i.u.bf16.f32 v51;
	v58 =	vunpack.i.l.bf16.f32 v51;
	v47 =	vunpack.i.l.bf16.f32 v56  }
0x85: {  	v41 =	vld [tilespmem:$0x7860];
	v38 =	vunpack.i.l.bf16.f32 v60;
	v37 =	vadd.f32 v45, v37;
	v3 =	vadd.f32 v42, v3  }
0x86: {  	v59 =	vunpack.i.l.bf16.f32 v52;
	v34 =	vadd.f32 v34, v63;
	v2 =	vadd.f32 v4, v2  }
0x87: {  	v42 =	vld [tilespmem:$0x7938];
	v35 =	vadd.f32 v48, v35;
	v61 =	vunpack.i.l.bf16.f32 v53;
	v3 =	vadd.f32 v40, v3  }
0x88: {  	v4 =	vadd.f32 v50, v37;
	v40 =	vunpack.i.l.bf16.f32 v49;
	v37 =	vunpack.i.u.bf16.f32 v52  }
0x89: {  	v62 =	vld [tilespmem:$0x7A00];
	v50 =	vunpack.i.u.bf16.f32 v60;
	v2 =	vadd.f32 v36, v2;
	v35 =	vadd.f32 v43, v35  }
0x8a: {  	v43 =	vadd.f32 $0.0e+00, v61;
	v61 =	vunpack.i.l.bf16.f32 v41;
	v41 =	vunpack.i.u.bf16.f32 v41  }
0x8b: {  	v48 =	vld [tilespmem:$0x7958];
	v3 =	vadd.f32 v39, v3;
	v39 =	vunpack.i.u.bf16.f32 v53;
	v13 =	vadd.f32 v61, v13  }
0x8c: {  	v49 =	vld [tilespmem:$0x7A10];
	v12 =	vadd.f32 v41, v12;
	v55 =	vunpack.i.u.bf16.f32 v42;
	v2 =	vadd.f32 v44, v2  }
0x8d: {  	v35 =	vadd.f32 v57, v35;
	v42 =	vunpack.i.l.bf16.f32 v42;
	v39 =	vadd.f32 $0.0e+00, v39  }
0x8e: {  	v51 =	vunpack.i.l.bf16.f32 v62;
	v52 =	vld [tilespmem:$0x7A20];
	v3 =	vadd.f32 v54, v3;
	v34 =	vadd.f32 v42, v34  }
0x8f: {  	v36 =	vunpack.i.u.bf16.f32 v56;
	v53 =	vld [tilespmem:$0x7968];
	v8 =	vadd.f32 v55, v8;
	v5 =	vadd.f32 v37, v35  }
0x90: {  	v54 =	vunpack.i.u.bf16.f32 v48;
	v35 =	vadd.f32 v47, v43;
	v36 =	vadd.f32 v36, v39  }
0x91: {  	v57 =	vld [tilespmem:$0x7A30];
	v56 =	vunpack.i.u.bf16.f32 v49;
	v43 =	vunpack.i.l.bf16.f32 v49;
	v40 =	vadd.f32 v40, v3  }
0x92: {  	v55 =	vld [tilespmem:$0x7978];
	v37 =	vunpack.i.l.bf16.f32 v48;
	v3 =	vadd.f32 v58, v4;
	v34 =	vadd.f32 v38, v34  }
0x93: {  	v61 =	vld [tilespmem:$0x78B0];
	v47 =	vunpack.i.u.bf16.f32 v52;
	v8 =	vadd.f32 v50, v8;
	v35 =	vadd.f32 v51, v35  }
0x94: {  	v48 =	vld [tilespmem:$0x79A8];
	v60 =	vunpack.i.u.bf16.f32 v53;
	v39 =	vunpack.i.l.bf16.f32 v53;
	v4 =	vadd.f32 v59, v40  }
0x95: {  	v58 =	vld [tilespmem:$0x7988];
	v40 =	vunpack.i.u.bf16.f32 v62;
	v34 =	vadd.f32 v37, v34;
	v59 =	vunpack.i.l.bf16.f32 v52  }
0x96: {  	v51 =	vld [tilespmem:$0x7870];
	v8 =	vadd.f32 v54, v8;
	v49 =	vunpack.i.l.bf16.f32 v57;
	v36 =	vadd.f32 v40, v36  }
0x97: {  	v62 =	vld [tilespmem:$0x7998];
	v35 =	vadd.f32 v43, v35;
	v63 =	vunpack.i.u.bf16.f32 v55;
	v46 =	vunpack.i.l.bf16.f32 v55  }
0x98: {  	v52 =	vld [tilespmem:$0x7880];
	v43 =	vunpack.i.u.bf16.f32 v57;
	v34 =	vadd.f32 v39, v34;
	v40 =	vadd.f32 v60, v8  }
0x99: {  	v54 =	vld [tilespmem:$0x79B8];
	v38 =	vunpack.i.u.bf16.f32 v48;
	v9 =	vadd.f32 v56, v36;
	v35 =	vadd.f32 v59, v35  }
0x9a: {  	v55 =	vld [tilespmem:$0x7798];
	v50 =	vunpack.i.l.bf16.f32 v58;
	v36 =	vunpack.i.u.bf16.f32 v58;
	v56 =	vunpack.i.l.bf16.f32 v48  }
0x9b: {  	v57 =	vld [tilespmem:$0x7890];
	v34 =	vadd.f32 v46, v34;
	v40 =	vadd.f32 v63, v40;
	v58 =	vunpack.i.u.bf16.f32 v51  }
0x9c: {  	v42 =	vunpack.i.l.bf16.f32 v51;
	v51 =	vunpack.i.l.bf16.f32 v61;
	v9 =	vadd.f32 v47, v9  }
0x9d: {  	v60 =	vld [tilespmem:$0x78A0];
	v8 =	vadd.f32 v49, v35;
	v53 =	vunpack.i.l.bf16.f32 v62;
	v39 =	vunpack.i.u.bf16.f32 v62  }
0x9e: {  	v59 =	vunpack.i.l.bf16.f32 v52;
	v13 =	vadd.f32 v42, v13;
	v12 =	vadd.f32 v58, v12  }
0x9f: {  	v48 =	vld [tilespmem:$0x78C0];
	v62 =	vunpack.i.l.bf16.f32 v54;
	v35 =	vunpack.i.u.bf16.f32 v52;
	v34 =	vadd.f32 v50, v34  }
0xa0: {  	v36 =	vadd.f32 v36, v40;
	v41 =	vunpack.i.u.bf16.f32 v55;
	v47 =	vunpack.i.l.bf16.f32 v57  }
0xa1: {  	v63 =	vld [tilespmem:$0x79C8];
	v40 =	vunpack.i.u.bf16.f32 v54;
	v9 =	vadd.f32 v43, v9;
	v13 =	vadd.f32 v59, v13  }
0xa2: {  	v12 =	vadd.f32 v35, v12;
	v43 =	vunpack.i.l.bf16.f32 v55;
	v49 =	vunpack.i.l.bf16.f32 v60  }
0xa3: {  	v50 =	vld [tilespmem:$0x78D0];
	v42 =	vunpack.i.u.bf16.f32 v60;
	v16 =	vadd.f32 v41, v16;
	v34 =	vadd.f32 v53, v34  }
0xa4: {  	v55 =	vld [tilespmem:$0x78E0];
	v36 =	vadd.f32 v39, v36;
	v39 =	vunpack.i.u.bf16.f32 v57;
	v54 =	vunpack.i.l.bf16.f32 v48  }
0xa5: {  	v59 =	vld [tilespmem:$0x78F0];
	v35 =	vunpack.i.u.bf16.f32 v48;
	v18 =	vadd.f32 v43, v18;
	v13 =	vadd.f32 v47, v13  }
0xa6: {  	v53 =	vld [tilespmem:$0x77A8];
	v12 =	vadd.f32 v39, v12;
	v52 =	vunpack.i.l.bf16.f32 v63;
	v34 =	vadd.f32 v56, v34  }
0xa7: {  	v36 =	vadd.f32 v38, v36;
	v38 =	vunpack.i.u.bf16.f32 v61;
	v56 =	vunpack.i.u.bf16.f32 v63  }
0xa8: {  	v60 =	vld [tilespmem:$0x77B8];
	v13 =	vadd.f32 v49, v13;
	v42 =	vadd.f32 v42, v12;
	v58 =	vunpack.i.l.bf16.f32 v50  }
0xa9: {  	v61 =	vld [tilespmem:$0x76D0];
	v34 =	vadd.f32 v62, v34;
	v36 =	vadd.f32 v40, v36;
	v40 =	vunpack.i.u.bf16.f32 v50  }
0xaa: {  	v63 =	vld [tilespmem:$0x77C8];
	v48 =	vunpack.i.u.bf16.f32 v55;
	v39 =	vadd.f32 v51, v13;
	v38 =	vadd.f32 v38, v42  }
0xab: {  	v62 =	vunpack.i.u.bf16.f32 v53;
	v42 =	vunpack.i.l.bf16.f32 v55;
	v51 =	vunpack.i.l.bf16.f32 v59  }
0xac: {  	v12 =	vadd.f32 v52, v34;
	v13 =	vadd.f32 v56, v36;
	v34 =	vunpack.i.l.bf16.f32 v53  }
0xad: {  	v49 =	vld [tilespmem:$0x7900];
	v16 =	vadd.f32 v62, v16;
	v52 =	vunpack.i.u.bf16.f32 v60;
	v57 =	vadd.f32 v54, v39  }
0xae: {  	v50 =	vld [tilespmem:$0x77D8];
	v35 =	vadd.f32 v35, v38;
	v18 =	vadd.f32 v34, v18;
	v38 =	vunpack.i.l.bf16.f32 v60  }
0xaf: {  	v53 =	vunpack.i.u.bf16.f32 v61;
	v54 =	vld [tilespmem:$0x77E8];
	v55 =	vunpack.i.u.bf16.f32 v63;
	v37 =	vunpack.i.l.bf16.f32 v61  }
0xb0: {  	v39 =	vunpack.i.u.bf16.f32 v59;
	v59 =	vld [tilespmem:$0x76E0];
	v27 =	vadd.f32 v37, v27;
	v26 =	vadd.f32 v53, v26  }
0xb1: {  	v56 =	vunpack.i.l.bf16.f32 v63;
	v61 =	vld [tilespmem:$0x76F0];
	v36 =	vadd.f32 v58, v57;
	v35 =	vadd.f32 v40, v35  }
0xb2: {  	v47 =	vld [tilespmem:$0x7700];
	v18 =	vadd.f32 v38, v18;
	v40 =	vadd.f32 v52, v16;
	v58 =	vunpack.i.l.bf16.f32 v49  }
0xb3: {  	v63 =	vld [tilespmem:$0x7808];
	v60 =	vunpack.i.l.bf16.f32 v50;
	v36 =	vadd.f32 v42, v36;
	v35 =	vadd.f32 v48, v35  }
0xb4: {  	v53 =	vld [tilespmem:$0x7710];
	v41 =	vunpack.i.u.bf16.f32 v50;
	v18 =	vadd.f32 v56, v18;
	v40 =	vadd.f32 v55, v40  }
0xb5: {  	v57 =	vld [tilespmem:$0x77F8];
	v42 =	vunpack.i.u.bf16.f32 v49;
	v62 =	vunpack.i.l.bf16.f32 v54;
	v38 =	vunpack.i.u.bf16.f32 v54  }
0xb6: {  	v46 =	vunpack.i.u.bf16.f32 v59;
	v49 =	vunpack.i.u.bf16.f32 v61;
	v50 =	vunpack.i.l.bf16.f32 v61  }
0xb7: {  	v52 =	vld [tilespmem:$0x7828];
	v54 =	vunpack.i.u.bf16.f32 v47;
	v34 =	vadd.f32 v51, v36;
	v35 =	vadd.f32 v39, v35  }
0xb8: {  	v48 =	vld [tilespmem:$0x7818];
	v43 =	vadd.f32 v60, v18;
	v40 =	vadd.f32 v41, v40;
	v51 =	vunpack.i.l.bf16.f32 v63  }
0xb9: {  	v55 =	vld [tilespmem:$0x7720];
	v41 =	vunpack.i.u.bf16.f32 v63;
	v26 =	vadd.f32 v46, v26;
	v60 =	vunpack.i.u.bf16.f32 v53  }
0xba: {  	v45 =	vunpack.i.l.bf16.f32 v57;
	v16 =	vadd.f32 v58, v34;
	v18 =	vadd.f32 v42, v35  }
0xbb: {  	v39 =	vunpack.i.u.bf16.f32 v57;
	v57 =	vld [tilespmem:$0x7838];
	v35 =	vadd.f32 v62, v43;
	v38 =	vadd.f32 v38, v40  }
0xbc: {  	v34 =	vunpack.i.l.bf16.f32 v59;
	v40 =	vld [tilespmem:$0x7608];
	v26 =	vadd.f32 v49, v26;
	v42 =	vunpack.i.l.bf16.f32 v47  }
0xbd: {  	v58 =	vld [tilespmem:$0x7730];
	v59 =	vunpack.i.l.bf16.f32 v52;
	v27 =	vadd.f32 v34, v27;
	v56 =	vunpack.i.u.bf16.f32 v48  }
0xbe: {  	v62 =	vld [tilespmem:$0x7740];
	v37 =	vunpack.i.l.bf16.f32 v48;
	v63 =	vunpack.i.u.bf16.f32 v55;
	v35 =	vadd.f32 v45, v35  }
0xbf: {  	v48 =	vunpack.i.l.bf16.f32 v55;
	v38 =	vadd.f32 v39, v38;
	v26 =	vadd.f32 v54, v26  }
0xc0: {  	v34 =	vunpack.i.u.bf16.f32 v52;
	v27 =	vadd.f32 v50, v27;
	v35 =	vadd.f32 v51, v35  }
0xc1: {  	v49 =	vld [tilespmem:$0x7750];
	v39 =	vunpack.i.l.bf16.f32 v53;
	v38 =	vadd.f32 v41, v38;
	v41 =	vadd.f32 v60, v26  }
0xc2: {  	v52 =	vld [tilespmem:$0x7618];
	v50 =	vunpack.i.l.bf16.f32 v57;
	v27 =	vadd.f32 v42, v27;
	v61 =	vunpack.i.l.bf16.f32 v40  }
0xc3: {  	v51 =	vunpack.i.l.bf16.f32 v58;
	v54 =	vunpack.i.l.bf16.f32 v62;
	v35 =	vadd.f32 v37, v35  }
0xc4: {  	v53 =	vld [tilespmem:$0x7628];
	v40 =	vunpack.i.u.bf16.f32 v40;
	v36 =	vadd.f32 v56, v38;
	v41 =	vadd.f32 v63, v41  }
0xc5: {  	v38 =	vunpack.i.u.bf16.f32 v58;
	v37 =	vunpack.i.u.bf16.f32 v57;
	v56 =	vunpack.i.u.bf16.f32 v62  }
0xc6: {  	v58 =	vunpack.i.l.bf16.f32 v49;
	v31 =	vadd.f32 v61, v31;
	v30 =	vadd.f32 v40, v30  }
0xc7: {  	v57 =	vld [tilespmem:$0x7760];
	v60 =	vunpack.i.u.bf16.f32 v52;
	v27 =	vadd.f32 v39, v27;
	v35 =	vadd.f32 v59, v35  }
0xc8: {  	v61 =	vunpack.i.l.bf16.f32 v52;
	v63 =	vld [tilespmem:$0x7648];
	v34 =	vadd.f32 v34, v36;
	v55 =	vadd.f32 v38, v41  }
0xc9: {  	v62 =	vunpack.i.l.bf16.f32 v53;
	v59 =	vld [tilespmem:$0x7638];
	v31 =	vadd.f32 v61, v31;
	v27 =	vadd.f32 v48, v27  }
0xca: {  	v36 =	vunpack.i.u.bf16.f32 v49;
	v30 =	vadd.f32 v60, v30;
	v49 =	vld [tilespmem:$0x7770];
	v26 =	vadd.f32 v50, v35  }
0xcb: {  	v60 =	vld [tilespmem:$0x7560];
	v50 =	vunpack.i.u.bf16.f32 v53;
	v31 =	vadd.f32 v62, v31;
	v35 =	vadd.f32 v51, v27  }
0xcc: {  	v27 =	vadd.f32 v37, v34;
	v37 =	vadd.f32 v56, v55;
	v48 =	vunpack.i.l.bf16.f32 v57;
	v51 =	vld [tilespmem:$0x7658]  }
0xcd: {  	v30 =	vadd.f32 v50, v30;
	v39 =	vunpack.i.u.bf16.f32 v57;
	v55 =	vunpack.i.l.bf16.f32 v63;
	v56 =	vld [tilespmem:$0x7550]  }
0xce: {  	v42 =	vunpack.i.u.bf16.f32 v63;
	v50 =	vld [tilespmem:$0x7698];
	v34 =	vadd.f32 v54, v35;
	v53 =	vunpack.i.l.bf16.f32 v59  }
0xcf: {  	v35 =	vld [tilespmem:$0x7540];
	v36 =	vadd.f32 v36, v37;
	v38 =	vunpack.i.u.bf16.f32 v59;
	v31 =	vadd.f32 v53, v31  }
0xd0: {  	v54 =	vld [tilespmem:$0x7668];
	v57 =	vunpack.i.l.bf16.f32 v49;
	v38 =	vadd.f32 v38, v30;
	v34 =	vadd.f32 v58, v34  }
0xd1: {  	v59 =	vld [tilespmem:$0x7678];
	v41 =	vunpack.i.u.bf16.f32 v49;
	v36 =	vadd.f32 v39, v36;
	v31 =	vadd.f32 v55, v31  }
0xd2: {  	v46 =	vld [tilespmem:$0x7570];
	v58 =	vunpack.i.l.bf16.f32 v51;
	v38 =	vadd.f32 v42, v38;
	v37 =	vunpack.i.u.bf16.f32 v51  }
0xd3: {  	v62 =	vld [tilespmem:$0x7688];
	v63 =	vunpack.i.l.bf16.f32 v56;
	v49 =	vunpack.i.u.bf16.f32 v56;
	v51 =	vunpack.i.l.bf16.f32 v60  }
0xd4: {  	v42 =	vunpack.i.u.bf16.f32 v60;
	v43 =	vunpack.i.u.bf16.f32 v50;
	v34 =	vadd.f32 v48, v34  }
0xd5: {  	v52 =	vunpack.i.u.bf16.f32 v35;
	v61 =	vunpack.i.l.bf16.f32 v54;
	v37 =	vadd.f32 v37, v38  }
0xd6: {  	v53 =	vld [tilespmem:$0x7590];
	v35 =	vunpack.i.l.bf16.f32 v35;
	v45 =	vunpack.i.u.bf16.f32 v54;
	v47 =	vunpack.i.l.bf16.f32 v59  }
0xd7: {  	v56 =	vld [tilespmem:$0x75A0];
	v39 =	vunpack.i.u.bf16.f32 v59;
	v54 =	vunpack.i.u.bf16.f32 v46;
	v30 =	vadd.f32 v57, v34  }
0xd8: {  	v48 =	vld [tilespmem:$0x7580];
	v38 =	vunpack.i.u.bf16.f32 v62;
	v34 =	vadd.f32 v58, v31;
	v31 =	vadd.f32 v41, v36  }
0xd9: {  	v59 =	vld [tilespmem:$0x75B0];
	v33 =	vadd.f32 v35, v33;
	v32 =	vadd.f32 v52, v32;
	v52 =	vunpack.i.l.bf16.f32 v62  }
0xda: {  	v36 =	vld [tilespmem:$0x7478];
	v41 =	vunpack.i.l.bf16.f32 v46;
	v57 =	vunpack.i.l.bf16.f32 v50;
	v46 =	vadd.f32 $0.0e+00, v25  }
0xdb: {  	v58 =	vld [tilespmem:$0x76A8];
	v40 =	vunpack.i.u.bf16.f32 v53;
	v37 =	vadd.f32 v45, v37;
	v34 =	vadd.f32 v61, v34  }
0xdc: {  	v33 =	vadd.f32 v63, v33;
	v32 =	vadd.f32 v49, v32;
	v61 =	vunpack.i.l.bf16.f32 v53  }
0xdd: {  	v50 =	vld [tilespmem:$0x7498];
	v63 =	vunpack.i.l.bf16.f32 v56;
	v24 =	vadd.f32 v24, v46;
	v37 =	vadd.f32 v39, v37  }
0xde: {  	v55 =	vunpack.i.l.bf16.f32 v48;
	v35 =	vunpack.i.u.bf16.f32 v48;
	v34 =	vadd.f32 v47, v34  }
0xdf: {  	v62 =	vld [tilespmem:$0x75C0];
	v33 =	vadd.f32 v51, v33;
	v32 =	vadd.f32 v42, v32;
	v51 =	vunpack.i.l.bf16.f32 v59  }
0xe0: {  	v48 =	vld [tilespmem:$0x7488];
	v37 =	vadd.f32 v38, v37;
	v60 =	vunpack.i.u.bf16.f32 v36;
	v49 =	vunpack.i.l.bf16.f32 v58  }
0xe1: {  	v38 =	vunpack.i.u.bf16.f32 v59;
	v53 =	vunpack.i.u.bf16.f32 v58;
	v36 =	vunpack.i.l.bf16.f32 v36  }
0xe2: {  	v59 =	vunpack.i.l.bf16.f32 v50;
	v34 =	vadd.f32 v52, v34;
	v33 =	vadd.f32 v41, v33  }
0xe3: {  	v58 =	vld [tilespmem:$0x74A8];
	v32 =	vadd.f32 v54, v32;
	v41 =	vunpack.i.u.bf16.f32 v56;
	v29 =	vadd.f32 v36, v29  }
0xe4: {  	v52 =	vld [tilespmem:$0x75D0];
	v54 =	vunpack.i.l.bf16.f32 v62;
	v28 =	vadd.f32 v60, v28;
	v34 =	vadd.f32 v57, v34  }
0xe5: {  	v33 =	vadd.f32 v55, v33;
	v32 =	vadd.f32 v35, v32;
	v57 =	vunpack.i.l.bf16.f32 v48  }
0xe6: {  	v37 =	vadd.f32 v43, v37;
	v55 =	vld [tilespmem:$0x75E0];
	v56 =	vunpack.i.u.bf16.f32 v48;
	v29 =	vadd.f32 v57, v29  }
0xe7: {  	v35 =	vunpack.i.u.bf16.f32 v62;
	v33 =	vadd.f32 v61, v33;
	v40 =	vadd.f32 v40, v32;
	v61 =	vld [tilespmem:$0x74B8]  }
0xe8: {  	v32 =	vadd.f32 v49, v34;
	v34 =	vunpack.i.u.bf16.f32 v50;
	v49 =	vld [tilespmem:$0x74D8];
	v29 =	vadd.f32 v59, v29  }
0xe9: {  	v45 =	vunpack.i.l.bf16.f32 v58;
	v50 =	vld [tilespmem:$0x72F8];
	v60 =	vunpack.i.l.bf16.f32 v52;
	v33 =	vadd.f32 v63, v33  }
0xea: {  	v43 =	vunpack.i.u.bf16.f32 v52;
	v40 =	vadd.f32 v41, v40;
	v29 =	vadd.f32 v45, v29  }
0xeb: {  	v36 =	vld [tilespmem:$0x73D0];
	v62 =	vunpack.i.l.bf16.f32 v55;
	v41 =	vadd.f32 v51, v33;
	v33 =	vadd.f32 v53, v37  }
0xec: {  	v47 =	vunpack.i.u.bf16.f32 v55;
	v38 =	vadd.f32 v38, v40;
	v40 =	vadd.f32 v56, v28  }
0xed: {  	v63 =	vld [tilespmem:$0x74C8];
	v48 =	vunpack.i.l.bf16.f32 v61;
	v52 =	vunpack.i.u.bf16.f32 v61;
	v57 =	vunpack.i.l.bf16.f32 v49  }
0xee: {  	v39 =	vunpack.i.l.bf16.f32 v50;
	v37 =	vadd.f32 v54, v41;
	v35 =	vadd.f32 v35, v38  }
0xef: {  	v42 =	vld [tilespmem:$0x7400];
	v34 =	vadd.f32 v34, v40;
	v38 =	vunpack.i.u.bf16.f32 v58;
	v29 =	vadd.f32 v48, v29  }
0xf0: {  	v41 =	vld [tilespmem:$0x73C0];
	v54 =	vunpack.i.l.bf16.f32 v36;
	v58 =	vunpack.i.u.bf16.f32 v22;
	v20 =	vadd.f32 v39, v20  }
0xf1: {  	v22 =	vld [tilespmem:$0x7410];
	v36 =	vunpack.i.u.bf16.f32 v36;
	v61 =	vadd.f32 v58, v23;
	v37 =	vadd.f32 v60, v37  }
0xf2: {  	v53 =	vunpack.i.l.bf16.f32 v63;
	v23 =	vld [tilespmem:$0x7420];
	v35 =	vadd.f32 v43, v35;
	v34 =	vadd.f32 v38, v34  }
0xf3: {  	v56 =	vunpack.i.u.bf16.f32 v63;
	v43 =	vld [tilespmem:$0x73E0];
	v29 =	vadd.f32 v53, v29;
	v28 =	vadd.f32 v62, v37  }
0xf4: {  	v63 =	vld [tilespmem:$0x7308];
	v60 =	vunpack.i.u.bf16.f32 v50;
	v25 =	vadd.f32 v47, v35;
	v34 =	vadd.f32 v52, v34  }
0xf5: {  	v35 =	vunpack.i.u.bf16.f32 v49;
	v47 =	vunpack.i.l.bf16.f32 v42;
	v51 =	vunpack.i.l.bf16.f32 v41  }
0xf6: {  	v37 =	vld [tilespmem:$0x73F0];
	v41 =	vunpack.i.u.bf16.f32 v41;
	v48 =	vunpack.i.l.bf16.f32 v22;
	v24 =	vadd.f32 v51, v24  }
0xf7: {  	v34 =	vadd.f32 v56, v34;
	v51 =	vadd.f32 $0.0e+00, v19;
	v52 =	vunpack.i.l.bf16.f32 v23;
	v56 =	vld [tilespmem:$0x7328]  }
0xf8: {  	v50 =	vld [tilespmem:$0x7318];
	v55 =	vunpack.i.l.bf16.f32 v43;
	v43 =	vunpack.i.u.bf16.f32 v43;
	v40 =	vadd.f32 v54, v24  }
0xf9: {  	v19 =	vld [tilespmem:$0x7440];
	v24 =	vadd.f32 v57, v29;
	v34 =	vadd.f32 v35, v34;
	v54 =	vunpack.i.u.bf16.f32 v63  }
0xfa: {  	v35 =	vunpack.i.l.bf16.f32 v63;
	v59 =	vadd.f32 v55, v40;
	v55 =	vadd.f32 v17, v51;
	v17 =	vld [tilespmem:$0x7450]  }
0xfb: {  	v62 =	vunpack.i.l.bf16.f32 v37;
	v57 =	vunpack.i.u.bf16.f32 v37;
	v40 =	vadd.f32 v41, v61;
	v61 =	vld [tilespmem:$0x7220]  }
0xfc: {  	v20 =	vadd.f32 v35, v20;
	v63 =	vunpack.i.u.bf16.f32 v56;
	v29 =	vadd.f32 v62, v59  }
0xfd: {  	v44 =	vunpack.i.l.bf16.f32 v56;
	v36 =	vadd.f32 v36, v40;
	v38 =	vadd.f32 v60, v55  }
0xfe: {  	v59 =	vunpack.i.u.bf16.f32 v50;
	v60 =	vld [tilespmem:$0x7338];
	v62 =	vunpack.i.l.bf16.f32 v19;
	v41 =	vadd.f32 v47, v29  }
0xff: {  	v55 =	vld [tilespmem:$0x7240];
	v19 =	vunpack.i.u.bf16.f32 v19;
	v36 =	vadd.f32 v43, v36;
	v38 =	vadd.f32 v54, v38  }
0x100: {  	v29 =	vld [tilespmem:$0x7430];
	v51 =	vunpack.i.l.bf16.f32 v17;
	v54 =	vunpack.i.l.bf16.f32 v61;
	v49 =	vadd.f32 v48, v41  }
0x101: {  	v35 =	vunpack.i.u.bf16.f32 v61;
	v61 =	vld [tilespmem:$0x7260];
	v36 =	vadd.f32 v57, v36;
	v38 =	vadd.f32 v59, v38  }
0x102: {  	v41 =	vunpack.i.l.bf16.f32 v50;
	v48 =	vld [tilespmem:$0x7348];
	v15 =	vadd.f32 v54, v15;
	v14 =	vadd.f32 v35, v14  }
0x103: {  	v50 =	vld [tilespmem:$0x7230];
	v41 =	vadd.f32 v41, v20;
	v37 =	vunpack.i.u.bf16.f32 v60;
	v53 =	vadd.f32 v52, v49  }
0x104: {  	v57 =	vld [tilespmem:$0x7250];
	v49 =	vunpack.i.u.bf16.f32 v42;
	v52 =	vunpack.i.l.bf16.f32 v60;
	v38 =	vadd.f32 v63, v38  }
0x105: {  	v58 =	vunpack.i.l.bf16.f32 v29;
	v20 =	vadd.f32 v49, v36;
	v41 =	vadd.f32 v44, v41  }
0x106: {  	v63 =	vld [tilespmem:$0x7270];
	v42 =	vunpack.i.u.bf16.f32 v55;
	v21 =	vadd.f32 v58, v53;
	v37 =	vadd.f32 v37, v38  }
0x107: {  	v54 =	vld [tilespmem:$0x72A0];
	v49 =	vunpack.i.l.bf16.f32 v61;
	v41 =	vadd.f32 v52, v41;
	v56 =	vunpack.i.l.bf16.f32 v48  }
0x108: {  	v53 =	vld [tilespmem:$0x7358];
	v43 =	vunpack.i.u.bf16.f32 v48;
	v59 =	vunpack.i.l.bf16.f32 v50;
	v39 =	vunpack.i.u.bf16.f32 v50  }
0x109: {  	v58 =	vld [tilespmem:$0x7368];
	v46 =	vunpack.i.l.bf16.f32 v57;
	v21 =	vadd.f32 v62, v21;
	v37 =	vadd.f32 v43, v37  }
0x10a: {  	v45 =	vld [tilespmem:$0x7378];
	v15 =	vadd.f32 v59, v15;
	v62 =	vunpack.i.l.bf16.f32 v55;
	v14 =	vadd.f32 v39, v14  }
0x10b: {  	v38 =	vadd.f32 v56, v41;
	v41 =	vunpack.i.u.bf16.f32 v57;
	v52 =	vunpack.i.l.bf16.f32 v63  }
0x10c: {  	v48 =	vld [tilespmem:$0x7280];
	v39 =	vunpack.i.u.bf16.f32 v63;
	v63 =	vunpack.i.l.bf16.f32 v54;
	v21 =	vadd.f32 v51, v21  }
0x10d: {  	v50 =	vld [tilespmem:$0x7290];
	v15 =	vadd.f32 v62, v15;
	v14 =	vadd.f32 v42, v14;
	v60 =	vunpack.i.l.bf16.f32 v53  }
0x10e: {  	v36 =	vunpack.i.u.bf16.f32 v53;
	v47 =	vunpack.i.l.bf16.f32 v58;
	v43 =	vunpack.i.u.bf16.f32 v58  }
0x10f: {  	v57 =	vld [tilespmem:$0x72B0];
	v53 =	vunpack.i.l.bf16.f32 v45;
	v35 =	vadd.f32 v60, v38;
	v36 =	vadd.f32 v36, v37  }
0x110: {  	v51 =	vld [tilespmem:$0x7388];
	v15 =	vadd.f32 v46, v15;
	v14 =	vadd.f32 v41, v14;
	v38 =	vunpack.i.u.bf16.f32 v61  }
0x111: {  	v62 =	vld [tilespmem:$0x7168];
	v55 =	vunpack.i.l.bf16.f32 v48;
	v37 =	vunpack.i.u.bf16.f32 v45;
	v56 =	vunpack.i.u.bf16.f32 v48  }
0x112: {  	v58 =	vld [tilespmem:$0x7158];
	v59 =	vunpack.i.l.bf16.f32 v50;
	v35 =	vadd.f32 v47, v35;
	v36 =	vadd.f32 v43, v36  }
0x113: {  	v41 =	vunpack.i.u.bf16.f32 v50;
	v15 =	vadd.f32 v49, v15;
	v14 =	vadd.f32 v38, v14  }
0x114: {  	v46 =	vld [tilespmem:$0x7178];
	v38 =	vunpack.i.u.bf16.f32 v54;
	v47 =	vunpack.i.l.bf16.f32 v57;
	v42 =	vunpack.i.u.bf16.f32 v57  }
0x115: {  	v48 =	vld [tilespmem:$0x72C0];
	v60 =	vunpack.i.l.bf16.f32 v51;
	v45 =	vunpack.i.u.bf16.f32 v51;
	v35 =	vadd.f32 v53, v35  }
0x116: {  	v40 =	vunpack.i.u.bf16.f32 v62;
	v15 =	vadd.f32 v52, v15;
	v14 =	vadd.f32 v39, v14  }
0x117: {  	v49 =	vld [tilespmem:$0x7090];
	v36 =	vadd.f32 v37, v36;
	v50 =	vunpack.i.l.bf16.f32 v58;
	v37 =	vunpack.i.u.bf16.f32 v58  }
0x118: {  	v51 =	vld [tilespmem:$0x7188];
	v52 =	vunpack.i.l.bf16.f32 v62;
	v11 =	vadd.f32 v50, v11;
	v10 =	vadd.f32 v37, v10  }
0x119: {  	v54 =	vunpack.i.l.bf16.f32 v46;
	v15 =	vadd.f32 v55, v15;
	v39 =	vadd.f32 v56, v14  }
0x11a: {  	v62 =	vld [tilespmem:$0x70B0];
	v43 =	vunpack.i.u.bf16.f32 v48;
	v14 =	vadd.f32 v60, v35;
	v11 =	vadd.f32 v52, v11  }
0x11b: {  	v53 =	vld [tilespmem:$0x7198];
	v55 =	vunpack.i.l.bf16.f32 v48;
	v10 =	vadd.f32 v40, v10;
	v61 =	vadd.f32 v59, v15  }
0x11c: {  	v56 =	vld [tilespmem:$0x71A8];
	v57 =	vunpack.i.u.bf16.f32 v49;
	v39 =	vadd.f32 v41, v39;
	v15 =	vadd.f32 v45, v36  }
0x11d: {  	v60 =	vld [tilespmem:$0x70A0];
	v41 =	vunpack.i.u.bf16.f32 v46;
	v58 =	vunpack.i.l.bf16.f32 v51;
	v6 =	vadd.f32 v57, v6  }
0x11e: {  	v36 =	vunpack.i.u.bf16.f32 v51;
	v11 =	vadd.f32 v54, v11;
	v10 =	vadd.f32 v41, v10  }
0x11f: {  	v59 =	vld [tilespmem:$0x71B8];
	v50 =	vunpack.i.u.bf16.f32 v62;
	v35 =	vadd.f32 v63, v61;
	v38 =	vadd.f32 v38, v39  }
0x120: {  	v45 =	vld [tilespmem:$0x71C8];
	v61 =	vunpack.i.l.bf16.f32 v53;
	v39 =	vunpack.i.l.bf16.f32 v49;
	v11 =	vadd.f32 v58, v11  }
0x121: {  	v46 =	vld [tilespmem:$0x70C0];
	v10 =	vadd.f32 v36, v10;
	v63 =	vunpack.i.l.bf16.f32 v56;
	v40 =	vunpack.i.u.bf16.f32 v56  }
0x122: {  	v7 =	vadd.f32 v39, v7;
	v48 =	vunpack.i.l.bf16.f32 v60;
	v36 =	vunpack.i.l.bf16.f32 v62  }
0x123: {  	v51 =	vld [tilespmem:$0x70E0];
	v35 =	vadd.f32 v47, v35;
	v38 =	vadd.f32 v42, v38;
	v42 =	vunpack.i.u.bf16.f32 v53  }
0x124: {  	v49 =	vld [tilespmem:$0x70D0];
	v11 =	vadd.f32 v61, v11;
	v10 =	vadd.f32 v42, v10;
	v47 =	vunpack.i.l.bf16.f32 v59  }
0x125: {  	v57 =	vld [tilespmem:$0x71E8];
	v7 =	vadd.f32 v48, v7;
	v41 =	vunpack.i.u.bf16.f32 v59;
	v52 =	vunpack.i.l.bf16.f32 v45  }
0x126: {  	v62 =	vld [tilespmem:$0x7110];
	v54 =	vunpack.i.l.bf16.f32 v46;
	v42 =	vunpack.i.u.bf16.f32 v45;
	v35 =	vadd.f32 v55, v35  }
0x127: {  	v53 =	vld [tilespmem:$0x71D8];
	v38 =	vadd.f32 v43, v38;
	v43 =	vunpack.i.u.bf16.f32 v60;
	v11 =	vadd.f32 v63, v11  }
0x128: {  	v58 =	vunpack.i.u.bf16.f32 v51;
	v59 =	vld [tilespmem:$0x7100];
	v10 =	vadd.f32 v40, v10;
	v6 =	vadd.f32 v43, v6  }
0x129: {  	v45 =	vld [tilespmem:$0x7120];
	v7 =	vadd.f32 v36, v7;
	v40 =	vunpack.i.u.bf16.f32 v46;
	v56 =	vunpack.i.u.bf16.f32 v49  }
0x12a: {  	v55 =	vld [tilespmem:$0x70F0];
	v37 =	vunpack.i.l.bf16.f32 v49;
	v43 =	vunpack.i.l.bf16.f32 v51;
	v46 =	vunpack.i.l.bf16.f32 v57  }
0x12b: {  	v49 =	vunpack.i.l.bf16.f32 v62;
	v11 =	vadd.f32 v47, v11;
	v10 =	vadd.f32 v41, v10  }
0x12c: {  	v63 =	vld [tilespmem:$0x71F8];
	v51 =	vunpack.i.u.bf16.f32 v62;
	v6 =	vadd.f32 v50, v6;
	v7 =	vadd.f32 v54, v7  }
0x12d: {  	v60 =	vunpack.i.l.bf16.f32 v53;
	v36 =	vunpack.i.u.bf16.f32 v53;
	v47 =	vunpack.i.l.bf16.f32 v59  }
0x12e: {  	v48 =	vld [tilespmem:$0x7130];
	v53 =	vunpack.i.l.bf16.f32 v45;
	v11 =	vadd.f32 v52, v11;
	v6 =	vadd.f32 v40, v6  }
0x12f: {  	v54 =	vld [tilespmem:$0x7200];
	v10 =	vadd.f32 v42, v10;
	v7 =	vadd.f32 v37, v7;
	v61 =	vunpack.i.u.bf16.f32 v55  }
0x130: {  	v39 =	vunpack.i.l.bf16.f32 v55;
	v37 =	vunpack.i.u.bf16.f32 v59;
	v40 =	vunpack.i.u.bf16.f32 v57  }
0x131: {  	v50 =	vld [tilespmem:$0x7138];
	v52 =	vunpack.i.l.bf16.f32 v63;
	v6 =	vadd.f32 v56, v6;
	v11 =	vadd.f32 v60, v11  }
0x132: {  	v62 =	vld [tilespmem:$0x74E8];
	v55 =	vunpack.i.u.bf16.f32 v63;
	v7 =	vadd.f32 v43, v7;
	v10 =	vadd.f32 v36, v10  }
0x133: {  	v59 =	vld [tilespmem:$0x7390];
	v36 =	vunpack.i.u.bf16.f32 v45;
	v56 =	vunpack.i.l.bf16.f32 v48;
	v6 =	vadd.f32 v58, v6  }
0x134: {  	v42 =	vld [tilespmem:$0x74F8];
	v60 =	vunpack.i.l.bf16.f32 v54;
	v7 =	vadd.f32 v39, v7;
	v11 =	vadd.f32 v46, v11  }
0x135: {  	v57 =	vld [tilespmem:$0x72C8];
	v41 =	vunpack.i.u.bf16.f32 v54;
	v10 =	vadd.f32 v40, v10;
	v6 =	vadd.f32 v61, v6  }
0x136: {  	v39 =	vunpack.i.u.bf16.f32 v48;
	v58 =	vunpack.i.l.bf16.f32 v50;
	v7 =	vadd.f32 v47, v7  }
0x137: {  	v41 =	vsel vm0, $0x0, v41;
	v48 =	vunpack.i.l.bf16.f32 v62;
	v6 =	vadd.f32 v37, v6  }
0x138: {  	v40 =	vsel vm0, $0x0, v58;
	v44 =	vunpack.i.u.bf16.f32 v59;
	v7 =	vadd.f32 v49, v7  }
0x139: {  	v54 =	vunpack.i.u.bf16.f32 v42;
	v11 =	vadd.f32 v52, v11;
	v6 =	vadd.f32 v51, v6  }
0x13a: {  	v10 =	vadd.f32 v55, v10;
	v61 =	vunpack.i.l.bf16.f32 v57;
	v7 =	vadd.f32 v53, v7  }
0x13b: {  	v52 =	vunpack.i.u.bf16.f32 v23;
	v37 =	vunpack.i.u.bf16.f32 v50;
	v6 =	vadd.f32 v36, v6  }
0x13c: {  	v63 =	vadd.f32 v41, v10;
	v41 =	vunpack.i.l.bf16.f32 v59;
	v7 =	vadd.f32 v56, v7  }
0x13d: {  	v49 =	vunpack.i.u.bf16.f32 v22;
	v37 =	vsel vm0, $0x0, v37;
	v6 =	vadd.f32 v39, v6  }
0x13e: {  	v46 =	vld [tilespmem:$0x7508];
	v36 =	vunpack.i.u.bf16.f32 v57;
	v56 =	vunpack.i.u.bf16.f32 v29;
	v7 =	vadd.f32 v40, v7  }
0x13f: {  	v53 =	vld [tilespmem:$0x7518];
	v10 =	vsel vm0, $0x0, v36;
	v40 =	vsel vm0, $0x0, v60;
	v6 =	vadd.f32 v37, v6  }
0x140: {  	v29 =	vld [tilespmem:$0x76B0];
	v43 =	vadd.f32 v10, v38;
	v10 =	vsel vm0, $0x0, v44;
	v11 =	vadd.f32 v40, v11;
	(xrf2) =	vadd.scan.msk.f32 $0xffff, v7  }
0x141: {  	v47 =	vadd.f32 v10, v15;
	v10 =	vadd.f32 v48, v24;
	v40 =	vld [tilespmem:$0x7840];
	v7 =	vsel vm0, $0x0, v61;
	(xrf2) =	vadd.scan.msk.f32 $0xffff, v6  }
0x142: {  	v50 =	vunpack.i.u.bf16.f32 v62;
	v51 =	vunpack.i.l.bf16.f32 v42;
	v37 =	vld [tilespmem:$0x7458];
	v7 =	vadd.f32 v7, v35;
	(xrf2) =	vadd.scan.msk.f32 $0xffff, v11  }
0x143: {  	v15 =	vadd.f32 v50, v34;
	v6 =	vadd.f32 v51, v10;
	v11 =	vsel vm0, $0x0, v41;
	(xrf2) =	vadd.scan.msk.f32 $0xffff, v63  }
0x144: {  	v55 =	vunpack.i.l.bf16.f32 v46;
	v60 =	vunpack.i.l.bf16.f32 v53;
	v61 =	vld [tilespmem:$0x7520];
	v11 =	vadd.f32 v11, v14;
	(xrf2) =	vadd.scan.msk.f32 $0xffff, v7  }
0x145: {  	v15 =	vadd.f32 v54, v15;
	v42 =	vunpack.i.l.bf16.f32 v29;
	v6 =	vadd.f32 v55, v6;
	(xrf2) =	vadd.scan.msk.f32 $0xffff, v43  }
0x146: {  	v14 =	vunpack.i.u.bf16.f32 v46;
	v63 =	vunpack.i.u.bf16.f32 v17;
	(xrf2) =	vadd.scan.msk.f32 $0xffff, v11;
	v11 =	vadd.f32 v49, v20  }
0x147: {  	v44 =	vld [tilespmem:$0x7908];
	v50 =	vunpack.i.l.bf16.f32 v40;
	v45 =	vunpack.i.l.bf16.f32 v37;
	v14 =	vadd.f32 v14, v15  }
0x148: {  	v23 =	vunpack.i.u.bf16.f32 v37;
	v37 =	vld [tilespmem:$0x7778];
	v7 =	vsel vm0, $0x0, v45;
	v10 =	vadd.f32 v52, v11  }
0x149: {  	v48 =	vld [tilespmem:$0x79D0];
	v35 =	vunpack.i.l.bf16.f32 v61;
	v6 =	vadd.f32 v60, v6;
	v7 =	vadd.f32 v7, v21  }
0x14a: {  	v17 =	vsel vm0, $0x0, v23;
	v43 =	vunpack.i.u.bf16.f32 v29;
	v21 =	vld [tilespmem:$0x75E8];
	(xrf2) =	vadd.scan.msk.f32 $0xffff, v47;
	v10 =	vadd.f32 v56, v10  }
0x14b: {  	(xrf2) =	vadd.scan.msk.f32 $0xffff, v7;
	v7 =	vunpack.i.u.bf16.f32 v53;
	v11 =	vsel vm0, $0x0, v35;
	v52 =	vunpack.i.u.bf16.f32 v40  }
0x14c: {  	v53 =	vunpack.i.l.bf16.f32 v44;
	v7 =	vadd.f32 v7, v14;
	v10 =	vadd.f32 v19, v10  }
0x14d: {  	v57, _, _ =	vpop (xrf2);
	v6 =	vadd.f32 v11, v6;
	v46 =	vunpack.i.l.bf16.f32 v37;
	v47 =	vunpack.i.u.bf16.f32 v37  }
0x14e: {  	(v2sf) =	vpush v57, $0xF;
	v56 =	vunpack.i.u.bf16.f32 v44;
	v10 =	vadd.f32 v63, v10  }
0x14f: {  	v35 =	vld [tilespmem:$0x7B60];
	v57 =	vunpack.i.l.bf16.f32 v48;
	v58, _, _ =	vpop (xrf2);
	v38 =	vunpack.i.l.bf16.f32 v21;
	v39 =	vunpack.i.u.bf16.f32 v21  }
0x150: {  	(v2sf) =	vpush v58, $0xF;
	v59, _, _ =	vpop (xrf2);
	v19 =	vunpack.i.u.bf16.f32 v61;
	v10 =	vadd.f32 v17, v10  }
0x151: {  	v11 =	vsel vm0, $0x0, v38;
	(v2sf) =	vpush v59, $0xF;
	v62, _, _ =	vpop (xrf2);
	v19 =	vsel vm0, $0x0, v19  }
0x152: {  	v41 =	vadd.f32 v11, v28;
	v11 =	vsel vm0, $0x0, v42;
	v20, _, _ =	vpop (xrf2);
	v7 =	vadd.f32 v19, v7;
	(xrf2) =	vadd.scan.msk.f32 $0xffff, v10  }
0x153: {  	v54 =	vld [tilespmem:$0x7A40];
	v59 =	vunpack.i.u.bf16.f32 v48;
	(v2sf) =	vpush v62, $0xF;
	v22, _, _ =	vpop (xrf2);
	v10 =	vsel vm0, $0x0, v39;
	(xrf2) =	vadd.scan.msk.f32 $0xffff, v6  }
0x154: {  	v58 =	vld [tilespmem:$0x7A50];
	v44 =	vunpack.i.l.bf16.f32 v35;
	v45 =	vadd.f32 v11, v32;
	v24, _, _ =	vpop (xrf2);
	v10 =	vadd.f32 v10, v25;
	(xrf2) =	vadd.scan.msk.f32 $0xffff, v7  }
0x155: {  	v11 =	vsel vm0, $0x0, v46;
	(v2sf) =	vpush v20, $0xF;
	v34, _, _ =	vpop (xrf2);
	v7 =	vsel vm0, $0x0, v43;
	(xrf2) =	vadd.scan.msk.f32 $0xffff, v41  }
0x156: {  	v49 =	vadd.f32 v11, v30;
	v11 =	vsel vm0, $0x0, v50;
	v36, _, _ =	vpop (xrf2);
	v7 =	vadd.f32 v7, v33;
	(xrf2) =	vadd.scan.msk.f32 $0xffff, v10  }
0x157: {  	(v2sf) =	vpush v22, $0xF;
	v11 =	vadd.f32 v11, v26;
	v10 =	vsel vm0, $0x0, v47;
	(xrf2) =	vadd.scan.msk.f32 $0xffff, v45  }
0x158: {  	v17 =	vunpack.i.u.bf16.f32 v54;
	(v2sf) =	vpush v24, $0xF;
	v51 =	vadd.f32 v10, v31;
	(xrf2) =	vadd.scan.msk.f32 $0xffff, v7  }
0x159: {  	v61 =	vld [tilespmem:$0x7A60];
	v9 =	vadd.f32 v17, v9;
	v21 =	vunpack.i.l.bf16.f32 v58;
	v10 =	vsel vm0, $0x0, v52;
	(xrf2) =	vadd.scan.msk.f32 $0xffff, v49  }
0x15a: {  	v19 =	vld [tilespmem:$0x7A70];
	v23 =	vunpack.i.u.bf16.f32 v58;
	v6 =	vsel vm0, $0x0, v53;
	v55 =	vadd.f32 v10, v27;
	(xrf2) =	vadd.scan.msk.f32 $0xffff, v51  }
0x15b: {  	v24 =	vld [tilespmem:$0x7A80];
	(v2sf) =	vpush v34, $0xF;
	v6 =	vadd.f32 v6, v16;
	v10 =	vsel vm0, $0x0, v56;
	(xrf2) =	vadd.scan.msk.f32 $0xffff, v11  }
0x15c: {  	v39 =	vld [tilespmem:$0x7C28];
	(v2sf) =	vpush v36, $0xF;
	v10 =	vadd.f32 v10, v18;
	v11 =	vsel vm0, $0x0, v57;
	(xrf2) =	vadd.scan.msk.f32 $0xffff, v55  }
0x15d: {  	v16 =	vunpack.i.l.bf16.f32 v54;
	v7 =	vsel vm0, $0x0, v59;
	v60, _, _ =	vpop (xrf2);
	v11 =	vadd.f32 v11, v12;
	(xrf2) =	vadd.scan.msk.f32 $0xffff, v6  }
0x15e: {  	v26 =	vunpack.i.l.bf16.f32 v61;
	v8 =	vadd.f32 v16, v8;
	v31 =	vld [tilespmem:$0x7A98];
	v7 =	vadd.f32 v7, v13;
	v62, _, _ =	vpop (xrf2);
	(xrf2) =	vadd.scan.msk.f32 $0xffff, v10  }
0x15f: {  	v9 =	vadd.f32 v23, v9;
	v29 =	vunpack.i.l.bf16.f32 v19;
	v45 =	vunpack.i.u.bf16.f32 v35;
	v63, _, _ =	vpop (xrf2);
	(xrf2) =	vadd.scan.msk.f32 $0xffff, v11  }
0x160: {  	v33 =	vunpack.i.l.bf16.f32 v24;
	v27 =	vld [tilespmem:$0x7A90];
	v47 =	vsel vm0, $0x0, v45;
	v18, _, _ =	vpop (xrf2);
	(xrf2) =	vadd.scan.msk.f32 $0xffff, v7;
	v7 =	vadd.f32 v21, v8  }
0x161: {  	v46 =	vunpack.i.l.bf16.f32 v39;
	v5 =	vadd.f32 v47, v5;
	(v2sf) =	vpush v60, $0xF  }
0x162: {  	v6 =	vunpack.i.u.bf16.f32 v61;
	(v2sf) =	vpush v62, $0xF;
	v7 =	vadd.f32 v26, v7  }
0x163: {  	v41 =	vunpack.i.l.bf16.f32 v31;
	v6 =	vadd.f32 v6, v9;
	(v2sf) =	vpush v63, $0xF  }
0x164: {  	v11 =	vunpack.i.u.bf16.f32 v19;
	(v2sf) =	vpush v18, $0xF;
	v20, _, _ =	vpop (xrf2);
	v7 =	vadd.f32 v29, v7  }
0x165: {  	v37 =	vunpack.i.l.bf16.f32 v27;
	v6 =	vadd.f32 v11, v6;
	v22, _, _ =	vpop (xrf2);
	(v2sf) =	vpush v20, $0xF  }
0x166: {  	v10 =	vunpack.i.u.bf16.f32 v24;
	v25, _, _ =	vpop (xrf2);
	(v2sf) =	vpush v22, $0xF;
	v7 =	vadd.f32 v33, v7  }
0x167: {  	s0 =	spop (v2sf);
	v9 =	vunpack.i.u.bf16.f32 v31;
	v6 =	vadd.f32 v10, v6;
	(v2sf) =	vpush v25, $0xF;
	v28, _, _ =	vpop (xrf2)  }
0x168: {  	s26 =	spop (v2sf);
	v8 =	vunpack.i.u.bf16.f32 v27;
	(v2sf) =	vpush v28, $0xF;
	v30, _, _ =	vpop (xrf2);
	v7 =	vadd.f32 v37, v7  }
0x169: {  	s22 =	rddreg [dreg:$0xb];
	v43 =	vld [tilespmem:$0x7CF0];
	s28 =	spop (v2sf);
	v6 =	vadd.f32 v8, v6;
	v8 =	vsel vm0, $0x0, v41;
	(v2sf) =	vpush v30, $0xF;
	v32, _, _ =	vpop (xrf2)  }
0x16a: {  	s20 =	rddreg [dreg:$0xb];
	s25 =	spop (v2sf);
	v9 =	vsel vm0, $0x0, v9;
	(v2sf) =	vpush v32, $0xF;
	v34, _, _ =	vpop (xrf2);
	v7 =	vadd.f32 v8, v7  }
0x16b: {  	s2 =	smul.f32 $4.999999890e-03, s0;
	s29 =	spop (v2sf);
	v6 =	vadd.f32 v9, v6;
	(v2sf) =	vpush v34, $0xF;
	v36, _, _ =	vpop (xrf2);
	v8 =	vsel vm0, $0x0, v44  }
0x16c: {  	s21 =	rddreg [dreg:$0xc];
	v48 =	vunpack.i.u.bf16.f32 v39;
	s30 =	spop (v2sf);
	(v2sf) =	vpush v36, $0xF;
	v38, _, _ =	vpop (xrf2);
	v4 =	vadd.f32 v8, v4;
	(xrf2) =	vadd.scan.msk.f32 $0xffff, v7  }
0x16d: {  	v49 =	vsel vm0, $0x0, v48;
	s0 =	sadd.f32 s2, s11;
	s3 =	spop (v2sf);
	(v2sf) =	vpush v38, $0xF;
	v40, _, _ =	vpop (xrf2);
	v7 =	vsel vm0, $0x0, v46;
	(xrf2) =	vadd.scan.msk.f32 $0xffff, v6  }
0x16e: {  	v50 =	vunpack.i.l.bf16.f32 v43;
	s13 =	smul.f32 $4.999999890e-03, s26;
	s4 =	spop (v2sf);
	(v2sf) =	vpush v40, $0xF;
	v3 =	vadd.f32 v7, v3;
	(xrf2) =	vadd.scan.msk.f32 $0xffff, v4  }
0x16f: {  	v2 =	vadd.f32 v49, v2;
	v52 =	vsel vm0, $0x0, v50;
	s14 =	smul.f32 $4.999999890e-03, s28;
	s5 =	spop (v2sf);
	(xrf2) =	vadd.scan.msk.f32 $0xffff, v5  }
0x170: {  	v0 =	vadd.f32 v52, v0;
	[dreg:$0x10] =	wrdreg s0;
	s6 =	spop (v2sf);
	(xrf2) =	vadd.scan.msk.f32 $0xffff, v3  }
0x171: {  	v51 =	vunpack.i.u.bf16.f32 v43;
	s13 =	sadd.f32 s13, s15;
	s7 =	spop (v2sf);
	(xrf2) =	vadd.scan.msk.f32 $0xffff, v2  }
0x172: {  	v53 =	vsel vm0, $0x0, v51;
	s23 =	smul.f32 $4.999999890e-03, s25;
	s8 =	spop (v2sf);
	(xrf2) =	vadd.scan.msk.f32 $0xffff, v0  }
0x173: {  	v1 =	vadd.f32 v53, v1;
	s25 =	rddreg [dreg:$0xc];
	s9 =	spop (v2sf)  }
0x174: {  	s14 =	sadd.f32 s14, s22;
	s10 =	spop (v2sf)  }
0x175: {  	s16 =	smul.f32 $4.999999890e-03, s29;
	v42, _, _ =	vpop (xrf2);
	s12 =	spop (v2sf);
	(xrf2) =	vadd.scan.msk.f32 $0xffff, v1  }
0x176: {  	s29 =	rddreg [dreg:$0xb];
	(v2sf) =	vpush v42, $0xF;
	s31 =	spop (v2sf);
	v54, _, _ =	vpop (xrf2)  }
0x177: {  	s22 =	rddreg [dreg:$0xb];
	s1 =	spop (v2sf);
	v55, _, _ =	vpop (xrf2);
	(v2sf) =	vpush v54, $0xF  }
0x178: {  	s15 =	sadd.f32 s23, s25;
	s2 =	spop (v2sf);
	v56, _, _ =	vpop (xrf2);
	(v2sf) =	vpush v55, $0xF  }
0x179: {  	s17 =	smul.f32 $4.999999890e-03, s30;
	s11 =	spop (v2sf);
	v57, _, _ =	vpop (xrf2);
	(v2sf) =	vpush v56, $0xF  }
0x17a: {  	s30 =	rddreg [dreg:$0xc];
	s18 =	spop (v2sf);
	v58, _, _ =	vpop (xrf2);
	(v2sf) =	vpush v57, $0xF  }
0x17b: {  	s23 =	rddreg [dreg:$0xc];
	s19 =	spop (v2sf);
	v59, _, _ =	vpop (xrf2);
	(v2sf) =	vpush v58, $0xF  }
0x17c: {  	s25 =	rddreg [dreg:$0xc];
	s28 =	spop (v2sf);
	v60, _, _ =	vpop (xrf2);
	(v2sf) =	vpush v59, $0xF  }
0x17d: {  	s16 =	sadd.f32 s16, s29;
	s24 =	spop (v2sf);
	(v2sf) =	vpush v60, $0xF  }
0x17e: {  	s3 =	smul.f32 $4.999999890e-03, s3;
	s29 =	rddreg [dreg:$0xb]  }
0x17f: {  	s17 =	sadd.f32 s17, s30;
	s4 =	smul.f32 $4.999999890e-03, s4;
	v61, _, _ =	vpop (xrf2)  }
0x180: {  	s30 =	rddreg [dreg:$0xc];
	s5 =	smul.f32 $4.999999890e-03, s5;
	(v2sf) =	vpush v61, $0xF  }
0x181: {  	s3 =	sadd.f32 s3, s20;
	s6 =	smul.f32 $4.999999890e-03, s6  }
0x182: {  	s4 =	sadd.f32 s4, s21;
	s7 =	smul.f32 $4.999999890e-03, s7  }
0x183: {  	s5 =	sadd.f32 s5, s22;
	s8 =	smul.f32 $4.999999890e-03, s8  }
0x184: {  	s6 =	sadd.f32 s6, s23;
	s9 =	smul.f32 $4.999999890e-03, s9  }
0x185: {  	s8 =	sadd.f32 s8, s25;
	s26 =	spop (v2sf)  }
0x186: {  	s10 =	smul.f32 $4.999999890e-03, s10;
	s20 =	spop (v2sf)  }
0x187: {  	s9 =	sadd.f32 s9, s29;
	s21 =	spop (v2sf)  }
0x188: {  	[dreg:$0x12] =	wrdreg s24;
	s22 =	spop (v2sf)  }
0x189: {  	s24 =	rddreg [dreg:$0xb];
	s23 =	spop (v2sf)  }
0x18a: {  	s7 =	sadd.f32 s7, s24;
	s24 =	spop (v2sf)  }
0x18b: {  	s12 =	smul.f32 $4.999999890e-03, s12;
	s29 =	spop (v2sf)  }
0x18c: {  	s10 =	sadd.f32 s10, s30;
	s25 =	spop (v2sf)  }
0x18d: {  	s30 =	smul.f32 $4.999999890e-03, s25;
	s25 =	rddreg [dreg:$0xb]  }
0x18e: {  	s12 =	sadd.f32 s12, s25  }
0x18f: {  	s0 =	spop (v2sf);
	s25 =	rddreg [dreg:$0xb]  }
0x190: {  	s0 =	smul.f32 $4.999999890e-03, s0;
	s30 =	sadd.f32 s30, s25  }
0x191: {  	s25 =	rddreg [dreg:$0xc]  }
0x192: {  	s0 =	sadd.f32 s0, s25  }
0x193: {  	s31 =	smul.f32 $4.999999890e-03, s31;
	s25 =	rddreg [dreg:$0xb]  }
0x194: {  	v62 =	vmov s30;
	s30 =	rddreg [dreg:$0xc]  }
0x195: {  	s1 =	smul.f32 $4.999999890e-03, s1;
	s30 =	sadd.f32 s31, s30  }
0x196: {  	s31 =	rddreg [dreg:$0x10]  }
0x197: {  	v63 =	vmov s0;
	s0 =	sadd.f32 s1, s25  }
0x198: {  	s2 =	smul.f32 $4.999999890e-03, s2;
	v1 =	vsel vm1, s13, v63;
	s13 =	rddreg [dreg:$0xc]  }
0x199: {  	v0 =	vsel vm1, s31, v62;
	s31 =	smul.f32 $4.999999890e-03, s11;
	s11 =	rddreg [dreg:$0xb]  }
0x19a: {  	s2 =	sadd.f32 s2, s13  }
0x19b: {  	v1 =	vsel vm2, s15, v1;
	s15 =	rddreg [dreg:$0xc]  }
0x19c: {  	v0 =	vsel vm2, s14, v0;
	s14 =	smul.f32 $4.999999890e-03, s18;
	s18 =	rddreg [dreg:$0xb]  }
0x19d: {  	s13 =	rddreg [dreg:$0x12]  }
0x19e: {  	v0 =	vsel vm3, s16, v0;
	s1 =	sadd.f32 s31, s18;
	s31 =	smul.f32 $4.999999890e-03, s28  }
0x19f: {  	v1 =	vsel vm3, s17, v1;
	s17 =	smul.f32 $4.999999890e-03, s20;
	v0 =	vsel vm4, s3, v0;
	s25 =	sadd.f32 s14, s15  }
0x1a0: {  	s18 =	smul.f32 $4.999999890e-03, s21;
	v0 =	vsel vm5, s5, v0;
	s5 =	rddreg [dreg:$0xb]  }
0x1a1: {  	s20 =	smul.f32 $4.999999890e-03, s22;
	s14 =	sadd.f32 s31, s15  }
0x1a2: {  	s19 =	smul.f32 $4.999999890e-03, s19;
	v1 =	vsel vm4, s4, v1;
	s21 =	sadd.f32 s18, s15  }
0x1a3: {  	s22 =	smul.f32 $4.999999890e-03, s23;
	v1 =	vsel vm5, s6, v1;
	s23 =	sadd.f32 s20, s11;
	v0 =	vsel vm6, s7, v0  }
0x1a4: {  	s16 =	smul.f32 $4.999999890e-03, s26;
	s31 =	rddreg [dreg:$0xe];
	v1 =	vsel vm6, s8, v1;
	v0 =	vsel vm7, s9, v0  }
0x1a5: {  	s4 =	sadd.f32 s19, s5;
	s5 =	smul.f32 $4.999999890e-03, s13;
	v1 =	vsel vm7, s10, v1;
	v0 =	vsel vm8, s12, v0  }
0x1a6: {  	s7 =	sadd.f32 s16, s15;
	v1 =	vsel vm8, s30, v1;
	v0 =	vsel vm9, s0, v0  }
0x1a7: {  	s5 =	sadd.f32 s5, s11;
	v1 =	vsel vm9, s2, v1;
	v0 =	vsel vm10, s1, v0  }
0x1a8: {  	s19 =	sadd.f32 s17, s11;
	v1 =	vsel vm10, s25, v1;
	s25 =	smul.f32 $4.999999890e-03, s24;
	s1 =	sadd.s32 $0x2, s31;
	v0 =	vsel vm11, s4, v0  }
0x1a9: {  	s26 =	smul.f32 $4.999999890e-03, s29;
	s2 =	sadd.f32 s22, s15;
	v1 =	vsel vm11, s14, v1;
	p0 =	sne.s32 s1, $0x22;
	v0 =	vsel vm12, s5, v0  }
.Ltmp3:
0x1aa: {  	v1 =	vsel vm12, s7, v1;
	s28 =	sadd.f32 s25, s11;
	v0 =	vsel vm13, s19, v0;
	(pc) =	sbr.rel @!p0 .LBB2_7-.Ltmp3, $4  }
0x1ab: {  	s29 =	sadd.f32 s26, s15;
	v1 =	vsel vm13, s21, v1;
	v0 =	vsel vm14, s23, v0  }
0x1ac: {  	s30 =	rddreg [dreg:$0xd];
	v1 =	vsel vm14, s2, v1;
	v0 =	vsel vm15, s28, v0  }
0x1ad: {  	v1 =	vsel vm15, s29, v1;
	[tilespmem:s30+$0xFFFFFE00] =	vst v0  }
0x1ae: {  	s0 =	sadd.s32 $0x20, s30;
	[tilespmem:s30+$0x0] =	vst v1  }
.LBB2_2:
0x1af: {  	[dreg:$0xd] =	wrdreg s0;
	s2 =	sadd.s32 $0xFFFFFFFF, s1  }
0x1b0: {  	[dreg:$0xe] =	wrdreg s1;
	s3 =	simm.s32 $0x1;
	s0 =	sand.u32 $0x7, s2  }
0x1b1: {  	_ =	swait.ge [sflag:s3], $0xC80;
	s0 =	smul.u32 $0x3200, s0  }
0x1b2: {  	s2 =	simm.s32 $0xC80;
	[sflag:s3] =	ssyncset.done $0x0;
	s4 =	rddreg [dreg:$0x5]  }
0x1b3: {  	[sflag:s3] =	ssyncadd.s32 $0xFFFFF380;
	s3 =	simm.s32 $0x7080;
	s0 =	sshrl.u32 s0, $0x2  }
0x1b4: {  	[tilespmem:s3], [sflag:$0x2] =	stream.indirect.gather [hbm4b:s4+s2], $0x1, s0, s2, $0xb8;
	[tilespmem:$0x8110] =	vst v63  }
0x1b5: {  	v7 =	vld [tilespmem:$0x6400]  }
0x1b6: {  	v0 =	vld [tilespmem:$0x64C8]  }
0x1b7: {  	v1 =	vld [tilespmem:$0x6590]  }
0x1b8: {  	v2 =	vld [tilespmem:$0x6658]  }
0x1b9: {  	v3 =	vld [tilespmem:$0x6668]  }
0x1ba: {  	v4 =	vld [tilespmem:$0x6720]  }
0x1bb: {  	v5 =	vld [tilespmem:$0x67E8]  }
0x1bc: {  	v8 =	vld [tilespmem:$0x68B0]  }
0x1bd: {  	v9 =	vld [tilespmem:$0x6978]  }
0x1be: {  	v51 =	vld [tilespmem:$0x6FB8]  }
0x1bf: {  	v52 =	vld [tilespmem:$0x6A40]  }
0x1c0: {  	v53 =	vld [tilespmem:$0x6FC8]  }
0x1c1: {  	v54 =	vld [tilespmem:$0x6B08]  }
0x1c2: {  	v55 =	vld [tilespmem:$0x6FD8];
	v6 =	vunpack.i.u.bf16.f32 v7;
	v10 =	vunpack.i.u.bf16.f32 v0;
	v11 =	vunpack.i.l.bf16.f32 v0  }
0x1c3: {  	v56 =	vld [tilespmem:$0x6BD0];
	v14 =	vunpack.i.u.bf16.f32 v1;
	v15 =	vunpack.i.l.bf16.f32 v1;
	v19 =	vunpack.i.u.bf16.f32 v2  }
0x1c4: {  	v58 =	vld [tilespmem:$0x6FE8];
	v21 =	vunpack.i.l.bf16.f32 v2;
	v17 =	vunpack.i.u.bf16.f32 v3;
	v20 =	vunpack.i.l.bf16.f32 v3  }
0x1c5: {  	v34 =	vld [tilespmem:$0x6C98];
	v23 =	vunpack.i.u.bf16.f32 v4;
	v25 =	vunpack.i.l.bf16.f32 v4;
	v28 =	vunpack.i.u.bf16.f32 v5  }
0x1c6: {  	v60 =	vld [tilespmem:$0x6FF8];
	v29 =	vunpack.i.l.bf16.f32 v5;
	v32 =	vunpack.i.u.bf16.f32 v8;
	v33 =	vunpack.i.l.bf16.f32 v8  }
0x1c7: {  	v37 =	vld [tilespmem:$0x6EF0];
	v30 =	vunpack.i.u.bf16.f32 v9;
	v57 =	vunpack.i.u.bf16.f32 v51;
	v0 =	vunpack.i.l.bf16.f32 v51  }
0x1c8: {  	v31 =	vunpack.i.l.bf16.f32 v9;
	v26 =	vunpack.i.u.bf16.f32 v52;
	v12 =	vunpack.i.u.bf16.f32 v53  }
0x1c9: {  	v62 =	vld [tilespmem:$0x7008];
	v2 =	vunpack.i.l.bf16.f32 v53;
	v27 =	vunpack.i.l.bf16.f32 v52;
	v16 =	vunpack.i.u.bf16.f32 v54  }
0x1ca: {  	v61 =	vunpack.i.u.bf16.f32 v55;
	v4 =	vunpack.i.l.bf16.f32 v55;
	v18 =	vunpack.i.l.bf16.f32 v54  }
0x1cb: {  	v36 =	vld [tilespmem:$0x7018];
	v42 =	vunpack.i.u.bf16.f32 v58;
	v9 =	vunpack.i.l.bf16.f32 v58;
	v13 =	vunpack.i.l.bf16.f32 v56  }
0x1cc: {  	v43 =	vunpack.i.u.bf16.f32 v60;
	v5 =	vunpack.i.l.bf16.f32 v34;
	v47 =	vunpack.i.u.bf16.f32 v37  }
0x1cd: {  	v44 =	vld [tilespmem:$0x7028];
	v37 =	vunpack.i.l.bf16.f32 v37;
	v0 =	vadd.f32 $0.0e+00, v0;
	v8 =	vadd.f32 $0.0e+00, v57  }
0x1ce: {  	v38 =	vld [tilespmem:$0x6F00];
	v39 =	vunpack.i.u.bf16.f32 v62;
	v37 =	vadd.f32 $0.0e+00, v37;
	v13 =	vadd.f32 $0.0e+00, v13  }
0x1cf: {  	v40 =	vld [tilespmem:$0x7048];
	v3 =	vunpack.i.l.bf16.f32 v62;
	v18 =	vadd.f32 $0.0e+00, v18;
	v16 =	vadd.f32 $0.0e+00, v16  }
0x1d0: {  	v46 =	vunpack.i.u.bf16.f32 v36;
	v27 =	vadd.f32 $0.0e+00, v27;
	v26 =	vadd.f32 $0.0e+00, v26  }
0x1d1: {  	v36 =	vunpack.i.l.bf16.f32 v36;
	v31 =	vadd.f32 $0.0e+00, v31;
	v30 =	vadd.f32 $0.0e+00, v30  }
0x1d2: {  	v48 =	vunpack.i.u.bf16.f32 v44;
	v33 =	vadd.f32 $0.0e+00, v33;
	v32 =	vadd.f32 $0.0e+00, v32  }
0x1d3: {  	v49 =	vld [tilespmem:$0x7058];
	v50 =	vunpack.i.u.bf16.f32 v38;
	v29 =	vadd.f32 $0.0e+00, v29;
	v28 =	vadd.f32 $0.0e+00, v28  }
0x1d4: {  	v51 =	vunpack.i.u.bf16.f32 v40;
	v23 =	vadd.f32 $0.0e+00, v23;
	v21 =	vadd.f32 $0.0e+00, v21  }
0x1d5: {  	v35 =	vld [tilespmem:$0x6CA8];
	v40 =	vunpack.i.l.bf16.f32 v40;
	v15 =	vadd.f32 $0.0e+00, v15;
	v14 =	vadd.f32 $0.0e+00, v14  }
0x1d6: {  	v41 =	vld [tilespmem:$0x6F10];
	v7 =	vunpack.i.l.bf16.f32 v7;
	v11 =	vadd.f32 $0.0e+00, v11;
	v10 =	vadd.f32 $0.0e+00, v10  }
0x1d7: {  	v63 =	vld [tilespmem:$0x6E28];
	v38 =	vunpack.i.l.bf16.f32 v38;
	v7 =	vadd.f32 $0.0e+00, v7;
	v6 =	vadd.f32 $0.0e+00, v6  }
0x1d8: {  	v52 =	vld [tilespmem:$0x6F20];
	v55 =	vunpack.i.l.bf16.f32 v49;
	v0 =	vadd.f32 v2, v0;
	v59 =	vadd.f32 v12, v8  }
0x1d9: {  	v53 =	vld [tilespmem:$0x7068];
	v12 =	vunpack.i.u.bf16.f32 v56;
	v8 =	vunpack.i.u.bf16.f32 v34;
	v2 =	vunpack.i.l.bf16.f32 v60  }
0x1da: {  	v58 =	vld [tilespmem:$0x6F40];
	v34 =	vunpack.i.l.bf16.f32 v35;
	v37 =	vadd.f32 v38, v37;
	v20 =	vadd.f32 v20, v21  }
0x1db: {  	v56 =	vunpack.i.u.bf16.f32 v41;
	v8 =	vadd.f32 $0.0e+00, v8;
	v0 =	vadd.f32 v4, v0  }
0x1dc: {  	v45 =	vld [tilespmem:$0x7038];
	v41 =	vunpack.i.l.bf16.f32 v41;
	v12 =	vadd.f32 $0.0e+00, v12;
	v1 =	vadd.f32 v61, v59  }
0x1dd: {  	v54 =	vld [tilespmem:$0x6F30];
	v4 =	vunpack.i.l.bf16.f32 v63;
	v37 =	vadd.f32 v41, v37;
	v0 =	vadd.f32 v9, v0  }
0x1de: {  	v59 =	vunpack.i.u.bf16.f32 v52;
	v61 =	vunpack.i.l.bf16.f32 v53;
	v1 =	vadd.f32 v42, v1  }
0x1df: {  	v41 =	vunpack.i.u.bf16.f32 v58;
	v4 =	vadd.f32 $0.0e+00, v4;
	v0 =	vadd.f32 v2, v0  }
0x1e0: {  	v9 =	vunpack.i.u.bf16.f32 v35;
	v35 =	vunpack.i.u.bf16.f32 v63;
	v1 =	vadd.f32 v43, v1;
	v43 =	vld [tilespmem:$0x6E38]  }
0x1e1: {  	v42 =	vunpack.i.u.bf16.f32 v45;
	v35 =	vadd.f32 $0.0e+00, v35;
	v0 =	vadd.f32 v3, v0  }
0x1e2: {  	v60 =	vld [tilespmem:$0x6F50];
	v63 =	vunpack.i.l.bf16.f32 v54;
	v8 =	vadd.f32 v9, v8;
	v1 =	vadd.f32 v39, v1  }
0x1e3: {  	v62 =	vld [tilespmem:$0x6E48];
	v2 =	vunpack.i.l.bf16.f32 v44;
	v3 =	vunpack.i.l.bf16.f32 v45;
	v0 =	vadd.f32 v36, v0  }
0x1e4: {  	v45 =	vunpack.i.l.bf16.f32 v58;
	v1 =	vadd.f32 v46, v1;
	v36 =	vadd.f32 $0.0e+00, v47  }
0x1e5: {  	v57 =	vunpack.i.u.bf16.f32 v43;
	v43 =	vunpack.i.l.bf16.f32 v43;
	v0 =	vadd.f32 v2, v0  }
0x1e6: {  	v46 =	vld [tilespmem:$0x6F60];
	v1 =	vadd.f32 v48, v1;
	v36 =	vadd.f32 v50, v36;
	v2 =	vunpack.i.u.bf16.f32 v49  }
0x1e7: {  	v47 =	vld [tilespmem:$0x6E58];
	v49 =	vunpack.i.l.bf16.f32 v60;
	v4 =	vadd.f32 v43, v4;
	v35 =	vadd.f32 v57, v35  }
0x1e8: {  	v48 =	vld [tilespmem:$0x6E68];
	v50 =	vunpack.i.u.bf16.f32 v62;
	v0 =	vadd.f32 v3, v0;
	v1 =	vadd.f32 v42, v1  }
0x1e9: {  	v36 =	vadd.f32 v56, v36;
	v42 =	vunpack.i.l.bf16.f32 v52;
	v3 =	vunpack.i.u.bf16.f32 v53  }
0x1ea: {  	v35 =	vadd.f32 v50, v35;
	v37 =	vadd.f32 v42, v37;
	v42 =	vunpack.i.l.bf16.f32 v62  }
0x1eb: {  	v58 =	vld [tilespmem:$0x6E98];
	v53 =	vunpack.i.l.bf16.f32 v46;
	v0 =	vadd.f32 v40, v0;
	v1 =	vadd.f32 v51, v1  }
0x1ec: {  	v52 =	vld [tilespmem:$0x6E78];
	v36 =	vadd.f32 v59, v36;
	v40 =	vunpack.i.u.bf16.f32 v54;
	v54 =	vunpack.i.u.bf16.f32 v47  }
0x1ed: {  	v4 =	vadd.f32 v42, v4;
	v37 =	vadd.f32 v63, v37;
	v56 =	vunpack.i.u.bf16.f32 v48  }
0x1ee: {  	v57 =	vld [tilespmem:$0x6F80];
	v39 =	vunpack.i.l.bf16.f32 v48;
	v35 =	vadd.f32 v54, v35;
	v0 =	vadd.f32 v55, v0  }
0x1ef: {  	v51 =	vld [tilespmem:$0x6F70];
	v1 =	vadd.f32 v2, v1;
	v36 =	vadd.f32 v40, v36;
	v2 =	vunpack.i.u.bf16.f32 v60  }
0x1f0: {  	v40 =	vunpack.i.u.bf16.f32 v46;
	v46 =	vunpack.i.u.bf16.f32 v58;
	v37 =	vadd.f32 v45, v37  }
0x1f1: {  	v63 =	vld [tilespmem:$0x6F90];
	v60 =	vunpack.i.u.bf16.f32 v52;
	v35 =	vadd.f32 v56, v35;
	v0 =	vadd.f32 v61, v0  }
0x1f2: {  	v55 =	vld [tilespmem:$0x6E88];
	v1 =	vadd.f32 v3, v1;
	v36 =	vadd.f32 v41, v36;
	v3 =	vunpack.i.l.bf16.f32 v47  }
0x1f3: {  	v45 =	vunpack.i.l.bf16.f32 v57;
	v56 =	vld [tilespmem:$0x6D70];
	v37 =	vadd.f32 v49, v37;
	v3 =	vadd.f32 v3, v4  }
0x1f4: {  	v61 =	vld [tilespmem:$0x6EA8];
	v59 =	vunpack.i.l.bf16.f32 v51;
	v43 =	vunpack.i.u.bf16.f32 v51;
	v35 =	vadd.f32 v60, v35  }
0x1f5: {  	v47 =	vld [tilespmem:$0x6EB8];
	v4 =	vunpack.i.u.bf16.f32 v57;
	v2 =	vadd.f32 v2, v36;
	v36 =	vunpack.i.l.bf16.f32 v52  }
0x1f6: {  	v49 =	vld [tilespmem:$0x6EC8];
	v50 =	vunpack.i.l.bf16.f32 v63;
	v37 =	vadd.f32 v53, v37;
	v3 =	vadd.f32 v39, v3  }
0x1f7: {  	v51 =	vld [tilespmem:$0x6FA0];
	v62 =	vunpack.i.u.bf16.f32 v55;
	v42 =	vunpack.i.l.bf16.f32 v55;
	v2 =	vadd.f32 v40, v2  }
0x1f8: {  	v60 =	vld [tilespmem:$0x6CC8];
	v40 =	vunpack.i.l.bf16.f32 v58;
	v35 =	vadd.f32 v62, v35;
	v37 =	vadd.f32 v59, v37  }
0x1f9: {  	v52 =	vld [tilespmem:$0x6ED8];
	v3 =	vadd.f32 v36, v3;
	v48 =	vunpack.i.u.bf16.f32 v61;
	v39 =	vunpack.i.l.bf16.f32 v61  }
0x1fa: {  	v53 =	vld [tilespmem:$0x6D60];
	v36 =	vunpack.i.u.bf16.f32 v63;
	v54 =	vunpack.i.l.bf16.f32 v47;
	v63 =	vadd.f32 $0.0e+00, v5  }
0x1fb: {  	v2 =	vadd.f32 v43, v2;
	v35 =	vadd.f32 v46, v35;
	v43 =	vunpack.i.u.bf16.f32 v47  }
0x1fc: {  	v57 =	vunpack.i.u.bf16.f32 v49;
	v44 =	vunpack.i.u.bf16.f32 v51;
	v58 =	vunpack.i.l.bf16.f32 v51  }
0x1fd: {  	v62 =	vld [tilespmem:$0x6D80];
	v47 =	vunpack.i.l.bf16.f32 v56;
	v38 =	vunpack.i.l.bf16.f32 v60;
	v37 =	vadd.f32 v45, v37  }
0x1fe: {  	v41 =	vld [tilespmem:$0x6BE0];
	v3 =	vadd.f32 v42, v3;
	v59 =	vunpack.i.l.bf16.f32 v52;
	v34 =	vadd.f32 v34, v63  }
0x1ff: {  	v2 =	vadd.f32 v4, v2;
	v35 =	vadd.f32 v48, v35;
	v61 =	vunpack.i.l.bf16.f32 v53  }
0x200: {  	v42 =	vld [tilespmem:$0x6CB8];
	v3 =	vadd.f32 v40, v3;
	v4 =	vadd.f32 v50, v37;
	v40 =	vunpack.i.l.bf16.f32 v49  }
0x201: {  	v37 =	vunpack.i.u.bf16.f32 v52;
	v50 =	vunpack.i.u.bf16.f32 v60;
	v2 =	vadd.f32 v36, v2  }
0x202: {  	v51 =	vunpack.i.l.bf16.f32 v62;
	v35 =	vadd.f32 v43, v35;
	v43 =	vadd.f32 $0.0e+00, v61  }
0x203: {  	v48 =	vld [tilespmem:$0x6CD8];
	v61 =	vunpack.i.l.bf16.f32 v41;
	v41 =	vunpack.i.u.bf16.f32 v41;
	v3 =	vadd.f32 v39, v3  }
0x204: {  	v49 =	vld [tilespmem:$0x6D90];
	v39 =	vunpack.i.u.bf16.f32 v53;
	v13 =	vadd.f32 v61, v13;
	v12 =	vadd.f32 v41, v12  }
0x205: {  	v55 =	vunpack.i.u.bf16.f32 v42;
	v2 =	vadd.f32 v44, v2;
	v35 =	vadd.f32 v57, v35  }
0x206: {  	v52 =	vld [tilespmem:$0x6DA0];
	v42 =	vunpack.i.l.bf16.f32 v42;
	v39 =	vadd.f32 $0.0e+00, v39;
	v3 =	vadd.f32 v54, v3  }
0x207: {  	v36 =	vunpack.i.u.bf16.f32 v56;
	v53 =	vld [tilespmem:$0x6CE8];
	v34 =	vadd.f32 v42, v34;
	v8 =	vadd.f32 v55, v8  }
0x208: {  	v54 =	vunpack.i.u.bf16.f32 v48;
	v5 =	vadd.f32 v37, v35;
	v35 =	vadd.f32 v47, v43  }
0x209: {  	v57 =	vld [tilespmem:$0x6DB0];
	v36 =	vadd.f32 v36, v39;
	v56 =	vunpack.i.u.bf16.f32 v49;
	v43 =	vunpack.i.l.bf16.f32 v49  }
0x20a: {  	v55 =	vld [tilespmem:$0x6CF8];
	v37 =	vunpack.i.l.bf16.f32 v48;
	v40 =	vadd.f32 v40, v3;
	v3 =	vadd.f32 v58, v4  }
0x20b: {  	v47 =	vunpack.i.u.bf16.f32 v52;
	v34 =	vadd.f32 v38, v34;
	v8 =	vadd.f32 v50, v8  }
0x20c: {  	v48 =	vld [tilespmem:$0x6D28];
	v35 =	vadd.f32 v51, v35;
	v60 =	vunpack.i.u.bf16.f32 v53;
	v39 =	vunpack.i.l.bf16.f32 v53  }
0x20d: {  	v58 =	vld [tilespmem:$0x6D08];
	v4 =	vadd.f32 v59, v40;
	v40 =	vunpack.i.u.bf16.f32 v62;
	v34 =	vadd.f32 v37, v34  }
0x20e: {  	v61 =	vld [tilespmem:$0x6C30];
	v59 =	vunpack.i.l.bf16.f32 v52;
	v8 =	vadd.f32 v54, v8;
	v49 =	vunpack.i.l.bf16.f32 v57  }
0x20f: {  	v51 =	vld [tilespmem:$0x6BF0];
	v36 =	vadd.f32 v40, v36;
	v35 =	vadd.f32 v43, v35;
	v63 =	vunpack.i.u.bf16.f32 v55  }
0x210: {  	v62 =	vld [tilespmem:$0x6D18];
	v46 =	vunpack.i.l.bf16.f32 v55;
	v43 =	vunpack.i.u.bf16.f32 v57;
	v34 =	vadd.f32 v39, v34  }
0x211: {  	v52 =	vld [tilespmem:$0x6C00];
	v40 =	vadd.f32 v60, v8;
	v38 =	vunpack.i.u.bf16.f32 v48;
	v9 =	vadd.f32 v56, v36  }
0x212: {  	v54 =	vld [tilespmem:$0x6D38];
	v35 =	vadd.f32 v59, v35;
	v50 =	vunpack.i.l.bf16.f32 v58;
	v36 =	vunpack.i.u.bf16.f32 v58  }
0x213: {  	v55 =	vld [tilespmem:$0x6B18];
	v56 =	vunpack.i.l.bf16.f32 v48;
	v34 =	vadd.f32 v46, v34;
	v40 =	vadd.f32 v63, v40  }
0x214: {  	v57 =	vld [tilespmem:$0x6C10];
	v58 =	vunpack.i.u.bf16.f32 v51;
	v42 =	vunpack.i.l.bf16.f32 v51;
	v51 =	vunpack.i.l.bf16.f32 v61  }
0x215: {  	v9 =	vadd.f32 v47, v9;
	v8 =	vadd.f32 v49, v35;
	v53 =	vunpack.i.l.bf16.f32 v62  }
0x216: {  	v60 =	vld [tilespmem:$0x6C20];
	v39 =	vunpack.i.u.bf16.f32 v62;
	v59 =	vunpack.i.l.bf16.f32 v52;
	v13 =	vadd.f32 v42, v13  }
0x217: {  	v12 =	vadd.f32 v58, v12;
	v62 =	vunpack.i.l.bf16.f32 v54;
	v35 =	vunpack.i.u.bf16.f32 v52  }
0x218: {  	v48 =	vld [tilespmem:$0x6C40];
	v34 =	vadd.f32 v50, v34;
	v36 =	vadd.f32 v36, v40;
	v41 =	vunpack.i.u.bf16.f32 v55  }
0x219: {  	v63 =	vld [tilespmem:$0x6D48];
	v47 =	vunpack.i.l.bf16.f32 v57;
	v40 =	vunpack.i.u.bf16.f32 v54;
	v9 =	vadd.f32 v43, v9  }
0x21a: {  	v13 =	vadd.f32 v59, v13;
	v12 =	vadd.f32 v35, v12;
	v43 =	vunpack.i.l.bf16.f32 v55  }
0x21b: {  	v49 =	vunpack.i.l.bf16.f32 v60;
	v42 =	vunpack.i.u.bf16.f32 v60;
	v16 =	vadd.f32 v41, v16  }
0x21c: {  	v50 =	vld [tilespmem:$0x6C50];
	v34 =	vadd.f32 v53, v34;
	v36 =	vadd.f32 v39, v36;
	v39 =	vunpack.i.u.bf16.f32 v57  }
0x21d: {  	v55 =	vld [tilespmem:$0x6C60];
	v54 =	vunpack.i.l.bf16.f32 v48;
	v35 =	vunpack.i.u.bf16.f32 v48;
	v18 =	vadd.f32 v43, v18  }
0x21e: {  	v53 =	vld [tilespmem:$0x6B28];
	v13 =	vadd.f32 v47, v13;
	v12 =	vadd.f32 v39, v12;
	v52 =	vunpack.i.l.bf16.f32 v63  }
0x21f: {  	v59 =	vld [tilespmem:$0x6C70];
	v34 =	vadd.f32 v56, v34;
	v36 =	vadd.f32 v38, v36;
	v38 =	vunpack.i.u.bf16.f32 v61  }
0x220: {  	v56 =	vunpack.i.u.bf16.f32 v63;
	v13 =	vadd.f32 v49, v13;
	v42 =	vadd.f32 v42, v12  }
0x221: {  	v60 =	vld [tilespmem:$0x6B38];
	v58 =	vunpack.i.l.bf16.f32 v50;
	v34 =	vadd.f32 v62, v34;
	v36 =	vadd.f32 v40, v36  }
0x222: {  	v61 =	vld [tilespmem:$0x6A50];
	v40 =	vunpack.i.u.bf16.f32 v50;
	v48 =	vunpack.i.u.bf16.f32 v55;
	v39 =	vadd.f32 v51, v13  }
0x223: {  	v38 =	vadd.f32 v38, v42;
	v62 =	vunpack.i.u.bf16.f32 v53;
	v42 =	vunpack.i.l.bf16.f32 v55  }
0x224: {  	v63 =	vld [tilespmem:$0x6B48];
	v51 =	vunpack.i.l.bf16.f32 v59;
	v12 =	vadd.f32 v52, v34;
	v13 =	vadd.f32 v56, v36  }
0x225: {  	v49 =	vld [tilespmem:$0x6C80];
	v34 =	vunpack.i.l.bf16.f32 v53;
	v16 =	vadd.f32 v62, v16;
	v57 =	vadd.f32 v54, v39  }
0x226: {  	v50 =	vld [tilespmem:$0x6B58];
	v52 =	vunpack.i.u.bf16.f32 v60;
	v35 =	vadd.f32 v35, v38;
	v18 =	vadd.f32 v34, v18  }
0x227: {  	v38 =	vunpack.i.l.bf16.f32 v60;
	v53 =	vunpack.i.u.bf16.f32 v61;
	v54 =	vld [tilespmem:$0x6B68];
	v37 =	vunpack.i.l.bf16.f32 v61  }
0x228: {  	v39 =	vunpack.i.u.bf16.f32 v59;
	v59 =	vld [tilespmem:$0x6A60];
	v27 =	vadd.f32 v37, v27;
	v26 =	vadd.f32 v53, v26  }
0x229: {  	v55 =	vunpack.i.u.bf16.f32 v63;
	v61 =	vld [tilespmem:$0x6A70];
	v36 =	vadd.f32 v58, v57;
	v35 =	vadd.f32 v40, v35  }
0x22a: {  	v47 =	vld [tilespmem:$0x6A80];
	v56 =	vunpack.i.l.bf16.f32 v63;
	v18 =	vadd.f32 v38, v18;
	v40 =	vadd.f32 v52, v16  }
0x22b: {  	v63 =	vld [tilespmem:$0x6B88];
	v58 =	vunpack.i.l.bf16.f32 v49;
	v60 =	vunpack.i.l.bf16.f32 v50;
	v36 =	vadd.f32 v42, v36  }
0x22c: {  	v53 =	vld [tilespmem:$0x6A90];
	v41 =	vunpack.i.u.bf16.f32 v50;
	v35 =	vadd.f32 v48, v35;
	v18 =	vadd.f32 v56, v18  }
0x22d: {  	v57 =	vld [tilespmem:$0x6B78];
	v40 =	vadd.f32 v55, v40;
	v42 =	vunpack.i.u.bf16.f32 v49;
	v62 =	vunpack.i.l.bf16.f32 v54  }
0x22e: {  	v38 =	vunpack.i.u.bf16.f32 v54;
	v46 =	vunpack.i.u.bf16.f32 v59;
	v49 =	vunpack.i.u.bf16.f32 v61  }
0x22f: {  	v52 =	vld [tilespmem:$0x6BA8];
	v50 =	vunpack.i.l.bf16.f32 v61;
	v34 =	vadd.f32 v51, v36;
	v35 =	vadd.f32 v39, v35  }
0x230: {  	v48 =	vld [tilespmem:$0x6B98];
	v54 =	vunpack.i.u.bf16.f32 v47;
	v43 =	vadd.f32 v60, v18;
	v40 =	vadd.f32 v41, v40  }
0x231: {  	v55 =	vld [tilespmem:$0x6AA0];
	v51 =	vunpack.i.l.bf16.f32 v63;
	v41 =	vunpack.i.u.bf16.f32 v63;
	v26 =	vadd.f32 v46, v26  }
0x232: {  	v60 =	vunpack.i.u.bf16.f32 v53;
	v45 =	vunpack.i.l.bf16.f32 v57;
	v16 =	vadd.f32 v58, v34  }
0x233: {  	v39 =	vunpack.i.u.bf16.f32 v57;
	v57 =	vld [tilespmem:$0x6BB8];
	v18 =	vadd.f32 v42, v35;
	v35 =	vadd.f32 v62, v43  }
0x234: {  	v38 =	vadd.f32 v38, v40;
	v34 =	vunpack.i.l.bf16.f32 v59;
	v40 =	vld [tilespmem:$0x6988];
	v26 =	vadd.f32 v49, v26  }
0x235: {  	v42 =	vunpack.i.l.bf16.f32 v47;
	v58 =	vld [tilespmem:$0x6AB0];
	v59 =	vunpack.i.l.bf16.f32 v52;
	v27 =	vadd.f32 v34, v27  }
0x236: {  	v62 =	vld [tilespmem:$0x6AC0];
	v56 =	vunpack.i.u.bf16.f32 v48;
	v37 =	vunpack.i.l.bf16.f32 v48;
	v63 =	vunpack.i.u.bf16.f32 v55  }
0x237: {  	v48 =	vunpack.i.l.bf16.f32 v55;
	v35 =	vadd.f32 v45, v35;
	v38 =	vadd.f32 v39, v38  }
0x238: {  	v34 =	vunpack.i.u.bf16.f32 v52;
	v26 =	vadd.f32 v54, v26;
	v27 =	vadd.f32 v50, v27  }
0x239: {  	v49 =	vld [tilespmem:$0x6AD0];
	v39 =	vunpack.i.l.bf16.f32 v53;
	v35 =	vadd.f32 v51, v35;
	v38 =	vadd.f32 v41, v38  }
0x23a: {  	v52 =	vld [tilespmem:$0x6998];
	v41 =	vadd.f32 v60, v26;
	v50 =	vunpack.i.l.bf16.f32 v57;
	v27 =	vadd.f32 v42, v27  }
0x23b: {  	v61 =	vunpack.i.l.bf16.f32 v40;
	v51 =	vunpack.i.l.bf16.f32 v58;
	v54 =	vunpack.i.l.bf16.f32 v62  }
0x23c: {  	v53 =	vld [tilespmem:$0x69A8];
	v40 =	vunpack.i.u.bf16.f32 v40;
	v35 =	vadd.f32 v37, v35;
	v36 =	vadd.f32 v56, v38  }
0x23d: {  	v41 =	vadd.f32 v63, v41;
	v38 =	vunpack.i.u.bf16.f32 v58;
	v37 =	vunpack.i.u.bf16.f32 v57  }
0x23e: {  	v56 =	vunpack.i.u.bf16.f32 v62;
	v58 =	vunpack.i.l.bf16.f32 v49;
	v31 =	vadd.f32 v61, v31  }
0x23f: {  	v22 =	vld [tilespmem:$0x6730];
	v60 =	vunpack.i.u.bf16.f32 v52;
	v30 =	vadd.f32 v40, v30;
	v27 =	vadd.f32 v39, v27  }
0x240: {  	v57 =	vld [tilespmem:$0x6AE0];
	v61 =	vunpack.i.l.bf16.f32 v52;
	v35 =	vadd.f32 v59, v35;
	v34 =	vadd.f32 v34, v36  }
0x241: {  	v63 =	vld [tilespmem:$0x69C8];
	v62 =	vunpack.i.l.bf16.f32 v53;
	v55 =	vadd.f32 v38, v41;
	v31 =	vadd.f32 v61, v31  }
0x242: {  	v59 =	vld [tilespmem:$0x69B8];
	v36 =	vunpack.i.u.bf16.f32 v49;
	v30 =	vadd.f32 v60, v30;
	v27 =	vadd.f32 v48, v27  }
0x243: {  	v49 =	vunpack.i.u.bf16.f32 v53;
	v53 =	vld [tilespmem:$0x69E8];
	v26 =	vadd.f32 v50, v35;
	v31 =	vadd.f32 v62, v31  }
0x244: {  	v45 =	vld [tilespmem:$0x68F0];
	v30 =	vadd.f32 v49, v30;
	v35 =	vadd.f32 v51, v27  }
0x245: {  	v24 =	vunpack.i.l.bf16.f32 v22;
	v48 =	vld [tilespmem:$0x6AF0];
	v27 =	vadd.f32 v37, v34;
	v37 =	vadd.f32 v56, v55  }
0x246: {  	v50 =	vld [tilespmem:$0x69D8];
	v47 =	vunpack.i.l.bf16.f32 v57;
	v39 =	vunpack.i.u.bf16.f32 v57;
	v42 =	vunpack.i.u.bf16.f32 v63  }
0x247: {  	v49 =	vld [tilespmem:$0x6A18];
	v34 =	vadd.f32 v54, v35;
	v36 =	vadd.f32 v36, v37;
	v52 =	vunpack.i.l.bf16.f32 v59  }
0x248: {  	v55 =	vld [tilespmem:$0x68D0];
	v38 =	vunpack.i.u.bf16.f32 v59;
	v54 =	vunpack.i.l.bf16.f32 v63;
	v60 =	vunpack.i.l.bf16.f32 v53  }
0x249: {  	v35 =	vld [tilespmem:$0x68C0];
	v63 =	vunpack.i.u.bf16.f32 v53;
	v53 =	vunpack.i.u.bf16.f32 v45;
	v31 =	vadd.f32 v52, v31  }
0x24a: {  	v59 =	vld [tilespmem:$0x68E0];
	v38 =	vadd.f32 v38, v30;
	v56 =	vunpack.i.l.bf16.f32 v48;
	v41 =	vunpack.i.u.bf16.f32 v48  }
0x24b: {  	v34 =	vadd.f32 v58, v34;
	v36 =	vadd.f32 v39, v36;
	v57 =	vunpack.i.l.bf16.f32 v50  }
0x24c: {  	v61 =	vld [tilespmem:$0x6A08];
	v37 =	vunpack.i.u.bf16.f32 v50;
	v43 =	vunpack.i.u.bf16.f32 v49;
	v38 =	vadd.f32 v42, v38  }
0x24d: {  	v52 =	vld [tilespmem:$0x6910];
	v31 =	vadd.f32 v54, v31;
	v62 =	vunpack.i.l.bf16.f32 v55;
	v34 =	vadd.f32 v47, v34  }
0x24e: {  	v58 =	vld [tilespmem:$0x69F8];
	v48 =	vunpack.i.u.bf16.f32 v55;
	v51 =	vunpack.i.u.bf16.f32 v35;
	v37 =	vadd.f32 v37, v38  }
0x24f: {  	v35 =	vunpack.i.l.bf16.f32 v35;
	v50 =	vunpack.i.l.bf16.f32 v59;
	v30 =	vadd.f32 v56, v34  }
0x250: {  	v55 =	vld [tilespmem:$0x6920];
	v42 =	vunpack.i.u.bf16.f32 v59;
	v34 =	vadd.f32 v57, v31;
	v31 =	vadd.f32 v41, v36  }
0x251: {  	v47 =	vld [tilespmem:$0x6900];
	v38 =	vunpack.i.u.bf16.f32 v61;
	v33 =	vadd.f32 v35, v33;
	v32 =	vadd.f32 v51, v32  }
0x252: {  	v36 =	vld [tilespmem:$0x67F8];
	v51 =	vunpack.i.l.bf16.f32 v61;
	v41 =	vunpack.i.l.bf16.f32 v45;
	v56 =	vunpack.i.l.bf16.f32 v49  }
0x253: {  	v57 =	vld [tilespmem:$0x6A28];
	v40 =	vunpack.i.u.bf16.f32 v52;
	v37 =	vadd.f32 v63, v37;
	v46 =	vunpack.i.l.bf16.f32 v58  }
0x254: {  	v61 =	vld [tilespmem:$0x6940];
	v39 =	vunpack.i.u.bf16.f32 v58;
	v34 =	vadd.f32 v60, v34;
	v33 =	vadd.f32 v62, v33  }
0x255: {  	v58 =	vld [tilespmem:$0x6930];
	v32 =	vadd.f32 v48, v32;
	v60 =	vunpack.i.l.bf16.f32 v52;
	v62 =	vunpack.i.l.bf16.f32 v55  }
0x256: {  	v63 =	vld [tilespmem:$0x6808];
	v37 =	vadd.f32 v39, v37;
	v54 =	vunpack.i.l.bf16.f32 v47;
	v34 =	vadd.f32 v46, v34  }
0x257: {  	v35 =	vunpack.i.u.bf16.f32 v47;
	v33 =	vadd.f32 v50, v33;
	v32 =	vadd.f32 v42, v32  }
0x258: {  	v37 =	vadd.f32 v38, v37;
	v59 =	vunpack.i.u.bf16.f32 v36;
	v48 =	vunpack.i.u.bf16.f32 v57  }
0x259: {  	v45 =	vld [tilespmem:$0x6818];
	v49 =	vunpack.i.l.bf16.f32 v61;
	v36 =	vunpack.i.l.bf16.f32 v36;
	v34 =	vadd.f32 v51, v34  }
0x25a: {  	v47 =	vld [tilespmem:$0x6950];
	v33 =	vadd.f32 v41, v33;
	v32 =	vadd.f32 v53, v32;
	v41 =	vunpack.i.u.bf16.f32 v55  }
0x25b: {  	v50 =	vld [tilespmem:$0x6960];
	v46 =	vunpack.i.l.bf16.f32 v58;
	v38 =	vunpack.i.u.bf16.f32 v58;
	v51 =	vunpack.i.u.bf16.f32 v63  }
0x25c: {  	v52 =	vunpack.i.l.bf16.f32 v63;
	v29 =	vadd.f32 v36, v29;
	v28 =	vadd.f32 v59, v28  }
0x25d: {  	v53 =	vld [tilespmem:$0x6828];
	v37 =	vadd.f32 v43, v37;
	v43 =	vunpack.i.l.bf16.f32 v57;
	v34 =	vadd.f32 v56, v34  }
0x25e: {  	v36 =	vld [tilespmem:$0x6750];
	v33 =	vadd.f32 v54, v33;
	v32 =	vadd.f32 v35, v32;
	v35 =	vunpack.i.u.bf16.f32 v61  }
0x25f: {  	v58 =	vld [tilespmem:$0x6848];
	v54 =	vunpack.i.l.bf16.f32 v45;
	v55 =	vunpack.i.l.bf16.f32 v47;
	v29 =	vadd.f32 v52, v29  }
0x260: {  	v56 =	vld [tilespmem:$0x6838];
	v57 =	vunpack.i.l.bf16.f32 v50;
	v61 =	vunpack.i.u.bf16.f32 v50;
	v33 =	vadd.f32 v60, v33  }
0x261: {  	v40 =	vadd.f32 v40, v32;
	v32 =	vadd.f32 v43, v34;
	v43 =	vunpack.i.u.bf16.f32 v47  }
0x262: {  	v34 =	vunpack.i.u.bf16.f32 v45;
	v29 =	vadd.f32 v54, v29;
	v60 =	vadd.f32 $0.0e+00, v25  }
0x263: {  	v59 =	vunpack.i.l.bf16.f32 v53;
	v52 =	vunpack.i.l.bf16.f32 v36;
	v33 =	vadd.f32 v62, v33  }
0x264: {  	v54 =	vunpack.i.u.bf16.f32 v58;
	v40 =	vadd.f32 v41, v40;
	v29 =	vadd.f32 v59, v29  }
0x265: {  	v42 =	vld [tilespmem:$0x6780];
	v24 =	vadd.f32 v24, v60;
	v62 =	vunpack.i.l.bf16.f32 v56;
	v41 =	vadd.f32 v46, v33  }
0x266: {  	v63 =	vld [tilespmem:$0x6858];
	v50 =	vunpack.i.u.bf16.f32 v56;
	v33 =	vadd.f32 v48, v37;
	v38 =	vadd.f32 v38, v40  }
0x267: {  	v56 =	vunpack.i.u.bf16.f32 v22;
	v40 =	vadd.f32 v51, v28;
	v48 =	vld [tilespmem:$0x6678];
	v29 =	vadd.f32 v62, v29  }
0x268: {  	v36 =	vunpack.i.u.bf16.f32 v36;
	v59 =	vadd.f32 v56, v23;
	v23 =	vld [tilespmem:$0x67A0];
	v37 =	vadd.f32 v49, v41  }
0x269: {  	v51 =	vunpack.i.l.bf16.f32 v58;
	v35 =	vadd.f32 v35, v38;
	v41 =	vld [tilespmem:$0x6740];
	v34 =	vadd.f32 v34, v40  }
0x26a: {  	v22 =	vld [tilespmem:$0x6790];
	v38 =	vunpack.i.u.bf16.f32 v53;
	v29 =	vadd.f32 v51, v29;
	v37 =	vadd.f32 v55, v37  }
0x26b: {  	v62 =	vunpack.i.l.bf16.f32 v42;
	v35 =	vadd.f32 v43, v35;
	v34 =	vadd.f32 v38, v34  }
0x26c: {  	v43 =	vld [tilespmem:$0x6760];
	v55 =	vunpack.i.l.bf16.f32 v63;
	v58 =	vunpack.i.u.bf16.f32 v48;
	v39 =	vunpack.i.l.bf16.f32 v48  }
0x26d: {  	v51 =	vunpack.i.l.bf16.f32 v23;
	v28 =	vadd.f32 v57, v37;
	v25 =	vadd.f32 v61, v35;
	v37 =	vld [tilespmem:$0x6770]  }
0x26e: {  	v34 =	vadd.f32 v50, v34;
	v35 =	vunpack.i.u.bf16.f32 v63;
	v61 =	vld [tilespmem:$0x6688];
	v49 =	vunpack.i.l.bf16.f32 v41  }
0x26f: {  	v63 =	vunpack.i.l.bf16.f32 v22;
	v50 =	vadd.f32 $0.0e+00, v19;
	v24 =	vadd.f32 v49, v24  }
0x270: {  	v19 =	vld [tilespmem:$0x67C0];
	v20 =	vadd.f32 v39, v20;
	v41 =	vunpack.i.u.bf16.f32 v41;
	v34 =	vadd.f32 v54, v34  }
0x271: {  	v49 =	vld [tilespmem:$0x6698];
	v54 =	vadd.f32 v17, v50;
	v53 =	vunpack.i.l.bf16.f32 v43;
	v40 =	vadd.f32 v52, v24  }
0x272: {  	v17 =	vld [tilespmem:$0x67D0];
	v43 =	vunpack.i.u.bf16.f32 v43;
	v24 =	vadd.f32 v55, v29;
	v34 =	vadd.f32 v35, v34  }
0x273: {  	v55 =	vld [tilespmem:$0x66A8];
	v38 =	vadd.f32 v58, v54;
	v60 =	vunpack.i.l.bf16.f32 v37;
	v35 =	vunpack.i.l.bf16.f32 v61  }
0x274: {  	v57 =	vadd.f32 v53, v40;
	v40 =	vadd.f32 v41, v59;
	v53 =	vunpack.i.u.bf16.f32 v61  }
0x275: {  	v56 =	vunpack.i.u.bf16.f32 v37;
	v59 =	vld [tilespmem:$0x66B8];
	v20 =	vadd.f32 v35, v20;
	v38 =	vadd.f32 v53, v38  }
0x276: {  	v61 =	vunpack.i.l.bf16.f32 v19;
	v58 =	vunpack.i.u.bf16.f32 v49;
	v29 =	vadd.f32 v60, v57;
	v60 =	vld [tilespmem:$0x65A0]  }
0x277: {  	v19 =	vunpack.i.u.bf16.f32 v19;
	v36 =	vadd.f32 v36, v40;
	v38 =	vadd.f32 v58, v38  }
0x278: {  	v54 =	vld [tilespmem:$0x65C0];
	v50 =	vunpack.i.l.bf16.f32 v17;
	v41 =	vadd.f32 v62, v29;
	v62 =	vunpack.i.u.bf16.f32 v55  }
0x279: {  	v44 =	vunpack.i.l.bf16.f32 v55;
	v29 =	vld [tilespmem:$0x67B0];
	v36 =	vadd.f32 v43, v36;
	v38 =	vadd.f32 v62, v38  }
0x27a: {  	v37 =	vunpack.i.u.bf16.f32 v59;
	v48 =	vadd.f32 v63, v41;
	v41 =	vunpack.i.l.bf16.f32 v49;
	v63 =	vld [tilespmem:$0x66C8]  }
0x27b: {  	v36 =	vadd.f32 v56, v36;
	v49 =	vld [tilespmem:$0x65B0];
	v41 =	vadd.f32 v41, v20;
	v53 =	vunpack.i.l.bf16.f32 v60  }
0x27c: {  	v56 =	vld [tilespmem:$0x65D0];
	v37 =	vadd.f32 v37, v38;
	v35 =	vunpack.i.u.bf16.f32 v60;
	v52 =	vadd.f32 v51, v48  }
0x27d: {  	v62 =	vld [tilespmem:$0x65F0];
	v48 =	vunpack.i.u.bf16.f32 v42;
	v51 =	vunpack.i.l.bf16.f32 v59;
	v15 =	vadd.f32 v53, v15  }
0x27e: {  	v47 =	vld [tilespmem:$0x6600];
	v14 =	vadd.f32 v35, v14;
	v57 =	vunpack.i.l.bf16.f32 v29;
	v41 =	vadd.f32 v44, v41  }
0x27f: {  	v60 =	vld [tilespmem:$0x65E0];
	v42 =	vunpack.i.u.bf16.f32 v54;
	v20 =	vadd.f32 v48, v36;
	v21 =	vadd.f32 v57, v52  }
0x280: {  	v41 =	vadd.f32 v51, v41;
	v55 =	vunpack.i.l.bf16.f32 v63;
	v43 =	vunpack.i.u.bf16.f32 v63  }
0x281: {  	v53 =	vld [tilespmem:$0x6620];
	v58 =	vunpack.i.l.bf16.f32 v49;
	v39 =	vunpack.i.u.bf16.f32 v49;
	v45 =	vunpack.i.l.bf16.f32 v56  }
0x282: {  	v52 =	vld [tilespmem:$0x66D8];
	v51 =	vunpack.i.l.bf16.f32 v62;
	v21 =	vadd.f32 v61, v21;
	v37 =	vadd.f32 v43, v37  }
0x283: {  	v57 =	vld [tilespmem:$0x66E8];
	v15 =	vadd.f32 v58, v15;
	v61 =	vunpack.i.l.bf16.f32 v54;
	v14 =	vadd.f32 v39, v14  }
0x284: {  	v48 =	vunpack.i.l.bf16.f32 v60;
	v39 =	vunpack.i.u.bf16.f32 v62;
	v54 =	vunpack.i.l.bf16.f32 v47  }
0x285: {  	v63 =	vld [tilespmem:$0x66F8];
	v38 =	vadd.f32 v55, v41;
	v41 =	vunpack.i.u.bf16.f32 v56;
	v55 =	vunpack.i.u.bf16.f32 v47  }
0x286: {  	v49 =	vld [tilespmem:$0x6610];
	v62 =	vunpack.i.l.bf16.f32 v53;
	v21 =	vadd.f32 v50, v21;
	v15 =	vadd.f32 v61, v15  }
0x287: {  	v56 =	vld [tilespmem:$0x6630];
	v14 =	vadd.f32 v42, v14;
	v59 =	vunpack.i.l.bf16.f32 v52;
	v36 =	vunpack.i.u.bf16.f32 v52  }
0x288: {  	v47 =	vld [tilespmem:$0x6640];
	v46 =	vunpack.i.l.bf16.f32 v57;
	v35 =	vadd.f32 v59, v38;
	v36 =	vadd.f32 v36, v37  }
0x289: {  	v50 =	vld [tilespmem:$0x6708];
	v43 =	vunpack.i.u.bf16.f32 v57;
	v15 =	vadd.f32 v45, v15;
	v14 =	vadd.f32 v41, v14  }
0x28a: {  	v38 =	vunpack.i.u.bf16.f32 v60;
	v52 =	vunpack.i.l.bf16.f32 v63;
	v37 =	vunpack.i.u.bf16.f32 v63  }
0x28b: {  	v57 =	vld [tilespmem:$0x64D8];
	v58 =	vunpack.i.l.bf16.f32 v49;
	v35 =	vadd.f32 v46, v35;
	v36 =	vadd.f32 v43, v36  }
0x28c: {  	v61 =	vld [tilespmem:$0x64E8];
	v41 =	vunpack.i.u.bf16.f32 v49;
	v15 =	vadd.f32 v48, v15;
	v14 =	vadd.f32 v38, v14  }
0x28d: {  	v38 =	vunpack.i.u.bf16.f32 v53;
	v46 =	vunpack.i.l.bf16.f32 v56;
	v42 =	vunpack.i.u.bf16.f32 v56  }
0x28e: {  	v45 =	vld [tilespmem:$0x64F8];
	v43 =	vunpack.i.u.bf16.f32 v47;
	v59 =	vunpack.i.l.bf16.f32 v50;
	v35 =	vadd.f32 v52, v35  }
0x28f: {  	v63 =	vunpack.i.u.bf16.f32 v50;
	v15 =	vadd.f32 v51, v15;
	v14 =	vadd.f32 v39, v14  }
0x290: {  	v48 =	vld [tilespmem:$0x6410];
	v36 =	vadd.f32 v37, v36;
	v49 =	vunpack.i.l.bf16.f32 v57;
	v37 =	vunpack.i.u.bf16.f32 v57  }
0x291: {  	v50 =	vld [tilespmem:$0x6508];
	v40 =	vunpack.i.u.bf16.f32 v61;
	v11 =	vadd.f32 v49, v11;
	v10 =	vadd.f32 v37, v10  }
0x292: {  	v51 =	vunpack.i.l.bf16.f32 v61;
	v15 =	vadd.f32 v54, v15;
	v39 =	vadd.f32 v55, v14  }
0x293: {  	v61 =	vld [tilespmem:$0x6430];
	v53 =	vunpack.i.l.bf16.f32 v45;
	v14 =	vadd.f32 v59, v35;
	v11 =	vadd.f32 v51, v11  }
0x294: {  	v52 =	vld [tilespmem:$0x6518];
	v54 =	vunpack.i.l.bf16.f32 v47;
	v10 =	vadd.f32 v40, v10;
	v60 =	vadd.f32 v58, v15  }
0x295: {  	v55 =	vld [tilespmem:$0x6528];
	v56 =	vunpack.i.u.bf16.f32 v48;
	v39 =	vadd.f32 v41, v39;
	v15 =	vadd.f32 v63, v36  }
0x296: {  	v59 =	vld [tilespmem:$0x6420];
	v41 =	vunpack.i.u.bf16.f32 v45;
	v57 =	vunpack.i.l.bf16.f32 v50;
	v6 =	vadd.f32 v56, v6  }
0x297: {  	v36 =	vunpack.i.u.bf16.f32 v50;
	v58 =	vld [tilespmem:$0x6538];
	v11 =	vadd.f32 v53, v11;
	v10 =	vadd.f32 v41, v10  }
0x298: {  	v63 =	vld [tilespmem:$0x6548];
	v49 =	vunpack.i.u.bf16.f32 v61;
	v35 =	vadd.f32 v62, v60;
	v38 =	vadd.f32 v38, v39  }
0x299: {  	v45 =	vld [tilespmem:$0x6440];
	v60 =	vunpack.i.l.bf16.f32 v52;
	v39 =	vunpack.i.l.bf16.f32 v48;
	v11 =	vadd.f32 v57, v11  }
0x29a: {  	v50 =	vld [tilespmem:$0x6460];
	v10 =	vadd.f32 v36, v10;
	v62 =	vunpack.i.l.bf16.f32 v55;
	v40 =	vunpack.i.u.bf16.f32 v55  }
0x29b: {  	v56 =	vld [tilespmem:$0x6568];
	v7 =	vadd.f32 v39, v7;
	v47 =	vunpack.i.l.bf16.f32 v59;
	v36 =	vunpack.i.l.bf16.f32 v61  }
0x29c: {  	v35 =	vadd.f32 v46, v35;
	v38 =	vadd.f32 v42, v38;
	v42 =	vunpack.i.u.bf16.f32 v52  }
0x29d: {  	v11 =	vadd.f32 v60, v11;
	v10 =	vadd.f32 v42, v10;
	v46 =	vunpack.i.l.bf16.f32 v58  }
0x29e: {  	v48 =	vld [tilespmem:$0x6450];
	v7 =	vadd.f32 v47, v7;
	v41 =	vunpack.i.u.bf16.f32 v58;
	v51 =	vunpack.i.l.bf16.f32 v63  }
0x29f: {  	v61 =	vld [tilespmem:$0x6490];
	v53 =	vunpack.i.l.bf16.f32 v45;
	v42 =	vunpack.i.u.bf16.f32 v63;
	v57 =	vunpack.i.u.bf16.f32 v50  }
0x2a0: {  	v52 =	vld [tilespmem:$0x6558];
	v44 =	vunpack.i.l.bf16.f32 v56;
	v35 =	vadd.f32 v54, v35;
	v38 =	vadd.f32 v43, v38  }
0x2a1: {  	v43 =	vunpack.i.u.bf16.f32 v59;
	v11 =	vadd.f32 v62, v11;
	v10 =	vadd.f32 v40, v10  }
0x2a2: {  	v58 =	vld [tilespmem:$0x6480];
	v6 =	vadd.f32 v43, v6;
	v7 =	vadd.f32 v36, v7;
	v40 =	vunpack.i.u.bf16.f32 v45  }
0x2a3: {  	v54 =	vld [tilespmem:$0x6470];
	v55 =	vunpack.i.u.bf16.f32 v48;
	v37 =	vunpack.i.l.bf16.f32 v48;
	v43 =	vunpack.i.l.bf16.f32 v50  }
0x2a4: {  	v63 =	vld [tilespmem:$0x64A0];
	v47 =	vunpack.i.l.bf16.f32 v61;
	v11 =	vadd.f32 v46, v11;
	v10 =	vadd.f32 v41, v10  }
0x2a5: {  	v62 =	vld [tilespmem:$0x6578];
	v6 =	vadd.f32 v49, v6;
	v7 =	vadd.f32 v53, v7;
	v59 =	vunpack.i.l.bf16.f32 v52  }
0x2a6: {  	v48 =	vld [tilespmem:$0x64B8];
	v36 =	vunpack.i.u.bf16.f32 v52;
	v49 =	vunpack.i.u.bf16.f32 v61;
	v11 =	vadd.f32 v51, v11  }
0x2a7: {  	v46 =	vld [tilespmem:$0x64B0];
	v45 =	vunpack.i.l.bf16.f32 v58;
	v6 =	vadd.f32 v40, v6;
	v10 =	vadd.f32 v42, v10  }
0x2a8: {  	v52 =	vld [tilespmem:$0x6580];
	v7 =	vadd.f32 v37, v7;
	v60 =	vunpack.i.u.bf16.f32 v54;
	v39 =	vunpack.i.l.bf16.f32 v54  }
0x2a9: {  	v37 =	vunpack.i.u.bf16.f32 v58;
	v40 =	vunpack.i.u.bf16.f32 v56;
	v51 =	vunpack.i.l.bf16.f32 v63  }
0x2aa: {  	v50 =	vunpack.i.l.bf16.f32 v62;
	v53 =	vunpack.i.u.bf16.f32 v62;
	v6 =	vadd.f32 v55, v6  }
0x2ab: {  	v56 =	vunpack.i.l.bf16.f32 v48;
	v11 =	vadd.f32 v59, v11;
	v7 =	vadd.f32 v43, v7  }
0x2ac: {  	v10 =	vadd.f32 v36, v10;
	v36 =	vunpack.i.u.bf16.f32 v63;
	v6 =	vadd.f32 v57, v6  }
0x2ad: {  	v55 =	vld [tilespmem:$0x6648];
	v54 =	vunpack.i.l.bf16.f32 v46;
	v58 =	vunpack.i.l.bf16.f32 v52;
	v7 =	vadd.f32 v39, v7  }
0x2ae: {  	v41 =	vunpack.i.u.bf16.f32 v52;
	v11 =	vadd.f32 v44, v11;
	v6 =	vadd.f32 v60, v6  }
0x2af: {  	v10 =	vadd.f32 v40, v10;
	v39 =	vunpack.i.u.bf16.f32 v46;
	v7 =	vadd.f32 v45, v7  }
0x2b0: {  	v57 =	vld [tilespmem:$0x6710];
	v40 =	vsel vm0, $0x0, v56;
	v11 =	vadd.f32 v50, v11;
	v6 =	vadd.f32 v37, v6  }
0x2b1: {  	v41 =	vsel vm0, $0x0, v41;
	v10 =	vadd.f32 v53, v10;
	v7 =	vadd.f32 v47, v7  }
0x2b2: {  	v60 =	vld [tilespmem:$0x6868];
	v50 =	vunpack.i.u.bf16.f32 v23;
	v59 =	vunpack.i.l.bf16.f32 v55;
	v6 =	vadd.f32 v49, v6  }
0x2b3: {  	v62 =	vunpack.i.u.bf16.f32 v55;
	v37 =	vunpack.i.u.bf16.f32 v48;
	v7 =	vadd.f32 v51, v7  }
0x2b4: {  	v61 =	vadd.f32 v41, v10;
	v10 =	vsel vm0, $0x0, v62;
	v6 =	vadd.f32 v36, v6  }
0x2b5: {  	v44 =	vld [tilespmem:$0x6888];
	v37 =	vsel vm0, $0x0, v37;
	v42 =	vunpack.i.u.bf16.f32 v57;
	v7 =	vadd.f32 v54, v7  }
0x2b6: {  	v41 =	vadd.f32 v10, v38;
	v10 =	vsel vm0, $0x0, v42;
	v51 =	vld [tilespmem:$0x6898];
	v6 =	vadd.f32 v39, v6  }
0x2b7: {  	v45 =	vadd.f32 v10, v15;
	v46 =	vunpack.i.l.bf16.f32 v60;
	v36 =	vld [tilespmem:$0x6878];
	v7 =	vadd.f32 v40, v7  }
0x2b8: {  	v10 =	vadd.f32 v46, v24;
	v24 =	vld [tilespmem:$0x6A30];
	v40 =	vsel vm0, $0x0, v58;
	v6 =	vadd.f32 v37, v6  }
0x2b9: {  	v47 =	vunpack.i.u.bf16.f32 v22;
	v63 =	vunpack.i.l.bf16.f32 v57;
	v39 =	vld [tilespmem:$0x6BC0];
	v11 =	vadd.f32 v40, v11;
	(xrf2) =	vadd.scan.msk.f32 $0xffff, v7  }
0x2ba: {  	v53 =	vunpack.i.l.bf16.f32 v44;
	v48 =	vunpack.i.u.bf16.f32 v60;
	v7 =	vsel vm0, $0x0, v59;
	(xrf2) =	vadd.scan.msk.f32 $0xffff, v6  }
0x2bb: {  	v15 =	vadd.f32 v48, v34;
	v54 =	vunpack.i.u.bf16.f32 v29;
	v37 =	vld [tilespmem:$0x67D8];
	v7 =	vadd.f32 v7, v35;
	(xrf2) =	vadd.scan.msk.f32 $0xffff, v11  }
0x2bc: {  	v58 =	vunpack.i.l.bf16.f32 v51;
	v59 =	vld [tilespmem:$0x68A0];
	v49 =	vunpack.i.l.bf16.f32 v36;
	v11 =	vsel vm0, $0x0, v63;
	(xrf2) =	vadd.scan.msk.f32 $0xffff, v61  }
0x2bd: {  	v52 =	vunpack.i.u.bf16.f32 v36;
	v6 =	vadd.f32 v49, v10;
	v11 =	vadd.f32 v11, v14;
	(xrf2) =	vadd.scan.msk.f32 $0xffff, v7  }
0x2be: {  	v36 =	vld [tilespmem:$0x6AF8];
	v42 =	vunpack.i.u.bf16.f32 v24;
	v15 =	vadd.f32 v52, v15;
	v49 =	vunpack.i.l.bf16.f32 v39;
	(xrf2) =	vadd.scan.msk.f32 $0xffff, v41  }
0x2bf: {  	v63 =	vld [tilespmem:$0x6968];
	v6 =	vadd.f32 v53, v6;
	v14 =	vunpack.i.u.bf16.f32 v44;
	(xrf2) =	vadd.scan.msk.f32 $0xffff, v11;
	v11 =	vadd.f32 v47, v20  }
0x2c0: {  	v61 =	vunpack.i.u.bf16.f32 v17;
	v43 =	vunpack.i.l.bf16.f32 v37;
	v14 =	vadd.f32 v14, v15  }
0x2c1: {  	v22 =	vunpack.i.u.bf16.f32 v37;
	v34 =	vunpack.i.l.bf16.f32 v59;
	v10 =	vadd.f32 v50, v11  }
0x2c2: {  	v53 =	vld [tilespmem:$0x6DC0];
	v7 =	vsel vm0, $0x0, v43;
	v6 =	vadd.f32 v58, v6;
	v17 =	vsel vm0, $0x0, v22  }
0x2c3: {  	v41 =	vunpack.i.l.bf16.f32 v24;
	v7 =	vadd.f32 v7, v21;
	v10 =	vadd.f32 v54, v10  }
0x2c4: {  	v46 =	vunpack.i.u.bf16.f32 v36;
	(xrf2) =	vadd.scan.msk.f32 $0xffff, v45;
	v37 =	vunpack.i.l.bf16.f32 v63;
	v38 =	vunpack.i.u.bf16.f32 v63  }
0x2c5: {  	v43 =	vld [tilespmem:$0x6C88];
	v45 =	vunpack.i.l.bf16.f32 v36;
	(xrf2) =	vadd.scan.msk.f32 $0xffff, v7;
	v7 =	vunpack.i.u.bf16.f32 v51;
	v10 =	vadd.f32 v19, v10  }
0x2c6: {  	v11 =	vsel vm0, $0x0, v34;
	v51 =	vunpack.i.u.bf16.f32 v39;
	v7 =	vadd.f32 v7, v14  }
0x2c7: {  	v63 =	vunpack.i.l.bf16.f32 v53;
	v55, _, _ =	vpop (xrf2);
	v6 =	vadd.f32 v11, v6;
	v10 =	vadd.f32 v61, v10  }
0x2c8: {  	v47 =	vld [tilespmem:$0x6D50];
	v11 =	vsel vm0, $0x0, v37;
	v8 =	vadd.f32 v63, v8;
	(v2sf) =	vpush v55, $0xF;
	v56, _, _ =	vpop (xrf2)  }
0x2c9: {  	v40 =	vadd.f32 v11, v28;
	v57, _, _ =	vpop (xrf2);
	v19 =	vunpack.i.u.bf16.f32 v59;
	v10 =	vadd.f32 v17, v10  }
0x2ca: {  	v11 =	vsel vm0, $0x0, v41;
	v52 =	vunpack.i.l.bf16.f32 v43;
	v60, _, _ =	vpop (xrf2);
	v19 =	vsel vm0, $0x0, v19  }
0x2cb: {  	v55 =	vunpack.i.u.bf16.f32 v43;
	v44 =	vadd.f32 v11, v32;
	v62, _, _ =	vpop (xrf2);
	v7 =	vadd.f32 v19, v7;
	(xrf2) =	vadd.scan.msk.f32 $0xffff, v10  }
0x2cc: {  	v11 =	vsel vm0, $0x0, v45;
	(v2sf) =	vpush v56, $0xF;
	v21, _, _ =	vpop (xrf2);
	v10 =	vsel vm0, $0x0, v38;
	(xrf2) =	vadd.scan.msk.f32 $0xffff, v6  }
0x2cd: {  	v34 =	vld [tilespmem:$0x6EE0];
	v58 =	vunpack.i.u.bf16.f32 v47;
	(v2sf) =	vpush v57, $0xF;
	v23, _, _ =	vpop (xrf2);
	v10 =	vadd.f32 v10, v25;
	(xrf2) =	vadd.scan.msk.f32 $0xffff, v7  }
0x2ce: {  	v48 =	vadd.f32 v11, v30;
	v57 =	vld [tilespmem:$0x6DD0];
	(v2sf) =	vpush v60, $0xF;
	v29, _, _ =	vpop (xrf2);
	v7 =	vsel vm0, $0x0, v42;
	(xrf2) =	vadd.scan.msk.f32 $0xffff, v40  }
0x2cf: {  	v11 =	vsel vm0, $0x0, v49;
	(v2sf) =	vpush v62, $0xF;
	v35, _, _ =	vpop (xrf2);
	v7 =	vadd.f32 v7, v33;
	(xrf2) =	vadd.scan.msk.f32 $0xffff, v10  }
0x2d0: {  	v11 =	vadd.f32 v11, v26;
	(v2sf) =	vpush v21, $0xF;
	v10 =	vsel vm0, $0x0, v46;
	(xrf2) =	vadd.scan.msk.f32 $0xffff, v44  }
0x2d1: {  	v56 =	vunpack.i.l.bf16.f32 v47;
	v30 =	vld [tilespmem:$0x6E18];
	(v2sf) =	vpush v23, $0xF;
	v50 =	vadd.f32 v10, v31;
	(xrf2) =	vadd.scan.msk.f32 $0xffff, v7  }
0x2d2: {  	v26 =	vld [tilespmem:$0x6E10];
	v43 =	vunpack.i.l.bf16.f32 v34;
	(v2sf) =	vpush v29, $0xF;
	v10 =	vsel vm0, $0x0, v51;
	(xrf2) =	vadd.scan.msk.f32 $0xffff, v48  }
0x2d3: {  	v60 =	vld [tilespmem:$0x6DE0];
	v20 =	vunpack.i.l.bf16.f32 v57;
	v6 =	vsel vm0, $0x0, v52;
	v54 =	vadd.f32 v10, v27;
	(xrf2) =	vadd.scan.msk.f32 $0xffff, v50  }
0x2d4: {  	v22 =	vunpack.i.u.bf16.f32 v57;
	v6 =	vadd.f32 v6, v16;
	v10 =	vsel vm0, $0x0, v55;
	(xrf2) =	vadd.scan.msk.f32 $0xffff, v11  }
0x2d5: {  	v23 =	vld [tilespmem:$0x6E00];
	(v2sf) =	vpush v35, $0xF;
	v10 =	vadd.f32 v10, v18;
	v11 =	vsel vm0, $0x0, v56;
	(xrf2) =	vadd.scan.msk.f32 $0xffff, v54  }
0x2d6: {  	v16 =	vunpack.i.u.bf16.f32 v53;
	v7 =	vsel vm0, $0x0, v58;
	v59, _, _ =	vpop (xrf2);
	v11 =	vadd.f32 v11, v12;
	(xrf2) =	vadd.scan.msk.f32 $0xffff, v6  }
0x2d7: {  	v36 =	vunpack.i.l.bf16.f32 v26;
	v9 =	vadd.f32 v16, v9;
	v7 =	vadd.f32 v7, v13;
	v18 =	vld [tilespmem:$0x6DF0];
	v61, _, _ =	vpop (xrf2);
	(xrf2) =	vadd.scan.msk.f32 $0xffff, v10  }
0x2d8: {  	v25 =	vunpack.i.l.bf16.f32 v60;
	v40 =	vunpack.i.l.bf16.f32 v30;
	v44 =	vunpack.i.u.bf16.f32 v34;
	v62, _, _ =	vpop (xrf2);
	(xrf2) =	vadd.scan.msk.f32 $0xffff, v11  }
0x2d9: {  	v38 =	vld [tilespmem:$0x6FA8];
	v9 =	vadd.f32 v22, v9;
	v46 =	vsel vm0, $0x0, v44;
	v17, _, _ =	vpop (xrf2);
	(xrf2) =	vadd.scan.msk.f32 $0xffff, v7;
	v7 =	vadd.f32 v20, v8  }
0x2da: {  	v32 =	vunpack.i.l.bf16.f32 v23;
	v5 =	vadd.f32 v46, v5;
	(v2sf) =	vpush v59, $0xF  }
0x2db: {  	v6 =	vunpack.i.u.bf16.f32 v60;
	(v2sf) =	vpush v61, $0xF;
	v7 =	vadd.f32 v25, v7  }
0x2dc: {  	v6 =	vadd.f32 v6, v9;
	v28 =	vunpack.i.l.bf16.f32 v18;
	(v2sf) =	vpush v62, $0xF  }
0x2dd: {  	v11 =	vunpack.i.u.bf16.f32 v18;
	(v2sf) =	vpush v17, $0xF;
	v19, _, _ =	vpop (xrf2);
	v7 =	vadd.f32 v28, v7  }
0x2de: {  	v45 =	vunpack.i.l.bf16.f32 v38;
	v6 =	vadd.f32 v11, v6;
	v21, _, _ =	vpop (xrf2);
	(v2sf) =	vpush v19, $0xF  }
0x2df: {  	v10 =	vunpack.i.u.bf16.f32 v23;
	v24, _, _ =	vpop (xrf2);
	(v2sf) =	vpush v21, $0xF;
	v7 =	vadd.f32 v32, v7  }
0x2e0: {  	s5 =	spop (v2sf);
	v9 =	vunpack.i.u.bf16.f32 v30;
	v6 =	vadd.f32 v10, v6;
	(v2sf) =	vpush v24, $0xF;
	v27, _, _ =	vpop (xrf2)  }
0x2e1: {  	s26 =	spop (v2sf);
	v8 =	vunpack.i.u.bf16.f32 v26;
	(v2sf) =	vpush v27, $0xF;
	v29, _, _ =	vpop (xrf2);
	v7 =	vadd.f32 v36, v7  }
0x2e2: {  	v42 =	vld [tilespmem:$0x7070];
	s28 =	spop (v2sf);
	v6 =	vadd.f32 v8, v6;
	v8 =	vsel vm0, $0x0, v40;
	(v2sf) =	vpush v29, $0xF;
	v31, _, _ =	vpop (xrf2)  }
0x2e3: {  	s25 =	spop (v2sf);
	v9 =	vsel vm0, $0x0, v9;
	(v2sf) =	vpush v31, $0xF;
	v33, _, _ =	vpop (xrf2);
	v7 =	vadd.f32 v8, v7  }
0x2e4: {  	s17 =	rddreg [dreg:$0xb];
	s29 =	spop (v2sf);
	v6 =	vadd.f32 v9, v6;
	(v2sf) =	vpush v33, $0xF;
	v35, _, _ =	vpop (xrf2);
	v8 =	vsel vm0, $0x0, v43  }
0x2e5: {  	s22 =	rddreg [dreg:$0xb];
	v47 =	vunpack.i.u.bf16.f32 v38;
	s30 =	spop (v2sf);
	(v2sf) =	vpush v35, $0xF;
	v37, _, _ =	vpop (xrf2);
	v4 =	vadd.f32 v8, v4;
	(xrf2) =	vadd.scan.msk.f32 $0xffff, v7  }
0x2e6: {  	s23 =	rddreg [dreg:$0xb];
	v48 =	vsel vm0, $0x0, v47;
	s7 =	spop (v2sf);
	(v2sf) =	vpush v37, $0xF;
	v39, _, _ =	vpop (xrf2);
	v7 =	vsel vm0, $0x0, v45;
	(xrf2) =	vadd.scan.msk.f32 $0xffff, v6  }
0x2e7: {  	v49 =	vunpack.i.l.bf16.f32 v42;
	s13 =	smul.f32 $4.999999890e-03, s5;
	s8 =	spop (v2sf);
	(v2sf) =	vpush v39, $0xF;
	v3 =	vadd.f32 v7, v3;
	(xrf2) =	vadd.scan.msk.f32 $0xffff, v4  }
0x2e8: {  	s24 =	rddreg [dreg:$0xb];
	v2 =	vadd.f32 v48, v2;
	v51 =	vsel vm0, $0x0, v49;
	s9 =	spop (v2sf);
	(xrf2) =	vadd.scan.msk.f32 $0xffff, v5  }
0x2e9: {  	v50 =	vunpack.i.u.bf16.f32 v42;
	v0 =	vadd.f32 v51, v0;
	s0 =	sadd.f32 s13, s11;
	s10 =	spop (v2sf);
	(xrf2) =	vadd.scan.msk.f32 $0xffff, v3  }
0x2ea: {  	v52 =	vsel vm0, $0x0, v50;
	s18 =	smul.f32 $4.999999890e-03, s26;
	s20 =	spop (v2sf);
	(xrf2) =	vadd.scan.msk.f32 $0xffff, v2  }
0x2eb: {  	v1 =	vadd.f32 v52, v1;
	s19 =	smul.f32 $4.999999890e-03, s28;
	s6 =	spop (v2sf);
	(xrf2) =	vadd.scan.msk.f32 $0xffff, v0  }
0x2ec: {  	[dreg:$0xf] =	wrdreg s0;
	s14 =	spop (v2sf)  }
0x2ed: {  	s5 =	sadd.f32 s18, s15;
	v41, _, _ =	vpop (xrf2);
	s16 =	spop (v2sf);
	(xrf2) =	vadd.scan.msk.f32 $0xffff, v1  }
0x2ee: {  	s12 =	smul.f32 $4.999999890e-03, s25;
	s4 =	spop (v2sf)  }
0x2ef: {  	s25 =	rddreg [dreg:$0xb];
	(v2sf) =	vpush v41, $0xF;
	s31 =	spop (v2sf);
	v53, _, _ =	vpop (xrf2)  }
0x2f0: {  	s13 =	sadd.f32 s19, s17;
	s1 =	spop (v2sf);
	v54, _, _ =	vpop (xrf2);
	(v2sf) =	vpush v53, $0xF  }
0x2f1: {  	s29 =	smul.f32 $4.999999890e-03, s29;
	s2 =	spop (v2sf);
	v55, _, _ =	vpop (xrf2);
	(v2sf) =	vpush v54, $0xF  }
0x2f2: {  	s12 =	sadd.f32 s12, s15;
	s11 =	spop (v2sf);
	v56, _, _ =	vpop (xrf2);
	(v2sf) =	vpush v55, $0xF  }
0x2f3: {  	s30 =	smul.f32 $4.999999890e-03, s30;
	s28 =	spop (v2sf);
	v57, _, _ =	vpop (xrf2);
	(v2sf) =	vpush v56, $0xF  }
0x2f4: {  	s29 =	sadd.f32 s29, s22;
	s18 =	spop (v2sf);
	v58, _, _ =	vpop (xrf2);
	(v2sf) =	vpush v57, $0xF  }
0x2f5: {  	s7 =	smul.f32 $4.999999890e-03, s7;
	s19 =	spop (v2sf);
	v59, _, _ =	vpop (xrf2);
	(v2sf) =	vpush v58, $0xF  }
0x2f6: {  	s22 =	rddreg [dreg:$0xc];
	s21 =	spop (v2sf);
	(v2sf) =	vpush v59, $0xF  }
0x2f7: {  	s30 =	sadd.f32 s30, s15;
	s8 =	smul.f32 $4.999999890e-03, s8;
	v60, _, _ =	vpop (xrf2)  }
0x2f8: {  	s7 =	sadd.f32 s7, s23;
	s9 =	smul.f32 $4.999999890e-03, s9;
	(v2sf) =	vpush v60, $0xF  }
0x2f9: {  	s8 =	sadd.f32 s8, s15;
	s10 =	smul.f32 $4.999999890e-03, s10  }
0x2fa: {  	s9 =	sadd.f32 s9, s24  }
0x2fb: {  	s20 =	smul.f32 $4.999999890e-03, s20;
	s10 =	sadd.f32 s10, s15  }
0x2fc: {  	s3 =	smul.f32 $4.999999890e-03, s6;
	s6 =	rddreg [dreg:$0xc]  }
0x2fd: {  	s20 =	sadd.f32 s20, s25;
	s14 =	smul.f32 $4.999999890e-03, s14  }
0x2fe: {  	s25 =	rddreg [dreg:$0xb];
	s26 =	spop (v2sf)  }
0x2ff: {  	s3 =	sadd.f32 s3, s6;
	s15 =	spop (v2sf)  }
0x300: {  	s16 =	smul.f32 $4.999999890e-03, s16;
	s17 =	spop (v2sf)  }
0x301: {  	s4 =	smul.f32 $4.999999890e-03, s4;
	s6 =	spop (v2sf)  }
0x302: {  	[dreg:$0x11] =	wrdreg s21;
	s23 =	spop (v2sf)  }
0x303: {  	s21 =	rddreg [dreg:$0xb];
	s24 =	spop (v2sf)  }
0x304: {  	s14 =	sadd.f32 s14, s21;
	s21 =	spop (v2sf)  }
0x305: {  	s16 =	sadd.f32 s16, s22;
	s22 =	spop (v2sf)  }
0x306: {  	s4 =	sadd.f32 s4, s25;
	s22 =	smul.f32 $4.999999890e-03, s22  }
0x307: {  	s25 =	rddreg [dreg:$0xb];
	s0 =	spop (v2sf)  }
0x308: {  	s0 =	smul.f32 $4.999999890e-03, s0;
	s22 =	sadd.f32 s22, s25  }
0x309: {  	s25 =	rddreg [dreg:$0xc]  }
0x30a: {  	s31 =	smul.f32 $4.999999890e-03, s31;
	s0 =	sadd.f32 s0, s25  }
0x30b: {  	s25 =	rddreg [dreg:$0xc]  }
0x30c: {  	v61 =	vmov s22;
	s22 =	sadd.f32 s31, s25  }
0x30d: {  	s31 =	rddreg [dreg:$0xf]  }
0x30e: {  	s2 =	smul.f32 $4.999999890e-03, s2;
	s25 =	rddreg [dreg:$0xc]  }
0x30f: {  	v0 =	vsel vm1, s31, v61;
	s31 =	rddreg [dreg:$0xb]  }
0x310: {  	s1 =	smul.f32 $4.999999890e-03, s1;
	s2 =	sadd.f32 s2, s25  }
0x311: {  	s25 =	rddreg [dreg:$0xc]  }
0x312: {  	s11 =	smul.f32 $4.999999890e-03, s11;
	v62 =	vmov s0;
	s0 =	sadd.f32 s1, s31  }
0x313: {  	v0 =	vsel vm2, s13, v0;
	s13 =	rddreg [dreg:$0xb]  }
0x314: {  	s1 =	sadd.f32 s11, s13  }
0x315: {  	s31 =	smul.f32 $4.999999890e-03, s28;
	v0 =	vsel vm3, s29, v0;
	s29 =	rddreg [dreg:$0xb]  }
0x316: {  	v1 =	vsel vm1, s5, v62;
	s11 =	rddreg [dreg:$0xb]  }
0x317: {  	v1 =	vsel vm2, s12, v1;
	s5 =	sadd.f32 s31, s25  }
0x318: {  	s18 =	smul.f32 $4.999999890e-03, s18;
	v1 =	vsel vm3, s30, v1;
	s30 =	rddreg [dreg:$0x11]  }
0x319: {  	s28 =	smul.f32 $4.999999890e-03, s19;
	v0 =	vsel vm4, s7, v0;
	s31 =	rddreg [dreg:$0xc];
	v1 =	vsel vm4, s8, v1  }
0x31a: {  	v0 =	vsel vm5, s9, v0;
	s8 =	sadd.f32 s18, s29;
	s9 =	smul.f32 $4.999999890e-03, s30;
	v1 =	vsel vm5, s10, v1  }
0x31b: {  	s12 =	smul.f32 $4.999999890e-03, s26;
	s7 =	sadd.f32 s28, s31;
	v1 =	vsel vm6, s3, v1  }
0x31c: {  	s18 =	smul.f32 $4.999999890e-03, s17;
	v0 =	vsel vm6, s20, v0;
	s13 =	sadd.f32 s9, s11;
	v1 =	vsel vm7, s16, v1  }
0x31d: {  	v0 =	vsel vm7, s14, v0;
	s14 =	smul.f32 $4.999999890e-03, s15;
	s15 =	rddreg [dreg:$0xc];
	v1 =	vsel vm8, s22, v1  }
0x31e: {  	s16 =	sadd.f32 s12, s15;
	v1 =	vsel vm9, s2, v1  }
0x31f: {  	v0 =	vsel vm8, s4, v0;
	s20 =	sadd.f32 s18, s15;
	s22 =	smul.f32 $4.999999890e-03, s23;
	v1 =	vsel vm10, s5, v1  }
0x320: {  	s6 =	smul.f32 $4.999999890e-03, s6;
	v0 =	vsel vm9, s0, v0;
	s19 =	sadd.f32 s14, s11;
	v1 =	vsel vm11, s7, v1  }
0x321: {  	v0 =	vsel vm10, s1, v0;
	s2 =	sadd.f32 s22, s15;
	v1 =	vsel vm12, s16, v1  }
0x322: {  	s25 =	smul.f32 $4.999999890e-03, s24;
	s23 =	sadd.f32 s6, s11;
	v0 =	vsel vm11, s8, v0;
	v1 =	vsel vm13, s20, v1  }
0x323: {  	s26 =	smul.f32 $4.999999890e-03, s21;
	v0 =	vsel vm12, s13, v0;
	v1 =	vsel vm14, s2, v1;
	s2 =	rddreg [dreg:$0xe]  }
0x324: {  	s28 =	sadd.f32 s25, s11;
	v0 =	vsel vm13, s19, v0;
	p0 =	seq.s32 s2, $0x20;
	s0 =	sand.u32 $0x6, s2  }
0x325: {  	s29 =	sadd.f32 s26, s15;
	v0 =	vsel vm14, s23, v0;
	p1 =	sne.s32 @!p0 s0, $0x0  }
0x326: {  	s30 =	rddreg [dreg:$0xd];
	v0 =	vsel vm15, s28, v0;
	p1 =	por p0, p1  }
.Ltmp4:
0x327: {  	[tilespmem:s30+$0xFFFFFDF0] =	vst v0;
	v63 =	vsel vm15, s29, v1;
	(pc) =	sbr.rel @!p1 .LBB2_3-.Ltmp4, $4  }
0x328: {  	s31 =	simm.s32 $0x2;
	[tilespmem:s30+$0xFFFFFFF0] =	vst v63  }
0x329: {  	_ =	swait.ge [sflag:s31], $0xC80  }
0x32a: {  	[sflag:s31] =	ssyncset.done $0x0  }
0x32b: {  	[sflag:s31] =	ssyncadd.s32 $0xFFFFF380  }
.Ltmp5:
0x32c: {  	(pc) =	sbr.rel @p0 .LBB2_6-.Ltmp5, $4  }
.Ltmp6:
0x32d: {  	(pc) =	sbr.rel @!p0 .LBB2_5-.Ltmp6, $4  }
0x32e: {  	_ = 	snop  }
0x32f: {  	_ = 	snop  }
0x330: {  	_ = 	snop  }
0x331: {  	_ = 	snop  }
.LBB2_8:
0x332: {  	_ =	sfence.sel $0x180000  }
0x333: {  	[bflag:$0x0] =	sbarrier.arrive $0xFFFF  }
0x334: {  	_ =	strace $0x90000047  }
0x335: {  	s0 =	stileid.u32;
	[bflag:$0x2] =	sbarrier.arrive $0xFFFF  }
0x336: {  	p0 =	sne.s32 s0, $0x0;
	s0 =	rddreg [dreg:$0x2]  }
0x337: {  	s0 =	sadd.s32 @!p0 $0x100000, s0  }
0x338: {  	[sflag:s0] =	ssyncadd.tile.s32 @!p0 $0x1;
	_ =	shalt  }
.Lfunc_end2:
_tile_overlayer_lowered:
.L_overlay_start_2:
0x339: {  	(tag) =	ssettag $0x2  }
0x33a: {  	s0 =	rddreg [dreg:$0x0];
	s2 =	stileid.u32  }
0x33b: {  	s1 =	rddreg [dreg:$0x1];
	p0 =	sne.s32 s2, $0x0  }
0x33c: {  	s3 =	rddreg [dreg:$0x2];
	[bflag:$0x3] =	sbarrier.arrive $0xFFFF;
	s2 =	simm.s32 @!p0 $0x1C03  }
0x33d: {  	[timem:s3], [sflag:s2] =	dma.local @!p0 [hbm:s0], s1  }
0x33e: {  	s0 =	simm.s32 @!p0 $0x3  }
0x33f: {  	_ =	swait.ge @!p0 [sflag:s0], s1  }
0x340: {  	s1 =	ssub.s32 @!p0 $0x0, s1;
	[sflag:s0] =	ssyncset.done @!p0 $0x0  }
0x341: {  	[sflag:s0] =	ssyncadd.s32 @!p0 s1  }
0x342: {  	[bflag:$0x3] =	sbarrier.arrive $0xFFFF  }
0x343: {  	_ =	shalt  }

</sc_bundles>
